<compile_context>
chip_gen: v7x
topology: tpu7x:2x2x1
jax: 0.10.2.dev20260603
libtpu: 0.0.44.dev20260713+nightly
codegen_flags: <defaults>
</compile_context>

<pallas_src>
import functools

import jax
import jax.numpy as jnp
from jax import lax
from jax.experimental import pallas as pl
from jax.experimental.pallas import tpu as pltpu
from jax.experimental.pallas import tpu_sc as plsc

D = 32
NB = 4
FLY = 3


@functools.cache
def _make(b, t, v):
    info = plsc.get_sparse_core_info()
    nc, ns = info.num_cores, info.num_subcores
    nw = nc * ns
    assert b % nw == 0
    bat_w = b // nw
    ids_w = bat_w * t
    nfull = t // 16
    tail = t - 16 * nfull

    mesh = plsc.VectorSubcoreMesh(core_axis_name="c", subcore_axis_name="s")

    @functools.partial(
        pl.kernel,
        mesh=mesh,
        out_type=jax.ShapeDtypeStruct((b, t, D), jnp.float32),
        compiler_params=pltpu.CompilerParams(use_tc_tiling_on_sc=True),
        scratch_types=[
            pltpu.VMEM((ids_w + 16,), jnp.int32),
            pltpu.VMEM((NB, t, D), jnp.float32),
            *[pltpu.SemaphoreType.DMA for _ in range(2 * NB)],
        ],
    )
    def gather_kernel(table, idx, out, ids_v, obuf, *sems):
        gsem = sems[:NB]
        osem = sems[NB:]
        wid = lax.axis_index("s") * nc + lax.axis_index("c")

        pltpu.sync_copy(idx.at[pl.ds(wid * ids_w, ids_w)],
                        ids_v.at[pl.ds(0, ids_w)])

        def fire16(i, m, s, n):
            ids = ids_v[pl.ds(t * i + 16 * m, 16)]
            for l in range(n):
                pltpu.async_copy(
                    table.at[pl.ds(ids[l], 1)],
                    obuf.at[s, pl.ds(16 * m + l, 1)], gsem[s])

        def fire(i, s):
            def body(m, c):
                fire16(i, m, s, 16)
                return c

            lax.fori_loop(0, nfull, body, 0)
            if tail:
                fire16(i, nfull, s, tail)

        def drain_gather(s):
            pltpu.make_async_copy(
                table.at[pl.ds(0, t)], obuf.at[s], gsem[s]).wait()

        for s in range(FLY):
            fire(s, s)

        def step(i, carry):
            for u in range(NB):
                j = i * NB + u
                s = u % NB
                sn = (u + FLY) % NB
                nj = j + FLY

                @pl.when(nj < bat_w)
                def _():
                    @pl.when(nj >= NB)
                    def _():
                        pltpu.make_async_copy(
                            obuf.at[sn], out.at[wid * bat_w], osem[sn]).wait()
                    fire(nj, sn)

                drain_gather(s)
                pltpu.async_copy(obuf.at[s], out.at[wid * bat_w + j], osem[s])
            return carry

        lax.fori_loop(0, bat_w // NB, step, 0)
        for s in range(NB):
            pltpu.make_async_copy(
                obuf.at[s], out.at[wid * bat_w], osem[s]).wait()

    return gather_kernel


def kernel(token_ids, time_embeddings_param):
    b, t = token_ids.shape
    idx1 = token_ids.astype(jnp.int32).reshape(-1)
    return _make(b, t, time_embeddings_param.shape[0])(
        time_embeddings_param, idx1)

# --- scband reference (transcript-rebuilt; emitter-appended) ---
"""Pipeline reference for scband-temporal-adapter-47270410059909 (READ-ONLY COPY).

The authoritative reference and input builder live on the scoring server;
editing this copy changes nothing except your own understanding.
"""

import jax, jax.numpy as jnp
import numpy as np

VOCAB_SIZE = 1000000
TIME_DIM = 32
B, T = 4096, 200

def setup_inputs(seed: int = 0) -> dict:
    key = jax.random.key(seed)
    k1, k2 = jax.random.split(key)
    token_ids = jax.random.randint(k1, (B, T), 0, VOCAB_SIZE, dtype=jnp.int64 if jax.config.jax_enable_x64 else jnp.int32)
    # TEMPORAL import fails in practice -> simple embedding table parameter.
    # Original init is zeros; use small random values so output/grads are nontrivial.
    time_embeddings_param = jax.random.normal(k2, (VOCAB_SIZE, TIME_DIM), dtype=jnp.float32) * 0.02
    return {"token_ids": token_ids, "time_embeddings_param": time_embeddings_param}

def reference(token_ids, time_embeddings_param):
    # time_emb = self.time_embeddings_param[token_ids]; semantic_state is None -> return time_emb
    time_emb = jnp.take(time_embeddings_param, token_ids, axis=0)
    return time_emb

if __name__ == "__main__":
    import jax
    _d = setup_inputs()
    print(jax.jit(kernel)(*tuple(_d.values())))

</pallas_src>

<mosaic_0001>
#map = affine_map<(d0, d1) -> (0, 0)>
#map1 = affine_map<(d0, d1) -> (0)>
#map2 = affine_map<(d0, d1) -> (0, 0, 0)>
module attributes {stable_mosaic.version = 14 : i64} {
  func.func @gather_kernel(%arg0: i32, %arg1: i32, %arg2: memref<1000000x32xf32, #tpu.memory_space<hbm>>, %arg3: memref<819200xi32, #tpu.memory_space<hbm>>, %arg4: memref<4096x200x32xf32, #tpu.memory_space<hbm>>, %arg5: memref<25616xi32, #tpu.memory_space<vmem>>, %arg6: memref<4x200x32xf32, #tpu.memory_space<vmem>>, %arg7: memref<!tpu.dma_semaphore, #tpu.memory_space<semaphore_mem>>, %arg8: memref<!tpu.dma_semaphore, #tpu.memory_space<semaphore_mem>>, %arg9: memref<!tpu.dma_semaphore, #tpu.memory_space<semaphore_mem>>, %arg10: memref<!tpu.dma_semaphore, #tpu.memory_space<semaphore_mem>>, %arg11: memref<!tpu.dma_semaphore, #tpu.memory_space<semaphore_mem>>, %arg12: memref<!tpu.dma_semaphore, #tpu.memory_space<semaphore_mem>>, %arg13: memref<!tpu.dma_semaphore, #tpu.memory_space<semaphore_mem>>, %arg14: memref<!tpu.dma_semaphore, #tpu.memory_space<semaphore_mem>>) attributes {dimension_semantics = [#tpu.dimension_semantics<core_parallel>, #tpu.dimension_semantics<subcore_parallel>], iteration_bounds = array<i64: 2, 16>, scalar_prefetch = 0 : i64, scratch_operands = 10 : i64, tpu.core_type = #tpu.core_type<sc_vector_subcore>, window_params = [{transform_indices = #map}, {transform_indices = #map1}, {transform_indices = #map2}]} {
    %mul3A = arith.constant 2 : i32
    %mul3A_0 = arith.muli %arg1, %mul3A : i32
    %add3A = arith.addi %mul3A_0, %arg0 : i32
    %mul3A_1 = arith.constant 25600 : i32
    %mul3A_2 = arith.muli %add3A, %mul3A_1 : i32
    "tpu.region"() ({
      %run_scoped3A = tpu.sem_alloc : memref<!tpu.dma_semaphore, #tpu.memory_space<semaphore_mem>>
      %dma_start3A_466 = arith.constant 0 : i32
      %dma_start3A_467 = tpu.memref_slice %arg5[%dma_start3A_466] : memref<25616xi32, #tpu.memory_space<vmem>> -> memref<25600xi32, #tpu.memory_space<vmem>>
      %dma_start3A_468 = tpu.memref_slice %arg3[%mul3A_2] : memref<819200xi32, #tpu.memory_space<hbm>> -> memref<25600xi32, #tpu.memory_space<hbm>>
      %dma_start3A_469 = arith.constant 0 : i32
      %dma_start3A_470 = tpu.memref_slice %arg5[%dma_start3A_469] : memref<25616xi32, #tpu.memory_space<vmem>> -> memref<25600xi32, #tpu.memory_space<vmem>>
      %dma_start3A_471 = tpu.memref_slice %arg3[%mul3A_2] : memref<819200xi32, #tpu.memory_space<hbm>> -> memref<25600xi32, #tpu.memory_space<hbm>>
      tpu.enqueue_dma source(%dma_start3A_471 : memref<25600xi32, #tpu.memory_space<hbm>>) target(%dma_start3A_470 : memref<25600xi32, #tpu.memory_space<vmem>>) target_semaphore(%run_scoped3A : memref<!tpu.dma_semaphore, #tpu.memory_space<semaphore_mem>>)
      %dma_wait3A_472 = arith.constant 0 : i32
      %dma_wait3A_473 = tpu.memref_slice %arg5[%dma_wait3A_472] : memref<25616xi32, #tpu.memory_space<vmem>> -> memref<25600xi32, #tpu.memory_space<vmem>>
      %dma_wait3A_474 = tpu.memref_slice %arg3[%mul3A_2] : memref<819200xi32, #tpu.memory_space<hbm>> -> memref<25600xi32, #tpu.memory_space<hbm>>
      %dma_wait3A_475 = arith.constant 0 : i32
      %dma_wait3A_476 = tpu.memref_slice %arg5[%dma_wait3A_475] : memref<25616xi32, #tpu.memory_space<vmem>> -> memref<25600xi32, #tpu.memory_space<vmem>>
      %dma_wait3A_477 = tpu.memref_slice %arg3[%mul3A_2] : memref<819200xi32, #tpu.memory_space<hbm>> -> memref<25600xi32, #tpu.memory_space<hbm>>
      tpu.wait_dma2 semaphore(%run_scoped3A : memref<!tpu.dma_semaphore, #tpu.memory_space<semaphore_mem>>) src(%dma_wait3A_477 : memref<25600xi32, #tpu.memory_space<hbm>>) dst(%dma_wait3A_476 : memref<25600xi32, #tpu.memory_space<vmem>>)
      tpu.yield
    }) : () -> ()
    %scan3A = arith.constant 0 : i32
    %scan3A_3 = arith.constant 0 : i32
    %scan3A_4 = arith.constant 12 : i32
    %scan3A_5 = arith.addi %scan3A_3, %scan3A_4 : i32
    %scan3A_6 = arith.constant 1 : i32
    scf.for %scan3A_466 = %scan3A_3 to %scan3A_5 step %scan3A_6  : i32 {
      %mul3A_467 = arith.constant 16 : i32
      %mul3A_468 = arith.muli %mul3A_467, %scan3A_466 : i32
      %add3A_469 = arith.constant 0 : i32
      %add3A_470 = arith.addi %add3A_469, %mul3A_468 : i32
      %get3A_471 = arith.index_cast %add3A_470 : i32 to index
      %get3A_472 = tpu.vector_load %arg5[%get3A_471] {strides = array<i32>} : memref<25616xi32, #tpu.memory_space<vmem>>, vector<16xi32>,
      %get3A_473 = vector.shape_cast %get3A_472 : vector<16xi32> to vector<16xi32>
      %slice3A_474 = vector.extract_strided_slice %get3A_473 {offsets = [0], sizes = [1], strides = [1]} : vector<16xi32> to vector<1xi32>
      %squeeze3A_475 = vector.extract %slice3A_474[0] : i32 from vector<1xi32>
      %mul3A_476 = arith.constant 16 : i32
      %mul3A_477 = arith.muli %mul3A_476, %scan3A_466 : i32
      %add3A_478 = arith.constant 0 : i32
      %add3A_479 = arith.addi %mul3A_477, %add3A_478 : i32
      %dma_start3A_480 = arith.constant 0 : i32
      %dma_start3A_481 = arith.constant 0 : i32
      %dma_start3A_482 = tpu.memref_slice %arg6[%dma_start3A_480, %add3A_479, %dma_start3A_481] : memref<4x200x32xf32, #tpu.memory_space<vmem>> -> memref<1x1x32xf32, #tpu.memory_space<vmem>>
      %dma_start3A_483 = tpu.memref_squeeze %dma_start3A_482 : memref<1x1x32xf32, #tpu.memory_space<vmem>> -> memref<1x32xf32, #tpu.memory_space<vmem>>
      %dma_start3A_484 = arith.constant 0 : i32
      %dma_start3A_485 = tpu.memref_slice %arg2[%squeeze3A_475, %dma_start3A_484] : memref<1000000x32xf32, #tpu.memory_space<hbm>> -> memref<1x32xf32, #tpu.memory_space<hbm>>
      %dma_start3A_486 = arith.constant 0 : i32
      %dma_start3A_487 = tpu.memref_slice %arg6[%dma_start3A_480, %add3A_479, %dma_start3A_486] : memref<4x200x32xf32, #tpu.memory_space<vmem>> -> memref<1x1x32xf32, #tpu.memory_space<vmem>>
      %dma_start3A_488 = tpu.memref_squeeze %dma_start3A_487 : memref<1x1x32xf32, #tpu.memory_space<vmem>> -> memref<1x32xf32, #tpu.memory_space<vmem>>
      %dma_start3A_489 = arith.constant 0 : i32
      %dma_start3A_490 = tpu.memref_slice %arg2[%squeeze3A_475, %dma_start3A_489] : memref<1000000x32xf32, #tpu.memory_space<hbm>> -> memref<1x32xf32, #tpu.memory_space<hbm>>
      tpu.enqueue_dma source(%dma_start3A_490 : memref<1x32xf32, #tpu.memory_space<hbm>>) target(%dma_start3A_488 : memref<1x32xf32, #tpu.memory_space<vmem>>) target_semaphore(%arg7 : memref<!tpu.dma_semaphore, #tpu.memory_space<semaphore_mem>>)
      %slice3A_491 = vector.extract_strided_slice %get3A_473 {offsets = [1], sizes = [1], strides = [1]} : vector<16xi32> to vector<1xi32>
      %squeeze3A_492 = vector.extract %slice3A_491[0] : i32 from vector<1xi32>
      %mul3A_493 = arith.constant 16 : i32
      %mul3A_494 = arith.muli %mul3A_493, %scan3A_466 : i32
      %add3A_495 = arith.constant 1 : i32
      %add3A_496 = arith.addi %mul3A_494, %add3A_495 : i32
      %dma_start3A_497 = arith.constant 0 : i32
      %dma_start3A_498 = arith.constant 0 : i32
      %dma_start3A_499 = tpu.memref_slice %arg6[%dma_start3A_497, %add3A_496, %dma_start3A_498] : memref<4x200x32xf32, #tpu.memory_space<vmem>> -> memref<1x1x32xf32, #tpu.memory_space<vmem>>
      %dma_start3A_500 = tpu.memref_squeeze %dma_start3A_499 : memref<1x1x32xf32, #tpu.memory_space<vmem>> -> memref<1x32xf32, #tpu.memory_space<vmem>>
      %dma_start3A_501 = arith.constant 0 : i32
      %dma_start3A_502 = tpu.memref_slice %arg2[%squeeze3A_492, %dma_start3A_501] : memref<1000000x32xf32, #tpu.memory_space<hbm>> -> memref<1x32xf32, #tpu.memory_space<hbm>>
      %dma_start3A_503 = arith.constant 0 : i32
      %dma_start3A_504 = tpu.memref_slice %arg6[%dma_start3A_497, %add3A_496, %dma_start3A_503] : memref<4x200x32xf32, #tpu.memory_space<vmem>> -> memref<1x1x32xf32, #tpu.memory_space<vmem>>
      %dma_start3A_505 = tpu.memref_squeeze %dma_start3A_504 : memref<1x1x32xf32, #tpu.memory_space<vmem>> -> memref<1x32xf32, #tpu.memory_space<vmem>>
      %dma_start3A_506 = arith.constant 0 : i32
      %dma_start3A_507 = tpu.memref_slice %arg2[%squeeze3A_492, %dma_start3A_506] : memref<1000000x32xf32, #tpu.memory_space<hbm>> -> memref<1x32xf32, #tpu.memory_space<hbm>>
      tpu.enqueue_dma source(%dma_start3A_507 : memref<1x32xf32, #tpu.memory_space<hbm>>) target(%dma_start3A_505 : memref<1x32xf32, #tpu.memory_space<vmem>>) target_semaphore(%arg7 : memref<!tpu.dma_semaphore, #tpu.memory_space<semaphore_mem>>)
      %slice3A_508 = vector.extract_strided_slice %get3A_473 {offsets = [2], sizes = [1], strides = [1]} : vector<16xi32> to vector<1xi32>
      %squeeze3A_509 = vector.extract %slice3A_508[0] : i32 from vector<1xi32>
      %mul3A_510 = arith.constant 16 : i32
      %mul3A_511 = arith.muli %mul3A_510, %scan3A_466 : i32
      %add3A_512 = arith.constant 2 : i32
      %add3A_513 = arith.addi %mul3A_511, %add3A_512 : i32
      %dma_start3A_514 = arith.constant 0 : i32
      %dma_start3A_515 = arith.constant 0 : i32
      %dma_start3A_516 = tpu.memref_slice %arg6[%dma_start3A_514, %add3A_513, %dma_start3A_515] : memref<4x200x32xf32, #tpu.memory_space<vmem>> -> memref<1x1x32xf32, #tpu.memory_space<vmem>>
      %dma_start3A_517 = tpu.memref_squeeze %dma_start3A_516 : memref<1x1x32xf32, #tpu.memory_space<vmem>> -> memref<1x32xf32, #tpu.memory_space<vmem>>
      %dma_start3A_518 = arith.constant 0 : i32
      %dma_start3A_519 = tpu.memref_slice %arg2[%squeeze3A_509, %dma_start3A_518] : memref<1000000x32xf32, #tpu.memory_space<hbm>> -> memref<1x32xf32, #tpu.memory_space<hbm>>
      %dma_start3A_520 = arith.constant 0 : i32
      %dma_start3A_521 = tpu.memref_slice %arg6[%dma_start3A_514, %add3A_513, %dma_start3A_520] : memref<4x200x32xf32, #tpu.memory_space<vmem>> -> memref<1x1x32xf32, #tpu.memory_space<vmem>>
      %dma_start3A_522 = tpu.memref_squeeze %dma_start3A_521 : memref<1x1x32xf32, #tpu.memory_space<vmem>> -> memref<1x32xf32, #tpu.memory_space<vmem>>
      %dma_start3A_523 = arith.constant 0 : i32
      %dma_start3A_524 = tpu.memref_slice %arg2[%squeeze3A_509, %dma_start3A_523] : memref<1000000x32xf32, #tpu.memory_space<hbm>> -> memref<1x32xf32, #tpu.memory_space<hbm>>
      tpu.enqueue_dma source(%dma_start3A_524 : memref<1x32xf32, #tpu.memory_space<hbm>>) target(%dma_start3A_522 : memref<1x32xf32, #tpu.memory_space<vmem>>) target_semaphore(%arg7 : memref<!tpu.dma_semaphore, #tpu.memory_space<semaphore_mem>>)
      %slice3A_525 = vector.extract_strided_slice %get3A_473 {offsets = [3], sizes = [1], strides = [1]} : vector<16xi32> to vector<1xi32>
      %squeeze3A_526 = vector.extract %slice3A_525[0] : i32 from vector<1xi32>
      %mul3A_527 = arith.constant 16 : i32
      %mul3A_528 = arith.muli %mul3A_527, %scan3A_466 : i32
      %add3A_529 = arith.constant 3 : i32
      %add3A_530 = arith.addi %mul3A_528, %add3A_529 : i32
      %dma_start3A_531 = arith.constant 0 : i32
      %dma_start3A_532 = arith.constant 0 : i32
      %dma_start3A_533 = tpu.memref_slice %arg6[%dma_start3A_531, %add3A_530, %dma_start3A_532] : memref<4x200x32xf32, #tpu.memory_space<vmem>> -> memref<1x1x32xf32, #tpu.memory_space<vmem>>
      %dma_start3A_534 = tpu.memref_squeeze %dma_start3A_533 : memref<1x1x32xf32, #tpu.memory_space<vmem>> -> memref<1x32xf32, #tpu.memory_space<vmem>>
      %dma_start3A_535 = arith.constant 0 : i32
      %dma_start3A_536 = tpu.memref_slice %arg2[%squeeze3A_526, %dma_start3A_535] : memref<1000000x32xf32, #tpu.memory_space<hbm>> -> memref<1x32xf32, #tpu.memory_space<hbm>>
      %dma_start3A_537 = arith.constant 0 : i32
      %dma_start3A_538 = tpu.memref_slice %arg6[%dma_start3A_531, %add3A_530, %dma_start3A_537] : memref<4x200x32xf32, #tpu.memory_space<vmem>> -> memref<1x1x32xf32, #tpu.memory_space<vmem>>
      %dma_start3A_539 = tpu.memref_squeeze %dma_start3A_538 : memref<1x1x32xf32, #tpu.memory_space<vmem>> -> memref<1x32xf32, #tpu.memory_space<vmem>>
      %dma_start3A_540 = arith.constant 0 : i32
      %dma_start3A_541 = tpu.memref_slice %arg2[%squeeze3A_526, %dma_start3A_540] : memref<1000000x32xf32, #tpu.memory_space<hbm>> -> memref<1x32xf32, #tpu.memory_space<hbm>>
      tpu.enqueue_dma source(%dma_start3A_541 : memref<1x32xf32, #tpu.memory_space<hbm>>) target(%dma_start3A_539 : memref<1x32xf32, #tpu.memory_space<vmem>>) target_semaphore(%arg7 : memref<!tpu.dma_semaphore, #tpu.memory_space<semaphore_mem>>)
      %slice3A_542 = vector.extract_strided_slice %get3A_473 {offsets = [4], sizes = [1], strides = [1]} : vector<16xi32> to vector<1xi32>
      %squeeze3A_543 = vector.extract %slice3A_542[0] : i32 from vector<1xi32>
      %mul3A_544 = arith.constant 16 : i32
      %mul3A_545 = arith.muli %mul3A_544, %scan3A_466 : i32
      %add3A_546 = arith.constant 4 : i32
      %add3A_547 = arith.addi %mul3A_545, %add3A_546 : i32
      %dma_start3A_548 = arith.constant 0 : i32
      %dma_start3A_549 = arith.constant 0 : i32
      %dma_start3A_550 = tpu.memref_slice %arg6[%dma_start3A_548, %add3A_547, %dma_start3A_549] : memref<4x200x32xf32, #tpu.memory_space<vmem>> -> memref<1x1x32xf32, #tpu.memory_space<vmem>>
      %dma_start3A_551 = tpu.memref_squeeze %dma_start3A_550 : memref<1x1x32xf32, #tpu.memory_space<vmem>> -> memref<1x32xf32, #tpu.memory_space<vmem>>
      %dma_start3A_552 = arith.constant 0 : i32
      %dma_start3A_553 = tpu.memref_slice %arg2[%squeeze3A_543, %dma_start3A_552] : memref<1000000x32xf32, #tpu.memory_space<hbm>> -> memref<1x32xf32, #tpu.memory_space<hbm>>
      %dma_start3A_554 = arith.constant 0 : i32
      %dma_start3A_555 = tpu.memref_slice %arg6[%dma_start3A_548, %add3A_547, %dma_start3A_554] : memref<4x200x32xf32, #tpu.memory_space<vmem>> -> memref<1x1x32xf32, #tpu.memory_space<vmem>>
      %dma_start3A_556 = tpu.memref_squeeze %dma_start3A_555 : memref<1x1x32xf32, #tpu.memory_space<vmem>> -> memref<1x32xf32, #tpu.memory_space<vmem>>
      %dma_start3A_557 = arith.constant 0 : i32
      %dma_start3A_558 = tpu.memref_slice %arg2[%squeeze3A_543, %dma_start3A_557] : memref<1000000x32xf32, #tpu.memory_space<hbm>> -> memref<1x32xf32, #tpu.memory_space<hbm>>
      tpu.enqueue_dma source(%dma_start3A_558 : memref<1x32xf32, #tpu.memory_space<hbm>>) target(%dma_start3A_556 : memref<1x32xf32, #tpu.memory_space<vmem>>) target_semaphore(%arg7 : memref<!tpu.dma_semaphore, #tpu.memory_space<semaphore_mem>>)
      %slice3A_559 = vector.extract_strided_slice %get3A_473 {offsets = [5], sizes = [1], strides = [1]} : vector<16xi32> to vector<1xi32>
      %squeeze3A_560 = vector.extract %slice3A_559[0] : i32 from vector<1xi32>
      %mul3A_561 = arith.constant 16 : i32
      %mul3A_562 = arith.muli %mul3A_561, %scan3A_466 : i32
      %add3A_563 = arith.constant 5 : i32
      %add3A_564 = arith.addi %mul3A_562, %add3A_563 : i32
      %dma_start3A_565 = arith.constant 0 : i32
      %dma_start3A_566 = arith.constant 0 : i32
      %dma_start3A_567 = tpu.memref_slice %arg6[%dma_start3A_565, %add3A_564, %dma_start3A_566] : memref<4x200x32xf32, #tpu.memory_space<vmem>> -> memref<1x1x32xf32, #tpu.memory_space<vmem>>
      %dma_start3A_568 = tpu.memref_squeeze %dma_start3A_567 : memref<1x1x32xf32, #tpu.memory_space<vmem>> -> memref<1x32xf32, #tpu.memory_space<vmem>>
      %dma_start3A_569 = arith.constant 0 : i32
      %dma_start3A_570 = tpu.memref_slice %arg2[%squeeze3A_560, %dma_start3A_569] : memref<1000000x32xf32, #tpu.memory_space<hbm>> -> memref<1x32xf32, #tpu.memory_space<hbm>>
      %dma_start3A_571 = arith.constant 0 : i32
      %dma_start3A_572 = tpu.memref_slice %arg6[%dma_start3A_565, %add3A_564, %dma_start3A_571] : memref<4x200x32xf32, #tpu.memory_space<vmem>> -> memref<1x1x32xf32, #tpu.memory_space<vmem>>
      %dma_start3A_573 = tpu.memref_squeeze %dma_start3A_572 : memref<1x1x32xf32, #tpu.memory_space<vmem>> -> memref<1x32xf32, #tpu.memory_space<vmem>>
      %dma_start3A_574 = arith.constant 0 : i32
      %dma_start3A_575 = tpu.memref_slice %arg2[%squeeze3A_560, %dma_start3A_574] : memref<1000000x32xf32, #tpu.memory_space<hbm>> -> memref<1x32xf32, #tpu.memory_space<hbm>>
      tpu.enqueue_dma source(%dma_start3A_575 : memref<1x32xf32, #tpu.memory_space<hbm>>) target(%dma_start3A_573 : memref<1x32xf32, #tpu.memory_space<vmem>>) target_semaphore(%arg7 : memref<!tpu.dma_semaphore, #tpu.memory_space<semaphore_mem>>)
      %slice3A_576 = vector.extract_strided_slice %get3A_473 {offsets = [6], sizes = [1], strides = [1]} : vector<16xi32> to vector<1xi32>
      %squeeze3A_577 = vector.extract %slice3A_576[0] : i32 from vector<1xi32>
      %mul3A_578 = arith.constant 16 : i32
      %mul3A_579 = arith.muli %mul3A_578, %scan3A_466 : i32
      %add3A_580 = arith.constant 6 : i32
      %add3A_581 = arith.addi %mul3A_579, %add3A_580 : i32
      %dma_start3A_582 = arith.constant 0 : i32
      %dma_start3A_583 = arith.constant 0 : i32
      %dma_start3A_584 = tpu.memref_slice %arg6[%dma_start3A_582, %add3A_581, %dma_start3A_583] : memref<4x200x32xf32, #tpu.memory_space<vmem>> -> memref<1x1x32xf32, #tpu.memory_space<vmem>>
      %dma_start3A_585 = tpu.memref_squeeze %dma_start3A_584 : memref<1x1x32xf32, #tpu.memory_space<vmem>> -> memref<1x32xf32, #tpu.memory_space<vmem>>
      %dma_start3A_586 = arith.constant 0 : i32
      %dma_start3A_587 = tpu.memref_slice %arg2[%squeeze3A_577, %dma_start3A_586] : memref<1000000x32xf32, #tpu.memory_space<hbm>> -> memref<1x32xf32, #tpu.memory_space<hbm>>
      %dma_start3A_588 = arith.constant 0 : i32
      %dma_start3A_589 = tpu.memref_slice %arg6[%dma_start3A_582, %add3A_581, %dma_start3A_588] : memref<4x200x32xf32, #tpu.memory_space<vmem>> -> memref<1x1x32xf32, #tpu.memory_space<vmem>>
      %dma_start3A_590 = tpu.memref_squeeze %dma_start3A_589 : memref<1x1x32xf32, #tpu.memory_space<vmem>> -> memref<1x32xf32, #tpu.memory_space<vmem>>
      %dma_start3A_591 = arith.constant 0 : i32
      %dma_start3A_592 = tpu.memref_slice %arg2[%squeeze3A_577, %dma_start3A_591] : memref<1000000x32xf32, #tpu.memory_space<hbm>> -> memref<1x32xf32, #tpu.memory_space<hbm>>
      tpu.enqueue_dma source(%dma_start3A_592 : memref<1x32xf32, #tpu.memory_space<hbm>>) target(%dma_start3A_590 : memref<1x32xf32, #tpu.memory_space<vmem>>) target_semaphore(%arg7 : memref<!tpu.dma_semaphore, #tpu.memory_space<semaphore_mem>>)
      %slice3A_593 = vector.extract_strided_slice %get3A_473 {offsets = [7], sizes = [1], strides = [1]} : vector<16xi32> to vector<1xi32>
      %squeeze3A_594 = vector.extract %slice3A_593[0] : i32 from vector<1xi32>
      %mul3A_595 = arith.constant 16 : i32
      %mul3A_596 = arith.muli %mul3A_595, %scan3A_466 : i32
      %add3A_597 = arith.constant 7 : i32
      %add3A_598 = arith.addi %mul3A_596, %add3A_597 : i32
      %dma_start3A_599 = arith.constant 0 : i32
      %dma_start3A_600 = arith.constant 0 : i32
      %dma_start3A_601 = tpu.memref_slice %arg6[%dma_start3A_599, %add3A_598, %dma_start3A_600] : memref<4x200x32xf32, #tpu.memory_space<vmem>> -> memref<1x1x32xf32, #tpu.memory_space<vmem>>
      %dma_start3A_602 = tpu.memref_squeeze %dma_start3A_601 : memref<1x1x32xf32, #tpu.memory_space<vmem>> -> memref<1x32xf32, #tpu.memory_space<vmem>>
      %dma_start3A_603 = arith.constant 0 : i32
      %dma_start3A_604 = tpu.memref_slice %arg2[%squeeze3A_594, %dma_start3A_603] : memref<1000000x32xf32, #tpu.memory_space<hbm>> -> memref<1x32xf32, #tpu.memory_space<hbm>>
      %dma_start3A_605 = arith.constant 0 : i32
      %dma_start3A_606 = tpu.memref_slice %arg6[%dma_start3A_599, %add3A_598, %dma_start3A_605] : memref<4x200x32xf32, #tpu.memory_space<vmem>> -> memref<1x1x32xf32, #tpu.memory_space<vmem>>
      %dma_start3A_607 = tpu.memref_squeeze %dma_start3A_606 : memref<1x1x32xf32, #tpu.memory_space<vmem>> -> memref<1x32xf32, #tpu.memory_space<vmem>>
      %dma_start3A_608 = arith.constant 0 : i32
      %dma_start3A_609 = tpu.memref_slice %arg2[%squeeze3A_594, %dma_start3A_608] : memref<1000000x32xf32, #tpu.memory_space<hbm>> -> memref<1x32xf32, #tpu.memory_space<hbm>>
      tpu.enqueue_dma source(%dma_start3A_609 : memref<1x32xf32, #tpu.memory_space<hbm>>) target(%dma_start3A_607 : memref<1x32xf32, #tpu.memory_space<vmem>>) target_semaphore(%arg7 : memref<!tpu.dma_semaphore, #tpu.memory_space<semaphore_mem>>)
      %slice3A_610 = vector.extract_strided_slice %get3A_473 {offsets = [8], sizes = [1], strides = [1]} : vector<16xi32> to vector<1xi32>
      %squeeze3A_611 = vector.extract %slice3A_610[0] : i32 from vector<1xi32>
      %mul3A_612 = arith.constant 16 : i32
      %mul3A_613 = arith.muli %mul3A_612, %scan3A_466 : i32
      %add3A_614 = arith.constant 8 : i32
      %add3A_615 = arith.addi %mul3A_613, %add3A_614 : i32
      %dma_start3A_616 = arith.constant 0 : i32
      %dma_start3A_617 = arith.constant 0 : i32
      %dma_start3A_618 = tpu.memref_slice %arg6[%dma_start3A_616, %add3A_615, %dma_start3A_617] : memref<4x200x32xf32, #tpu.memory_space<vmem>> -> memref<1x1x32xf32, #tpu.memory_space<vmem>>
      %dma_start3A_619 = tpu.memref_squeeze %dma_start3A_618 : memref<1x1x32xf32, #tpu.memory_space<vmem>> -> memref<1x32xf32, #tpu.memory_space<vmem>>
      %dma_start3A_620 = arith.constant 0 : i32
      %dma_start3A_621 = tpu.memref_slice %arg2[%squeeze3A_611, %dma_start3A_620] : memref<1000000x32xf32, #tpu.memory_space<hbm>> -> memref<1x32xf32, #tpu.memory_space<hbm>>
      %dma_start3A_622 = arith.constant 0 : i32
      %dma_start3A_623 = tpu.memref_slice %arg6[%dma_start3A_616, %add3A_615, %dma_start3A_622] : memref<4x200x32xf32, #tpu.memory_space<vmem>> -> memref<1x1x32xf32, #tpu.memory_space<vmem>>
      %dma_start3A_624 = tpu.memref_squeeze %dma_start3A_623 : memref<1x1x32xf32, #tpu.memory_space<vmem>> -> memref<1x32xf32, #tpu.memory_space<vmem>>
      %dma_start3A_625 = arith.constant 0 : i32
      %dma_start3A_626 = tpu.memref_slice %arg2[%squeeze3A_611, %dma_start3A_625] : memref<1000000x32xf32, #tpu.memory_space<hbm>> -> memref<1x32xf32, #tpu.memory_space<hbm>>
      tpu.enqueue_dma source(%dma_start3A_626 : memref<1x32xf32, #tpu.memory_space<hbm>>) target(%dma_start3A_624 : memref<1x32xf32, #tpu.memory_space<vmem>>) target_semaphore(%arg7 : memref<!tpu.dma_semaphore, #tpu.memory_space<semaphore_mem>>)
      %slice3A_627 = vector.extract_strided_slice %get3A_473 {offsets = [9], sizes = [1], strides = [1]} : vector<16xi32> to vector<1xi32>
      %squeeze3A_628 = vector.extract %slice3A_627[0] : i32 from vector<1xi32>
      %mul3A_629 = arith.constant 16 : i32
      %mul3A_630 = arith.muli %mul3A_629, %scan3A_466 : i32
      %add3A_631 = arith.constant 9 : i32
      %add3A_632 = arith.addi %mul3A_630, %add3A_631 : i32
      %dma_start3A_633 = arith.constant 0 : i32
      %dma_start3A_634 = arith.constant 0 : i32
      %dma_start3A_635 = tpu.memref_slice %arg6[%dma_start3A_633, %add3A_632, %dma_start3A_634] : memref<4x200x32xf32, #tpu.memory_space<vmem>> -> memref<1x1x32xf32, #tpu.memory_space<vmem>>
      %dma_start3A_636 = tpu.memref_squeeze %dma_start3A_635 : memref<1x1x32xf32, #tpu.memory_space<vmem>> -> memref<1x32xf32, #tpu.memory_space<vmem>>
      %dma_start3A_637 = arith.constant 0 : i32
      %dma_start3A_638 = tpu.memref_slice %arg2[%squeeze3A_628, %dma_start3A_637] : memref<1000000x32xf32, #tpu.memory_space<hbm>> -> memref<1x32xf32, #tpu.memory_space<hbm>>
      %dma_start3A_639 = arith.constant 0 : i32
      %dma_start3A_640 = tpu.memref_slice %arg6[%dma_start3A_633, %add3A_632, %dma_start3A_639] : memref<4x200x32xf32, #tpu.memory_space<vmem>> -> memref<1x1x32xf32, #tpu.memory_space<vmem>>
      %dma_start3A_641 = tpu.memref_squeeze %dma_start3A_640 : memref<1x1x32xf32, #tpu.memory_space<vmem>> -> memref<1x32xf32, #tpu.memory_space<vmem>>
      %dma_start3A_642 = arith.constant 0 : i32
      %dma_start3A_643 = tpu.memref_slice %arg2[%squeeze3A_628, %dma_start3A_642] : memref<1000000x32xf32, #tpu.memory_space<hbm>> -> memref<1x32xf32, #tpu.memory_space<hbm>>
      tpu.enqueue_dma source(%dma_start3A_643 : memref<1x32xf32, #tpu.memory_space<hbm>>) target(%dma_start3A_641 : memref<1x32xf32, #tpu.memory_space<vmem>>) target_semaphore(%arg7 : memref<!tpu.dma_semaphore, #tpu.memory_space<semaphore_mem>>)
      %slice3A_644 = vector.extract_strided_slice %get3A_473 {offsets = [10], sizes = [1], strides = [1]} : vector<16xi32> to vector<1xi32>
      %squeeze3A_645 = vector.extract %slice3A_644[0] : i32 from vector<1xi32>
      %mul3A_646 = arith.constant 16 : i32
      %mul3A_647 = arith.muli %mul3A_646, %scan3A_466 : i32
      %add3A_648 = arith.constant 10 : i32
      %add3A_649 = arith.addi %mul3A_647, %add3A_648 : i32
      %dma_start3A_650 = arith.constant 0 : i32
      %dma_start3A_651 = arith.constant 0 : i32
      %dma_start3A_652 = tpu.memref_slice %arg6[%dma_start3A_650, %add3A_649, %dma_start3A_651] : memref<4x200x32xf32, #tpu.memory_space<vmem>> -> memref<1x1x32xf32, #tpu.memory_space<vmem>>
      %dma_start3A_653 = tpu.memref_squeeze %dma_start3A_652 : memref<1x1x32xf32, #tpu.memory_space<vmem>> -> memref<1x32xf32, #tpu.memory_space<vmem>>
      %dma_start3A_654 = arith.constant 0 : i32
      %dma_start3A_655 = tpu.memref_slice %arg2[%squeeze3A_645, %dma_start3A_654] : memref<1000000x32xf32, #tpu.memory_space<hbm>> -> memref<1x32xf32, #tpu.memory_space<hbm>>
      %dma_start3A_656 = arith.constant 0 : i32
      %dma_start3A_657 = tpu.memref_slice %arg6[%dma_start3A_650, %add3A_649, %dma_start3A_656] : memref<4x200x32xf32, #tpu.memory_space<vmem>> -> memref<1x1x32xf32, #tpu.memory_space<vmem>>
      %dma_start3A_658 = tpu.memref_squeeze %dma_start3A_657 : memref<1x1x32xf32, #tpu.memory_space<vmem>> -> memref<1x32xf32, #tpu.memory_space<vmem>>
      %dma_start3A_659 = arith.constant 0 : i32
      %dma_start3A_660 = tpu.memref_slice %arg2[%squeeze3A_645, %dma_start3A_659] : memref<1000000x32xf32, #tpu.memory_space<hbm>> -> memref<1x32xf32, #tpu.memory_space<hbm>>
      tpu.enqueue_dma source(%dma_start3A_660 : memref<1x32xf32, #tpu.memory_space<hbm>>) target(%dma_start3A_658 : memref<1x32xf32, #tpu.memory_space<vmem>>) target_semaphore(%arg7 : memref<!tpu.dma_semaphore, #tpu.memory_space<semaphore_mem>>)
      %slice3A_661 = vector.extract_strided_slice %get3A_473 {offsets = [11], sizes = [1], strides = [1]} : vector<16xi32> to vector<1xi32>
      %squeeze3A_662 = vector.extract %slice3A_661[0] : i32 from vector<1xi32>
      %mul3A_663 = arith.constant 16 : i32
      %mul3A_664 = arith.muli %mul3A_663, %scan3A_466 : i32
      %add3A_665 = arith.constant 11 : i32
      %add3A_666 = arith.addi %mul3A_664, %add3A_665 : i32
      %dma_start3A_667 = arith.constant 0 : i32
      %dma_start3A_668 = arith.constant 0 : i32
      %dma_start3A_669 = tpu.memref_slice %arg6[%dma_start3A_667, %add3A_666, %dma_start3A_668] : memref<4x200x32xf32, #tpu.memory_space<vmem>> -> memref<1x1x32xf32, #tpu.memory_space<vmem>>
      %dma_start3A_670 = tpu.memref_squeeze %dma_start3A_669 : memref<1x1x32xf32, #tpu.memory_space<vmem>> -> memref<1x32xf32, #tpu.memory_space<vmem>>
      %dma_start3A_671 = arith.constant 0 : i32
      %dma_start3A_672 = tpu.memref_slice %arg2[%squeeze3A_662, %dma_start3A_671] : memref<1000000x32xf32, #tpu.memory_space<hbm>> -> memref<1x32xf32, #tpu.memory_space<hbm>>
      %dma_start3A_673 = arith.constant 0 : i32
      %dma_start3A_674 = tpu.memref_slice %arg6[%dma_start3A_667, %add3A_666, %dma_start3A_673] : memref<4x200x32xf32, #tpu.memory_space<vmem>> -> memref<1x1x32xf32, #tpu.memory_space<vmem>>
      %dma_start3A_675 = tpu.memref_squeeze %dma_start3A_674 : memref<1x1x32xf32, #tpu.memory_space<vmem>> -> memref<1x32xf32, #tpu.memory_space<vmem>>
      %dma_start3A_676 = arith.constant 0 : i32
      %dma_start3A_677 = tpu.memref_slice %arg2[%squeeze3A_662, %dma_start3A_676] : memref<1000000x32xf32, #tpu.memory_space<hbm>> -> memref<1x32xf32, #tpu.memory_space<hbm>>
      tpu.enqueue_dma source(%dma_start3A_677 : memref<1x32xf32, #tpu.memory_space<hbm>>) target(%dma_start3A_675 : memref<1x32xf32, #tpu.memory_space<vmem>>) target_semaphore(%arg7 : memref<!tpu.dma_semaphore, #tpu.memory_space<semaphore_mem>>)
      %slice3A_678 = vector.extract_strided_slice %get3A_473 {offsets = [12], sizes = [1], strides = [1]} : vector<16xi32> to vector<1xi32>
      %squeeze3A_679 = vector.extract %slice3A_678[0] : i32 from vector<1xi32>
      %mul3A_680 = arith.constant 16 : i32
      %mul3A_681 = arith.muli %mul3A_680, %scan3A_466 : i32
      %add3A_682 = arith.constant 12 : i32
      %add3A_683 = arith.addi %mul3A_681, %add3A_682 : i32
      %dma_start3A_684 = arith.constant 0 : i32
      %dma_start3A_685 = arith.constant 0 : i32
      %dma_start3A_686 = tpu.memref_slice %arg6[%dma_start3A_684, %add3A_683, %dma_start3A_685] : memref<4x200x32xf32, #tpu.memory_space<vmem>> -> memref<1x1x32xf32, #tpu.memory_space<vmem>>
      %dma_start3A_687 = tpu.memref_squeeze %dma_start3A_686 : memref<1x1x32xf32, #tpu.memory_space<vmem>> -> memref<1x32xf32, #tpu.memory_space<vmem>>
      %dma_start3A_688 = arith.constant 0 : i32
      %dma_start3A_689 = tpu.memref_slice %arg2[%squeeze3A_679, %dma_start3A_688] : memref<1000000x32xf32, #tpu.memory_space<hbm>> -> memref<1x32xf32, #tpu.memory_space<hbm>>
      %dma_start3A_690 = arith.constant 0 : i32
      %dma_start3A_691 = tpu.memref_slice %arg6[%dma_start3A_684, %add3A_683, %dma_start3A_690] : memref<4x200x32xf32, #tpu.memory_space<vmem>> -> memref<1x1x32xf32, #tpu.memory_space<vmem>>
      %dma_start3A_692 = tpu.memref_squeeze %dma_start3A_691 : memref<1x1x32xf32, #tpu.memory_space<vmem>> -> memref<1x32xf32, #tpu.memory_space<vmem>>
      %dma_start3A_693 = arith.constant 0 : i32
      %dma_start3A_694 = tpu.memref_slice %arg2[%squeeze3A_679, %dma_start3A_693] : memref<1000000x32xf32, #tpu.memory_space<hbm>> -> memref<1x32xf32, #tpu.memory_space<hbm>>
      tpu.enqueue_dma source(%dma_start3A_694 : memref<1x32xf32, #tpu.memory_space<hbm>>) target(%dma_start3A_692 : memref<1x32xf32, #tpu.memory_space<vmem>>) target_semaphore(%arg7 : memref<!tpu.dma_semaphore, #tpu.memory_space<semaphore_mem>>)
      %slice3A_695 = vector.extract_strided_slice %get3A_473 {offsets = [13], sizes = [1], strides = [1]} : vector<16xi32> to vector<1xi32>
      %squeeze3A_696 = vector.extract %slice3A_695[0] : i32 from vector<1xi32>
      %mul3A_697 = arith.constant 16 : i32
      %mul3A_698 = arith.muli %mul3A_697, %scan3A_466 : i32
      %add3A_699 = arith.constant 13 : i32
      %add3A_700 = arith.addi %mul3A_698, %add3A_699 : i32
      %dma_start3A_701 = arith.constant 0 : i32
      %dma_start3A_702 = arith.constant 0 : i32
      %dma_start3A_703 = tpu.memref_slice %arg6[%dma_start3A_701, %add3A_700, %dma_start3A_702] : memref<4x200x32xf32, #tpu.memory_space<vmem>> -> memref<1x1x32xf32, #tpu.memory_space<vmem>>
      %dma_start3A_704 = tpu.memref_squeeze %dma_start3A_703 : memref<1x1x32xf32, #tpu.memory_space<vmem>> -> memref<1x32xf32, #tpu.memory_space<vmem>>
      %dma_start3A_705 = arith.constant 0 : i32
      %dma_start3A_706 = tpu.memref_slice %arg2[%squeeze3A_696, %dma_start3A_705] : memref<1000000x32xf32, #tpu.memory_space<hbm>> -> memref<1x32xf32, #tpu.memory_space<hbm>>
      %dma_start3A_707 = arith.constant 0 : i32
      %dma_start3A_708 = tpu.memref_slice %arg6[%dma_start3A_701, %add3A_700, %dma_start3A_707] : memref<4x200x32xf32, #tpu.memory_space<vmem>> -> memref<1x1x32xf32, #tpu.memory_space<vmem>>
      %dma_start3A_709 = tpu.memref_squeeze %dma_start3A_708 : memref<1x1x32xf32, #tpu.memory_space<vmem>> -> memref<1x32xf32, #tpu.memory_space<vmem>>
      %dma_start3A_710 = arith.constant 0 : i32
      %dma_start3A_711 = tpu.memref_slice %arg2[%squeeze3A_696, %dma_start3A_710] : memref<1000000x32xf32, #tpu.memory_space<hbm>> -> memref<1x32xf32, #tpu.memory_space<hbm>>
      tpu.enqueue_dma source(%dma_start3A_711 : memref<1x32xf32, #tpu.memory_space<hbm>>) target(%dma_start3A_709 : memref<1x32xf32, #tpu.memory_space<vmem>>) target_semaphore(%arg7 : memref<!tpu.dma_semaphore, #tpu.memory_space<semaphore_mem>>)
      %slice3A_712 = vector.extract_strided_slice %get3A_473 {offsets = [14], sizes = [1], strides = [1]} : vector<16xi32> to vector<1xi32>
      %squeeze3A_713 = vector.extract %slice3A_712[0] : i32 from vector<1xi32>
      %mul3A_714 = arith.constant 16 : i32
      %mul3A_715 = arith.muli %mul3A_714, %scan3A_466 : i32
      %add3A_716 = arith.constant 14 : i32
      %add3A_717 = arith.addi %mul3A_715, %add3A_716 : i32
      %dma_start3A_718 = arith.constant 0 : i32
      %dma_start3A_719 = arith.constant 0 : i32
      %dma_start3A_720 = tpu.memref_slice %arg6[%dma_start3A_718, %add3A_717, %dma_start3A_719] : memref<4x200x32xf32, #tpu.memory_space<vmem>> -> memref<1x1x32xf32, #tpu.memory_space<vmem>>
      %dma_start3A_721 = tpu.memref_squeeze %dma_start3A_720 : memref<1x1x32xf32, #tpu.memory_space<vmem>> -> memref<1x32xf32, #tpu.memory_space<vmem>>
      %dma_start3A_722 = arith.constant 0 : i32
      %dma_start3A_723 = tpu.memref_slice %arg2[%squeeze3A_713, %dma_start3A_722] : memref<1000000x32xf32, #tpu.memory_space<hbm>> -> memref<1x32xf32, #tpu.memory_space<hbm>>
      %dma_start3A_724 = arith.constant 0 : i32
      %dma_start3A_725 = tpu.memref_slice %arg6[%dma_start3A_718, %add3A_717, %dma_start3A_724] : memref<4x200x32xf32, #tpu.memory_space<vmem>> -> memref<1x1x32xf32, #tpu.memory_space<vmem>>
      %dma_start3A_726 = tpu.memref_squeeze %dma_start3A_725 : memref<1x1x32xf32, #tpu.memory_space<vmem>> -> memref<1x32xf32, #tpu.memory_space<vmem>>
      %dma_start3A_727 = arith.constant 0 : i32
      %dma_start3A_728 = tpu.memref_slice %arg2[%squeeze3A_713, %dma_start3A_727] : memref<1000000x32xf32, #tpu.memory_space<hbm>> -> memref<1x32xf32, #tpu.memory_space<hbm>>
      tpu.enqueue_dma source(%dma_start3A_728 : memref<1x32xf32, #tpu.memory_space<hbm>>) target(%dma_start3A_726 : memref<1x32xf32, #tpu.memory_space<vmem>>) target_semaphore(%arg7 : memref<!tpu.dma_semaphore, #tpu.memory_space<semaphore_mem>>)
      %slice3A_729 = vector.extract_strided_slice %get3A_473 {offsets = [15], sizes = [1], strides = [1]} : vector<16xi32> to vector<1xi32>
      %squeeze3A_730 = vector.extract %slice3A_729[0] : i32 from vector<1xi32>
      %mul3A_731 = arith.constant 16 : i32
      %mul3A_732 = arith.muli %mul3A_731, %scan3A_466 : i32
      %add3A_733 = arith.constant 15 : i32
      %add3A_734 = arith.addi %mul3A_732, %add3A_733 : i32
      %dma_start3A_735 = arith.constant 0 : i32
      %dma_start3A_736 = arith.constant 0 : i32
      %dma_start3A_737 = tpu.memref_slice %arg6[%dma_start3A_735, %add3A_734, %dma_start3A_736] : memref<4x200x32xf32, #tpu.memory_space<vmem>> -> memref<1x1x32xf32, #tpu.memory_space<vmem>>
      %dma_start3A_738 = tpu.memref_squeeze %dma_start3A_737 : memref<1x1x32xf32, #tpu.memory_space<vmem>> -> memref<1x32xf32, #tpu.memory_space<vmem>>
      %dma_start3A_739 = arith.constant 0 : i32
      %dma_start3A_740 = tpu.memref_slice %arg2[%squeeze3A_730, %dma_start3A_739] : memref<1000000x32xf32, #tpu.memory_space<hbm>> -> memref<1x32xf32, #tpu.memory_space<hbm>>
      %dma_start3A_741 = arith.constant 0 : i32
      %dma_start3A_742 = tpu.memref_slice %arg6[%dma_start3A_735, %add3A_734, %dma_start3A_741] : memref<4x200x32xf32, #tpu.memory_space<vmem>> -> memref<1x1x32xf32, #tpu.memory_space<vmem>>
      %dma_start3A_743 = tpu.memref_squeeze %dma_start3A_742 : memref<1x1x32xf32, #tpu.memory_space<vmem>> -> memref<1x32xf32, #tpu.memory_space<vmem>>
      %dma_start3A_744 = arith.constant 0 : i32
      %dma_start3A_745 = tpu.memref_slice %arg2[%squeeze3A_730, %dma_start3A_744] : memref<1000000x32xf32, #tpu.memory_space<hbm>> -> memref<1x32xf32, #tpu.memory_space<hbm>>
      tpu.enqueue_dma source(%dma_start3A_745 : memref<1x32xf32, #tpu.memory_space<hbm>>) target(%dma_start3A_743 : memref<1x32xf32, #tpu.memory_space<vmem>>) target_semaphore(%arg7 : memref<!tpu.dma_semaphore, #tpu.memory_space<semaphore_mem>>)
    }
    %scan3A_7 = arith.constant 12 : i32
    %get3A = arith.constant 192 : index
    %get3A_8 = tpu.vector_load %arg5[%get3A] {strides = array<i32>} : memref<25616xi32, #tpu.memory_space<vmem>>, vector<16xi32>,
    %get3A_9 = vector.shape_cast %get3A_8 : vector<16xi32> to vector<16xi32>
    %slice3A = vector.extract_strided_slice %get3A_9 {offsets = [0], sizes = [1], strides = [1]} : vector<16xi32> to vector<1xi32>
    %squeeze3A = vector.extract %slice3A[0] : i32 from vector<1xi32>
    %dma_start3A = arith.constant 0 : i32
    %dma_start3A_10 = arith.constant 192 : i32
    %dma_start3A_11 = arith.constant 0 : i32
    %dma_start3A_12 = tpu.memref_slice %arg6[%dma_start3A, %dma_start3A_10, %dma_start3A_11] : memref<4x200x32xf32, #tpu.memory_space<vmem>> -> memref<1x1x32xf32, #tpu.memory_space<vmem>>
    %dma_start3A_13 = tpu.memref_squeeze %dma_start3A_12 : memref<1x1x32xf32, #tpu.memory_space<vmem>> -> memref<1x32xf32, #tpu.memory_space<vmem>>
    %dma_start3A_14 = arith.constant 0 : i32
    %dma_start3A_15 = tpu.memref_slice %arg2[%squeeze3A, %dma_start3A_14] : memref<1000000x32xf32, #tpu.memory_space<hbm>> -> memref<1x32xf32, #tpu.memory_space<hbm>>
    %dma_start3A_16 = arith.constant 192 : i32
    %dma_start3A_17 = arith.constant 0 : i32
    %dma_start3A_18 = tpu.memref_slice %arg6[%dma_start3A, %dma_start3A_16, %dma_start3A_17] : memref<4x200x32xf32, #tpu.memory_space<vmem>> -> memref<1x1x32xf32, #tpu.memory_space<vmem>>
    %dma_start3A_19 = tpu.memref_squeeze %dma_start3A_18 : memref<1x1x32xf32, #tpu.memory_space<vmem>> -> memref<1x32xf32, #tpu.memory_space<vmem>>
    %dma_start3A_20 = arith.constant 0 : i32
    %dma_start3A_21 = tpu.memref_slice %arg2[%squeeze3A, %dma_start3A_20] : memref<1000000x32xf32, #tpu.memory_space<hbm>> -> memref<1x32xf32, #tpu.memory_space<hbm>>
    tpu.enqueue_dma source(%dma_start3A_21 : memref<1x32xf32, #tpu.memory_space<hbm>>) target(%dma_start3A_19 : memref<1x32xf32, #tpu.memory_space<vmem>>) target_semaphore(%arg7 : memref<!tpu.dma_semaphore, #tpu.memory_space<semaphore_mem>>)
    %slice3A_22 = vector.extract_strided_slice %get3A_9 {offsets = [1], sizes = [1], strides = [1]} : vector<16xi32> to vector<1xi32>
    %squeeze3A_23 = vector.extract %slice3A_22[0] : i32 from vector<1xi32>
    %dma_start3A_24 = arith.constant 0 : i32
    %dma_start3A_25 = arith.constant 193 : i32
    %dma_start3A_26 = arith.constant 0 : i32
    %dma_start3A_27 = tpu.memref_slice %arg6[%dma_start3A_24, %dma_start3A_25, %dma_start3A_26] : memref<4x200x32xf32, #tpu.memory_space<vmem>> -> memref<1x1x32xf32, #tpu.memory_space<vmem>>
    %dma_start3A_28 = tpu.memref_squeeze %dma_start3A_27 : memref<1x1x32xf32, #tpu.memory_space<vmem>> -> memref<1x32xf32, #tpu.memory_space<vmem>>
    %dma_start3A_29 = arith.constant 0 : i32
    %dma_start3A_30 = tpu.memref_slice %arg2[%squeeze3A_23, %dma_start3A_29] : memref<1000000x32xf32, #tpu.memory_space<hbm>> -> memref<1x32xf32, #tpu.memory_space<hbm>>
    %dma_start3A_31 = arith.constant 193 : i32
    %dma_start3A_32 = arith.constant 0 : i32
    %dma_start3A_33 = tpu.memref_slice %arg6[%dma_start3A_24, %dma_start3A_31, %dma_start3A_32] : memref<4x200x32xf32, #tpu.memory_space<vmem>> -> memref<1x1x32xf32, #tpu.memory_space<vmem>>
    %dma_start3A_34 = tpu.memref_squeeze %dma_start3A_33 : memref<1x1x32xf32, #tpu.memory_space<vmem>> -> memref<1x32xf32, #tpu.memory_space<vmem>>
    %dma_start3A_35 = arith.constant 0 : i32
    %dma_start3A_36 = tpu.memref_slice %arg2[%squeeze3A_23, %dma_start3A_35] : memref<1000000x32xf32, #tpu.memory_space<hbm>> -> memref<1x32xf32, #tpu.memory_space<hbm>>
    tpu.enqueue_dma source(%dma_start3A_36 : memref<1x32xf32, #tpu.memory_space<hbm>>) target(%dma_start3A_34 : memref<1x32xf32, #tpu.memory_space<vmem>>) target_semaphore(%arg7 : memref<!tpu.dma_semaphore, #tpu.memory_space<semaphore_mem>>)
    %slice3A_37 = vector.extract_strided_slice %get3A_9 {offsets = [2], sizes = [1], strides = [1]} : vector<16xi32> to vector<1xi32>
    %squeeze3A_38 = vector.extract %slice3A_37[0] : i32 from vector<1xi32>
    %dma_start3A_39 = arith.constant 0 : i32
    %dma_start3A_40 = arith.constant 194 : i32
    %dma_start3A_41 = arith.constant 0 : i32
    %dma_start3A_42 = tpu.memref_slice %arg6[%dma_start3A_39, %dma_start3A_40, %dma_start3A_41] : memref<4x200x32xf32, #tpu.memory_space<vmem>> -> memref<1x1x32xf32, #tpu.memory_space<vmem>>
    %dma_start3A_43 = tpu.memref_squeeze %dma_start3A_42 : memref<1x1x32xf32, #tpu.memory_space<vmem>> -> memref<1x32xf32, #tpu.memory_space<vmem>>
    %dma_start3A_44 = arith.constant 0 : i32
    %dma_start3A_45 = tpu.memref_slice %arg2[%squeeze3A_38, %dma_start3A_44] : memref<1000000x32xf32, #tpu.memory_space<hbm>> -> memref<1x32xf32, #tpu.memory_space<hbm>>
    %dma_start3A_46 = arith.constant 194 : i32
    %dma_start3A_47 = arith.constant 0 : i32
    %dma_start3A_48 = tpu.memref_slice %arg6[%dma_start3A_39, %dma_start3A_46, %dma_start3A_47] : memref<4x200x32xf32, #tpu.memory_space<vmem>> -> memref<1x1x32xf32, #tpu.memory_space<vmem>>
    %dma_start3A_49 = tpu.memref_squeeze %dma_start3A_48 : memref<1x1x32xf32, #tpu.memory_space<vmem>> -> memref<1x32xf32, #tpu.memory_space<vmem>>
    %dma_start3A_50 = arith.constant 0 : i32
    %dma_start3A_51 = tpu.memref_slice %arg2[%squeeze3A_38, %dma_start3A_50] : memref<1000000x32xf32, #tpu.memory_space<hbm>> -> memref<1x32xf32, #tpu.memory_space<hbm>>
    tpu.enqueue_dma source(%dma_start3A_51 : memref<1x32xf32, #tpu.memory_space<hbm>>) target(%dma_start3A_49 : memref<1x32xf32, #tpu.memory_space<vmem>>) target_semaphore(%arg7 : memref<!tpu.dma_semaphore, #tpu.memory_space<semaphore_mem>>)
    %slice3A_52 = vector.extract_strided_slice %get3A_9 {offsets = [3], sizes = [1], strides = [1]} : vector<16xi32> to vector<1xi32>
    %squeeze3A_53 = vector.extract %slice3A_52[0] : i32 from vector<1xi32>
    %dma_start3A_54 = arith.constant 0 : i32
    %dma_start3A_55 = arith.constant 195 : i32
    %dma_start3A_56 = arith.constant 0 : i32
    %dma_start3A_57 = tpu.memref_slice %arg6[%dma_start3A_54, %dma_start3A_55, %dma_start3A_56] : memref<4x200x32xf32, #tpu.memory_space<vmem>> -> memref<1x1x32xf32, #tpu.memory_space<vmem>>
    %dma_start3A_58 = tpu.memref_squeeze %dma_start3A_57 : memref<1x1x32xf32, #tpu.memory_space<vmem>> -> memref<1x32xf32, #tpu.memory_space<vmem>>
    %dma_start3A_59 = arith.constant 0 : i32
    %dma_start3A_60 = tpu.memref_slice %arg2[%squeeze3A_53, %dma_start3A_59] : memref<1000000x32xf32, #tpu.memory_space<hbm>> -> memref<1x32xf32, #tpu.memory_space<hbm>>
    %dma_start3A_61 = arith.constant 195 : i32
    %dma_start3A_62 = arith.constant 0 : i32
    %dma_start3A_63 = tpu.memref_slice %arg6[%dma_start3A_54, %dma_start3A_61, %dma_start3A_62] : memref<4x200x32xf32, #tpu.memory_space<vmem>> -> memref<1x1x32xf32, #tpu.memory_space<vmem>>
    %dma_start3A_64 = tpu.memref_squeeze %dma_start3A_63 : memref<1x1x32xf32, #tpu.memory_space<vmem>> -> memref<1x32xf32, #tpu.memory_space<vmem>>
    %dma_start3A_65 = arith.constant 0 : i32
    %dma_start3A_66 = tpu.memref_slice %arg2[%squeeze3A_53, %dma_start3A_65] : memref<1000000x32xf32, #tpu.memory_space<hbm>> -> memref<1x32xf32, #tpu.memory_space<hbm>>
    tpu.enqueue_dma source(%dma_start3A_66 : memref<1x32xf32, #tpu.memory_space<hbm>>) target(%dma_start3A_64 : memref<1x32xf32, #tpu.memory_space<vmem>>) target_semaphore(%arg7 : memref<!tpu.dma_semaphore, #tpu.memory_space<semaphore_mem>>)
    %slice3A_67 = vector.extract_strided_slice %get3A_9 {offsets = [4], sizes = [1], strides = [1]} : vector<16xi32> to vector<1xi32>
    %squeeze3A_68 = vector.extract %slice3A_67[0] : i32 from vector<1xi32>
    %dma_start3A_69 = arith.constant 0 : i32
    %dma_start3A_70 = arith.constant 196 : i32
    %dma_start3A_71 = arith.constant 0 : i32
    %dma_start3A_72 = tpu.memref_slice %arg6[%dma_start3A_69, %dma_start3A_70, %dma_start3A_71] : memref<4x200x32xf32, #tpu.memory_space<vmem>> -> memref<1x1x32xf32, #tpu.memory_space<vmem>>
    %dma_start3A_73 = tpu.memref_squeeze %dma_start3A_72 : memref<1x1x32xf32, #tpu.memory_space<vmem>> -> memref<1x32xf32, #tpu.memory_space<vmem>>
    %dma_start3A_74 = arith.constant 0 : i32
    %dma_start3A_75 = tpu.memref_slice %arg2[%squeeze3A_68, %dma_start3A_74] : memref<1000000x32xf32, #tpu.memory_space<hbm>> -> memref<1x32xf32, #tpu.memory_space<hbm>>
    %dma_start3A_76 = arith.constant 196 : i32
    %dma_start3A_77 = arith.constant 0 : i32
    %dma_start3A_78 = tpu.memref_slice %arg6[%dma_start3A_69, %dma_start3A_76, %dma_start3A_77] : memref<4x200x32xf32, #tpu.memory_space<vmem>> -> memref<1x1x32xf32, #tpu.memory_space<vmem>>
    %dma_start3A_79 = tpu.memref_squeeze %dma_start3A_78 : memref<1x1x32xf32, #tpu.memory_space<vmem>> -> memref<1x32xf32, #tpu.memory_space<vmem>>
    %dma_start3A_80 = arith.constant 0 : i32
    %dma_start3A_81 = tpu.memref_slice %arg2[%squeeze3A_68, %dma_start3A_80] : memref<1000000x32xf32, #tpu.memory_space<hbm>> -> memref<1x32xf32, #tpu.memory_space<hbm>>
    tpu.enqueue_dma source(%dma_start3A_81 : memref<1x32xf32, #tpu.memory_space<hbm>>) target(%dma_start3A_79 : memref<1x32xf32, #tpu.memory_space<vmem>>) target_semaphore(%arg7 : memref<!tpu.dma_semaphore, #tpu.memory_space<semaphore_mem>>)
    %slice3A_82 = vector.extract_strided_slice %get3A_9 {offsets = [5], sizes = [1], strides = [1]} : vector<16xi32> to vector<1xi32>
    %squeeze3A_83 = vector.extract %slice3A_82[0] : i32 from vector<1xi32>
    %dma_start3A_84 = arith.constant 0 : i32
    %dma_start3A_85 = arith.constant 197 : i32
    %dma_start3A_86 = arith.constant 0 : i32
    %dma_start3A_87 = tpu.memref_slice %arg6[%dma_start3A_84, %dma_start3A_85, %dma_start3A_86] : memref<4x200x32xf32, #tpu.memory_space<vmem>> -> memref<1x1x32xf32, #tpu.memory_space<vmem>>
    %dma_start3A_88 = tpu.memref_squeeze %dma_start3A_87 : memref<1x1x32xf32, #tpu.memory_space<vmem>> -> memref<1x32xf32, #tpu.memory_space<vmem>>
    %dma_start3A_89 = arith.constant 0 : i32
    %dma_start3A_90 = tpu.memref_slice %arg2[%squeeze3A_83, %dma_start3A_89] : memref<1000000x32xf32, #tpu.memory_space<hbm>> -> memref<1x32xf32, #tpu.memory_space<hbm>>
    %dma_start3A_91 = arith.constant 197 : i32
    %dma_start3A_92 = arith.constant 0 : i32
    %dma_start3A_93 = tpu.memref_slice %arg6[%dma_start3A_84, %dma_start3A_91, %dma_start3A_92] : memref<4x200x32xf32, #tpu.memory_space<vmem>> -> memref<1x1x32xf32, #tpu.memory_space<vmem>>
    %dma_start3A_94 = tpu.memref_squeeze %dma_start3A_93 : memref<1x1x32xf32, #tpu.memory_space<vmem>> -> memref<1x32xf32, #tpu.memory_space<vmem>>
    %dma_start3A_95 = arith.constant 0 : i32
    %dma_start3A_96 = tpu.memref_slice %arg2[%squeeze3A_83, %dma_start3A_95] : memref<1000000x32xf32, #tpu.memory_space<hbm>> -> memref<1x32xf32, #tpu.memory_space<hbm>>
    tpu.enqueue_dma source(%dma_start3A_96 : memref<1x32xf32, #tpu.memory_space<hbm>>) target(%dma_start3A_94 : memref<1x32xf32, #tpu.memory_space<vmem>>) target_semaphore(%arg7 : memref<!tpu.dma_semaphore, #tpu.memory_space<semaphore_mem>>)
    %slice3A_97 = vector.extract_strided_slice %get3A_9 {offsets = [6], sizes = [1], strides = [1]} : vector<16xi32> to vector<1xi32>
    %squeeze3A_98 = vector.extract %slice3A_97[0] : i32 from vector<1xi32>
    %dma_start3A_99 = arith.constant 0 : i32
    %dma_start3A_100 = arith.constant 198 : i32
    %dma_start3A_101 = arith.constant 0 : i32
    %dma_start3A_102 = tpu.memref_slice %arg6[%dma_start3A_99, %dma_start3A_100, %dma_start3A_101] : memref<4x200x32xf32, #tpu.memory_space<vmem>> -> memref<1x1x32xf32, #tpu.memory_space<vmem>>
    %dma_start3A_103 = tpu.memref_squeeze %dma_start3A_102 : memref<1x1x32xf32, #tpu.memory_space<vmem>> -> memref<1x32xf32, #tpu.memory_space<vmem>>
    %dma_start3A_104 = arith.constant 0 : i32
    %dma_start3A_105 = tpu.memref_slice %arg2[%squeeze3A_98, %dma_start3A_104] : memref<1000000x32xf32, #tpu.memory_space<hbm>> -> memref<1x32xf32, #tpu.memory_space<hbm>>
    %dma_start3A_106 = arith.constant 198 : i32
    %dma_start3A_107 = arith.constant 0 : i32
    %dma_start3A_108 = tpu.memref_slice %arg6[%dma_start3A_99, %dma_start3A_106, %dma_start3A_107] : memref<4x200x32xf32, #tpu.memory_space<vmem>> -> memref<1x1x32xf32, #tpu.memory_space<vmem>>
    %dma_start3A_109 = tpu.memref_squeeze %dma_start3A_108 : memref<1x1x32xf32, #tpu.memory_space<vmem>> -> memref<1x32xf32, #tpu.memory_space<vmem>>
    %dma_start3A_110 = arith.constant 0 : i32
    %dma_start3A_111 = tpu.memref_slice %arg2[%squeeze3A_98, %dma_start3A_110] : memref<1000000x32xf32, #tpu.memory_space<hbm>> -> memref<1x32xf32, #tpu.memory_space<hbm>>
    tpu.enqueue_dma source(%dma_start3A_111 : memref<1x32xf32, #tpu.memory_space<hbm>>) target(%dma_start3A_109 : memref<1x32xf32, #tpu.memory_space<vmem>>) target_semaphore(%arg7 : memref<!tpu.dma_semaphore, #tpu.memory_space<semaphore_mem>>)
    %slice3A_112 = vector.extract_strided_slice %get3A_9 {offsets = [7], sizes = [1], strides = [1]} : vector<16xi32> to vector<1xi32>
    %squeeze3A_113 = vector.extract %slice3A_112[0] : i32 from vector<1xi32>
    %dma_start3A_114 = arith.constant 0 : i32
    %dma_start3A_115 = arith.constant 199 : i32
    %dma_start3A_116 = arith.constant 0 : i32
    %dma_start3A_117 = tpu.memref_slice %arg6[%dma_start3A_114, %dma_start3A_115, %dma_start3A_116] : memref<4x200x32xf32, #tpu.memory_space<vmem>> -> memref<1x1x32xf32, #tpu.memory_space<vmem>>
    %dma_start3A_118 = tpu.memref_squeeze %dma_start3A_117 : memref<1x1x32xf32, #tpu.memory_space<vmem>> -> memref<1x32xf32, #tpu.memory_space<vmem>>
    %dma_start3A_119 = arith.constant 0 : i32
    %dma_start3A_120 = tpu.memref_slice %arg2[%squeeze3A_113, %dma_start3A_119] : memref<1000000x32xf32, #tpu.memory_space<hbm>> -> memref<1x32xf32, #tpu.memory_space<hbm>>
    %dma_start3A_121 = arith.constant 199 : i32
    %dma_start3A_122 = arith.constant 0 : i32
    %dma_start3A_123 = tpu.memref_slice %arg6[%dma_start3A_114, %dma_start3A_121, %dma_start3A_122] : memref<4x200x32xf32, #tpu.memory_space<vmem>> -> memref<1x1x32xf32, #tpu.memory_space<vmem>>
    %dma_start3A_124 = tpu.memref_squeeze %dma_start3A_123 : memref<1x1x32xf32, #tpu.memory_space<vmem>> -> memref<1x32xf32, #tpu.memory_space<vmem>>
    %dma_start3A_125 = arith.constant 0 : i32
    %dma_start3A_126 = tpu.memref_slice %arg2[%squeeze3A_113, %dma_start3A_125] : memref<1000000x32xf32, #tpu.memory_space<hbm>> -> memref<1x32xf32, #tpu.memory_space<hbm>>
    tpu.enqueue_dma source(%dma_start3A_126 : memref<1x32xf32, #tpu.memory_space<hbm>>) target(%dma_start3A_124 : memref<1x32xf32, #tpu.memory_space<vmem>>) target_semaphore(%arg7 : memref<!tpu.dma_semaphore, #tpu.memory_space<semaphore_mem>>)
    %scan3A_127 = arith.constant 0 : i32
    %scan3A_128 = arith.constant 0 : i32
    %scan3A_129 = arith.constant 12 : i32
    %scan3A_130 = arith.addi %scan3A_128, %scan3A_129 : i32
    %scan3A_131 = arith.constant 1 : i32
    scf.for %scan3A_466 = %scan3A_128 to %scan3A_130 step %scan3A_131  : i32 {
      %mul3A_467 = arith.constant 16 : i32
      %mul3A_468 = arith.muli %mul3A_467, %scan3A_466 : i32
      %add3A_469 = arith.constant 200 : i32
      %add3A_470 = arith.addi %add3A_469, %mul3A_468 : i32
      %get3A_471 = arith.index_cast %add3A_470 : i32 to index
      %get3A_472 = tpu.vector_load %arg5[%get3A_471] {strides = array<i32>} : memref<25616xi32, #tpu.memory_space<vmem>>, vector<16xi32>,
      %get3A_473 = vector.shape_cast %get3A_472 : vector<16xi32> to vector<16xi32>
      %slice3A_474 = vector.extract_strided_slice %get3A_473 {offsets = [0], sizes = [1], strides = [1]} : vector<16xi32> to vector<1xi32>
      %squeeze3A_475 = vector.extract %slice3A_474[0] : i32 from vector<1xi32>
      %mul3A_476 = arith.constant 16 : i32
      %mul3A_477 = arith.muli %mul3A_476, %scan3A_466 : i32
      %add3A_478 = arith.constant 0 : i32
      %add3A_479 = arith.addi %mul3A_477, %add3A_478 : i32
      %dma_start3A_480 = arith.constant 1 : i32
      %dma_start3A_481 = arith.constant 0 : i32
      %dma_start3A_482 = tpu.memref_slice %arg6[%dma_start3A_480, %add3A_479, %dma_start3A_481] : memref<4x200x32xf32, #tpu.memory_space<vmem>> -> memref<1x1x32xf32, #tpu.memory_space<vmem>>
      %dma_start3A_483 = tpu.memref_squeeze %dma_start3A_482 : memref<1x1x32xf32, #tpu.memory_space<vmem>> -> memref<1x32xf32, #tpu.memory_space<vmem>>
      %dma_start3A_484 = arith.constant 0 : i32
      %dma_start3A_485 = tpu.memref_slice %arg2[%squeeze3A_475, %dma_start3A_484] : memref<1000000x32xf32, #tpu.memory_space<hbm>> -> memref<1x32xf32, #tpu.memory_space<hbm>>
      %dma_start3A_486 = arith.constant 0 : i32
      %dma_start3A_487 = tpu.memref_slice %arg6[%dma_start3A_480, %add3A_479, %dma_start3A_486] : memref<4x200x32xf32, #tpu.memory_space<vmem>> -> memref<1x1x32xf32, #tpu.memory_space<vmem>>
      %dma_start3A_488 = tpu.memref_squeeze %dma_start3A_487 : memref<1x1x32xf32, #tpu.memory_space<vmem>> -> memref<1x32xf32, #tpu.memory_space<vmem>>
      %dma_start3A_489 = arith.constant 0 : i32
      %dma_start3A_490 = tpu.memref_slice %arg2[%squeeze3A_475, %dma_start3A_489] : memref<1000000x32xf32, #tpu.memory_space<hbm>> -> memref<1x32xf32, #tpu.memory_space<hbm>>
      tpu.enqueue_dma source(%dma_start3A_490 : memref<1x32xf32, #tpu.memory_space<hbm>>) target(%dma_start3A_488 : memref<1x32xf32, #tpu.memory_space<vmem>>) target_semaphore(%arg8 : memref<!tpu.dma_semaphore, #tpu.memory_space<semaphore_mem>>)
      %slice3A_491 = vector.extract_strided_slice %get3A_473 {offsets = [1], sizes = [1], strides = [1]} : vector<16xi32> to vector<1xi32>
      %squeeze3A_492 = vector.extract %slice3A_491[0] : i32 from vector<1xi32>
      %mul3A_493 = arith.constant 16 : i32
      %mul3A_494 = arith.muli %mul3A_493, %scan3A_466 : i32
      %add3A_495 = arith.constant 1 : i32
      %add3A_496 = arith.addi %mul3A_494, %add3A_495 : i32
      %dma_start3A_497 = arith.constant 1 : i32
      %dma_start3A_498 = arith.constant 0 : i32
      %dma_start3A_499 = tpu.memref_slice %arg6[%dma_start3A_497, %add3A_496, %dma_start3A_498] : memref<4x200x32xf32, #tpu.memory_space<vmem>> -> memref<1x1x32xf32, #tpu.memory_space<vmem>>
      %dma_start3A_500 = tpu.memref_squeeze %dma_start3A_499 : memref<1x1x32xf32, #tpu.memory_space<vmem>> -> memref<1x32xf32, #tpu.memory_space<vmem>>
      %dma_start3A_501 = arith.constant 0 : i32
      %dma_start3A_502 = tpu.memref_slice %arg2[%squeeze3A_492, %dma_start3A_501] : memref<1000000x32xf32, #tpu.memory_space<hbm>> -> memref<1x32xf32, #tpu.memory_space<hbm>>
      %dma_start3A_503 = arith.constant 0 : i32
      %dma_start3A_504 = tpu.memref_slice %arg6[%dma_start3A_497, %add3A_496, %dma_start3A_503] : memref<4x200x32xf32, #tpu.memory_space<vmem>> -> memref<1x1x32xf32, #tpu.memory_space<vmem>>
      %dma_start3A_505 = tpu.memref_squeeze %dma_start3A_504 : memref<1x1x32xf32, #tpu.memory_space<vmem>> -> memref<1x32xf32, #tpu.memory_space<vmem>>
      %dma_start3A_506 = arith.constant 0 : i32
      %dma_start3A_507 = tpu.memref_slice %arg2[%squeeze3A_492, %dma_start3A_506] : memref<1000000x32xf32, #tpu.memory_space<hbm>> -> memref<1x32xf32, #tpu.memory_space<hbm>>
      tpu.enqueue_dma source(%dma_start3A_507 : memref<1x32xf32, #tpu.memory_space<hbm>>) target(%dma_start3A_505 : memref<1x32xf32, #tpu.memory_space<vmem>>) target_semaphore(%arg8 : memref<!tpu.dma_semaphore, #tpu.memory_space<semaphore_mem>>)
      %slice3A_508 = vector.extract_strided_slice %get3A_473 {offsets = [2], sizes = [1], strides = [1]} : vector<16xi32> to vector<1xi32>
      %squeeze3A_509 = vector.extract %slice3A_508[0] : i32 from vector<1xi32>
      %mul3A_510 = arith.constant 16 : i32
      %mul3A_511 = arith.muli %mul3A_510, %scan3A_466 : i32
      %add3A_512 = arith.constant 2 : i32
      %add3A_513 = arith.addi %mul3A_511, %add3A_512 : i32
      %dma_start3A_514 = arith.constant 1 : i32
      %dma_start3A_515 = arith.constant 0 : i32
      %dma_start3A_516 = tpu.memref_slice %arg6[%dma_start3A_514, %add3A_513, %dma_start3A_515] : memref<4x200x32xf32, #tpu.memory_space<vmem>> -> memref<1x1x32xf32, #tpu.memory_space<vmem>>
      %dma_start3A_517 = tpu.memref_squeeze %dma_start3A_516 : memref<1x1x32xf32, #tpu.memory_space<vmem>> -> memref<1x32xf32, #tpu.memory_space<vmem>>
      %dma_start3A_518 = arith.constant 0 : i32
      %dma_start3A_519 = tpu.memref_slice %arg2[%squeeze3A_509, %dma_start3A_518] : memref<1000000x32xf32, #tpu.memory_space<hbm>> -> memref<1x32xf32, #tpu.memory_space<hbm>>
      %dma_start3A_520 = arith.constant 0 : i32
      %dma_start3A_521 = tpu.memref_slice %arg6[%dma_start3A_514, %add3A_513, %dma_start3A_520] : memref<4x200x32xf32, #tpu.memory_space<vmem>> -> memref<1x1x32xf32, #tpu.memory_space<vmem>>
      %dma_start3A_522 = tpu.memref_squeeze %dma_start3A_521 : memref<1x1x32xf32, #tpu.memory_space<vmem>> -> memref<1x32xf32, #tpu.memory_space<vmem>>
      %dma_start3A_523 = arith.constant 0 : i32
      %dma_start3A_524 = tpu.memref_slice %arg2[%squeeze3A_509, %dma_start3A_523] : memref<1000000x32xf32, #tpu.memory_space<hbm>> -> memref<1x32xf32, #tpu.memory_space<hbm>>
      tpu.enqueue_dma source(%dma_start3A_524 : memref<1x32xf32, #tpu.memory_space<hbm>>) target(%dma_start3A_522 : memref<1x32xf32, #tpu.memory_space<vmem>>) target_semaphore(%arg8 : memref<!tpu.dma_semaphore, #tpu.memory_space<semaphore_mem>>)
      %slice3A_525 = vector.extract_strided_slice %get3A_473 {offsets = [3], sizes = [1], strides = [1]} : vector<16xi32> to vector<1xi32>
      %squeeze3A_526 = vector.extract %slice3A_525[0] : i32 from vector<1xi32>
      %mul3A_527 = arith.constant 16 : i32
      %mul3A_528 = arith.muli %mul3A_527, %scan3A_466 : i32
      %add3A_529 = arith.constant 3 : i32
      %add3A_530 = arith.addi %mul3A_528, %add3A_529 : i32
      %dma_start3A_531 = arith.constant 1 : i32
      %dma_start3A_532 = arith.constant 0 : i32
      %dma_start3A_533 = tpu.memref_slice %arg6[%dma_start3A_531, %add3A_530, %dma_start3A_532] : memref<4x200x32xf32, #tpu.memory_space<vmem>> -> memref<1x1x32xf32, #tpu.memory_space<vmem>>
      %dma_start3A_534 = tpu.memref_squeeze %dma_start3A_533 : memref<1x1x32xf32, #tpu.memory_space<vmem>> -> memref<1x32xf32, #tpu.memory_space<vmem>>
      %dma_start3A_535 = arith.constant 0 : i32
      %dma_start3A_536 = tpu.memref_slice %arg2[%squeeze3A_526, %dma_start3A_535] : memref<1000000x32xf32, #tpu.memory_space<hbm>> -> memref<1x32xf32, #tpu.memory_space<hbm>>
      %dma_start3A_537 = arith.constant 0 : i32
      %dma_start3A_538 = tpu.memref_slice %arg6[%dma_start3A_531, %add3A_530, %dma_start3A_537] : memref<4x200x32xf32, #tpu.memory_space<vmem>> -> memref<1x1x32xf32, #tpu.memory_space<vmem>>
      %dma_start3A_539 = tpu.memref_squeeze %dma_start3A_538 : memref<1x1x32xf32, #tpu.memory_space<vmem>> -> memref<1x32xf32, #tpu.memory_space<vmem>>
      %dma_start3A_540 = arith.constant 0 : i32
      %dma_start3A_541 = tpu.memref_slice %arg2[%squeeze3A_526, %dma_start3A_540] : memref<1000000x32xf32, #tpu.memory_space<hbm>> -> memref<1x32xf32, #tpu.memory_space<hbm>>
      tpu.enqueue_dma source(%dma_start3A_541 : memref<1x32xf32, #tpu.memory_space<hbm>>) target(%dma_start3A_539 : memref<1x32xf32, #tpu.memory_space<vmem>>) target_semaphore(%arg8 : memref<!tpu.dma_semaphore, #tpu.memory_space<semaphore_mem>>)
      %slice3A_542 = vector.extract_strided_slice %get3A_473 {offsets = [4], sizes = [1], strides = [1]} : vector<16xi32> to vector<1xi32>
      %squeeze3A_543 = vector.extract %slice3A_542[0] : i32 from vector<1xi32>
      %mul3A_544 = arith.constant 16 : i32
      %mul3A_545 = arith.muli %mul3A_544, %scan3A_466 : i32
      %add3A_546 = arith.constant 4 : i32
      %add3A_547 = arith.addi %mul3A_545, %add3A_546 : i32
      %dma_start3A_548 = arith.constant 1 : i32
      %dma_start3A_549 = arith.constant 0 : i32
      %dma_start3A_550 = tpu.memref_slice %arg6[%dma_start3A_548, %add3A_547, %dma_start3A_549] : memref<4x200x32xf32, #tpu.memory_space<vmem>> -> memref<1x1x32xf32, #tpu.memory_space<vmem>>
      %dma_start3A_551 = tpu.memref_squeeze %dma_start3A_550 : memref<1x1x32xf32, #tpu.memory_space<vmem>> -> memref<1x32xf32, #tpu.memory_space<vmem>>
      %dma_start3A_552 = arith.constant 0 : i32
      %dma_start3A_553 = tpu.memref_slice %arg2[%squeeze3A_543, %dma_start3A_552] : memref<1000000x32xf32, #tpu.memory_space<hbm>> -> memref<1x32xf32, #tpu.memory_space<hbm>>
      %dma_start3A_554 = arith.constant 0 : i32
      %dma_start3A_555 = tpu.memref_slice %arg6[%dma_start3A_548, %add3A_547, %dma_start3A_554] : memref<4x200x32xf32, #tpu.memory_space<vmem>> -> memref<1x1x32xf32, #tpu.memory_space<vmem>>
      %dma_start3A_556 = tpu.memref_squeeze %dma_start3A_555 : memref<1x1x32xf32, #tpu.memory_space<vmem>> -> memref<1x32xf32, #tpu.memory_space<vmem>>
      %dma_start3A_557 = arith.constant 0 : i32
      %dma_start3A_558 = tpu.memref_slice %arg2[%squeeze3A_543, %dma_start3A_557] : memref<1000000x32xf32, #tpu.memory_space<hbm>> -> memref<1x32xf32, #tpu.memory_space<hbm>>
      tpu.enqueue_dma source(%dma_start3A_558 : memref<1x32xf32, #tpu.memory_space<hbm>>) target(%dma_start3A_556 : memref<1x32xf32, #tpu.memory_space<vmem>>) target_semaphore(%arg8 : memref<!tpu.dma_semaphore, #tpu.memory_space<semaphore_mem>>)
      %slice3A_559 = vector.extract_strided_slice %get3A_473 {offsets = [5], sizes = [1], strides = [1]} : vector<16xi32> to vector<1xi32>
      %squeeze3A_560 = vector.extract %slice3A_559[0] : i32 from vector<1xi32>
      %mul3A_561 = arith.constant 16 : i32
      %mul3A_562 = arith.muli %mul3A_561, %scan3A_466 : i32
      %add3A_563 = arith.constant 5 : i32
      %add3A_564 = arith.addi %mul3A_562, %add3A_563 : i32
      %dma_start3A_565 = arith.constant 1 : i32
      %dma_start3A_566 = arith.constant 0 : i32
      %dma_start3A_567 = tpu.memref_slice %arg6[%dma_start3A_565, %add3A_564, %dma_start3A_566] : memref<4x200x32xf32, #tpu.memory_space<vmem>> -> memref<1x1x32xf32, #tpu.memory_space<vmem>>
      %dma_start3A_568 = tpu.memref_squeeze %dma_start3A_567 : memref<1x1x32xf32, #tpu.memory_space<vmem>> -> memref<1x32xf32, #tpu.memory_space<vmem>>
      %dma_start3A_569 = arith.constant 0 : i32
      %dma_start3A_570 = tpu.memref_slice %arg2[%squeeze3A_560, %dma_start3A_569] : memref<1000000x32xf32, #tpu.memory_space<hbm>> -> memref<1x32xf32, #tpu.memory_space<hbm>>
      %dma_start3A_571 = arith.constant 0 : i32
      %dma_start3A_572 = tpu.memref_slice %arg6[%dma_start3A_565, %add3A_564, %dma_start3A_571] : memref<4x200x32xf32, #tpu.memory_space<vmem>> -> memref<1x1x32xf32, #tpu.memory_space<vmem>>
      %dma_start3A_573 = tpu.memref_squeeze %dma_start3A_572 : memref<1x1x32xf32, #tpu.memory_space<vmem>> -> memref<1x32xf32, #tpu.memory_space<vmem>>
      %dma_start3A_574 = arith.constant 0 : i32
      %dma_start3A_575 = tpu.memref_slice %arg2[%squeeze3A_560, %dma_start3A_574] : memref<1000000x32xf32, #tpu.memory_space<hbm>> -> memref<1x32xf32, #tpu.memory_space<hbm>>
      tpu.enqueue_dma source(%dma_start3A_575 : memref<1x32xf32, #tpu.memory_space<hbm>>) target(%dma_start3A_573 : memref<1x32xf32, #tpu.memory_space<vmem>>) target_semaphore(%arg8 : memref<!tpu.dma_semaphore, #tpu.memory_space<semaphore_mem>>)
      %slice3A_576 = vector.extract_strided_slice %get3A_473 {offsets = [6], sizes = [1], strides = [1]} : vector<16xi32> to vector<1xi32>
      %squeeze3A_577 = vector.extract %slice3A_576[0] : i32 from vector<1xi32>
      %mul3A_578 = arith.constant 16 : i32
      %mul3A_579 = arith.muli %mul3A_578, %scan3A_466 : i32
      %add3A_580 = arith.constant 6 : i32
      %add3A_581 = arith.addi %mul3A_579, %add3A_580 : i32
      %dma_start3A_582 = arith.constant 1 : i32
      %dma_start3A_583 = arith.constant 0 : i32
      %dma_start3A_584 = tpu.memref_slice %arg6[%dma_start3A_582, %add3A_581, %dma_start3A_583] : memref<4x200x32xf32, #tpu.memory_space<vmem>> -> memref<1x1x32xf32, #tpu.memory_space<vmem>>
      %dma_start3A_585 = tpu.memref_squeeze %dma_start3A_584 : memref<1x1x32xf32, #tpu.memory_space<vmem>> -> memref<1x32xf32, #tpu.memory_space<vmem>>
      %dma_start3A_586 = arith.constant 0 : i32
      %dma_start3A_587 = tpu.memref_slice %arg2[%squeeze3A_577, %dma_start3A_586] : memref<1000000x32xf32, #tpu.memory_space<hbm>> -> memref<1x32xf32, #tpu.memory_space<hbm>>
      %dma_start3A_588 = arith.constant 0 : i32
      %dma_start3A_589 = tpu.memref_slice %arg6[%dma_start3A_582, %add3A_581, %dma_start3A_588] : memref<4x200x32xf32, #tpu.memory_space<vmem>> -> memref<1x1x32xf32, #tpu.memory_space<vmem>>
      %dma_start3A_590 = tpu.memref_squeeze %dma_start3A_589 : memref<1x1x32xf32, #tpu.memory_space<vmem>> -> memref<1x32xf32, #tpu.memory_space<vmem>>
      %dma_start3A_591 = arith.constant 0 : i32
      %dma_start3A_592 = tpu.memref_slice %arg2[%squeeze3A_577, %dma_start3A_591] : memref<1000000x32xf32, #tpu.memory_space<hbm>> -> memref<1x32xf32, #tpu.memory_space<hbm>>
      tpu.enqueue_dma source(%dma_start3A_592 : memref<1x32xf32, #tpu.memory_space<hbm>>) target(%dma_start3A_590 : memref<1x32xf32, #tpu.memory_space<vmem>>) target_semaphore(%arg8 : memref<!tpu.dma_semaphore, #tpu.memory_space<semaphore_mem>>)
      %slice3A_593 = vector.extract_strided_slice %get3A_473 {offsets = [7], sizes = [1], strides = [1]} : vector<16xi32> to vector<1xi32>
      %squeeze3A_594 = vector.extract %slice3A_593[0] : i32 from vector<1xi32>
      %mul3A_595 = arith.constant 16 : i32
      %mul3A_596 = arith.muli %mul3A_595, %scan3A_466 : i32
      %add3A_597 = arith.constant 7 : i32
      %add3A_598 = arith.addi %mul3A_596, %add3A_597 : i32
      %dma_start3A_599 = arith.constant 1 : i32
      %dma_start3A_600 = arith.constant 0 : i32
      %dma_start3A_601 = tpu.memref_slice %arg6[%dma_start3A_599, %add3A_598, %dma_start3A_600] : memref<4x200x32xf32, #tpu.memory_space<vmem>> -> memref<1x1x32xf32, #tpu.memory_space<vmem>>
      %dma_start3A_602 = tpu.memref_squeeze %dma_start3A_601 : memref<1x1x32xf32, #tpu.memory_space<vmem>> -> memref<1x32xf32, #tpu.memory_space<vmem>>
      %dma_start3A_603 = arith.constant 0 : i32
      %dma_start3A_604 = tpu.memref_slice %arg2[%squeeze3A_594, %dma_start3A_603] : memref<1000000x32xf32, #tpu.memory_space<hbm>> -> memref<1x32xf32, #tpu.memory_space<hbm>>
      %dma_start3A_605 = arith.constant 0 : i32
      %dma_start3A_606 = tpu.memref_slice %arg6[%dma_start3A_599, %add3A_598, %dma_start3A_605] : memref<4x200x32xf32, #tpu.memory_space<vmem>> -> memref<1x1x32xf32, #tpu.memory_space<vmem>>
      %dma_start3A_607 = tpu.memref_squeeze %dma_start3A_606 : memref<1x1x32xf32, #tpu.memory_space<vmem>> -> memref<1x32xf32, #tpu.memory_space<vmem>>
      %dma_start3A_608 = arith.constant 0 : i32
      %dma_start3A_609 = tpu.memref_slice %arg2[%squeeze3A_594, %dma_start3A_608] : memref<1000000x32xf32, #tpu.memory_space<hbm>> -> memref<1x32xf32, #tpu.memory_space<hbm>>
      tpu.enqueue_dma source(%dma_start3A_609 : memref<1x32xf32, #tpu.memory_space<hbm>>) target(%dma_start3A_607 : memref<1x32xf32, #tpu.memory_space<vmem>>) target_semaphore(%arg8 : memref<!tpu.dma_semaphore, #tpu.memory_space<semaphore_mem>>)
      %slice3A_610 = vector.extract_strided_slice %get3A_473 {offsets = [8], sizes = [1], strides = [1]} : vector<16xi32> to vector<1xi32>
      %squeeze3A_611 = vector.extract %slice3A_610[0] : i32 from vector<1xi32>
      %mul3A_612 = arith.constant 16 : i32
      %mul3A_613 = arith.muli %mul3A_612, %scan3A_466 : i32
      %add3A_614 = arith.constant 8 : i32
      %add3A_615 = arith.addi %mul3A_613, %add3A_614 : i32
      %dma_start3A_616 = arith.constant 1 : i32
      %dma_start3A_617 = arith.constant 0 : i32
      %dma_start3A_618 = tpu.memref_slice %arg6[%dma_start3A_616, %add3A_615, %dma_start3A_617] : memref<4x200x32xf32, #tpu.memory_space<vmem>> -> memref<1x1x32xf32, #tpu.memory_space<vmem>>
      %dma_start3A_619 = tpu.memref_squeeze %dma_start3A_618 : memref<1x1x32xf32, #tpu.memory_space<vmem>> -> memref<1x32xf32, #tpu.memory_space<vmem>>
      %dma_start3A_620 = arith.constant 0 : i32
      %dma_start3A_621 = tpu.memref_slice %arg2[%squeeze3A_611, %dma_start3A_620] : memref<1000000x32xf32, #tpu.memory_space<hbm>> -> memref<1x32xf32, #tpu.memory_space<hbm>>
      %dma_start3A_622 = arith.constant 0 : i32
      %dma_start3A_623 = tpu.memref_slice %arg6[%dma_start3A_616, %add3A_615, %dma_start3A_622] : memref<4x200x32xf32, #tpu.memory_space<vmem>> -> memref<1x1x32xf32, #tpu.memory_space<vmem>>
      %dma_start3A_624 = tpu.memref_squeeze %dma_start3A_623 : memref<1x1x32xf32, #tpu.memory_space<vmem>> -> memref<1x32xf32, #tpu.memory_space<vmem>>
      %dma_start3A_625 = arith.constant 0 : i32
      %dma_start3A_626 = tpu.memref_slice %arg2[%squeeze3A_611, %dma_start3A_625] : memref<1000000x32xf32, #tpu.memory_space<hbm>> -> memref<1x32xf32, #tpu.memory_space<hbm>>
      tpu.enqueue_dma source(%dma_start3A_626 : memref<1x32xf32, #tpu.memory_space<hbm>>) target(%dma_start3A_624 : memref<1x32xf32, #tpu.memory_space<vmem>>) target_semaphore(%arg8 : memref<!tpu.dma_semaphore, #tpu.memory_space<semaphore_mem>>)
      %slice3A_627 = vector.extract_strided_slice %get3A_473 {offsets = [9], sizes = [1], strides = [1]} : vector<16xi32> to vector<1xi32>
      %squeeze3A_628 = vector.extract %slice3A_627[0] : i32 from vector<1xi32>
      %mul3A_629 = arith.constant 16 : i32
      %mul3A_630 = arith.muli %mul3A_629, %scan3A_466 : i32
      %add3A_631 = arith.constant 9 : i32
      %add3A_632 = arith.addi %mul3A_630, %add3A_631 : i32
      %dma_start3A_633 = arith.constant 1 : i32
      %dma_start3A_634 = arith.constant 0 : i32
      %dma_start3A_635 = tpu.memref_slice %arg6[%dma_start3A_633, %add3A_632, %dma_start3A_634] : memref<4x200x32xf32, #tpu.memory_space<vmem>> -> memref<1x1x32xf32, #tpu.memory_space<vmem>>
      %dma_start3A_636 = tpu.memref_squeeze %dma_start3A_635 : memref<1x1x32xf32, #tpu.memory_space<vmem>> -> memref<1x32xf32, #tpu.memory_space<vmem>>
      %dma_start3A_637 = arith.constant 0 : i32
      %dma_start3A_638 = tpu.memref_slice %arg2[%squeeze3A_628, %dma_start3A_637] : memref<1000000x32xf32, #tpu.memory_space<hbm>> -> memref<1x32xf32, #tpu.memory_space<hbm>>
      %dma_start3A_639 = arith.constant 0 : i32
      %dma_start3A_640 = tpu.memref_slice %arg6[%dma_start3A_633, %add3A_632, %dma_start3A_639] : memref<4x200x32xf32, #tpu.memory_space<vmem>> -> memref<1x1x32xf32, #tpu.memory_space<vmem>>
      %dma_start3A_641 = tpu.memref_squeeze %dma_start3A_640 : memref<1x1x32xf32, #tpu.memory_space<vmem>> -> memref<1x32xf32, #tpu.memory_space<vmem>>
      %dma_start3A_642 = arith.constant 0 : i32
      %dma_start3A_643 = tpu.memref_slice %arg2[%squeeze3A_628, %dma_start3A_642] : memref<1000000x32xf32, #tpu.memory_space<hbm>> -> memref<1x32xf32, #tpu.memory_space<hbm>>
      tpu.enqueue_dma source(%dma_start3A_643 : memref<1x32xf32, #tpu.memory_space<hbm>>) target(%dma_start3A_641 : memref<1x32xf32, #tpu.memory_space<vmem>>) target_semaphore(%arg8 : memref<!tpu.dma_semaphore, #tpu.memory_space<semaphore_mem>>)
      %slice3A_644 = vector.extract_strided_slice %get3A_473 {offsets = [10], sizes = [1], strides = [1]} : vector<16xi32> to vector<1xi32>
      %squeeze3A_645 = vector.extract %slice3A_644[0] : i32 from vector<1xi32>
      %mul3A_646 = arith.constant 16 : i32
      %mul3A_647 = arith.muli %mul3A_646, %scan3A_466 : i32
      %add3A_648 = arith.constant 10 : i32
      %add3A_649 = arith.addi %mul3A_647, %add3A_648 : i32
      %dma_start3A_650 = arith.constant 1 : i32
      %dma_start3A_651 = arith.constant 0 : i32
      %dma_start3A_652 = tpu.memref_slice %arg6[%dma_start3A_650, %add3A_649, %dma_start3A_651] : memref<4x200x32xf32, #tpu.memory_space<vmem>> -> memref<1x1x32xf32, #tpu.memory_space<vmem>>
      %dma_start3A_653 = tpu.memref_squeeze %dma_start3A_652 : memref<1x1x32xf32, #tpu.memory_space<vmem>> -> memref<1x32xf32, #tpu.memory_space<vmem>>
      %dma_start3A_654 = arith.constant 0 : i32
      %dma_start3A_655 = tpu.memref_slice %arg2[%squeeze3A_645, %dma_start3A_654] : memref<1000000x32xf32, #tpu.memory_space<hbm>> -> memref<1x32xf32, #tpu.memory_space<hbm>>
      %dma_start3A_656 = arith.constant 0 : i32
      %dma_start3A_657 = tpu.memref_slice %arg6[%dma_start3A_650, %add3A_649, %dma_start3A_656] : memref<4x200x32xf32, #tpu.memory_space<vmem>> -> memref<1x1x32xf32, #tpu.memory_space<vmem>>
      %dma_start3A_658 = tpu.memref_squeeze %dma_start3A_657 : memref<1x1x32xf32, #tpu.memory_space<vmem>> -> memref<1x32xf32, #tpu.memory_space<vmem>>
      %dma_start3A_659 = arith.constant 0 : i32
      %dma_start3A_660 = tpu.memref_slice %arg2[%squeeze3A_645, %dma_start3A_659] : memref<1000000x32xf32, #tpu.memory_space<hbm>> -> memref<1x32xf32, #tpu.memory_space<hbm>>
      tpu.enqueue_dma source(%dma_start3A_660 : memref<1x32xf32, #tpu.memory_space<hbm>>) target(%dma_start3A_658 : memref<1x32xf32, #tpu.memory_space<vmem>>) target_semaphore(%arg8 : memref<!tpu.dma_semaphore, #tpu.memory_space<semaphore_mem>>)
      %slice3A_661 = vector.extract_strided_slice %get3A_473 {offsets = [11], sizes = [1], strides = [1]} : vector<16xi32> to vector<1xi32>
      %squeeze3A_662 = vector.extract %slice3A_661[0] : i32 from vector<1xi32>
      %mul3A_663 = arith.constant 16 : i32
      %mul3A_664 = arith.muli %mul3A_663, %scan3A_466 : i32
      %add3A_665 = arith.constant 11 : i32
      %add3A_666 = arith.addi %mul3A_664, %add3A_665 : i32
      %dma_start3A_667 = arith.constant 1 : i32
      %dma_start3A_668 = arith.constant 0 : i32
      %dma_start3A_669 = tpu.memref_slice %arg6[%dma_start3A_667, %add3A_666, %dma_start3A_668] : memref<4x200x32xf32, #tpu.memory_space<vmem>> -> memref<1x1x32xf32, #tpu.memory_space<vmem>>
      %dma_start3A_670 = tpu.memref_squeeze %dma_start3A_669 : memref<1x1x32xf32, #tpu.memory_space<vmem>> -> memref<1x32xf32, #tpu.memory_space<vmem>>
      %dma_start3A_671 = arith.constant 0 : i32
      %dma_start3A_672 = tpu.memref_slice %arg2[%squeeze3A_662, %dma_start3A_671] : memref<1000000x32xf32, #tpu.memory_space<hbm>> -> memref<1x32xf32, #tpu.memory_space<hbm>>
      %dma_start3A_673 = arith.constant 0 : i32
      %dma_start3A_674 = tpu.memref_slice %arg6[%dma_start3A_667, %add3A_666, %dma_start3A_673] : memref<4x200x32xf32, #tpu.memory_space<vmem>> -> memref<1x1x32xf32, #tpu.memory_space<vmem>>
      %dma_start3A_675 = tpu.memref_squeeze %dma_start3A_674 : memref<1x1x32xf32, #tpu.memory_space<vmem>> -> memref<1x32xf32, #tpu.memory_space<vmem>>
      %dma_start3A_676 = arith.constant 0 : i32
      %dma_start3A_677 = tpu.memref_slice %arg2[%squeeze3A_662, %dma_start3A_676] : memref<1000000x32xf32, #tpu.memory_space<hbm>> -> memref<1x32xf32, #tpu.memory_space<hbm>>
      tpu.enqueue_dma source(%dma_start3A_677 : memref<1x32xf32, #tpu.memory_space<hbm>>) target(%dma_start3A_675 : memref<1x32xf32, #tpu.memory_space<vmem>>) target_semaphore(%arg8 : memref<!tpu.dma_semaphore, #tpu.memory_space<semaphore_mem>>)
      %slice3A_678 = vector.extract_strided_slice %get3A_473 {offsets = [12], sizes = [1], strides = [1]} : vector<16xi32> to vector<1xi32>
      %squeeze3A_679 = vector.extract %slice3A_678[0] : i32 from vector<1xi32>
      %mul3A_680 = arith.constant 16 : i32
      %mul3A_681 = arith.muli %mul3A_680, %scan3A_466 : i32
      %add3A_682 = arith.constant 12 : i32
      %add3A_683 = arith.addi %mul3A_681, %add3A_682 : i32
      %dma_start3A_684 = arith.constant 1 : i32
      %dma_start3A_685 = arith.constant 0 : i32
      %dma_start3A_686 = tpu.memref_slice %arg6[%dma_start3A_684, %add3A_683, %dma_start3A_685] : memref<4x200x32xf32, #tpu.memory_space<vmem>> -> memref<1x1x32xf32, #tpu.memory_space<vmem>>
      %dma_start3A_687 = tpu.memref_squeeze %dma_start3A_686 : memref<1x1x32xf32, #tpu.memory_space<vmem>> -> memref<1x32xf32, #tpu.memory_space<vmem>>
      %dma_start3A_688 = arith.constant 0 : i32
      %dma_start3A_689 = tpu.memref_slice %arg2[%squeeze3A_679, %dma_start3A_688] : memref<1000000x32xf32, #tpu.memory_space<hbm>> -> memref<1x32xf32, #tpu.memory_space<hbm>>
      %dma_start3A_690 = arith.constant 0 : i32
      %dma_start3A_691 = tpu.memref_slice %arg6[%dma_start3A_684, %add3A_683, %dma_start3A_690] : memref<4x200x32xf32, #tpu.memory_space<vmem>> -> memref<1x1x32xf32, #tpu.memory_space<vmem>>
      %dma_start3A_692 = tpu.memref_squeeze %dma_start3A_691 : memref<1x1x32xf32, #tpu.memory_space<vmem>> -> memref<1x32xf32, #tpu.memory_space<vmem>>
      %dma_start3A_693 = arith.constant 0 : i32
      %dma_start3A_694 = tpu.memref_slice %arg2[%squeeze3A_679, %dma_start3A_693] : memref<1000000x32xf32, #tpu.memory_space<hbm>> -> memref<1x32xf32, #tpu.memory_space<hbm>>
      tpu.enqueue_dma source(%dma_start3A_694 : memref<1x32xf32, #tpu.memory_space<hbm>>) target(%dma_start3A_692 : memref<1x32xf32, #tpu.memory_space<vmem>>) target_semaphore(%arg8 : memref<!tpu.dma_semaphore, #tpu.memory_space<semaphore_mem>>)
      %slice3A_695 = vector.extract_strided_slice %get3A_473 {offsets = [13], sizes = [1], strides = [1]} : vector<16xi32> to vector<1xi32>
      %squeeze3A_696 = vector.extract %slice3A_695[0] : i32 from vector<1xi32>
      %mul3A_697 = arith.constant 16 : i32
      %mul3A_698 = arith.muli %mul3A_697, %scan3A_466 : i32
      %add3A_699 = arith.constant 13 : i32
      %add3A_700 = arith.addi %mul3A_698, %add3A_699 : i32
      %dma_start3A_701 = arith.constant 1 : i32
      %dma_start3A_702 = arith.constant 0 : i32
      %dma_start3A_703 = tpu.memref_slice %arg6[%dma_start3A_701, %add3A_700, %dma_start3A_702] : memref<4x200x32xf32, #tpu.memory_space<vmem>> -> memref<1x1x32xf32, #tpu.memory_space<vmem>>
      %dma_start3A_704 = tpu.memref_squeeze %dma_start3A_703 : memref<1x1x32xf32, #tpu.memory_space<vmem>> -> memref<1x32xf32, #tpu.memory_space<vmem>>
      %dma_start3A_705 = arith.constant 0 : i32
      %dma_start3A_706 = tpu.memref_slice %arg2[%squeeze3A_696, %dma_start3A_705] : memref<1000000x32xf32, #tpu.memory_space<hbm>> -> memref<1x32xf32, #tpu.memory_space<hbm>>
      %dma_start3A_707 = arith.constant 0 : i32
      %dma_start3A_708 = tpu.memref_slice %arg6[%dma_start3A_701, %add3A_700, %dma_start3A_707] : memref<4x200x32xf32, #tpu.memory_space<vmem>> -> memref<1x1x32xf32, #tpu.memory_space<vmem>>
      %dma_start3A_709 = tpu.memref_squeeze %dma_start3A_708 : memref<1x1x32xf32, #tpu.memory_space<vmem>> -> memref<1x32xf32, #tpu.memory_space<vmem>>
      %dma_start3A_710 = arith.constant 0 : i32
      %dma_start3A_711 = tpu.memref_slice %arg2[%squeeze3A_696, %dma_start3A_710] : memref<1000000x32xf32, #tpu.memory_space<hbm>> -> memref<1x32xf32, #tpu.memory_space<hbm>>
      tpu.enqueue_dma source(%dma_start3A_711 : memref<1x32xf32, #tpu.memory_space<hbm>>) target(%dma_start3A_709 : memref<1x32xf32, #tpu.memory_space<vmem>>) target_semaphore(%arg8 : memref<!tpu.dma_semaphore, #tpu.memory_space<semaphore_mem>>)
      %slice3A_712 = vector.extract_strided_slice %get3A_473 {offsets = [14], sizes = [1], strides = [1]} : vector<16xi32> to vector<1xi32>
      %squeeze3A_713 = vector.extract %slice3A_712[0] : i32 from vector<1xi32>
      %mul3A_714 = arith.constant 16 : i32
      %mul3A_715 = arith.muli %mul3A_714, %scan3A_466 : i32
      %add3A_716 = arith.constant 14 : i32
      %add3A_717 = arith.addi %mul3A_715, %add3A_716 : i32
      %dma_start3A_718 = arith.constant 1 : i32
      %dma_start3A_719 = arith.constant 0 : i32
      %dma_start3A_720 = tpu.memref_slice %arg6[%dma_start3A_718, %add3A_717, %dma_start3A_719] : memref<4x200x32xf32, #tpu.memory_space<vmem>> -> memref<1x1x32xf32, #tpu.memory_space<vmem>>
      %dma_start3A_721 = tpu.memref_squeeze %dma_start3A_720 : memref<1x1x32xf32, #tpu.memory_space<vmem>> -> memref<1x32xf32, #tpu.memory_space<vmem>>
      %dma_start3A_722 = arith.constant 0 : i32
      %dma_start3A_723 = tpu.memref_slice %arg2[%squeeze3A_713, %dma_start3A_722] : memref<1000000x32xf32, #tpu.memory_space<hbm>> -> memref<1x32xf32, #tpu.memory_space<hbm>>
      %dma_start3A_724 = arith.constant 0 : i32
      %dma_start3A_725 = tpu.memref_slice %arg6[%dma_start3A_718, %add3A_717, %dma_start3A_724] : memref<4x200x32xf32, #tpu.memory_space<vmem>> -> memref<1x1x32xf32, #tpu.memory_space<vmem>>
      %dma_start3A_726 = tpu.memref_squeeze %dma_start3A_725 : memref<1x1x32xf32, #tpu.memory_space<vmem>> -> memref<1x32xf32, #tpu.memory_space<vmem>>
      %dma_start3A_727 = arith.constant 0 : i32
      %dma_start3A_728 = tpu.memref_slice %arg2[%squeeze3A_713, %dma_start3A_727] : memref<1000000x32xf32, #tpu.memory_space<hbm>> -> memref<1x32xf32, #tpu.memory_space<hbm>>
      tpu.enqueue_dma source(%dma_start3A_728 : memref<1x32xf32, #tpu.memory_space<hbm>>) target(%dma_start3A_726 : memref<1x32xf32, #tpu.memory_space<vmem>>) target_semaphore(%arg8 : memref<!tpu.dma_semaphore, #tpu.memory_space<semaphore_mem>>)
      %slice3A_729 = vector.extract_strided_slice %get3A_473 {offsets = [15], sizes = [1], strides = [1]} : vector<16xi32> to vector<1xi32>
      %squeeze3A_730 = vector.extract %slice3A_729[0] : i32 from vector<1xi32>
      %mul3A_731 = arith.constant 16 : i32
      %mul3A_732 = arith.muli %mul3A_731, %scan3A_466 : i32
      %add3A_733 = arith.constant 15 : i32
      %add3A_734 = arith.addi %mul3A_732, %add3A_733 : i32
      %dma_start3A_735 = arith.constant 1 : i32
      %dma_start3A_736 = arith.constant 0 : i32
      %dma_start3A_737 = tpu.memref_slice %arg6[%dma_start3A_735, %add3A_734, %dma_start3A_736] : memref<4x200x32xf32, #tpu.memory_space<vmem>> -> memref<1x1x32xf32, #tpu.memory_space<vmem>>
      %dma_start3A_738 = tpu.memref_squeeze %dma_start3A_737 : memref<1x1x32xf32, #tpu.memory_space<vmem>> -> memref<1x32xf32, #tpu.memory_space<vmem>>
      %dma_start3A_739 = arith.constant 0 : i32
      %dma_start3A_740 = tpu.memref_slice %arg2[%squeeze3A_730, %dma_start3A_739] : memref<1000000x32xf32, #tpu.memory_space<hbm>> -> memref<1x32xf32, #tpu.memory_space<hbm>>
      %dma_start3A_741 = arith.constant 0 : i32
      %dma_start3A_742 = tpu.memref_slice %arg6[%dma_start3A_735, %add3A_734, %dma_start3A_741] : memref<4x200x32xf32, #tpu.memory_space<vmem>> -> memref<1x1x32xf32, #tpu.memory_space<vmem>>
      %dma_start3A_743 = tpu.memref_squeeze %dma_start3A_742 : memref<1x1x32xf32, #tpu.memory_space<vmem>> -> memref<1x32xf32, #tpu.memory_space<vmem>>
      %dma_start3A_744 = arith.constant 0 : i32
      %dma_start3A_745 = tpu.memref_slice %arg2[%squeeze3A_730, %dma_start3A_744] : memref<1000000x32xf32, #tpu.memory_space<hbm>> -> memref<1x32xf32, #tpu.memory_space<hbm>>
      tpu.enqueue_dma source(%dma_start3A_745 : memref<1x32xf32, #tpu.memory_space<hbm>>) target(%dma_start3A_743 : memref<1x32xf32, #tpu.memory_space<vmem>>) target_semaphore(%arg8 : memref<!tpu.dma_semaphore, #tpu.memory_space<semaphore_mem>>)
    }
    %scan3A_132 = arith.constant 12 : i32
    %get3A_133 = arith.constant 392 : index
    %get3A_134 = tpu.vector_load %arg5[%get3A_133] {strides = array<i32>} : memref<25616xi32, #tpu.memory_space<vmem>>, vector<16xi32>,
    %get3A_135 = vector.shape_cast %get3A_134 : vector<16xi32> to vector<16xi32>
    %slice3A_136 = vector.extract_strided_slice %get3A_135 {offsets = [0], sizes = [1], strides = [1]} : vector<16xi32> to vector<1xi32>
    %squeeze3A_137 = vector.extract %slice3A_136[0] : i32 from vector<1xi32>
    %dma_start3A_138 = arith.constant 1 : i32
    %dma_start3A_139 = arith.constant 192 : i32
    %dma_start3A_140 = arith.constant 0 : i32
    %dma_start3A_141 = tpu.memref_slice %arg6[%dma_start3A_138, %dma_start3A_139, %dma_start3A_140] : memref<4x200x32xf32, #tpu.memory_space<vmem>> -> memref<1x1x32xf32, #tpu.memory_space<vmem>>
    %dma_start3A_142 = tpu.memref_squeeze %dma_start3A_141 : memref<1x1x32xf32, #tpu.memory_space<vmem>> -> memref<1x32xf32, #tpu.memory_space<vmem>>
    %dma_start3A_143 = arith.constant 0 : i32
    %dma_start3A_144 = tpu.memref_slice %arg2[%squeeze3A_137, %dma_start3A_143] : memref<1000000x32xf32, #tpu.memory_space<hbm>> -> memref<1x32xf32, #tpu.memory_space<hbm>>
    %dma_start3A_145 = arith.constant 192 : i32
    %dma_start3A_146 = arith.constant 0 : i32
    %dma_start3A_147 = tpu.memref_slice %arg6[%dma_start3A_138, %dma_start3A_145, %dma_start3A_146] : memref<4x200x32xf32, #tpu.memory_space<vmem>> -> memref<1x1x32xf32, #tpu.memory_space<vmem>>
    %dma_start3A_148 = tpu.memref_squeeze %dma_start3A_147 : memref<1x1x32xf32, #tpu.memory_space<vmem>> -> memref<1x32xf32, #tpu.memory_space<vmem>>
    %dma_start3A_149 = arith.constant 0 : i32
    %dma_start3A_150 = tpu.memref_slice %arg2[%squeeze3A_137, %dma_start3A_149] : memref<1000000x32xf32, #tpu.memory_space<hbm>> -> memref<1x32xf32, #tpu.memory_space<hbm>>
    tpu.enqueue_dma source(%dma_start3A_150 : memref<1x32xf32, #tpu.memory_space<hbm>>) target(%dma_start3A_148 : memref<1x32xf32, #tpu.memory_space<vmem>>) target_semaphore(%arg8 : memref<!tpu.dma_semaphore, #tpu.memory_space<semaphore_mem>>)
    %slice3A_151 = vector.extract_strided_slice %get3A_135 {offsets = [1], sizes = [1], strides = [1]} : vector<16xi32> to vector<1xi32>
    %squeeze3A_152 = vector.extract %slice3A_151[0] : i32 from vector<1xi32>
    %dma_start3A_153 = arith.constant 1 : i32
    %dma_start3A_154 = arith.constant 193 : i32
    %dma_start3A_155 = arith.constant 0 : i32
    %dma_start3A_156 = tpu.memref_slice %arg6[%dma_start3A_153, %dma_start3A_154, %dma_start3A_155] : memref<4x200x32xf32, #tpu.memory_space<vmem>> -> memref<1x1x32xf32, #tpu.memory_space<vmem>>
    %dma_start3A_157 = tpu.memref_squeeze %dma_start3A_156 : memref<1x1x32xf32, #tpu.memory_space<vmem>> -> memref<1x32xf32, #tpu.memory_space<vmem>>
    %dma_start3A_158 = arith.constant 0 : i32
    %dma_start3A_159 = tpu.memref_slice %arg2[%squeeze3A_152, %dma_start3A_158] : memref<1000000x32xf32, #tpu.memory_space<hbm>> -> memref<1x32xf32, #tpu.memory_space<hbm>>
    %dma_start3A_160 = arith.constant 193 : i32
    %dma_start3A_161 = arith.constant 0 : i32
    %dma_start3A_162 = tpu.memref_slice %arg6[%dma_start3A_153, %dma_start3A_160, %dma_start3A_161] : memref<4x200x32xf32, #tpu.memory_space<vmem>> -> memref<1x1x32xf32, #tpu.memory_space<vmem>>
    %dma_start3A_163 = tpu.memref_squeeze %dma_start3A_162 : memref<1x1x32xf32, #tpu.memory_space<vmem>> -> memref<1x32xf32, #tpu.memory_space<vmem>>
    %dma_start3A_164 = arith.constant 0 : i32
    %dma_start3A_165 = tpu.memref_slice %arg2[%squeeze3A_152, %dma_start3A_164] : memref<1000000x32xf32, #tpu.memory_space<hbm>> -> memref<1x32xf32, #tpu.memory_space<hbm>>
    tpu.enqueue_dma source(%dma_start3A_165 : memref<1x32xf32, #tpu.memory_space<hbm>>) target(%dma_start3A_163 : memref<1x32xf32, #tpu.memory_space<vmem>>) target_semaphore(%arg8 : memref<!tpu.dma_semaphore, #tpu.memory_space<semaphore_mem>>)
    %slice3A_166 = vector.extract_strided_slice %get3A_135 {offsets = [2], sizes = [1], strides = [1]} : vector<16xi32> to vector<1xi32>
    %squeeze3A_167 = vector.extract %slice3A_166[0] : i32 from vector<1xi32>
    %dma_start3A_168 = arith.constant 1 : i32
    %dma_start3A_169 = arith.constant 194 : i32
    %dma_start3A_170 = arith.constant 0 : i32
    %dma_start3A_171 = tpu.memref_slice %arg6[%dma_start3A_168, %dma_start3A_169, %dma_start3A_170] : memref<4x200x32xf32, #tpu.memory_space<vmem>> -> memref<1x1x32xf32, #tpu.memory_space<vmem>>
    %dma_start3A_172 = tpu.memref_squeeze %dma_start3A_171 : memref<1x1x32xf32, #tpu.memory_space<vmem>> -> memref<1x32xf32, #tpu.memory_space<vmem>>
    %dma_start3A_173 = arith.constant 0 : i32
    %dma_start3A_174 = tpu.memref_slice %arg2[%squeeze3A_167, %dma_start3A_173] : memref<1000000x32xf32, #tpu.memory_space<hbm>> -> memref<1x32xf32, #tpu.memory_space<hbm>>
    %dma_start3A_175 = arith.constant 194 : i32
    %dma_start3A_176 = arith.constant 0 : i32
    %dma_start3A_177 = tpu.memref_slice %arg6[%dma_start3A_168, %dma_start3A_175, %dma_start3A_176] : memref<4x200x32xf32, #tpu.memory_space<vmem>> -> memref<1x1x32xf32, #tpu.memory_space<vmem>>
    %dma_start3A_178 = tpu.memref_squeeze %dma_start3A_177 : memref<1x1x32xf32, #tpu.memory_space<vmem>> -> memref<1x32xf32, #tpu.memory_space<vmem>>
    %dma_start3A_179 = arith.constant 0 : i32
    %dma_start3A_180 = tpu.memref_slice %arg2[%squeeze3A_167, %dma_start3A_179] : memref<1000000x32xf32, #tpu.memory_space<hbm>> -> memref<1x32xf32, #tpu.memory_space<hbm>>
    tpu.enqueue_dma source(%dma_start3A_180 : memref<1x32xf32, #tpu.memory_space<hbm>>) target(%dma_start3A_178 : memref<1x32xf32, #tpu.memory_space<vmem>>) target_semaphore(%arg8 : memref<!tpu.dma_semaphore, #tpu.memory_space<semaphore_mem>>)
    %slice3A_181 = vector.extract_strided_slice %get3A_135 {offsets = [3], sizes = [1], strides = [1]} : vector<16xi32> to vector<1xi32>
    %squeeze3A_182 = vector.extract %slice3A_181[0] : i32 from vector<1xi32>
    %dma_start3A_183 = arith.constant 1 : i32
    %dma_start3A_184 = arith.constant 195 : i32
    %dma_start3A_185 = arith.constant 0 : i32
    %dma_start3A_186 = tpu.memref_slice %arg6[%dma_start3A_183, %dma_start3A_184, %dma_start3A_185] : memref<4x200x32xf32, #tpu.memory_space<vmem>> -> memref<1x1x32xf32, #tpu.memory_space<vmem>>
    %dma_start3A_187 = tpu.memref_squeeze %dma_start3A_186 : memref<1x1x32xf32, #tpu.memory_space<vmem>> -> memref<1x32xf32, #tpu.memory_space<vmem>>
    %dma_start3A_188 = arith.constant 0 : i32
    %dma_start3A_189 = tpu.memref_slice %arg2[%squeeze3A_182, %dma_start3A_188] : memref<1000000x32xf32, #tpu.memory_space<hbm>> -> memref<1x32xf32, #tpu.memory_space<hbm>>
    %dma_start3A_190 = arith.constant 195 : i32
    %dma_start3A_191 = arith.constant 0 : i32
    %dma_start3A_192 = tpu.memref_slice %arg6[%dma_start3A_183, %dma_start3A_190, %dma_start3A_191] : memref<4x200x32xf32, #tpu.memory_space<vmem>> -> memref<1x1x32xf32, #tpu.memory_space<vmem>>
    %dma_start3A_193 = tpu.memref_squeeze %dma_start3A_192 : memref<1x1x32xf32, #tpu.memory_space<vmem>> -> memref<1x32xf32, #tpu.memory_space<vmem>>
    %dma_start3A_194 = arith.constant 0 : i32
    %dma_start3A_195 = tpu.memref_slice %arg2[%squeeze3A_182, %dma_start3A_194] : memref<1000000x32xf32, #tpu.memory_space<hbm>> -> memref<1x32xf32, #tpu.memory_space<hbm>>
    tpu.enqueue_dma source(%dma_start3A_195 : memref<1x32xf32, #tpu.memory_space<hbm>>) target(%dma_start3A_193 : memref<1x32xf32, #tpu.memory_space<vmem>>) target_semaphore(%arg8 : memref<!tpu.dma_semaphore, #tpu.memory_space<semaphore_mem>>)
    %slice3A_196 = vector.extract_strided_slice %get3A_135 {offsets = [4], sizes = [1], strides = [1]} : vector<16xi32> to vector<1xi32>
    %squeeze3A_197 = vector.extract %slice3A_196[0] : i32 from vector<1xi32>
    %dma_start3A_198 = arith.constant 1 : i32
    %dma_start3A_199 = arith.constant 196 : i32
    %dma_start3A_200 = arith.constant 0 : i32
    %dma_start3A_201 = tpu.memref_slice %arg6[%dma_start3A_198, %dma_start3A_199, %dma_start3A_200] : memref<4x200x32xf32, #tpu.memory_space<vmem>> -> memref<1x1x32xf32, #tpu.memory_space<vmem>>
    %dma_start3A_202 = tpu.memref_squeeze %dma_start3A_201 : memref<1x1x32xf32, #tpu.memory_space<vmem>> -> memref<1x32xf32, #tpu.memory_space<vmem>>
    %dma_start3A_203 = arith.constant 0 : i32
    %dma_start3A_204 = tpu.memref_slice %arg2[%squeeze3A_197, %dma_start3A_203] : memref<1000000x32xf32, #tpu.memory_space<hbm>> -> memref<1x32xf32, #tpu.memory_space<hbm>>
    %dma_start3A_205 = arith.constant 196 : i32
    %dma_start3A_206 = arith.constant 0 : i32
    %dma_start3A_207 = tpu.memref_slice %arg6[%dma_start3A_198, %dma_start3A_205, %dma_start3A_206] : memref<4x200x32xf32, #tpu.memory_space<vmem>> -> memref<1x1x32xf32, #tpu.memory_space<vmem>>
    %dma_start3A_208 = tpu.memref_squeeze %dma_start3A_207 : memref<1x1x32xf32, #tpu.memory_space<vmem>> -> memref<1x32xf32, #tpu.memory_space<vmem>>
    %dma_start3A_209 = arith.constant 0 : i32
    %dma_start3A_210 = tpu.memref_slice %arg2[%squeeze3A_197, %dma_start3A_209] : memref<1000000x32xf32, #tpu.memory_space<hbm>> -> memref<1x32xf32, #tpu.memory_space<hbm>>
    tpu.enqueue_dma source(%dma_start3A_210 : memref<1x32xf32, #tpu.memory_space<hbm>>) target(%dma_start3A_208 : memref<1x32xf32, #tpu.memory_space<vmem>>) target_semaphore(%arg8 : memref<!tpu.dma_semaphore, #tpu.memory_space<semaphore_mem>>)
    %slice3A_211 = vector.extract_strided_slice %get3A_135 {offsets = [5], sizes = [1], strides = [1]} : vector<16xi32> to vector<1xi32>
    %squeeze3A_212 = vector.extract %slice3A_211[0] : i32 from vector<1xi32>
    %dma_start3A_213 = arith.constant 1 : i32
    %dma_start3A_214 = arith.constant 197 : i32
    %dma_start3A_215 = arith.constant 0 : i32
    %dma_start3A_216 = tpu.memref_slice %arg6[%dma_start3A_213, %dma_start3A_214, %dma_start3A_215] : memref<4x200x32xf32, #tpu.memory_space<vmem>> -> memref<1x1x32xf32, #tpu.memory_space<vmem>>
    %dma_start3A_217 = tpu.memref_squeeze %dma_start3A_216 : memref<1x1x32xf32, #tpu.memory_space<vmem>> -> memref<1x32xf32, #tpu.memory_space<vmem>>
    %dma_start3A_218 = arith.constant 0 : i32
    %dma_start3A_219 = tpu.memref_slice %arg2[%squeeze3A_212, %dma_start3A_218] : memref<1000000x32xf32, #tpu.memory_space<hbm>> -> memref<1x32xf32, #tpu.memory_space<hbm>>
    %dma_start3A_220 = arith.constant 197 : i32
    %dma_start3A_221 = arith.constant 0 : i32
    %dma_start3A_222 = tpu.memref_slice %arg6[%dma_start3A_213, %dma_start3A_220, %dma_start3A_221] : memref<4x200x32xf32, #tpu.memory_space<vmem>> -> memref<1x1x32xf32, #tpu.memory_space<vmem>>
    %dma_start3A_223 = tpu.memref_squeeze %dma_start3A_222 : memref<1x1x32xf32, #tpu.memory_space<vmem>> -> memref<1x32xf32, #tpu.memory_space<vmem>>
    %dma_start3A_224 = arith.constant 0 : i32
    %dma_start3A_225 = tpu.memref_slice %arg2[%squeeze3A_212, %dma_start3A_224] : memref<1000000x32xf32, #tpu.memory_space<hbm>> -> memref<1x32xf32, #tpu.memory_space<hbm>>
    tpu.enqueue_dma source(%dma_start3A_225 : memref<1x32xf32, #tpu.memory_space<hbm>>) target(%dma_start3A_223 : memref<1x32xf32, #tpu.memory_space<vmem>>) target_semaphore(%arg8 : memref<!tpu.dma_semaphore, #tpu.memory_space<semaphore_mem>>)
    %slice3A_226 = vector.extract_strided_slice %get3A_135 {offsets = [6], sizes = [1], strides = [1]} : vector<16xi32> to vector<1xi32>
    %squeeze3A_227 = vector.extract %slice3A_226[0] : i32 from vector<1xi32>
    %dma_start3A_228 = arith.constant 1 : i32
    %dma_start3A_229 = arith.constant 198 : i32
    %dma_start3A_230 = arith.constant 0 : i32
    %dma_start3A_231 = tpu.memref_slice %arg6[%dma_start3A_228, %dma_start3A_229, %dma_start3A_230] : memref<4x200x32xf32, #tpu.memory_space<vmem>> -> memref<1x1x32xf32, #tpu.memory_space<vmem>>
    %dma_start3A_232 = tpu.memref_squeeze %dma_start3A_231 : memref<1x1x32xf32, #tpu.memory_space<vmem>> -> memref<1x32xf32, #tpu.memory_space<vmem>>
    %dma_start3A_233 = arith.constant 0 : i32
    %dma_start3A_234 = tpu.memref_slice %arg2[%squeeze3A_227, %dma_start3A_233] : memref<1000000x32xf32, #tpu.memory_space<hbm>> -> memref<1x32xf32, #tpu.memory_space<hbm>>
    %dma_start3A_235 = arith.constant 198 : i32
    %dma_start3A_236 = arith.constant 0 : i32
    %dma_start3A_237 = tpu.memref_slice %arg6[%dma_start3A_228, %dma_start3A_235, %dma_start3A_236] : memref<4x200x32xf32, #tpu.memory_space<vmem>> -> memref<1x1x32xf32, #tpu.memory_space<vmem>>
    %dma_start3A_238 = tpu.memref_squeeze %dma_start3A_237 : memref<1x1x32xf32, #tpu.memory_space<vmem>> -> memref<1x32xf32, #tpu.memory_space<vmem>>
    %dma_start3A_239 = arith.constant 0 : i32
    %dma_start3A_240 = tpu.memref_slice %arg2[%squeeze3A_227, %dma_start3A_239] : memref<1000000x32xf32, #tpu.memory_space<hbm>> -> memref<1x32xf32, #tpu.memory_space<hbm>>
    tpu.enqueue_dma source(%dma_start3A_240 : memref<1x32xf32, #tpu.memory_space<hbm>>) target(%dma_start3A_238 : memref<1x32xf32, #tpu.memory_space<vmem>>) target_semaphore(%arg8 : memref<!tpu.dma_semaphore, #tpu.memory_space<semaphore_mem>>)
    %slice3A_241 = vector.extract_strided_slice %get3A_135 {offsets = [7], sizes = [1], strides = [1]} : vector<16xi32> to vector<1xi32>
    %squeeze3A_242 = vector.extract %slice3A_241[0] : i32 from vector<1xi32>
    %dma_start3A_243 = arith.constant 1 : i32
    %dma_start3A_244 = arith.constant 199 : i32
    %dma_start3A_245 = arith.constant 0 : i32
    %dma_start3A_246 = tpu.memref_slice %arg6[%dma_start3A_243, %dma_start3A_244, %dma_start3A_245] : memref<4x200x32xf32, #tpu.memory_space<vmem>> -> memref<1x1x32xf32, #tpu.memory_space<vmem>>
    %dma_start3A_247 = tpu.memref_squeeze %dma_start3A_246 : memref<1x1x32xf32, #tpu.memory_space<vmem>> -> memref<1x32xf32, #tpu.memory_space<vmem>>
    %dma_start3A_248 = arith.constant 0 : i32
    %dma_start3A_249 = tpu.memref_slice %arg2[%squeeze3A_242, %dma_start3A_248] : memref<1000000x32xf32, #tpu.memory_space<hbm>> -> memref<1x32xf32, #tpu.memory_space<hbm>>
    %dma_start3A_250 = arith.constant 199 : i32
    %dma_start3A_251 = arith.constant 0 : i32
    %dma_start3A_252 = tpu.memref_slice %arg6[%dma_start3A_243, %dma_start3A_250, %dma_start3A_251] : memref<4x200x32xf32, #tpu.memory_space<vmem>> -> memref<1x1x32xf32, #tpu.memory_space<vmem>>
    %dma_start3A_253 = tpu.memref_squeeze %dma_start3A_252 : memref<1x1x32xf32, #tpu.memory_space<vmem>> -> memref<1x32xf32, #tpu.memory_space<vmem>>
    %dma_start3A_254 = arith.constant 0 : i32
    %dma_start3A_255 = tpu.memref_slice %arg2[%squeeze3A_242, %dma_start3A_254] : memref<1000000x32xf32, #tpu.memory_space<hbm>> -> memref<1x32xf32, #tpu.memory_space<hbm>>
    tpu.enqueue_dma source(%dma_start3A_255 : memref<1x32xf32, #tpu.memory_space<hbm>>) target(%dma_start3A_253 : memref<1x32xf32, #tpu.memory_space<vmem>>) target_semaphore(%arg8 : memref<!tpu.dma_semaphore, #tpu.memory_space<semaphore_mem>>)
    %scan3A_256 = arith.constant 0 : i32
    %scan3A_257 = arith.constant 0 : i32
    %scan3A_258 = arith.constant 12 : i32
    %scan3A_259 = arith.addi %scan3A_257, %scan3A_258 : i32
    %scan3A_260 = arith.constant 1 : i32
    scf.for %scan3A_466 = %scan3A_257 to %scan3A_259 step %scan3A_260  : i32 {
      %mul3A_467 = arith.constant 16 : i32
      %mul3A_468 = arith.muli %mul3A_467, %scan3A_466 : i32
      %add3A_469 = arith.constant 400 : i32
      %add3A_470 = arith.addi %add3A_469, %mul3A_468 : i32
      %get3A_471 = arith.index_cast %add3A_470 : i32 to index
      %get3A_472 = tpu.vector_load %arg5[%get3A_471] {strides = array<i32>} : memref<25616xi32, #tpu.memory_space<vmem>>, vector<16xi32>,
      %get3A_473 = vector.shape_cast %get3A_472 : vector<16xi32> to vector<16xi32>
      %slice3A_474 = vector.extract_strided_slice %get3A_473 {offsets = [0], sizes = [1], strides = [1]} : vector<16xi32> to vector<1xi32>
      %squeeze3A_475 = vector.extract %slice3A_474[0] : i32 from vector<1xi32>
      %mul3A_476 = arith.constant 16 : i32
      %mul3A_477 = arith.muli %mul3A_476, %scan3A_466 : i32
      %add3A_478 = arith.constant 0 : i32
      %add3A_479 = arith.addi %mul3A_477, %add3A_478 : i32
      %dma_start3A_480 = arith.constant 2 : i32
      %dma_start3A_481 = arith.constant 0 : i32
      %dma_start3A_482 = tpu.memref_slice %arg6[%dma_start3A_480, %add3A_479, %dma_start3A_481] : memref<4x200x32xf32, #tpu.memory_space<vmem>> -> memref<1x1x32xf32, #tpu.memory_space<vmem>>
      %dma_start3A_483 = tpu.memref_squeeze %dma_start3A_482 : memref<1x1x32xf32, #tpu.memory_space<vmem>> -> memref<1x32xf32, #tpu.memory_space<vmem>>
      %dma_start3A_484 = arith.constant 0 : i32
      %dma_start3A_485 = tpu.memref_slice %arg2[%squeeze3A_475, %dma_start3A_484] : memref<1000000x32xf32, #tpu.memory_space<hbm>> -> memref<1x32xf32, #tpu.memory_space<hbm>>
      %dma_start3A_486 = arith.constant 0 : i32
      %dma_start3A_487 = tpu.memref_slice %arg6[%dma_start3A_480, %add3A_479, %dma_start3A_486] : memref<4x200x32xf32, #tpu.memory_space<vmem>> -> memref<1x1x32xf32, #tpu.memory_space<vmem>>
      %dma_start3A_488 = tpu.memref_squeeze %dma_start3A_487 : memref<1x1x32xf32, #tpu.memory_space<vmem>> -> memref<1x32xf32, #tpu.memory_space<vmem>>
      %dma_start3A_489 = arith.constant 0 : i32
      %dma_start3A_490 = tpu.memref_slice %arg2[%squeeze3A_475, %dma_start3A_489] : memref<1000000x32xf32, #tpu.memory_space<hbm>> -> memref<1x32xf32, #tpu.memory_space<hbm>>
      tpu.enqueue_dma source(%dma_start3A_490 : memref<1x32xf32, #tpu.memory_space<hbm>>) target(%dma_start3A_488 : memref<1x32xf32, #tpu.memory_space<vmem>>) target_semaphore(%arg9 : memref<!tpu.dma_semaphore, #tpu.memory_space<semaphore_mem>>)
      %slice3A_491 = vector.extract_strided_slice %get3A_473 {offsets = [1], sizes = [1], strides = [1]} : vector<16xi32> to vector<1xi32>
      %squeeze3A_492 = vector.extract %slice3A_491[0] : i32 from vector<1xi32>
      %mul3A_493 = arith.constant 16 : i32
      %mul3A_494 = arith.muli %mul3A_493, %scan3A_466 : i32
      %add3A_495 = arith.constant 1 : i32
      %add3A_496 = arith.addi %mul3A_494, %add3A_495 : i32
      %dma_start3A_497 = arith.constant 2 : i32
      %dma_start3A_498 = arith.constant 0 : i32
      %dma_start3A_499 = tpu.memref_slice %arg6[%dma_start3A_497, %add3A_496, %dma_start3A_498] : memref<4x200x32xf32, #tpu.memory_space<vmem>> -> memref<1x1x32xf32, #tpu.memory_space<vmem>>
      %dma_start3A_500 = tpu.memref_squeeze %dma_start3A_499 : memref<1x1x32xf32, #tpu.memory_space<vmem>> -> memref<1x32xf32, #tpu.memory_space<vmem>>
      %dma_start3A_501 = arith.constant 0 : i32
      %dma_start3A_502 = tpu.memref_slice %arg2[%squeeze3A_492, %dma_start3A_501] : memref<1000000x32xf32, #tpu.memory_space<hbm>> -> memref<1x32xf32, #tpu.memory_space<hbm>>
      %dma_start3A_503 = arith.constant 0 : i32
      %dma_start3A_504 = tpu.memref_slice %arg6[%dma_start3A_497, %add3A_496, %dma_start3A_503] : memref<4x200x32xf32, #tpu.memory_space<vmem>> -> memref<1x1x32xf32, #tpu.memory_space<vmem>>
      %dma_start3A_505 = tpu.memref_squeeze %dma_start3A_504 : memref<1x1x32xf32, #tpu.memory_space<vmem>> -> memref<1x32xf32, #tpu.memory_space<vmem>>
      %dma_start3A_506 = arith.constant 0 : i32
      %dma_start3A_507 = tpu.memref_slice %arg2[%squeeze3A_492, %dma_start3A_506] : memref<1000000x32xf32, #tpu.memory_space<hbm>> -> memref<1x32xf32, #tpu.memory_space<hbm>>
      tpu.enqueue_dma source(%dma_start3A_507 : memref<1x32xf32, #tpu.memory_space<hbm>>) target(%dma_start3A_505 : memref<1x32xf32, #tpu.memory_space<vmem>>) target_semaphore(%arg9 : memref<!tpu.dma_semaphore, #tpu.memory_space<semaphore_mem>>)
      %slice3A_508 = vector.extract_strided_slice %get3A_473 {offsets = [2], sizes = [1], strides = [1]} : vector<16xi32> to vector<1xi32>
      %squeeze3A_509 = vector.extract %slice3A_508[0] : i32 from vector<1xi32>
      %mul3A_510 = arith.constant 16 : i32
      %mul3A_511 = arith.muli %mul3A_510, %scan3A_466 : i32
      %add3A_512 = arith.constant 2 : i32
      %add3A_513 = arith.addi %mul3A_511, %add3A_512 : i32
      %dma_start3A_514 = arith.constant 2 : i32
      %dma_start3A_515 = arith.constant 0 : i32
      %dma_start3A_516 = tpu.memref_slice %arg6[%dma_start3A_514, %add3A_513, %dma_start3A_515] : memref<4x200x32xf32, #tpu.memory_space<vmem>> -> memref<1x1x32xf32, #tpu.memory_space<vmem>>
      %dma_start3A_517 = tpu.memref_squeeze %dma_start3A_516 : memref<1x1x32xf32, #tpu.memory_space<vmem>> -> memref<1x32xf32, #tpu.memory_space<vmem>>
      %dma_start3A_518 = arith.constant 0 : i32
      %dma_start3A_519 = tpu.memref_slice %arg2[%squeeze3A_509, %dma_start3A_518] : memref<1000000x32xf32, #tpu.memory_space<hbm>> -> memref<1x32xf32, #tpu.memory_space<hbm>>
      %dma_start3A_520 = arith.constant 0 : i32
      %dma_start3A_521 = tpu.memref_slice %arg6[%dma_start3A_514, %add3A_513, %dma_start3A_520] : memref<4x200x32xf32, #tpu.memory_space<vmem>> -> memref<1x1x32xf32, #tpu.memory_space<vmem>>
      %dma_start3A_522 = tpu.memref_squeeze %dma_start3A_521 : memref<1x1x32xf32, #tpu.memory_space<vmem>> -> memref<1x32xf32, #tpu.memory_space<vmem>>
      %dma_start3A_523 = arith.constant 0 : i32
      %dma_start3A_524 = tpu.memref_slice %arg2[%squeeze3A_509, %dma_start3A_523] : memref<1000000x32xf32, #tpu.memory_space<hbm>> -> memref<1x32xf32, #tpu.memory_space<hbm>>
      tpu.enqueue_dma source(%dma_start3A_524 : memref<1x32xf32, #tpu.memory_space<hbm>>) target(%dma_start3A_522 : memref<1x32xf32, #tpu.memory_space<vmem>>) target_semaphore(%arg9 : memref<!tpu.dma_semaphore, #tpu.memory_space<semaphore_mem>>)
      %slice3A_525 = vector.extract_strided_slice %get3A_473 {offsets = [3], sizes = [1], strides = [1]} : vector<16xi32> to vector<1xi32>
      %squeeze3A_526 = vector.extract %slice3A_525[0] : i32 from vector<1xi32>
      %mul3A_527 = arith.constant 16 : i32
      %mul3A_528 = arith.muli %mul3A_527, %scan3A_466 : i32
      %add3A_529 = arith.constant 3 : i32
      %add3A_530 = arith.addi %mul3A_528, %add3A_529 : i32
      %dma_start3A_531 = arith.constant 2 : i32
      %dma_start3A_532 = arith.constant 0 : i32
      %dma_start3A_533 = tpu.memref_slice %arg6[%dma_start3A_531, %add3A_530, %dma_start3A_532] : memref<4x200x32xf32, #tpu.memory_space<vmem>> -> memref<1x1x32xf32, #tpu.memory_space<vmem>>
      %dma_start3A_534 = tpu.memref_squeeze %dma_start3A_533 : memref<1x1x32xf32, #tpu.memory_space<vmem>> -> memref<1x32xf32, #tpu.memory_space<vmem>>
      %dma_start3A_535 = arith.constant 0 : i32
      %dma_start3A_536 = tpu.memref_slice %arg2[%squeeze3A_526, %dma_start3A_535] : memref<1000000x32xf32, #tpu.memory_space<hbm>> -> memref<1x32xf32, #tpu.memory_space<hbm>>
      %dma_start3A_537 = arith.constant 0 : i32
      %dma_start3A_538 = tpu.memref_slice %arg6[%dma_start3A_531, %add3A_530, %dma_start3A_537] : memref<4x200x32xf32, #tpu.memory_space<vmem>> -> memref<1x1x32xf32, #tpu.memory_space<vmem>>
      %dma_start3A_539 = tpu.memref_squeeze %dma_start3A_538 : memref<1x1x32xf32, #tpu.memory_space<vmem>> -> memref<1x32xf32, #tpu.memory_space<vmem>>
      %dma_start3A_540 = arith.constant 0 : i32
      %dma_start3A_541 = tpu.memref_slice %arg2[%squeeze3A_526, %dma_start3A_540] : memref<1000000x32xf32, #tpu.memory_space<hbm>> -> memref<1x32xf32, #tpu.memory_space<hbm>>
      tpu.enqueue_dma source(%dma_start3A_541 : memref<1x32xf32, #tpu.memory_space<hbm>>) target(%dma_start3A_539 : memref<1x32xf32, #tpu.memory_space<vmem>>) target_semaphore(%arg9 : memref<!tpu.dma_semaphore, #tpu.memory_space<semaphore_mem>>)
      %slice3A_542 = vector.extract_strided_slice %get3A_473 {offsets = [4], sizes = [1], strides = [1]} : vector<16xi32> to vector<1xi32>
      %squeeze3A_543 = vector.extract %slice3A_542[0] : i32 from vector<1xi32>
      %mul3A_544 = arith.constant 16 : i32
      %mul3A_545 = arith.muli %mul3A_544, %scan3A_466 : i32
      %add3A_546 = arith.constant 4 : i32
      %add3A_547 = arith.addi %mul3A_545, %add3A_546 : i32
      %dma_start3A_548 = arith.constant 2 : i32
      %dma_start3A_549 = arith.constant 0 : i32
      %dma_start3A_550 = tpu.memref_slice %arg6[%dma_start3A_548, %add3A_547, %dma_start3A_549] : memref<4x200x32xf32, #tpu.memory_space<vmem>> -> memref<1x1x32xf32, #tpu.memory_space<vmem>>
      %dma_start3A_551 = tpu.memref_squeeze %dma_start3A_550 : memref<1x1x32xf32, #tpu.memory_space<vmem>> -> memref<1x32xf32, #tpu.memory_space<vmem>>
      %dma_start3A_552 = arith.constant 0 : i32
      %dma_start3A_553 = tpu.memref_slice %arg2[%squeeze3A_543, %dma_start3A_552] : memref<1000000x32xf32, #tpu.memory_space<hbm>> -> memref<1x32xf32, #tpu.memory_space<hbm>>
      %dma_start3A_554 = arith.constant 0 : i32
      %dma_start3A_555 = tpu.memref_slice %arg6[%dma_start3A_548, %add3A_547, %dma_start3A_554] : memref<4x200x32xf32, #tpu.memory_space<vmem>> -> memref<1x1x32xf32, #tpu.memory_space<vmem>>
      %dma_start3A_556 = tpu.memref_squeeze %dma_start3A_555 : memref<1x1x32xf32, #tpu.memory_space<vmem>> -> memref<1x32xf32, #tpu.memory_space<vmem>>
      %dma_start3A_557 = arith.constant 0 : i32
      %dma_start3A_558 = tpu.memref_slice %arg2[%squeeze3A_543, %dma_start3A_557] : memref<1000000x32xf32, #tpu.memory_space<hbm>> -> memref<1x32xf32, #tpu.memory_space<hbm>>
      tpu.enqueue_dma source(%dma_start3A_558 : memref<1x32xf32, #tpu.memory_space<hbm>>) target(%dma_start3A_556 : memref<1x32xf32, #tpu.memory_space<vmem>>) target_semaphore(%arg9 : memref<!tpu.dma_semaphore, #tpu.memory_space<semaphore_mem>>)
      %slice3A_559 = vector.extract_strided_slice %get3A_473 {offsets = [5], sizes = [1], strides = [1]} : vector<16xi32> to vector<1xi32>
      %squeeze3A_560 = vector.extract %slice3A_559[0] : i32 from vector<1xi32>
      %mul3A_561 = arith.constant 16 : i32
      %mul3A_562 = arith.muli %mul3A_561, %scan3A_466 : i32
      %add3A_563 = arith.constant 5 : i32
      %add3A_564 = arith.addi %mul3A_562, %add3A_563 : i32
      %dma_start3A_565 = arith.constant 2 : i32
      %dma_start3A_566 = arith.constant 0 : i32
      %dma_start3A_567 = tpu.memref_slice %arg6[%dma_start3A_565, %add3A_564, %dma_start3A_566] : memref<4x200x32xf32, #tpu.memory_space<vmem>> -> memref<1x1x32xf32, #tpu.memory_space<vmem>>
      %dma_start3A_568 = tpu.memref_squeeze %dma_start3A_567 : memref<1x1x32xf32, #tpu.memory_space<vmem>> -> memref<1x32xf32, #tpu.memory_space<vmem>>
      %dma_start3A_569 = arith.constant 0 : i32
      %dma_start3A_570 = tpu.memref_slice %arg2[%squeeze3A_560, %dma_start3A_569] : memref<1000000x32xf32, #tpu.memory_space<hbm>> -> memref<1x32xf32, #tpu.memory_space<hbm>>
      %dma_start3A_571 = arith.constant 0 : i32
      %dma_start3A_572 = tpu.memref_slice %arg6[%dma_start3A_565, %add3A_564, %dma_start3A_571] : memref<4x200x32xf32, #tpu.memory_space<vmem>> -> memref<1x1x32xf32, #tpu.memory_space<vmem>>
      %dma_start3A_573 = tpu.memref_squeeze %dma_start3A_572 : memref<1x1x32xf32, #tpu.memory_space<vmem>> -> memref<1x32xf32, #tpu.memory_space<vmem>>
      %dma_start3A_574 = arith.constant 0 : i32
      %dma_start3A_575 = tpu.memref_slice %arg2[%squeeze3A_560, %dma_start3A_574] : memref<1000000x32xf32, #tpu.memory_space<hbm>> -> memref<1x32xf32, #tpu.memory_space<hbm>>
      tpu.enqueue_dma source(%dma_start3A_575 : memref<1x32xf32, #tpu.memory_space<hbm>>) target(%dma_start3A_573 : memref<1x32xf32, #tpu.memory_space<vmem>>) target_semaphore(%arg9 : memref<!tpu.dma_semaphore, #tpu.memory_space<semaphore_mem>>)
      %slice3A_576 = vector.extract_strided_slice %get3A_473 {offsets = [6], sizes = [1], strides = [1]} : vector<16xi32> to vector<1xi32>
      %squeeze3A_577 = vector.extract %slice3A_576[0] : i32 from vector<1xi32>
      %mul3A_578 = arith.constant 16 : i32
      %mul3A_579 = arith.muli %mul3A_578, %scan3A_466 : i32
      %add3A_580 = arith.constant 6 : i32
      %add3A_581 = arith.addi %mul3A_579, %add3A_580 : i32
      %dma_start3A_582 = arith.constant 2 : i32
      %dma_start3A_583 = arith.constant 0 : i32
      %dma_start3A_584 = tpu.memref_slice %arg6[%dma_start3A_582, %add3A_581, %dma_start3A_583] : memref<4x200x32xf32, #tpu.memory_space<vmem>> -> memref<1x1x32xf32, #tpu.memory_space<vmem>>
      %dma_start3A_585 = tpu.memref_squeeze %dma_start3A_584 : memref<1x1x32xf32, #tpu.memory_space<vmem>> -> memref<1x32xf32, #tpu.memory_space<vmem>>
      %dma_start3A_586 = arith.constant 0 : i32
      %dma_start3A_587 = tpu.memref_slice %arg2[%squeeze3A_577, %dma_start3A_586] : memref<1000000x32xf32, #tpu.memory_space<hbm>> -> memref<1x32xf32, #tpu.memory_space<hbm>>
      %dma_start3A_588 = arith.constant 0 : i32
      %dma_start3A_589 = tpu.memref_slice %arg6[%dma_start3A_582, %add3A_581, %dma_start3A_588] : memref<4x200x32xf32, #tpu.memory_space<vmem>> -> memref<1x1x32xf32, #tpu.memory_space<vmem>>
      %dma_start3A_590 = tpu.memref_squeeze %dma_start3A_589 : memref<1x1x32xf32, #tpu.memory_space<vmem>> -> memref<1x32xf32, #tpu.memory_space<vmem>>
      %dma_start3A_591 = arith.constant 0 : i32
      %dma_start3A_592 = tpu.memref_slice %arg2[%squeeze3A_577, %dma_start3A_591] : memref<1000000x32xf32, #tpu.memory_space<hbm>> -> memref<1x32xf32, #tpu.memory_space<hbm>>
      tpu.enqueue_dma source(%dma_start3A_592 : memref<1x32xf32, #tpu.memory_space<hbm>>) target(%dma_start3A_590 : memref<1x32xf32, #tpu.memory_space<vmem>>) target_semaphore(%arg9 : memref<!tpu.dma_semaphore, #tpu.memory_space<semaphore_mem>>)
      %slice3A_593 = vector.extract_strided_slice %get3A_473 {offsets = [7], sizes = [1], strides = [1]} : vector<16xi32> to vector<1xi32>
      %squeeze3A_594 = vector.extract %slice3A_593[0] : i32 from vector<1xi32>
      %mul3A_595 = arith.constant 16 : i32
      %mul3A_596 = arith.muli %mul3A_595, %scan3A_466 : i32
      %add3A_597 = arith.constant 7 : i32
      %add3A_598 = arith.addi %mul3A_596, %add3A_597 : i32
      %dma_start3A_599 = arith.constant 2 : i32
      %dma_start3A_600 = arith.constant 0 : i32
      %dma_start3A_601 = tpu.memref_slice %arg6[%dma_start3A_599, %add3A_598, %dma_start3A_600] : memref<4x200x32xf32, #tpu.memory_space<vmem>> -> memref<1x1x32xf32, #tpu.memory_space<vmem>>
      %dma_start3A_602 = tpu.memref_squeeze %dma_start3A_601 : memref<1x1x32xf32, #tpu.memory_space<vmem>> -> memref<1x32xf32, #tpu.memory_space<vmem>>
      %dma_start3A_603 = arith.constant 0 : i32
      %dma_start3A_604 = tpu.memref_slice %arg2[%squeeze3A_594, %dma_start3A_603] : memref<1000000x32xf32, #tpu.memory_space<hbm>> -> memref<1x32xf32, #tpu.memory_space<hbm>>
      %dma_start3A_605 = arith.constant 0 : i32
      %dma_start3A_606 = tpu.memref_slice %arg6[%dma_start3A_599, %add3A_598, %dma_start3A_605] : memref<4x200x32xf32, #tpu.memory_space<vmem>> -> memref<1x1x32xf32, #tpu.memory_space<vmem>>
      %dma_start3A_607 = tpu.memref_squeeze %dma_start3A_606 : memref<1x1x32xf32, #tpu.memory_space<vmem>> -> memref<1x32xf32, #tpu.memory_space<vmem>>
      %dma_start3A_608 = arith.constant 0 : i32
      %dma_start3A_609 = tpu.memref_slice %arg2[%squeeze3A_594, %dma_start3A_608] : memref<1000000x32xf32, #tpu.memory_space<hbm>> -> memref<1x32xf32, #tpu.memory_space<hbm>>
      tpu.enqueue_dma source(%dma_start3A_609 : memref<1x32xf32, #tpu.memory_space<hbm>>) target(%dma_start3A_607 : memref<1x32xf32, #tpu.memory_space<vmem>>) target_semaphore(%arg9 : memref<!tpu.dma_semaphore, #tpu.memory_space<semaphore_mem>>)
      %slice3A_610 = vector.extract_strided_slice %get3A_473 {offsets = [8], sizes = [1], strides = [1]} : vector<16xi32> to vector<1xi32>
      %squeeze3A_611 = vector.extract %slice3A_610[0] : i32 from vector<1xi32>
      %mul3A_612 = arith.constant 16 : i32
      %mul3A_613 = arith.muli %mul3A_612, %scan3A_466 : i32
      %add3A_614 = arith.constant 8 : i32
      %add3A_615 = arith.addi %mul3A_613, %add3A_614 : i32
      %dma_start3A_616 = arith.constant 2 : i32
      %dma_start3A_617 = arith.constant 0 : i32
      %dma_start3A_618 = tpu.memref_slice %arg6[%dma_start3A_616, %add3A_615, %dma_start3A_617] : memref<4x200x32xf32, #tpu.memory_space<vmem>> -> memref<1x1x32xf32, #tpu.memory_space<vmem>>
      %dma_start3A_619 = tpu.memref_squeeze %dma_start3A_618 : memref<1x1x32xf32, #tpu.memory_space<vmem>> -> memref<1x32xf32, #tpu.memory_space<vmem>>
      %dma_start3A_620 = arith.constant 0 : i32
      %dma_start3A_621 = tpu.memref_slice %arg2[%squeeze3A_611, %dma_start3A_620] : memref<1000000x32xf32, #tpu.memory_space<hbm>> -> memref<1x32xf32, #tpu.memory_space<hbm>>
      %dma_start3A_622 = arith.constant 0 : i32
      %dma_start3A_623 = tpu.memref_slice %arg6[%dma_start3A_616, %add3A_615, %dma_start3A_622] : memref<4x200x32xf32, #tpu.memory_space<vmem>> -> memref<1x1x32xf32, #tpu.memory_space<vmem>>
      %dma_start3A_624 = tpu.memref_squeeze %dma_start3A_623 : memref<1x1x32xf32, #tpu.memory_space<vmem>> -> memref<1x32xf32, #tpu.memory_space<vmem>>
      %dma_start3A_625 = arith.constant 0 : i32
      %dma_start3A_626 = tpu.memref_slice %arg2[%squeeze3A_611, %dma_start3A_625] : memref<1000000x32xf32, #tpu.memory_space<hbm>> -> memref<1x32xf32, #tpu.memory_space<hbm>>
      tpu.enqueue_dma source(%dma_start3A_626 : memref<1x32xf32, #tpu.memory_space<hbm>>) target(%dma_start3A_624 : memref<1x32xf32, #tpu.memory_space<vmem>>) target_semaphore(%arg9 : memref<!tpu.dma_semaphore, #tpu.memory_space<semaphore_mem>>)
      %slice3A_627 = vector.extract_strided_slice %get3A_473 {offsets = [9], sizes = [1], strides = [1]} : vector<16xi32> to vector<1xi32>
      %squeeze3A_628 = vector.extract %slice3A_627[0] : i32 from vector<1xi32>
      %mul3A_629 = arith.constant 16 : i32
      %mul3A_630 = arith.muli %mul3A_629, %scan3A_466 : i32
      %add3A_631 = arith.constant 9 : i32
      %add3A_632 = arith.addi %mul3A_630, %add3A_631 : i32
      %dma_start3A_633 = arith.constant 2 : i32
      %dma_start3A_634 = arith.constant 0 : i32
      %dma_start3A_635 = tpu.memref_slice %arg6[%dma_start3A_633, %add3A_632, %dma_start3A_634] : memref<4x200x32xf32, #tpu.memory_space<vmem>> -> memref<1x1x32xf32, #tpu.memory_space<vmem>>
      %dma_start3A_636 = tpu.memref_squeeze %dma_start3A_635 : memref<1x1x32xf32, #tpu.memory_space<vmem>> -> memref<1x32xf32, #tpu.memory_space<vmem>>
      %dma_start3A_637 = arith.constant 0 : i32
      %dma_start3A_638 = tpu.memref_slice %arg2[%squeeze3A_628, %dma_start3A_637] : memref<1000000x32xf32, #tpu.memory_space<hbm>> -> memref<1x32xf32, #tpu.memory_space<hbm>>
      %dma_start3A_639 = arith.constant 0 : i32
      %dma_start3A_640 = tpu.memref_slice %arg6[%dma_start3A_633, %add3A_632, %dma_start3A_639] : memref<4x200x32xf32, #tpu.memory_space<vmem>> -> memref<1x1x32xf32, #tpu.memory_space<vmem>>
      %dma_start3A_641 = tpu.memref_squeeze %dma_start3A_640 : memref<1x1x32xf32, #tpu.memory_space<vmem>> -> memref<1x32xf32, #tpu.memory_space<vmem>>
      %dma_start3A_642 = arith.constant 0 : i32
      %dma_start3A_643 = tpu.memref_slice %arg2[%squeeze3A_628, %dma_start3A_642] : memref<1000000x32xf32, #tpu.memory_space<hbm>> -> memref<1x32xf32, #tpu.memory_space<hbm>>
      tpu.enqueue_dma source(%dma_start3A_643 : memref<1x32xf32, #tpu.memory_space<hbm>>) target(%dma_start3A_641 : memref<1x32xf32, #tpu.memory_space<vmem>>) target_semaphore(%arg9 : memref<!tpu.dma_semaphore, #tpu.memory_space<semaphore_mem>>)
      %slice3A_644 = vector.extract_strided_slice %get3A_473 {offsets = [10], sizes = [1], strides = [1]} : vector<16xi32> to vector<1xi32>
      %squeeze3A_645 = vector.extract %slice3A_644[0] : i32 from vector<1xi32>
      %mul3A_646 = arith.constant 16 : i32
      %mul3A_647 = arith.muli %mul3A_646, %scan3A_466 : i32
      %add3A_648 = arith.constant 10 : i32
      %add3A_649 = arith.addi %mul3A_647, %add3A_648 : i32
      %dma_start3A_650 = arith.constant 2 : i32
      %dma_start3A_651 = arith.constant 0 : i32
      %dma_start3A_652 = tpu.memref_slice %arg6[%dma_start3A_650, %add3A_649, %dma_start3A_651] : memref<4x200x32xf32, #tpu.memory_space<vmem>> -> memref<1x1x32xf32, #tpu.memory_space<vmem>>
      %dma_start3A_653 = tpu.memref_squeeze %dma_start3A_652 : memref<1x1x32xf32, #tpu.memory_space<vmem>> -> memref<1x32xf32, #tpu.memory_space<vmem>>
      %dma_start3A_654 = arith.constant 0 : i32
      %dma_start3A_655 = tpu.memref_slice %arg2[%squeeze3A_645, %dma_start3A_654] : memref<1000000x32xf32, #tpu.memory_space<hbm>> -> memref<1x32xf32, #tpu.memory_space<hbm>>
      %dma_start3A_656 = arith.constant 0 : i32
      %dma_start3A_657 = tpu.memref_slice %arg6[%dma_start3A_650, %add3A_649, %dma_start3A_656] : memref<4x200x32xf32, #tpu.memory_space<vmem>> -> memref<1x1x32xf32, #tpu.memory_space<vmem>>
      %dma_start3A_658 = tpu.memref_squeeze %dma_start3A_657 : memref<1x1x32xf32, #tpu.memory_space<vmem>> -> memref<1x32xf32, #tpu.memory_space<vmem>>
      %dma_start3A_659 = arith.constant 0 : i32
      %dma_start3A_660 = tpu.memref_slice %arg2[%squeeze3A_645, %dma_start3A_659] : memref<1000000x32xf32, #tpu.memory_space<hbm>> -> memref<1x32xf32, #tpu.memory_space<hbm>>
      tpu.enqueue_dma source(%dma_start3A_660 : memref<1x32xf32, #tpu.memory_space<hbm>>) target(%dma_start3A_658 : memref<1x32xf32, #tpu.memory_space<vmem>>) target_semaphore(%arg9 : memref<!tpu.dma_semaphore, #tpu.memory_space<semaphore_mem>>)
      %slice3A_661 = vector.extract_strided_slice %get3A_473 {offsets = [11], sizes = [1], strides = [1]} : vector<16xi32> to vector<1xi32>
      %squeeze3A_662 = vector.extract %slice3A_661[0] : i32 from vector<1xi32>
      %mul3A_663 = arith.constant 16 : i32
      %mul3A_664 = arith.muli %mul3A_663, %scan3A_466 : i32
      %add3A_665 = arith.constant 11 : i32
      %add3A_666 = arith.addi %mul3A_664, %add3A_665 : i32
      %dma_start3A_667 = arith.constant 2 : i32
      %dma_start3A_668 = arith.constant 0 : i32
      %dma_start3A_669 = tpu.memref_slice %arg6[%dma_start3A_667, %add3A_666, %dma_start3A_668] : memref<4x200x32xf32, #tpu.memory_space<vmem>> -> memref<1x1x32xf32, #tpu.memory_space<vmem>>
      %dma_start3A_670 = tpu.memref_squeeze %dma_start3A_669 : memref<1x1x32xf32, #tpu.memory_space<vmem>> -> memref<1x32xf32, #tpu.memory_space<vmem>>
      %dma_start3A_671 = arith.constant 0 : i32
      %dma_start3A_672 = tpu.memref_slice %arg2[%squeeze3A_662, %dma_start3A_671] : memref<1000000x32xf32, #tpu.memory_space<hbm>> -> memref<1x32xf32, #tpu.memory_space<hbm>>
      %dma_start3A_673 = arith.constant 0 : i32
      %dma_start3A_674 = tpu.memref_slice %arg6[%dma_start3A_667, %add3A_666, %dma_start3A_673] : memref<4x200x32xf32, #tpu.memory_space<vmem>> -> memref<1x1x32xf32, #tpu.memory_space<vmem>>
      %dma_start3A_675 = tpu.memref_squeeze %dma_start3A_674 : memref<1x1x32xf32, #tpu.memory_space<vmem>> -> memref<1x32xf32, #tpu.memory_space<vmem>>
      %dma_start3A_676 = arith.constant 0 : i32
      %dma_start3A_677 = tpu.memref_slice %arg2[%squeeze3A_662, %dma_start3A_676] : memref<1000000x32xf32, #tpu.memory_space<hbm>> -> memref<1x32xf32, #tpu.memory_space<hbm>>
      tpu.enqueue_dma source(%dma_start3A_677 : memref<1x32xf32, #tpu.memory_space<hbm>>) target(%dma_start3A_675 : memref<1x32xf32, #tpu.memory_space<vmem>>) target_semaphore(%arg9 : memref<!tpu.dma_semaphore, #tpu.memory_space<semaphore_mem>>)
      %slice3A_678 = vector.extract_strided_slice %get3A_473 {offsets = [12], sizes = [1], strides = [1]} : vector<16xi32> to vector<1xi32>
      %squeeze3A_679 = vector.extract %slice3A_678[0] : i32 from vector<1xi32>
      %mul3A_680 = arith.constant 16 : i32
      %mul3A_681 = arith.muli %mul3A_680, %scan3A_466 : i32
      %add3A_682 = arith.constant 12 : i32
      %add3A_683 = arith.addi %mul3A_681, %add3A_682 : i32
      %dma_start3A_684 = arith.constant 2 : i32
      %dma_start3A_685 = arith.constant 0 : i32
      %dma_start3A_686 = tpu.memref_slice %arg6[%dma_start3A_684, %add3A_683, %dma_start3A_685] : memref<4x200x32xf32, #tpu.memory_space<vmem>> -> memref<1x1x32xf32, #tpu.memory_space<vmem>>
      %dma_start3A_687 = tpu.memref_squeeze %dma_start3A_686 : memref<1x1x32xf32, #tpu.memory_space<vmem>> -> memref<1x32xf32, #tpu.memory_space<vmem>>
      %dma_start3A_688 = arith.constant 0 : i32
      %dma_start3A_689 = tpu.memref_slice %arg2[%squeeze3A_679, %dma_start3A_688] : memref<1000000x32xf32, #tpu.memory_space<hbm>> -> memref<1x32xf32, #tpu.memory_space<hbm>>
      %dma_start3A_690 = arith.constant 0 : i32
      %dma_start3A_691 = tpu.memref_slice %arg6[%dma_start3A_684, %add3A_683, %dma_start3A_690] : memref<4x200x32xf32, #tpu.memory_space<vmem>> -> memref<1x1x32xf32, #tpu.memory_space<vmem>>
      %dma_start3A_692 = tpu.memref_squeeze %dma_start3A_691 : memref<1x1x32xf32, #tpu.memory_space<vmem>> -> memref<1x32xf32, #tpu.memory_space<vmem>>
      %dma_start3A_693 = arith.constant 0 : i32
      %dma_start3A_694 = tpu.memref_slice %arg2[%squeeze3A_679, %dma_start3A_693] : memref<1000000x32xf32, #tpu.memory_space<hbm>> -> memref<1x32xf32, #tpu.memory_space<hbm>>
      tpu.enqueue_dma source(%dma_start3A_694 : memref<1x32xf32, #tpu.memory_space<hbm>>) target(%dma_start3A_692 : memref<1x32xf32, #tpu.memory_space<vmem>>) target_semaphore(%arg9 : memref<!tpu.dma_semaphore, #tpu.memory_space<semaphore_mem>>)
      %slice3A_695 = vector.extract_strided_slice %get3A_473 {offsets = [13], sizes = [1], strides = [1]} : vector<16xi32> to vector<1xi32>
      %squeeze3A_696 = vector.extract %slice3A_695[0] : i32 from vector<1xi32>
      %mul3A_697 = arith.constant 16 : i32
      %mul3A_698 = arith.muli %mul3A_697, %scan3A_466 : i32
      %add3A_699 = arith.constant 13 : i32
      %add3A_700 = arith.addi %mul3A_698, %add3A_699 : i32
      %dma_start3A_701 = arith.constant 2 : i32
      %dma_start3A_702 = arith.constant 0 : i32
      %dma_start3A_703 = tpu.memref_slice %arg6[%dma_start3A_701, %add3A_700, %dma_start3A_702] : memref<4x200x32xf32, #tpu.memory_space<vmem>> -> memref<1x1x32xf32, #tpu.memory_space<vmem>>
      %dma_start3A_704 = tpu.memref_squeeze %dma_start3A_703 : memref<1x1x32xf32, #tpu.memory_space<vmem>> -> memref<1x32xf32, #tpu.memory_space<vmem>>
      %dma_start3A_705 = arith.constant 0 : i32
      %dma_start3A_706 = tpu.memref_slice %arg2[%squeeze3A_696, %dma_start3A_705] : memref<1000000x32xf32, #tpu.memory_space<hbm>> -> memref<1x32xf32, #tpu.memory_space<hbm>>
      %dma_start3A_707 = arith.constant 0 : i32
      %dma_start3A_708 = tpu.memref_slice %arg6[%dma_start3A_701, %add3A_700, %dma_start3A_707] : memref<4x200x32xf32, #tpu.memory_space<vmem>> -> memref<1x1x32xf32, #tpu.memory_space<vmem>>
      %dma_start3A_709 = tpu.memref_squeeze %dma_start3A_708 : memref<1x1x32xf32, #tpu.memory_space<vmem>> -> memref<1x32xf32, #tpu.memory_space<vmem>>
      %dma_start3A_710 = arith.constant 0 : i32
      %dma_start3A_711 = tpu.memref_slice %arg2[%squeeze3A_696, %dma_start3A_710] : memref<1000000x32xf32, #tpu.memory_space<hbm>> -> memref<1x32xf32, #tpu.memory_space<hbm>>
      tpu.enqueue_dma source(%dma_start3A_711 : memref<1x32xf32, #tpu.memory_space<hbm>>) target(%dma_start3A_709 : memref<1x32xf32, #tpu.memory_space<vmem>>) target_semaphore(%arg9 : memref<!tpu.dma_semaphore, #tpu.memory_space<semaphore_mem>>)
      %slice3A_712 = vector.extract_strided_slice %get3A_473 {offsets = [14], sizes = [1], strides = [1]} : vector<16xi32> to vector<1xi32>
      %squeeze3A_713 = vector.extract %slice3A_712[0] : i32 from vector<1xi32>
      %mul3A_714 = arith.constant 16 : i32
      %mul3A_715 = arith.muli %mul3A_714, %scan3A_466 : i32
      %add3A_716 = arith.constant 14 : i32
      %add3A_717 = arith.addi %mul3A_715, %add3A_716 : i32
      %dma_start3A_718 = arith.constant 2 : i32
      %dma_start3A_719 = arith.constant 0 : i32
      %dma_start3A_720 = tpu.memref_slice %arg6[%dma_start3A_718, %add3A_717, %dma_start3A_719] : memref<4x200x32xf32, #tpu.memory_space<vmem>> -> memref<1x1x32xf32, #tpu.memory_space<vmem>>
      %dma_start3A_721 = tpu.memref_squeeze %dma_start3A_720 : memref<1x1x32xf32, #tpu.memory_space<vmem>> -> memref<1x32xf32, #tpu.memory_space<vmem>>
      %dma_start3A_722 = arith.constant 0 : i32
      %dma_start3A_723 = tpu.memref_slice %arg2[%squeeze3A_713, %dma_start3A_722] : memref<1000000x32xf32, #tpu.memory_space<hbm>> -> memref<1x32xf32, #tpu.memory_space<hbm>>
      %dma_start3A_724 = arith.constant 0 : i32
      %dma_start3A_725 = tpu.memref_slice %arg6[%dma_start3A_718, %add3A_717, %dma_start3A_724] : memref<4x200x32xf32, #tpu.memory_space<vmem>> -> memref<1x1x32xf32, #tpu.memory_space<vmem>>
      %dma_start3A_726 = tpu.memref_squeeze %dma_start3A_725 : memref<1x1x32xf32, #tpu.memory_space<vmem>> -> memref<1x32xf32, #tpu.memory_space<vmem>>
      %dma_start3A_727 = arith.constant 0 : i32
      %dma_start3A_728 = tpu.memref_slice %arg2[%squeeze3A_713, %dma_start3A_727] : memref<1000000x32xf32, #tpu.memory_space<hbm>> -> memref<1x32xf32, #tpu.memory_space<hbm>>
      tpu.enqueue_dma source(%dma_start3A_728 : memref<1x32xf32, #tpu.memory_space<hbm>>) target(%dma_start3A_726 : memref<1x32xf32, #tpu.memory_space<vmem>>) target_semaphore(%arg9 : memref<!tpu.dma_semaphore, #tpu.memory_space<semaphore_mem>>)
      %slice3A_729 = vector.extract_strided_slice %get3A_473 {offsets = [15], sizes = [1], strides = [1]} : vector<16xi32> to vector<1xi32>
      %squeeze3A_730 = vector.extract %slice3A_729[0] : i32 from vector<1xi32>
      %mul3A_731 = arith.constant 16 : i32
      %mul3A_732 = arith.muli %mul3A_731, %scan3A_466 : i32
      %add3A_733 = arith.constant 15 : i32
      %add3A_734 = arith.addi %mul3A_732, %add3A_733 : i32
      %dma_start3A_735 = arith.constant 2 : i32
      %dma_start3A_736 = arith.constant 0 : i32
      %dma_start3A_737 = tpu.memref_slice %arg6[%dma_start3A_735, %add3A_734, %dma_start3A_736] : memref<4x200x32xf32, #tpu.memory_space<vmem>> -> memref<1x1x32xf32, #tpu.memory_space<vmem>>
      %dma_start3A_738 = tpu.memref_squeeze %dma_start3A_737 : memref<1x1x32xf32, #tpu.memory_space<vmem>> -> memref<1x32xf32, #tpu.memory_space<vmem>>
      %dma_start3A_739 = arith.constant 0 : i32
      %dma_start3A_740 = tpu.memref_slice %arg2[%squeeze3A_730, %dma_start3A_739] : memref<1000000x32xf32, #tpu.memory_space<hbm>> -> memref<1x32xf32, #tpu.memory_space<hbm>>
      %dma_start3A_741 = arith.constant 0 : i32
      %dma_start3A_742 = tpu.memref_slice %arg6[%dma_start3A_735, %add3A_734, %dma_start3A_741] : memref<4x200x32xf32, #tpu.memory_space<vmem>> -> memref<1x1x32xf32, #tpu.memory_space<vmem>>
      %dma_start3A_743 = tpu.memref_squeeze %dma_start3A_742 : memref<1x1x32xf32, #tpu.memory_space<vmem>> -> memref<1x32xf32, #tpu.memory_space<vmem>>
      %dma_start3A_744 = arith.constant 0 : i32
      %dma_start3A_745 = tpu.memref_slice %arg2[%squeeze3A_730, %dma_start3A_744] : memref<1000000x32xf32, #tpu.memory_space<hbm>> -> memref<1x32xf32, #tpu.memory_space<hbm>>
      tpu.enqueue_dma source(%dma_start3A_745 : memref<1x32xf32, #tpu.memory_space<hbm>>) target(%dma_start3A_743 : memref<1x32xf32, #tpu.memory_space<vmem>>) target_semaphore(%arg9 : memref<!tpu.dma_semaphore, #tpu.memory_space<semaphore_mem>>)
    }
    %scan3A_261 = arith.constant 12 : i32
    %get3A_262 = arith.constant 592 : index
    %get3A_263 = tpu.vector_load %arg5[%get3A_262] {strides = array<i32>} : memref<25616xi32, #tpu.memory_space<vmem>>, vector<16xi32>,
    %get3A_264 = vector.shape_cast %get3A_263 : vector<16xi32> to vector<16xi32>
    %slice3A_265 = vector.extract_strided_slice %get3A_264 {offsets = [0], sizes = [1], strides = [1]} : vector<16xi32> to vector<1xi32>
    %squeeze3A_266 = vector.extract %slice3A_265[0] : i32 from vector<1xi32>
    %dma_start3A_267 = arith.constant 2 : i32
    %dma_start3A_268 = arith.constant 192 : i32
    %dma_start3A_269 = arith.constant 0 : i32
    %dma_start3A_270 = tpu.memref_slice %arg6[%dma_start3A_267, %dma_start3A_268, %dma_start3A_269] : memref<4x200x32xf32, #tpu.memory_space<vmem>> -> memref<1x1x32xf32, #tpu.memory_space<vmem>>
    %dma_start3A_271 = tpu.memref_squeeze %dma_start3A_270 : memref<1x1x32xf32, #tpu.memory_space<vmem>> -> memref<1x32xf32, #tpu.memory_space<vmem>>
    %dma_start3A_272 = arith.constant 0 : i32
    %dma_start3A_273 = tpu.memref_slice %arg2[%squeeze3A_266, %dma_start3A_272] : memref<1000000x32xf32, #tpu.memory_space<hbm>> -> memref<1x32xf32, #tpu.memory_space<hbm>>
    %dma_start3A_274 = arith.constant 192 : i32
    %dma_start3A_275 = arith.constant 0 : i32
    %dma_start3A_276 = tpu.memref_slice %arg6[%dma_start3A_267, %dma_start3A_274, %dma_start3A_275] : memref<4x200x32xf32, #tpu.memory_space<vmem>> -> memref<1x1x32xf32, #tpu.memory_space<vmem>>
    %dma_start3A_277 = tpu.memref_squeeze %dma_start3A_276 : memref<1x1x32xf32, #tpu.memory_space<vmem>> -> memref<1x32xf32, #tpu.memory_space<vmem>>
    %dma_start3A_278 = arith.constant 0 : i32
    %dma_start3A_279 = tpu.memref_slice %arg2[%squeeze3A_266, %dma_start3A_278] : memref<1000000x32xf32, #tpu.memory_space<hbm>> -> memref<1x32xf32, #tpu.memory_space<hbm>>
    tpu.enqueue_dma source(%dma_start3A_279 : memref<1x32xf32, #tpu.memory_space<hbm>>) target(%dma_start3A_277 : memref<1x32xf32, #tpu.memory_space<vmem>>) target_semaphore(%arg9 : memref<!tpu.dma_semaphore, #tpu.memory_space<semaphore_mem>>)
    %slice3A_280 = vector.extract_strided_slice %get3A_264 {offsets = [1], sizes = [1], strides = [1]} : vector<16xi32> to vector<1xi32>
    %squeeze3A_281 = vector.extract %slice3A_280[0] : i32 from vector<1xi32>
    %dma_start3A_282 = arith.constant 2 : i32
    %dma_start3A_283 = arith.constant 193 : i32
    %dma_start3A_284 = arith.constant 0 : i32
    %dma_start3A_285 = tpu.memref_slice %arg6[%dma_start3A_282, %dma_start3A_283, %dma_start3A_284] : memref<4x200x32xf32, #tpu.memory_space<vmem>> -> memref<1x1x32xf32, #tpu.memory_space<vmem>>
    %dma_start3A_286 = tpu.memref_squeeze %dma_start3A_285 : memref<1x1x32xf32, #tpu.memory_space<vmem>> -> memref<1x32xf32, #tpu.memory_space<vmem>>
    %dma_start3A_287 = arith.constant 0 : i32
    %dma_start3A_288 = tpu.memref_slice %arg2[%squeeze3A_281, %dma_start3A_287] : memref<1000000x32xf32, #tpu.memory_space<hbm>> -> memref<1x32xf32, #tpu.memory_space<hbm>>
    %dma_start3A_289 = arith.constant 193 : i32
    %dma_start3A_290 = arith.constant 0 : i32
    %dma_start3A_291 = tpu.memref_slice %arg6[%dma_start3A_282, %dma_start3A_289, %dma_start3A_290] : memref<4x200x32xf32, #tpu.memory_space<vmem>> -> memref<1x1x32xf32, #tpu.memory_space<vmem>>
    %dma_start3A_292 = tpu.memref_squeeze %dma_start3A_291 : memref<1x1x32xf32, #tpu.memory_space<vmem>> -> memref<1x32xf32, #tpu.memory_space<vmem>>
    %dma_start3A_293 = arith.constant 0 : i32
    %dma_start3A_294 = tpu.memref_slice %arg2[%squeeze3A_281, %dma_start3A_293] : memref<1000000x32xf32, #tpu.memory_space<hbm>> -> memref<1x32xf32, #tpu.memory_space<hbm>>
    tpu.enqueue_dma source(%dma_start3A_294 : memref<1x32xf32, #tpu.memory_space<hbm>>) target(%dma_start3A_292 : memref<1x32xf32, #tpu.memory_space<vmem>>) target_semaphore(%arg9 : memref<!tpu.dma_semaphore, #tpu.memory_space<semaphore_mem>>)
    %slice3A_295 = vector.extract_strided_slice %get3A_264 {offsets = [2], sizes = [1], strides = [1]} : vector<16xi32> to vector<1xi32>
    %squeeze3A_296 = vector.extract %slice3A_295[0] : i32 from vector<1xi32>
    %dma_start3A_297 = arith.constant 2 : i32
    %dma_start3A_298 = arith.constant 194 : i32
    %dma_start3A_299 = arith.constant 0 : i32
    %dma_start3A_300 = tpu.memref_slice %arg6[%dma_start3A_297, %dma_start3A_298, %dma_start3A_299] : memref<4x200x32xf32, #tpu.memory_space<vmem>> -> memref<1x1x32xf32, #tpu.memory_space<vmem>>
    %dma_start3A_301 = tpu.memref_squeeze %dma_start3A_300 : memref<1x1x32xf32, #tpu.memory_space<vmem>> -> memref<1x32xf32, #tpu.memory_space<vmem>>
    %dma_start3A_302 = arith.constant 0 : i32
    %dma_start3A_303 = tpu.memref_slice %arg2[%squeeze3A_296, %dma_start3A_302] : memref<1000000x32xf32, #tpu.memory_space<hbm>> -> memref<1x32xf32, #tpu.memory_space<hbm>>
    %dma_start3A_304 = arith.constant 194 : i32
    %dma_start3A_305 = arith.constant 0 : i32
    %dma_start3A_306 = tpu.memref_slice %arg6[%dma_start3A_297, %dma_start3A_304, %dma_start3A_305] : memref<4x200x32xf32, #tpu.memory_space<vmem>> -> memref<1x1x32xf32, #tpu.memory_space<vmem>>
    %dma_start3A_307 = tpu.memref_squeeze %dma_start3A_306 : memref<1x1x32xf32, #tpu.memory_space<vmem>> -> memref<1x32xf32, #tpu.memory_space<vmem>>
    %dma_start3A_308 = arith.constant 0 : i32
    %dma_start3A_309 = tpu.memref_slice %arg2[%squeeze3A_296, %dma_start3A_308] : memref<1000000x32xf32, #tpu.memory_space<hbm>> -> memref<1x32xf32, #tpu.memory_space<hbm>>
    tpu.enqueue_dma source(%dma_start3A_309 : memref<1x32xf32, #tpu.memory_space<hbm>>) target(%dma_start3A_307 : memref<1x32xf32, #tpu.memory_space<vmem>>) target_semaphore(%arg9 : memref<!tpu.dma_semaphore, #tpu.memory_space<semaphore_mem>>)
    %slice3A_310 = vector.extract_strided_slice %get3A_264 {offsets = [3], sizes = [1], strides = [1]} : vector<16xi32> to vector<1xi32>
    %squeeze3A_311 = vector.extract %slice3A_310[0] : i32 from vector<1xi32>
    %dma_start3A_312 = arith.constant 2 : i32
    %dma_start3A_313 = arith.constant 195 : i32
    %dma_start3A_314 = arith.constant 0 : i32
    %dma_start3A_315 = tpu.memref_slice %arg6[%dma_start3A_312, %dma_start3A_313, %dma_start3A_314] : memref<4x200x32xf32, #tpu.memory_space<vmem>> -> memref<1x1x32xf32, #tpu.memory_space<vmem>>
    %dma_start3A_316 = tpu.memref_squeeze %dma_start3A_315 : memref<1x1x32xf32, #tpu.memory_space<vmem>> -> memref<1x32xf32, #tpu.memory_space<vmem>>
    %dma_start3A_317 = arith.constant 0 : i32
    %dma_start3A_318 = tpu.memref_slice %arg2[%squeeze3A_311, %dma_start3A_317] : memref<1000000x32xf32, #tpu.memory_space<hbm>> -> memref<1x32xf32, #tpu.memory_space<hbm>>
    %dma_start3A_319 = arith.constant 195 : i32
    %dma_start3A_320 = arith.constant 0 : i32
    %dma_start3A_321 = tpu.memref_slice %arg6[%dma_start3A_312, %dma_start3A_319, %dma_start3A_320] : memref<4x200x32xf32, #tpu.memory_space<vmem>> -> memref<1x1x32xf32, #tpu.memory_space<vmem>>
    %dma_start3A_322 = tpu.memref_squeeze %dma_start3A_321 : memref<1x1x32xf32, #tpu.memory_space<vmem>> -> memref<1x32xf32, #tpu.memory_space<vmem>>
    %dma_start3A_323 = arith.constant 0 : i32
    %dma_start3A_324 = tpu.memref_slice %arg2[%squeeze3A_311, %dma_start3A_323] : memref<1000000x32xf32, #tpu.memory_space<hbm>> -> memref<1x32xf32, #tpu.memory_space<hbm>>
    tpu.enqueue_dma source(%dma_start3A_324 : memref<1x32xf32, #tpu.memory_space<hbm>>) target(%dma_start3A_322 : memref<1x32xf32, #tpu.memory_space<vmem>>) target_semaphore(%arg9 : memref<!tpu.dma_semaphore, #tpu.memory_space<semaphore_mem>>)
    %slice3A_325 = vector.extract_strided_slice %get3A_264 {offsets = [4], sizes = [1], strides = [1]} : vector<16xi32> to vector<1xi32>
    %squeeze3A_326 = vector.extract %slice3A_325[0] : i32 from vector<1xi32>
    %dma_start3A_327 = arith.constant 2 : i32
    %dma_start3A_328 = arith.constant 196 : i32
    %dma_start3A_329 = arith.constant 0 : i32
    %dma_start3A_330 = tpu.memref_slice %arg6[%dma_start3A_327, %dma_start3A_328, %dma_start3A_329] : memref<4x200x32xf32, #tpu.memory_space<vmem>> -> memref<1x1x32xf32, #tpu.memory_space<vmem>>
    %dma_start3A_331 = tpu.memref_squeeze %dma_start3A_330 : memref<1x1x32xf32, #tpu.memory_space<vmem>> -> memref<1x32xf32, #tpu.memory_space<vmem>>
    %dma_start3A_332 = arith.constant 0 : i32
    %dma_start3A_333 = tpu.memref_slice %arg2[%squeeze3A_326, %dma_start3A_332] : memref<1000000x32xf32, #tpu.memory_space<hbm>> -> memref<1x32xf32, #tpu.memory_space<hbm>>
    %dma_start3A_334 = arith.constant 196 : i32
    %dma_start3A_335 = arith.constant 0 : i32
    %dma_start3A_336 = tpu.memref_slice %arg6[%dma_start3A_327, %dma_start3A_334, %dma_start3A_335] : memref<4x200x32xf32, #tpu.memory_space<vmem>> -> memref<1x1x32xf32, #tpu.memory_space<vmem>>
    %dma_start3A_337 = tpu.memref_squeeze %dma_start3A_336 : memref<1x1x32xf32, #tpu.memory_space<vmem>> -> memref<1x32xf32, #tpu.memory_space<vmem>>
    %dma_start3A_338 = arith.constant 0 : i32
    %dma_start3A_339 = tpu.memref_slice %arg2[%squeeze3A_326, %dma_start3A_338] : memref<1000000x32xf32, #tpu.memory_space<hbm>> -> memref<1x32xf32, #tpu.memory_space<hbm>>
    tpu.enqueue_dma source(%dma_start3A_339 : memref<1x32xf32, #tpu.memory_space<hbm>>) target(%dma_start3A_337 : memref<1x32xf32, #tpu.memory_space<vmem>>) target_semaphore(%arg9 : memref<!tpu.dma_semaphore, #tpu.memory_space<semaphore_mem>>)
    %slice3A_340 = vector.extract_strided_slice %get3A_264 {offsets = [5], sizes = [1], strides = [1]} : vector<16xi32> to vector<1xi32>
    %squeeze3A_341 = vector.extract %slice3A_340[0] : i32 from vector<1xi32>
    %dma_start3A_342 = arith.constant 2 : i32
    %dma_start3A_343 = arith.constant 197 : i32
    %dma_start3A_344 = arith.constant 0 : i32
    %dma_start3A_345 = tpu.memref_slice %arg6[%dma_start3A_342, %dma_start3A_343, %dma_start3A_344] : memref<4x200x32xf32, #tpu.memory_space<vmem>> -> memref<1x1x32xf32, #tpu.memory_space<vmem>>
    %dma_start3A_346 = tpu.memref_squeeze %dma_start3A_345 : memref<1x1x32xf32, #tpu.memory_space<vmem>> -> memref<1x32xf32, #tpu.memory_space<vmem>>
    %dma_start3A_347 = arith.constant 0 : i32
    %dma_start3A_348 = tpu.memref_slice %arg2[%squeeze3A_341, %dma_start3A_347] : memref<1000000x32xf32, #tpu.memory_space<hbm>> -> memref<1x32xf32, #tpu.memory_space<hbm>>
    %dma_start3A_349 = arith.constant 197 : i32
    %dma_start3A_350 = arith.constant 0 : i32
    %dma_start3A_351 = tpu.memref_slice %arg6[%dma_start3A_342, %dma_start3A_349, %dma_start3A_350] : memref<4x200x32xf32, #tpu.memory_space<vmem>> -> memref<1x1x32xf32, #tpu.memory_space<vmem>>
    %dma_start3A_352 = tpu.memref_squeeze %dma_start3A_351 : memref<1x1x32xf32, #tpu.memory_space<vmem>> -> memref<1x32xf32, #tpu.memory_space<vmem>>
    %dma_start3A_353 = arith.constant 0 : i32
    %dma_start3A_354 = tpu.memref_slice %arg2[%squeeze3A_341, %dma_start3A_353] : memref<1000000x32xf32, #tpu.memory_space<hbm>> -> memref<1x32xf32, #tpu.memory_space<hbm>>
    tpu.enqueue_dma source(%dma_start3A_354 : memref<1x32xf32, #tpu.memory_space<hbm>>) target(%dma_start3A_352 : memref<1x32xf32, #tpu.memory_space<vmem>>) target_semaphore(%arg9 : memref<!tpu.dma_semaphore, #tpu.memory_space<semaphore_mem>>)
    %slice3A_355 = vector.extract_strided_slice %get3A_264 {offsets = [6], sizes = [1], strides = [1]} : vector<16xi32> to vector<1xi32>
    %squeeze3A_356 = vector.extract %slice3A_355[0] : i32 from vector<1xi32>
    %dma_start3A_357 = arith.constant 2 : i32
    %dma_start3A_358 = arith.constant 198 : i32
    %dma_start3A_359 = arith.constant 0 : i32
    %dma_start3A_360 = tpu.memref_slice %arg6[%dma_start3A_357, %dma_start3A_358, %dma_start3A_359] : memref<4x200x32xf32, #tpu.memory_space<vmem>> -> memref<1x1x32xf32, #tpu.memory_space<vmem>>
    %dma_start3A_361 = tpu.memref_squeeze %dma_start3A_360 : memref<1x1x32xf32, #tpu.memory_space<vmem>> -> memref<1x32xf32, #tpu.memory_space<vmem>>
    %dma_start3A_362 = arith.constant 0 : i32
    %dma_start3A_363 = tpu.memref_slice %arg2[%squeeze3A_356, %dma_start3A_362] : memref<1000000x32xf32, #tpu.memory_space<hbm>> -> memref<1x32xf32, #tpu.memory_space<hbm>>
    %dma_start3A_364 = arith.constant 198 : i32
    %dma_start3A_365 = arith.constant 0 : i32
    %dma_start3A_366 = tpu.memref_slice %arg6[%dma_start3A_357, %dma_start3A_364, %dma_start3A_365] : memref<4x200x32xf32, #tpu.memory_space<vmem>> -> memref<1x1x32xf32, #tpu.memory_space<vmem>>
    %dma_start3A_367 = tpu.memref_squeeze %dma_start3A_366 : memref<1x1x32xf32, #tpu.memory_space<vmem>> -> memref<1x32xf32, #tpu.memory_space<vmem>>
    %dma_start3A_368 = arith.constant 0 : i32
    %dma_start3A_369 = tpu.memref_slice %arg2[%squeeze3A_356, %dma_start3A_368] : memref<1000000x32xf32, #tpu.memory_space<hbm>> -> memref<1x32xf32, #tpu.memory_space<hbm>>
    tpu.enqueue_dma source(%dma_start3A_369 : memref<1x32xf32, #tpu.memory_space<hbm>>) target(%dma_start3A_367 : memref<1x32xf32, #tpu.memory_space<vmem>>) target_semaphore(%arg9 : memref<!tpu.dma_semaphore, #tpu.memory_space<semaphore_mem>>)
    %slice3A_370 = vector.extract_strided_slice %get3A_264 {offsets = [7], sizes = [1], strides = [1]} : vector<16xi32> to vector<1xi32>
    %squeeze3A_371 = vector.extract %slice3A_370[0] : i32 from vector<1xi32>
    %dma_start3A_372 = arith.constant 2 : i32
    %dma_start3A_373 = arith.constant 199 : i32
    %dma_start3A_374 = arith.constant 0 : i32
    %dma_start3A_375 = tpu.memref_slice %arg6[%dma_start3A_372, %dma_start3A_373, %dma_start3A_374] : memref<4x200x32xf32, #tpu.memory_space<vmem>> -> memref<1x1x32xf32, #tpu.memory_space<vmem>>
    %dma_start3A_376 = tpu.memref_squeeze %dma_start3A_375 : memref<1x1x32xf32, #tpu.memory_space<vmem>> -> memref<1x32xf32, #tpu.memory_space<vmem>>
    %dma_start3A_377 = arith.constant 0 : i32
    %dma_start3A_378 = tpu.memref_slice %arg2[%squeeze3A_371, %dma_start3A_377] : memref<1000000x32xf32, #tpu.memory_space<hbm>> -> memref<1x32xf32, #tpu.memory_space<hbm>>
    %dma_start3A_379 = arith.constant 199 : i32
    %dma_start3A_380 = arith.constant 0 : i32
    %dma_start3A_381 = tpu.memref_slice %arg6[%dma_start3A_372, %dma_start3A_379, %dma_start3A_380] : memref<4x200x32xf32, #tpu.memory_space<vmem>> -> memref<1x1x32xf32, #tpu.memory_space<vmem>>
    %dma_start3A_382 = tpu.memref_squeeze %dma_start3A_381 : memref<1x1x32xf32, #tpu.memory_space<vmem>> -> memref<1x32xf32, #tpu.memory_space<vmem>>
    %dma_start3A_383 = arith.constant 0 : i32
    %dma_start3A_384 = tpu.memref_slice %arg2[%squeeze3A_371, %dma_start3A_383] : memref<1000000x32xf32, #tpu.memory_space<hbm>> -> memref<1x32xf32, #tpu.memory_space<hbm>>
    tpu.enqueue_dma source(%dma_start3A_384 : memref<1x32xf32, #tpu.memory_space<hbm>>) target(%dma_start3A_382 : memref<1x32xf32, #tpu.memory_space<vmem>>) target_semaphore(%arg9 : memref<!tpu.dma_semaphore, #tpu.memory_space<semaphore_mem>>)
    %scan3A_385 = arith.constant 0 : i32
    %scan3A_386 = arith.constant 0 : i32
    %scan3A_387 = arith.constant 32 : i32
    %scan3A_388 = arith.addi %scan3A_386, %scan3A_387 : i32
    %scan3A_389 = arith.constant 1 : i32
    scf.for %scan3A_466 = %scan3A_386 to %scan3A_388 step %scan3A_389  : i32 {
      %mul3A_467 = arith.constant 4 : i32
      %mul3A_468 = arith.muli %scan3A_466, %mul3A_467 : i32
      %add3A_469 = arith.constant 0 : i32
      %add3A_470 = arith.addi %mul3A_468, %add3A_469 : i32
      %add3A_471 = arith.constant 3 : i32
      %add3A_472 = arith.addi %add3A_470, %add3A_471 : i32
      %lt3A = arith.constant 128 : i32
      %lt3A_473 = arith.cmpi slt, %add3A_472, %lt3A : i32
      %convert_element_type3A = arith.extui %lt3A_473 : i1 to i32
      %cond3A = arith.constant 0 : i32
      %cond3A_474 = arith.cmpi ne, %convert_element_type3A, %cond3A : i32
      scf.if %cond3A_474 {
        %ge3A = arith.constant 4 : i32
        %ge3A_648 = arith.cmpi sge, %add3A_472, %ge3A : i32
        %convert_element_type3A_649 = arith.extui %ge3A_648 : i1 to i32
        %cond3A_650 = arith.constant 0 : i32
        %cond3A_651 = arith.cmpi ne, %convert_element_type3A_649, %cond3A_650 : i32
        scf.if %cond3A_651 {
          %mul3A_785 = arith.constant 128 : i32
          %mul3A_786 = arith.muli %add3A, %mul3A_785 : i32
          %dma_wait3A_787 = arith.constant 3 : i32
          %dma_wait3A_788 = arith.constant 0 : i32
          %dma_wait3A_789 = arith.constant 0 : i32
          %dma_wait3A_790 = tpu.memref_slice %arg6[%dma_wait3A_787, %dma_wait3A_788, %dma_wait3A_789] : memref<4x200x32xf32, #tpu.memory_space<vmem>> -> memref<1x200x32xf32, #tpu.memory_space<vmem>>
          %dma_wait3A_791 = tpu.memref_squeeze %dma_wait3A_790 : memref<1x200x32xf32, #tpu.memory_space<vmem>> -> memref<200x32xf32, #tpu.memory_space<vmem>>
          %dma_wait3A_792 = arith.constant 0 : i32
          %dma_wait3A_793 = arith.constant 0 : i32
          %dma_wait3A_794 = tpu.memref_slice %arg4[%mul3A_786, %dma_wait3A_792, %dma_wait3A_793] : memref<4096x200x32xf32, #tpu.memory_space<hbm>> -> memref<1x200x32xf32, #tpu.memory_space<hbm>>
          %dma_wait3A_795 = tpu.memref_squeeze %dma_wait3A_794 : memref<1x200x32xf32, #tpu.memory_space<hbm>> -> memref<200x32xf32, #tpu.memory_space<hbm>>
          %dma_wait3A_796 = arith.constant 0 : i32
          %dma_wait3A_797 = arith.constant 0 : i32
          %dma_wait3A_798 = tpu.memref_slice %arg4[%mul3A_786, %dma_wait3A_796, %dma_wait3A_797] : memref<4096x200x32xf32, #tpu.memory_space<hbm>> -> memref<1x200x32xf32, #tpu.memory_space<hbm>>
          %dma_wait3A_799 = tpu.memref_squeeze %dma_wait3A_798 : memref<1x200x32xf32, #tpu.memory_space<hbm>> -> memref<200x32xf32, #tpu.memory_space<hbm>>
          %dma_wait3A_800 = arith.constant 0 : i32
          %dma_wait3A_801 = arith.constant 0 : i32
          %dma_wait3A_802 = tpu.memref_slice %arg6[%dma_wait3A_787, %dma_wait3A_800, %dma_wait3A_801] : memref<4x200x32xf32, #tpu.memory_space<vmem>> -> memref<1x200x32xf32, #tpu.memory_space<vmem>>
          %dma_wait3A_803 = tpu.memref_squeeze %dma_wait3A_802 : memref<1x200x32xf32, #tpu.memory_space<vmem>> -> memref<200x32xf32, #tpu.memory_space<vmem>>
          tpu.wait_dma2 semaphore(%arg14 : memref<!tpu.dma_semaphore, #tpu.memory_space<semaphore_mem>>) src(%dma_wait3A_803 : memref<200x32xf32, #tpu.memory_space<vmem>>) dst(%dma_wait3A_799 : memref<200x32xf32, #tpu.memory_space<hbm>>)
        } else {
        }
        %scan3A_652 = arith.constant 0 : i32
        %scan3A_653 = arith.constant 0 : i32
        %scan3A_654 = arith.constant 12 : i32
        %scan3A_655 = arith.addi %scan3A_653, %scan3A_654 : i32
        %scan3A_656 = arith.constant 1 : i32
        scf.for %scan3A_785 = %scan3A_653 to %scan3A_655 step %scan3A_656  : i32 {
          %mul3A_786 = arith.constant 200 : i32
          %mul3A_787 = arith.muli %mul3A_786, %add3A_472 : i32
          %mul3A_788 = arith.constant 16 : i32
          %mul3A_789 = arith.muli %mul3A_788, %scan3A_785 : i32
          %add3A_790 = arith.addi %mul3A_787, %mul3A_789 : i32
          %get3A_791 = arith.index_cast %add3A_790 : i32 to index
          %get3A_792 = tpu.vector_load %arg5[%get3A_791] {strides = array<i32>} : memref<25616xi32, #tpu.memory_space<vmem>>, vector<16xi32>,
          %get3A_793 = vector.shape_cast %get3A_792 : vector<16xi32> to vector<16xi32>
          %slice3A_794 = vector.extract_strided_slice %get3A_793 {offsets = [0], sizes = [1], strides = [1]} : vector<16xi32> to vector<1xi32>
          %squeeze3A_795 = vector.extract %slice3A_794[0] : i32 from vector<1xi32>
          %mul3A_796 = arith.constant 16 : i32
          %mul3A_797 = arith.muli %mul3A_796, %scan3A_785 : i32
          %add3A_798 = arith.constant 0 : i32
          %add3A_799 = arith.addi %mul3A_797, %add3A_798 : i32
          %dma_start3A_800 = arith.constant 3 : i32
          %dma_start3A_801 = arith.constant 0 : i32
          %dma_start3A_802 = tpu.memref_slice %arg6[%dma_start3A_800, %add3A_799, %dma_start3A_801] : memref<4x200x32xf32, #tpu.memory_space<vmem>> -> memref<1x1x32xf32, #tpu.memory_space<vmem>>
          %dma_start3A_803 = tpu.memref_squeeze %dma_start3A_802 : memref<1x1x32xf32, #tpu.memory_space<vmem>> -> memref<1x32xf32, #tpu.memory_space<vmem>>
          %dma_start3A_804 = arith.constant 0 : i32
          %dma_start3A_805 = tpu.memref_slice %arg2[%squeeze3A_795, %dma_start3A_804] : memref<1000000x32xf32, #tpu.memory_space<hbm>> -> memref<1x32xf32, #tpu.memory_space<hbm>>
          %dma_start3A_806 = arith.constant 0 : i32
          %dma_start3A_807 = tpu.memref_slice %arg6[%dma_start3A_800, %add3A_799, %dma_start3A_806] : memref<4x200x32xf32, #tpu.memory_space<vmem>> -> memref<1x1x32xf32, #tpu.memory_space<vmem>>
          %dma_start3A_808 = tpu.memref_squeeze %dma_start3A_807 : memref<1x1x32xf32, #tpu.memory_space<vmem>> -> memref<1x32xf32, #tpu.memory_space<vmem>>
          %dma_start3A_809 = arith.constant 0 : i32
          %dma_start3A_810 = tpu.memref_slice %arg2[%squeeze3A_795, %dma_start3A_809] : memref<1000000x32xf32, #tpu.memory_space<hbm>> -> memref<1x32xf32, #tpu.memory_space<hbm>>
          tpu.enqueue_dma source(%dma_start3A_810 : memref<1x32xf32, #tpu.memory_space<hbm>>) target(%dma_start3A_808 : memref<1x32xf32, #tpu.memory_space<vmem>>) target_semaphore(%arg10 : memref<!tpu.dma_semaphore, #tpu.memory_space<semaphore_mem>>)
          %slice3A_811 = vector.extract_strided_slice %get3A_793 {offsets = [1], sizes = [1], strides = [1]} : vector<16xi32> to vector<1xi32>
          %squeeze3A_812 = vector.extract %slice3A_811[0] : i32 from vector<1xi32>
          %mul3A_813 = arith.constant 16 : i32
          %mul3A_814 = arith.muli %mul3A_813, %scan3A_785 : i32
          %add3A_815 = arith.constant 1 : i32
          %add3A_816 = arith.addi %mul3A_814, %add3A_815 : i32
          %dma_start3A_817 = arith.constant 3 : i32
          %dma_start3A_818 = arith.constant 0 : i32
          %dma_start3A_819 = tpu.memref_slice %arg6[%dma_start3A_817, %add3A_816, %dma_start3A_818] : memref<4x200x32xf32, #tpu.memory_space<vmem>> -> memref<1x1x32xf32, #tpu.memory_space<vmem>>
          %dma_start3A_820 = tpu.memref_squeeze %dma_start3A_819 : memref<1x1x32xf32, #tpu.memory_space<vmem>> -> memref<1x32xf32, #tpu.memory_space<vmem>>
          %dma_start3A_821 = arith.constant 0 : i32
          %dma_start3A_822 = tpu.memref_slice %arg2[%squeeze3A_812, %dma_start3A_821] : memref<1000000x32xf32, #tpu.memory_space<hbm>> -> memref<1x32xf32, #tpu.memory_space<hbm>>
          %dma_start3A_823 = arith.constant 0 : i32
          %dma_start3A_824 = tpu.memref_slice %arg6[%dma_start3A_817, %add3A_816, %dma_start3A_823] : memref<4x200x32xf32, #tpu.memory_space<vmem>> -> memref<1x1x32xf32, #tpu.memory_space<vmem>>
          %dma_start3A_825 = tpu.memref_squeeze %dma_start3A_824 : memref<1x1x32xf32, #tpu.memory_space<vmem>> -> memref<1x32xf32, #tpu.memory_space<vmem>>
          %dma_start3A_826 = arith.constant 0 : i32
          %dma_start3A_827 = tpu.memref_slice %arg2[%squeeze3A_812, %dma_start3A_826] : memref<1000000x32xf32, #tpu.memory_space<hbm>> -> memref<1x32xf32, #tpu.memory_space<hbm>>
          tpu.enqueue_dma source(%dma_start3A_827 : memref<1x32xf32, #tpu.memory_space<hbm>>) target(%dma_start3A_825 : memref<1x32xf32, #tpu.memory_space<vmem>>) target_semaphore(%arg10 : memref<!tpu.dma_semaphore, #tpu.memory_space<semaphore_mem>>)
          %slice3A_828 = vector.extract_strided_slice %get3A_793 {offsets = [2], sizes = [1], strides = [1]} : vector<16xi32> to vector<1xi32>
          %squeeze3A_829 = vector.extract %slice3A_828[0] : i32 from vector<1xi32>
          %mul3A_830 = arith.constant 16 : i32
          %mul3A_831 = arith.muli %mul3A_830, %scan3A_785 : i32
          %add3A_832 = arith.constant 2 : i32
          %add3A_833 = arith.addi %mul3A_831, %add3A_832 : i32
          %dma_start3A_834 = arith.constant 3 : i32
          %dma_start3A_835 = arith.constant 0 : i32
          %dma_start3A_836 = tpu.memref_slice %arg6[%dma_start3A_834, %add3A_833, %dma_start3A_835] : memref<4x200x32xf32, #tpu.memory_space<vmem>> -> memref<1x1x32xf32, #tpu.memory_space<vmem>>
          %dma_start3A_837 = tpu.memref_squeeze %dma_start3A_836 : memref<1x1x32xf32, #tpu.memory_space<vmem>> -> memref<1x32xf32, #tpu.memory_space<vmem>>
          %dma_start3A_838 = arith.constant 0 : i32
          %dma_start3A_839 = tpu.memref_slice %arg2[%squeeze3A_829, %dma_start3A_838] : memref<1000000x32xf32, #tpu.memory_space<hbm>> -> memref<1x32xf32, #tpu.memory_space<hbm>>
          %dma_start3A_840 = arith.constant 0 : i32
          %dma_start3A_841 = tpu.memref_slice %arg6[%dma_start3A_834, %add3A_833, %dma_start3A_840] : memref<4x200x32xf32, #tpu.memory_space<vmem>> -> memref<1x1x32xf32, #tpu.memory_space<vmem>>
          %dma_start3A_842 = tpu.memref_squeeze %dma_start3A_841 : memref<1x1x32xf32, #tpu.memory_space<vmem>> -> memref<1x32xf32, #tpu.memory_space<vmem>>
          %dma_start3A_843 = arith.constant 0 : i32
          %dma_start3A_844 = tpu.memref_slice %arg2[%squeeze3A_829, %dma_start3A_843] : memref<1000000x32xf32, #tpu.memory_space<hbm>> -> memref<1x32xf32, #tpu.memory_space<hbm>>
          tpu.enqueue_dma source(%dma_start3A_844 : memref<1x32xf32, #tpu.memory_space<hbm>>) target(%dma_start3A_842 : memref<1x32xf32, #tpu.memory_space<vmem>>) target_semaphore(%arg10 : memref<!tpu.dma_semaphore, #tpu.memory_space<semaphore_mem>>)
          %slice3A_845 = vector.extract_strided_slice %get3A_793 {offsets = [3], sizes = [1], strides = [1]} : vector<16xi32> to vector<1xi32>
          %squeeze3A_846 = vector.extract %slice3A_845[0] : i32 from vector<1xi32>
          %mul3A_847 = arith.constant 16 : i32
          %mul3A_848 = arith.muli %mul3A_847, %scan3A_785 : i32
          %add3A_849 = arith.constant 3 : i32
          %add3A_850 = arith.addi %mul3A_848, %add3A_849 : i32
          %dma_start3A_851 = arith.constant 3 : i32
          %dma_start3A_852 = arith.constant 0 : i32
          %dma_start3A_853 = tpu.memref_slice %arg6[%dma_start3A_851, %add3A_850, %dma_start3A_852] : memref<4x200x32xf32, #tpu.memory_space<vmem>> -> memref<1x1x32xf32, #tpu.memory_space<vmem>>
          %dma_start3A_854 = tpu.memref_squeeze %dma_start3A_853 : memref<1x1x32xf32, #tpu.memory_space<vmem>> -> memref<1x32xf32, #tpu.memory_space<vmem>>
          %dma_start3A_855 = arith.constant 0 : i32
          %dma_start3A_856 = tpu.memref_slice %arg2[%squeeze3A_846, %dma_start3A_855] : memref<1000000x32xf32, #tpu.memory_space<hbm>> -> memref<1x32xf32, #tpu.memory_space<hbm>>
          %dma_start3A_857 = arith.constant 0 : i32
          %dma_start3A_858 = tpu.memref_slice %arg6[%dma_start3A_851, %add3A_850, %dma_start3A_857] : memref<4x200x32xf32, #tpu.memory_space<vmem>> -> memref<1x1x32xf32, #tpu.memory_space<vmem>>
          %dma_start3A_859 = tpu.memref_squeeze %dma_start3A_858 : memref<1x1x32xf32, #tpu.memory_space<vmem>> -> memref<1x32xf32, #tpu.memory_space<vmem>>
          %dma_start3A_860 = arith.constant 0 : i32
          %dma_start3A_861 = tpu.memref_slice %arg2[%squeeze3A_846, %dma_start3A_860] : memref<1000000x32xf32, #tpu.memory_space<hbm>> -> memref<1x32xf32, #tpu.memory_space<hbm>>
          tpu.enqueue_dma source(%dma_start3A_861 : memref<1x32xf32, #tpu.memory_space<hbm>>) target(%dma_start3A_859 : memref<1x32xf32, #tpu.memory_space<vmem>>) target_semaphore(%arg10 : memref<!tpu.dma_semaphore, #tpu.memory_space<semaphore_mem>>)
          %slice3A_862 = vector.extract_strided_slice %get3A_793 {offsets = [4], sizes = [1], strides = [1]} : vector<16xi32> to vector<1xi32>
          %squeeze3A_863 = vector.extract %slice3A_862[0] : i32 from vector<1xi32>
          %mul3A_864 = arith.constant 16 : i32
          %mul3A_865 = arith.muli %mul3A_864, %scan3A_785 : i32
          %add3A_866 = arith.constant 4 : i32
          %add3A_867 = arith.addi %mul3A_865, %add3A_866 : i32
          %dma_start3A_868 = arith.constant 3 : i32
          %dma_start3A_869 = arith.constant 0 : i32
          %dma_start3A_870 = tpu.memref_slice %arg6[%dma_start3A_868, %add3A_867, %dma_start3A_869] : memref<4x200x32xf32, #tpu.memory_space<vmem>> -> memref<1x1x32xf32, #tpu.memory_space<vmem>>
          %dma_start3A_871 = tpu.memref_squeeze %dma_start3A_870 : memref<1x1x32xf32, #tpu.memory_space<vmem>> -> memref<1x32xf32, #tpu.memory_space<vmem>>
          %dma_start3A_872 = arith.constant 0 : i32
          %dma_start3A_873 = tpu.memref_slice %arg2[%squeeze3A_863, %dma_start3A_872] : memref<1000000x32xf32, #tpu.memory_space<hbm>> -> memref<1x32xf32, #tpu.memory_space<hbm>>
          %dma_start3A_874 = arith.constant 0 : i32
          %dma_start3A_875 = tpu.memref_slice %arg6[%dma_start3A_868, %add3A_867, %dma_start3A_874] : memref<4x200x32xf32, #tpu.memory_space<vmem>> -> memref<1x1x32xf32, #tpu.memory_space<vmem>>
          %dma_start3A_876 = tpu.memref_squeeze %dma_start3A_875 : memref<1x1x32xf32, #tpu.memory_space<vmem>> -> memref<1x32xf32, #tpu.memory_space<vmem>>
          %dma_start3A_877 = arith.constant 0 : i32
          %dma_start3A_878 = tpu.memref_slice %arg2[%squeeze3A_863, %dma_start3A_877] : memref<1000000x32xf32, #tpu.memory_space<hbm>> -> memref<1x32xf32, #tpu.memory_space<hbm>>
          tpu.enqueue_dma source(%dma_start3A_878 : memref<1x32xf32, #tpu.memory_space<hbm>>) target(%dma_start3A_876 : memref<1x32xf32, #tpu.memory_space<vmem>>) target_semaphore(%arg10 : memref<!tpu.dma_semaphore, #tpu.memory_space<semaphore_mem>>)
          %slice3A_879 = vector.extract_strided_slice %get3A_793 {offsets = [5], sizes = [1], strides = [1]} : vector<16xi32> to vector<1xi32>
          %squeeze3A_880 = vector.extract %slice3A_879[0] : i32 from vector<1xi32>
          %mul3A_881 = arith.constant 16 : i32
          %mul3A_882 = arith.muli %mul3A_881, %scan3A_785 : i32
          %add3A_883 = arith.constant 5 : i32
          %add3A_884 = arith.addi %mul3A_882, %add3A_883 : i32
          %dma_start3A_885 = arith.constant 3 : i32
          %dma_start3A_886 = arith.constant 0 : i32
          %dma_start3A_887 = tpu.memref_slice %arg6[%dma_start3A_885, %add3A_884, %dma_start3A_886] : memref<4x200x32xf32, #tpu.memory_space<vmem>> -> memref<1x1x32xf32, #tpu.memory_space<vmem>>
          %dma_start3A_888 = tpu.memref_squeeze %dma_start3A_887 : memref<1x1x32xf32, #tpu.memory_space<vmem>> -> memref<1x32xf32, #tpu.memory_space<vmem>>
          %dma_start3A_889 = arith.constant 0 : i32
          %dma_start3A_890 = tpu.memref_slice %arg2[%squeeze3A_880, %dma_start3A_889] : memref<1000000x32xf32, #tpu.memory_space<hbm>> -> memref<1x32xf32, #tpu.memory_space<hbm>>
          %dma_start3A_891 = arith.constant 0 : i32
          %dma_start3A_892 = tpu.memref_slice %arg6[%dma_start3A_885, %add3A_884, %dma_start3A_891] : memref<4x200x32xf32, #tpu.memory_space<vmem>> -> memref<1x1x32xf32, #tpu.memory_space<vmem>>
          %dma_start3A_893 = tpu.memref_squeeze %dma_start3A_892 : memref<1x1x32xf32, #tpu.memory_space<vmem>> -> memref<1x32xf32, #tpu.memory_space<vmem>>
          %dma_start3A_894 = arith.constant 0 : i32
          %dma_start3A_895 = tpu.memref_slice %arg2[%squeeze3A_880, %dma_start3A_894] : memref<1000000x32xf32, #tpu.memory_space<hbm>> -> memref<1x32xf32, #tpu.memory_space<hbm>>
          tpu.enqueue_dma source(%dma_start3A_895 : memref<1x32xf32, #tpu.memory_space<hbm>>) target(%dma_start3A_893 : memref<1x32xf32, #tpu.memory_space<vmem>>) target_semaphore(%arg10 : memref<!tpu.dma_semaphore, #tpu.memory_space<semaphore_mem>>)
          %slice3A_896 = vector.extract_strided_slice %get3A_793 {offsets = [6], sizes = [1], strides = [1]} : vector<16xi32> to vector<1xi32>
          %squeeze3A_897 = vector.extract %slice3A_896[0] : i32 from vector<1xi32>
          %mul3A_898 = arith.constant 16 : i32
          %mul3A_899 = arith.muli %mul3A_898, %scan3A_785 : i32
          %add3A_900 = arith.constant 6 : i32
          %add3A_901 = arith.addi %mul3A_899, %add3A_900 : i32
          %dma_start3A_902 = arith.constant 3 : i32
          %dma_start3A_903 = arith.constant 0 : i32
          %dma_start3A_904 = tpu.memref_slice %arg6[%dma_start3A_902, %add3A_901, %dma_start3A_903] : memref<4x200x32xf32, #tpu.memory_space<vmem>> -> memref<1x1x32xf32, #tpu.memory_space<vmem>>
          %dma_start3A_905 = tpu.memref_squeeze %dma_start3A_904 : memref<1x1x32xf32, #tpu.memory_space<vmem>> -> memref<1x32xf32, #tpu.memory_space<vmem>>
          %dma_start3A_906 = arith.constant 0 : i32
          %dma_start3A_907 = tpu.memref_slice %arg2[%squeeze3A_897, %dma_start3A_906] : memref<1000000x32xf32, #tpu.memory_space<hbm>> -> memref<1x32xf32, #tpu.memory_space<hbm>>
          %dma_start3A_908 = arith.constant 0 : i32
          %dma_start3A_909 = tpu.memref_slice %arg6[%dma_start3A_902, %add3A_901, %dma_start3A_908] : memref<4x200x32xf32, #tpu.memory_space<vmem>> -> memref<1x1x32xf32, #tpu.memory_space<vmem>>
          %dma_start3A_910 = tpu.memref_squeeze %dma_start3A_909 : memref<1x1x32xf32, #tpu.memory_space<vmem>> -> memref<1x32xf32, #tpu.memory_space<vmem>>
          %dma_start3A_911 = arith.constant 0 : i32
          %dma_start3A_912 = tpu.memref_slice %arg2[%squeeze3A_897, %dma_start3A_911] : memref<1000000x32xf32, #tpu.memory_space<hbm>> -> memref<1x32xf32, #tpu.memory_space<hbm>>
          tpu.enqueue_dma source(%dma_start3A_912 : memref<1x32xf32, #tpu.memory_space<hbm>>) target(%dma_start3A_910 : memref<1x32xf32, #tpu.memory_space<vmem>>) target_semaphore(%arg10 : memref<!tpu.dma_semaphore, #tpu.memory_space<semaphore_mem>>)
          %slice3A_913 = vector.extract_strided_slice %get3A_793 {offsets = [7], sizes = [1], strides = [1]} : vector<16xi32> to vector<1xi32>
          %squeeze3A_914 = vector.extract %slice3A_913[0] : i32 from vector<1xi32>
          %mul3A_915 = arith.constant 16 : i32
          %mul3A_916 = arith.muli %mul3A_915, %scan3A_785 : i32
          %add3A_917 = arith.constant 7 : i32
          %add3A_918 = arith.addi %mul3A_916, %add3A_917 : i32
          %dma_start3A_919 = arith.constant 3 : i32
          %dma_start3A_920 = arith.constant 0 : i32
          %dma_start3A_921 = tpu.memref_slice %arg6[%dma_start3A_919, %add3A_918, %dma_start3A_920] : memref<4x200x32xf32, #tpu.memory_space<vmem>> -> memref<1x1x32xf32, #tpu.memory_space<vmem>>
          %dma_start3A_922 = tpu.memref_squeeze %dma_start3A_921 : memref<1x1x32xf32, #tpu.memory_space<vmem>> -> memref<1x32xf32, #tpu.memory_space<vmem>>
          %dma_start3A_923 = arith.constant 0 : i32
          %dma_start3A_924 = tpu.memref_slice %arg2[%squeeze3A_914, %dma_start3A_923] : memref<1000000x32xf32, #tpu.memory_space<hbm>> -> memref<1x32xf32, #tpu.memory_space<hbm>>
          %dma_start3A_925 = arith.constant 0 : i32
          %dma_start3A_926 = tpu.memref_slice %arg6[%dma_start3A_919, %add3A_918, %dma_start3A_925] : memref<4x200x32xf32, #tpu.memory_space<vmem>> -> memref<1x1x32xf32, #tpu.memory_space<vmem>>
          %dma_start3A_927 = tpu.memref_squeeze %dma_start3A_926 : memref<1x1x32xf32, #tpu.memory_space<vmem>> -> memref<1x32xf32, #tpu.memory_space<vmem>>
          %dma_start3A_928 = arith.constant 0 : i32
          %dma_start3A_929 = tpu.memref_slice %arg2[%squeeze3A_914, %dma_start3A_928] : memref<1000000x32xf32, #tpu.memory_space<hbm>> -> memref<1x32xf32, #tpu.memory_space<hbm>>
          tpu.enqueue_dma source(%dma_start3A_929 : memref<1x32xf32, #tpu.memory_space<hbm>>) target(%dma_start3A_927 : memref<1x32xf32, #tpu.memory_space<vmem>>) target_semaphore(%arg10 : memref<!tpu.dma_semaphore, #tpu.memory_space<semaphore_mem>>)
          %slice3A_930 = vector.extract_strided_slice %get3A_793 {offsets = [8], sizes = [1], strides = [1]} : vector<16xi32> to vector<1xi32>
          %squeeze3A_931 = vector.extract %slice3A_930[0] : i32 from vector<1xi32>
          %mul3A_932 = arith.constant 16 : i32
          %mul3A_933 = arith.muli %mul3A_932, %scan3A_785 : i32
          %add3A_934 = arith.constant 8 : i32
          %add3A_935 = arith.addi %mul3A_933, %add3A_934 : i32
          %dma_start3A_936 = arith.constant 3 : i32
          %dma_start3A_937 = arith.constant 0 : i32
          %dma_start3A_938 = tpu.memref_slice %arg6[%dma_start3A_936, %add3A_935, %dma_start3A_937] : memref<4x200x32xf32, #tpu.memory_space<vmem>> -> memref<1x1x32xf32, #tpu.memory_space<vmem>>
          %dma_start3A_939 = tpu.memref_squeeze %dma_start3A_938 : memref<1x1x32xf32, #tpu.memory_space<vmem>> -> memref<1x32xf32, #tpu.memory_space<vmem>>
          %dma_start3A_940 = arith.constant 0 : i32
          %dma_start3A_941 = tpu.memref_slice %arg2[%squeeze3A_931, %dma_start3A_940] : memref<1000000x32xf32, #tpu.memory_space<hbm>> -> memref<1x32xf32, #tpu.memory_space<hbm>>
          %dma_start3A_942 = arith.constant 0 : i32
          %dma_start3A_943 = tpu.memref_slice %arg6[%dma_start3A_936, %add3A_935, %dma_start3A_942] : memref<4x200x32xf32, #tpu.memory_space<vmem>> -> memref<1x1x32xf32, #tpu.memory_space<vmem>>
          %dma_start3A_944 = tpu.memref_squeeze %dma_start3A_943 : memref<1x1x32xf32, #tpu.memory_space<vmem>> -> memref<1x32xf32, #tpu.memory_space<vmem>>
          %dma_start3A_945 = arith.constant 0 : i32
          %dma_start3A_946 = tpu.memref_slice %arg2[%squeeze3A_931, %dma_start3A_945] : memref<1000000x32xf32, #tpu.memory_space<hbm>> -> memref<1x32xf32, #tpu.memory_space<hbm>>
          tpu.enqueue_dma source(%dma_start3A_946 : memref<1x32xf32, #tpu.memory_space<hbm>>) target(%dma_start3A_944 : memref<1x32xf32, #tpu.memory_space<vmem>>) target_semaphore(%arg10 : memref<!tpu.dma_semaphore, #tpu.memory_space<semaphore_mem>>)
          %slice3A_947 = vector.extract_strided_slice %get3A_793 {offsets = [9], sizes = [1], strides = [1]} : vector<16xi32> to vector<1xi32>
          %squeeze3A_948 = vector.extract %slice3A_947[0] : i32 from vector<1xi32>
          %mul3A_949 = arith.constant 16 : i32
          %mul3A_950 = arith.muli %mul3A_949, %scan3A_785 : i32
          %add3A_951 = arith.constant 9 : i32
          %add3A_952 = arith.addi %mul3A_950, %add3A_951 : i32
          %dma_start3A_953 = arith.constant 3 : i32
          %dma_start3A_954 = arith.constant 0 : i32
          %dma_start3A_955 = tpu.memref_slice %arg6[%dma_start3A_953, %add3A_952, %dma_start3A_954] : memref<4x200x32xf32, #tpu.memory_space<vmem>> -> memref<1x1x32xf32, #tpu.memory_space<vmem>>
          %dma_start3A_956 = tpu.memref_squeeze %dma_start3A_955 : memref<1x1x32xf32, #tpu.memory_space<vmem>> -> memref<1x32xf32, #tpu.memory_space<vmem>>
          %dma_start3A_957 = arith.constant 0 : i32
          %dma_start3A_958 = tpu.memref_slice %arg2[%squeeze3A_948, %dma_start3A_957] : memref<1000000x32xf32, #tpu.memory_space<hbm>> -> memref<1x32xf32, #tpu.memory_space<hbm>>
          %dma_start3A_959 = arith.constant 0 : i32
          %dma_start3A_960 = tpu.memref_slice %arg6[%dma_start3A_953, %add3A_952, %dma_start3A_959] : memref<4x200x32xf32, #tpu.memory_space<vmem>> -> memref<1x1x32xf32, #tpu.memory_space<vmem>>
          %dma_start3A_961 = tpu.memref_squeeze %dma_start3A_960 : memref<1x1x32xf32, #tpu.memory_space<vmem>> -> memref<1x32xf32, #tpu.memory_space<vmem>>
          %dma_start3A_962 = arith.constant 0 : i32
          %dma_start3A_963 = tpu.memref_slice %arg2[%squeeze3A_948, %dma_start3A_962] : memref<1000000x32xf32, #tpu.memory_space<hbm>> -> memref<1x32xf32, #tpu.memory_space<hbm>>
          tpu.enqueue_dma source(%dma_start3A_963 : memref<1x32xf32, #tpu.memory_space<hbm>>) target(%dma_start3A_961 : memref<1x32xf32, #tpu.memory_space<vmem>>) target_semaphore(%arg10 : memref<!tpu.dma_semaphore, #tpu.memory_space<semaphore_mem>>)
          %slice3A_964 = vector.extract_strided_slice %get3A_793 {offsets = [10], sizes = [1], strides = [1]} : vector<16xi32> to vector<1xi32>
          %squeeze3A_965 = vector.extract %slice3A_964[0] : i32 from vector<1xi32>
          %mul3A_966 = arith.constant 16 : i32
          %mul3A_967 = arith.muli %mul3A_966, %scan3A_785 : i32
          %add3A_968 = arith.constant 10 : i32
          %add3A_969 = arith.addi %mul3A_967, %add3A_968 : i32
          %dma_start3A_970 = arith.constant 3 : i32
          %dma_start3A_971 = arith.constant 0 : i32
          %dma_start3A_972 = tpu.memref_slice %arg6[%dma_start3A_970, %add3A_969, %dma_start3A_971] : memref<4x200x32xf32, #tpu.memory_space<vmem>> -> memref<1x1x32xf32, #tpu.memory_space<vmem>>
          %dma_start3A_973 = tpu.memref_squeeze %dma_start3A_972 : memref<1x1x32xf32, #tpu.memory_space<vmem>> -> memref<1x32xf32, #tpu.memory_space<vmem>>
          %dma_start3A_974 = arith.constant 0 : i32
          %dma_start3A_975 = tpu.memref_slice %arg2[%squeeze3A_965, %dma_start3A_974] : memref<1000000x32xf32, #tpu.memory_space<hbm>> -> memref<1x32xf32, #tpu.memory_space<hbm>>
          %dma_start3A_976 = arith.constant 0 : i32
          %dma_start3A_977 = tpu.memref_slice %arg6[%dma_start3A_970, %add3A_969, %dma_start3A_976] : memref<4x200x32xf32, #tpu.memory_space<vmem>> -> memref<1x1x32xf32, #tpu.memory_space<vmem>>
          %dma_start3A_978 = tpu.memref_squeeze %dma_start3A_977 : memref<1x1x32xf32, #tpu.memory_space<vmem>> -> memref<1x32xf32, #tpu.memory_space<vmem>>
          %dma_start3A_979 = arith.constant 0 : i32
          %dma_start3A_980 = tpu.memref_slice %arg2[%squeeze3A_965, %dma_start3A_979] : memref<1000000x32xf32, #tpu.memory_space<hbm>> -> memref<1x32xf32, #tpu.memory_space<hbm>>
          tpu.enqueue_dma source(%dma_start3A_980 : memref<1x32xf32, #tpu.memory_space<hbm>>) target(%dma_start3A_978 : memref<1x32xf32, #tpu.memory_space<vmem>>) target_semaphore(%arg10 : memref<!tpu.dma_semaphore, #tpu.memory_space<semaphore_mem>>)
          %slice3A_981 = vector.extract_strided_slice %get3A_793 {offsets = [11], sizes = [1], strides = [1]} : vector<16xi32> to vector<1xi32>
          %squeeze3A_982 = vector.extract %slice3A_981[0] : i32 from vector<1xi32>
          %mul3A_983 = arith.constant 16 : i32
          %mul3A_984 = arith.muli %mul3A_983, %scan3A_785 : i32
          %add3A_985 = arith.constant 11 : i32
          %add3A_986 = arith.addi %mul3A_984, %add3A_985 : i32
          %dma_start3A_987 = arith.constant 3 : i32
          %dma_start3A_988 = arith.constant 0 : i32
          %dma_start3A_989 = tpu.memref_slice %arg6[%dma_start3A_987, %add3A_986, %dma_start3A_988] : memref<4x200x32xf32, #tpu.memory_space<vmem>> -> memref<1x1x32xf32, #tpu.memory_space<vmem>>
          %dma_start3A_990 = tpu.memref_squeeze %dma_start3A_989 : memref<1x1x32xf32, #tpu.memory_space<vmem>> -> memref<1x32xf32, #tpu.memory_space<vmem>>
          %dma_start3A_991 = arith.constant 0 : i32
          %dma_start3A_992 = tpu.memref_slice %arg2[%squeeze3A_982, %dma_start3A_991] : memref<1000000x32xf32, #tpu.memory_space<hbm>> -> memref<1x32xf32, #tpu.memory_space<hbm>>
          %dma_start3A_993 = arith.constant 0 : i32
          %dma_start3A_994 = tpu.memref_slice %arg6[%dma_start3A_987, %add3A_986, %dma_start3A_993] : memref<4x200x32xf32, #tpu.memory_space<vmem>> -> memref<1x1x32xf32, #tpu.memory_space<vmem>>
          %dma_start3A_995 = tpu.memref_squeeze %dma_start3A_994 : memref<1x1x32xf32, #tpu.memory_space<vmem>> -> memref<1x32xf32, #tpu.memory_space<vmem>>
          %dma_start3A_996 = arith.constant 0 : i32
          %dma_start3A_997 = tpu.memref_slice %arg2[%squeeze3A_982, %dma_start3A_996] : memref<1000000x32xf32, #tpu.memory_space<hbm>> -> memref<1x32xf32, #tpu.memory_space<hbm>>
          tpu.enqueue_dma source(%dma_start3A_997 : memref<1x32xf32, #tpu.memory_space<hbm>>) target(%dma_start3A_995 : memref<1x32xf32, #tpu.memory_space<vmem>>) target_semaphore(%arg10 : memref<!tpu.dma_semaphore, #tpu.memory_space<semaphore_mem>>)
          %slice3A_998 = vector.extract_strided_slice %get3A_793 {offsets = [12], sizes = [1], strides = [1]} : vector<16xi32> to vector<1xi32>
          %squeeze3A_999 = vector.extract %slice3A_998[0] : i32 from vector<1xi32>
          %mul3A_1000 = arith.constant 16 : i32
          %mul3A_1001 = arith.muli %mul3A_1000, %scan3A_785 : i32
          %add3A_1002 = arith.constant 12 : i32
          %add3A_1003 = arith.addi %mul3A_1001, %add3A_1002 : i32
          %dma_start3A_1004 = arith.constant 3 : i32
          %dma_start3A_1005 = arith.constant 0 : i32
          %dma_start3A_1006 = tpu.memref_slice %arg6[%dma_start3A_1004, %add3A_1003, %dma_start3A_1005] : memref<4x200x32xf32, #tpu.memory_space<vmem>> -> memref<1x1x32xf32, #tpu.memory_space<vmem>>
          %dma_start3A_1007 = tpu.memref_squeeze %dma_start3A_1006 : memref<1x1x32xf32, #tpu.memory_space<vmem>> -> memref<1x32xf32, #tpu.memory_space<vmem>>
          %dma_start3A_1008 = arith.constant 0 : i32
          %dma_start3A_1009 = tpu.memref_slice %arg2[%squeeze3A_999, %dma_start3A_1008] : memref<1000000x32xf32, #tpu.memory_space<hbm>> -> memref<1x32xf32, #tpu.memory_space<hbm>>
          %dma_start3A_1010 = arith.constant 0 : i32
          %dma_start3A_1011 = tpu.memref_slice %arg6[%dma_start3A_1004, %add3A_1003, %dma_start3A_1010] : memref<4x200x32xf32, #tpu.memory_space<vmem>> -> memref<1x1x32xf32, #tpu.memory_space<vmem>>
          %dma_start3A_1012 = tpu.memref_squeeze %dma_start3A_1011 : memref<1x1x32xf32, #tpu.memory_space<vmem>> -> memref<1x32xf32, #tpu.memory_space<vmem>>
          %dma_start3A_1013 = arith.constant 0 : i32
          %dma_start3A_1014 = tpu.memref_slice %arg2[%squeeze3A_999, %dma_start3A_1013] : memref<1000000x32xf32, #tpu.memory_space<hbm>> -> memref<1x32xf32, #tpu.memory_space<hbm>>
          tpu.enqueue_dma source(%dma_start3A_1014 : memref<1x32xf32, #tpu.memory_space<hbm>>) target(%dma_start3A_1012 : memref<1x32xf32, #tpu.memory_space<vmem>>) target_semaphore(%arg10 : memref<!tpu.dma_semaphore, #tpu.memory_space<semaphore_mem>>)
          %slice3A_1015 = vector.extract_strided_slice %get3A_793 {offsets = [13], sizes = [1], strides = [1]} : vector<16xi32> to vector<1xi32>
          %squeeze3A_1016 = vector.extract %slice3A_1015[0] : i32 from vector<1xi32>
          %mul3A_1017 = arith.constant 16 : i32
          %mul3A_1018 = arith.muli %mul3A_1017, %scan3A_785 : i32
          %add3A_1019 = arith.constant 13 : i32
          %add3A_1020 = arith.addi %mul3A_1018, %add3A_1019 : i32
          %dma_start3A_1021 = arith.constant 3 : i32
          %dma_start3A_1022 = arith.constant 0 : i32
          %dma_start3A_1023 = tpu.memref_slice %arg6[%dma_start3A_1021, %add3A_1020, %dma_start3A_1022] : memref<4x200x32xf32, #tpu.memory_space<vmem>> -> memref<1x1x32xf32, #tpu.memory_space<vmem>>
          %dma_start3A_1024 = tpu.memref_squeeze %dma_start3A_1023 : memref<1x1x32xf32, #tpu.memory_space<vmem>> -> memref<1x32xf32, #tpu.memory_space<vmem>>
          %dma_start3A_1025 = arith.constant 0 : i32
          %dma_start3A_1026 = tpu.memref_slice %arg2[%squeeze3A_1016, %dma_start3A_1025] : memref<1000000x32xf32, #tpu.memory_space<hbm>> -> memref<1x32xf32, #tpu.memory_space<hbm>>
          %dma_start3A_1027 = arith.constant 0 : i32
          %dma_start3A_1028 = tpu.memref_slice %arg6[%dma_start3A_1021, %add3A_1020, %dma_start3A_1027] : memref<4x200x32xf32, #tpu.memory_space<vmem>> -> memref<1x1x32xf32, #tpu.memory_space<vmem>>
          %dma_start3A_1029 = tpu.memref_squeeze %dma_start3A_1028 : memref<1x1x32xf32, #tpu.memory_space<vmem>> -> memref<1x32xf32, #tpu.memory_space<vmem>>
          %dma_start3A_1030 = arith.constant 0 : i32
          %dma_start3A_1031 = tpu.memref_slice %arg2[%squeeze3A_1016, %dma_start3A_1030] : memref<1000000x32xf32, #tpu.memory_space<hbm>> -> memref<1x32xf32, #tpu.memory_space<hbm>>
          tpu.enqueue_dma source(%dma_start3A_1031 : memref<1x32xf32, #tpu.memory_space<hbm>>) target(%dma_start3A_1029 : memref<1x32xf32, #tpu.memory_space<vmem>>) target_semaphore(%arg10 : memref<!tpu.dma_semaphore, #tpu.memory_space<semaphore_mem>>)
          %slice3A_1032 = vector.extract_strided_slice %get3A_793 {offsets = [14], sizes = [1], strides = [1]} : vector<16xi32> to vector<1xi32>
          %squeeze3A_1033 = vector.extract %slice3A_1032[0] : i32 from vector<1xi32>
          %mul3A_1034 = arith.constant 16 : i32
          %mul3A_1035 = arith.muli %mul3A_1034, %scan3A_785 : i32
          %add3A_1036 = arith.constant 14 : i32
          %add3A_1037 = arith.addi %mul3A_1035, %add3A_1036 : i32
          %dma_start3A_1038 = arith.constant 3 : i32
          %dma_start3A_1039 = arith.constant 0 : i32
          %dma_start3A_1040 = tpu.memref_slice %arg6[%dma_start3A_1038, %add3A_1037, %dma_start3A_1039] : memref<4x200x32xf32, #tpu.memory_space<vmem>> -> memref<1x1x32xf32, #tpu.memory_space<vmem>>
          %dma_start3A_1041 = tpu.memref_squeeze %dma_start3A_1040 : memref<1x1x32xf32, #tpu.memory_space<vmem>> -> memref<1x32xf32, #tpu.memory_space<vmem>>
          %dma_start3A_1042 = arith.constant 0 : i32
          %dma_start3A_1043 = tpu.memref_slice %arg2[%squeeze3A_1033, %dma_start3A_1042] : memref<1000000x32xf32, #tpu.memory_space<hbm>> -> memref<1x32xf32, #tpu.memory_space<hbm>>
          %dma_start3A_1044 = arith.constant 0 : i32
          %dma_start3A_1045 = tpu.memref_slice %arg6[%dma_start3A_1038, %add3A_1037, %dma_start3A_1044] : memref<4x200x32xf32, #tpu.memory_space<vmem>> -> memref<1x1x32xf32, #tpu.memory_space<vmem>>
          %dma_start3A_1046 = tpu.memref_squeeze %dma_start3A_1045 : memref<1x1x32xf32, #tpu.memory_space<vmem>> -> memref<1x32xf32, #tpu.memory_space<vmem>>
          %dma_start3A_1047 = arith.constant 0 : i32
          %dma_start3A_1048 = tpu.memref_slice %arg2[%squeeze3A_1033, %dma_start3A_1047] : memref<1000000x32xf32, #tpu.memory_space<hbm>> -> memref<1x32xf32, #tpu.memory_space<hbm>>
          tpu.enqueue_dma source(%dma_start3A_1048 : memref<1x32xf32, #tpu.memory_space<hbm>>) target(%dma_start3A_1046 : memref<1x32xf32, #tpu.memory_space<vmem>>) target_semaphore(%arg10 : memref<!tpu.dma_semaphore, #tpu.memory_space<semaphore_mem>>)
          %slice3A_1049 = vector.extract_strided_slice %get3A_793 {offsets = [15], sizes = [1], strides = [1]} : vector<16xi32> to vector<1xi32>
          %squeeze3A_1050 = vector.extract %slice3A_1049[0] : i32 from vector<1xi32>
          %mul3A_1051 = arith.constant 16 : i32
          %mul3A_1052 = arith.muli %mul3A_1051, %scan3A_785 : i32
          %add3A_1053 = arith.constant 15 : i32
          %add3A_1054 = arith.addi %mul3A_1052, %add3A_1053 : i32
          %dma_start3A_1055 = arith.constant 3 : i32
          %dma_start3A_1056 = arith.constant 0 : i32
          %dma_start3A_1057 = tpu.memref_slice %arg6[%dma_start3A_1055, %add3A_1054, %dma_start3A_1056] : memref<4x200x32xf32, #tpu.memory_space<vmem>> -> memref<1x1x32xf32, #tpu.memory_space<vmem>>
          %dma_start3A_1058 = tpu.memref_squeeze %dma_start3A_1057 : memref<1x1x32xf32, #tpu.memory_space<vmem>> -> memref<1x32xf32, #tpu.memory_space<vmem>>
          %dma_start3A_1059 = arith.constant 0 : i32
          %dma_start3A_1060 = tpu.memref_slice %arg2[%squeeze3A_1050, %dma_start3A_1059] : memref<1000000x32xf32, #tpu.memory_space<hbm>> -> memref<1x32xf32, #tpu.memory_space<hbm>>
          %dma_start3A_1061 = arith.constant 0 : i32
          %dma_start3A_1062 = tpu.memref_slice %arg6[%dma_start3A_1055, %add3A_1054, %dma_start3A_1061] : memref<4x200x32xf32, #tpu.memory_space<vmem>> -> memref<1x1x32xf32, #tpu.memory_space<vmem>>
          %dma_start3A_1063 = tpu.memref_squeeze %dma_start3A_1062 : memref<1x1x32xf32, #tpu.memory_space<vmem>> -> memref<1x32xf32, #tpu.memory_space<vmem>>
          %dma_start3A_1064 = arith.constant 0 : i32
          %dma_start3A_1065 = tpu.memref_slice %arg2[%squeeze3A_1050, %dma_start3A_1064] : memref<1000000x32xf32, #tpu.memory_space<hbm>> -> memref<1x32xf32, #tpu.memory_space<hbm>>
          tpu.enqueue_dma source(%dma_start3A_1065 : memref<1x32xf32, #tpu.memory_space<hbm>>) target(%dma_start3A_1063 : memref<1x32xf32, #tpu.memory_space<vmem>>) target_semaphore(%arg10 : memref<!tpu.dma_semaphore, #tpu.memory_space<semaphore_mem>>)
        }
        %scan3A_657 = arith.constant 12 : i32
        %mul3A_658 = arith.constant 200 : i32
        %mul3A_659 = arith.muli %mul3A_658, %add3A_472 : i32
        %add3A_660 = arith.constant 192 : i32
        %add3A_661 = arith.addi %mul3A_659, %add3A_660 : i32
        %get3A_662 = arith.index_cast %add3A_661 : i32 to index
        %get3A_663 = tpu.vector_load %arg5[%get3A_662] {strides = array<i32>} : memref<25616xi32, #tpu.memory_space<vmem>>, vector<16xi32>,
        %get3A_664 = vector.shape_cast %get3A_663 : vector<16xi32> to vector<16xi32>
        %slice3A_665 = vector.extract_strided_slice %get3A_664 {offsets = [0], sizes = [1], strides = [1]} : vector<16xi32> to vector<1xi32>
        %squeeze3A_666 = vector.extract %slice3A_665[0] : i32 from vector<1xi32>
        %dma_start3A_667 = arith.constant 3 : i32
        %dma_start3A_668 = arith.constant 192 : i32
        %dma_start3A_669 = arith.constant 0 : i32
        %dma_start3A_670 = tpu.memref_slice %arg6[%dma_start3A_667, %dma_start3A_668, %dma_start3A_669] : memref<4x200x32xf32, #tpu.memory_space<vmem>> -> memref<1x1x32xf32, #tpu.memory_space<vmem>>
        %dma_start3A_671 = tpu.memref_squeeze %dma_start3A_670 : memref<1x1x32xf32, #tpu.memory_space<vmem>> -> memref<1x32xf32, #tpu.memory_space<vmem>>
        %dma_start3A_672 = arith.constant 0 : i32
        %dma_start3A_673 = tpu.memref_slice %arg2[%squeeze3A_666, %dma_start3A_672] : memref<1000000x32xf32, #tpu.memory_space<hbm>> -> memref<1x32xf32, #tpu.memory_space<hbm>>
        %dma_start3A_674 = arith.constant 192 : i32
        %dma_start3A_675 = arith.constant 0 : i32
        %dma_start3A_676 = tpu.memref_slice %arg6[%dma_start3A_667, %dma_start3A_674, %dma_start3A_675] : memref<4x200x32xf32, #tpu.memory_space<vmem>> -> memref<1x1x32xf32, #tpu.memory_space<vmem>>
        %dma_start3A_677 = tpu.memref_squeeze %dma_start3A_676 : memref<1x1x32xf32, #tpu.memory_space<vmem>> -> memref<1x32xf32, #tpu.memory_space<vmem>>
        %dma_start3A_678 = arith.constant 0 : i32
        %dma_start3A_679 = tpu.memref_slice %arg2[%squeeze3A_666, %dma_start3A_678] : memref<1000000x32xf32, #tpu.memory_space<hbm>> -> memref<1x32xf32, #tpu.memory_space<hbm>>
        tpu.enqueue_dma source(%dma_start3A_679 : memref<1x32xf32, #tpu.memory_space<hbm>>) target(%dma_start3A_677 : memref<1x32xf32, #tpu.memory_space<vmem>>) target_semaphore(%arg10 : memref<!tpu.dma_semaphore, #tpu.memory_space<semaphore_mem>>)
        %slice3A_680 = vector.extract_strided_slice %get3A_664 {offsets = [1], sizes = [1], strides = [1]} : vector<16xi32> to vector<1xi32>
        %squeeze3A_681 = vector.extract %slice3A_680[0] : i32 from vector<1xi32>
        %dma_start3A_682 = arith.constant 3 : i32
        %dma_start3A_683 = arith.constant 193 : i32
        %dma_start3A_684 = arith.constant 0 : i32
        %dma_start3A_685 = tpu.memref_slice %arg6[%dma_start3A_682, %dma_start3A_683, %dma_start3A_684] : memref<4x200x32xf32, #tpu.memory_space<vmem>> -> memref<1x1x32xf32, #tpu.memory_space<vmem>>
        %dma_start3A_686 = tpu.memref_squeeze %dma_start3A_685 : memref<1x1x32xf32, #tpu.memory_space<vmem>> -> memref<1x32xf32, #tpu.memory_space<vmem>>
        %dma_start3A_687 = arith.constant 0 : i32
        %dma_start3A_688 = tpu.memref_slice %arg2[%squeeze3A_681, %dma_start3A_687] : memref<1000000x32xf32, #tpu.memory_space<hbm>> -> memref<1x32xf32, #tpu.memory_space<hbm>>
        %dma_start3A_689 = arith.constant 193 : i32
        %dma_start3A_690 = arith.constant 0 : i32
        %dma_start3A_691 = tpu.memref_slice %arg6[%dma_start3A_682, %dma_start3A_689, %dma_start3A_690] : memref<4x200x32xf32, #tpu.memory_space<vmem>> -> memref<1x1x32xf32, #tpu.memory_space<vmem>>
        %dma_start3A_692 = tpu.memref_squeeze %dma_start3A_691 : memref<1x1x32xf32, #tpu.memory_space<vmem>> -> memref<1x32xf32, #tpu.memory_space<vmem>>
        %dma_start3A_693 = arith.constant 0 : i32
        %dma_start3A_694 = tpu.memref_slice %arg2[%squeeze3A_681, %dma_start3A_693] : memref<1000000x32xf32, #tpu.memory_space<hbm>> -> memref<1x32xf32, #tpu.memory_space<hbm>>
        tpu.enqueue_dma source(%dma_start3A_694 : memref<1x32xf32, #tpu.memory_space<hbm>>) target(%dma_start3A_692 : memref<1x32xf32, #tpu.memory_space<vmem>>) target_semaphore(%arg10 : memref<!tpu.dma_semaphore, #tpu.memory_space<semaphore_mem>>)
        %slice3A_695 = vector.extract_strided_slice %get3A_664 {offsets = [2], sizes = [1], strides = [1]} : vector<16xi32> to vector<1xi32>
        %squeeze3A_696 = vector.extract %slice3A_695[0] : i32 from vector<1xi32>
        %dma_start3A_697 = arith.constant 3 : i32
        %dma_start3A_698 = arith.constant 194 : i32
        %dma_start3A_699 = arith.constant 0 : i32
        %dma_start3A_700 = tpu.memref_slice %arg6[%dma_start3A_697, %dma_start3A_698, %dma_start3A_699] : memref<4x200x32xf32, #tpu.memory_space<vmem>> -> memref<1x1x32xf32, #tpu.memory_space<vmem>>
        %dma_start3A_701 = tpu.memref_squeeze %dma_start3A_700 : memref<1x1x32xf32, #tpu.memory_space<vmem>> -> memref<1x32xf32, #tpu.memory_space<vmem>>
        %dma_start3A_702 = arith.constant 0 : i32
        %dma_start3A_703 = tpu.memref_slice %arg2[%squeeze3A_696, %dma_start3A_702] : memref<1000000x32xf32, #tpu.memory_space<hbm>> -> memref<1x32xf32, #tpu.memory_space<hbm>>
        %dma_start3A_704 = arith.constant 194 : i32
        %dma_start3A_705 = arith.constant 0 : i32
        %dma_start3A_706 = tpu.memref_slice %arg6[%dma_start3A_697, %dma_start3A_704, %dma_start3A_705] : memref<4x200x32xf32, #tpu.memory_space<vmem>> -> memref<1x1x32xf32, #tpu.memory_space<vmem>>
        %dma_start3A_707 = tpu.memref_squeeze %dma_start3A_706 : memref<1x1x32xf32, #tpu.memory_space<vmem>> -> memref<1x32xf32, #tpu.memory_space<vmem>>
        %dma_start3A_708 = arith.constant 0 : i32
        %dma_start3A_709 = tpu.memref_slice %arg2[%squeeze3A_696, %dma_start3A_708] : memref<1000000x32xf32, #tpu.memory_space<hbm>> -> memref<1x32xf32, #tpu.memory_space<hbm>>
        tpu.enqueue_dma source(%dma_start3A_709 : memref<1x32xf32, #tpu.memory_space<hbm>>) target(%dma_start3A_707 : memref<1x32xf32, #tpu.memory_space<vmem>>) target_semaphore(%arg10 : memref<!tpu.dma_semaphore, #tpu.memory_space<semaphore_mem>>)
        %slice3A_710 = vector.extract_strided_slice %get3A_664 {offsets = [3], sizes = [1], strides = [1]} : vector<16xi32> to vector<1xi32>
        %squeeze3A_711 = vector.extract %slice3A_710[0] : i32 from vector<1xi32>
        %dma_start3A_712 = arith.constant 3 : i32
        %dma_start3A_713 = arith.constant 195 : i32
        %dma_start3A_714 = arith.constant 0 : i32
        %dma_start3A_715 = tpu.memref_slice %arg6[%dma_start3A_712, %dma_start3A_713, %dma_start3A_714] : memref<4x200x32xf32, #tpu.memory_space<vmem>> -> memref<1x1x32xf32, #tpu.memory_space<vmem>>
        %dma_start3A_716 = tpu.memref_squeeze %dma_start3A_715 : memref<1x1x32xf32, #tpu.memory_space<vmem>> -> memref<1x32xf32, #tpu.memory_space<vmem>>
        %dma_start3A_717 = arith.constant 0 : i32
        %dma_start3A_718 = tpu.memref_slice %arg2[%squeeze3A_711, %dma_start3A_717] : memref<1000000x32xf32, #tpu.memory_space<hbm>> -> memref<1x32xf32, #tpu.memory_space<hbm>>
        %dma_start3A_719 = arith.constant 195 : i32
        %dma_start3A_720 = arith.constant 0 : i32
        %dma_start3A_721 = tpu.memref_slice %arg6[%dma_start3A_712, %dma_start3A_719, %dma_start3A_720] : memref<4x200x32xf32, #tpu.memory_space<vmem>> -> memref<1x1x32xf32, #tpu.memory_space<vmem>>
        %dma_start3A_722 = tpu.memref_squeeze %dma_start3A_721 : memref<1x1x32xf32, #tpu.memory_space<vmem>> -> memref<1x32xf32, #tpu.memory_space<vmem>>
        %dma_start3A_723 = arith.constant 0 : i32
        %dma_start3A_724 = tpu.memref_slice %arg2[%squeeze3A_711, %dma_start3A_723] : memref<1000000x32xf32, #tpu.memory_space<hbm>> -> memref<1x32xf32, #tpu.memory_space<hbm>>
        tpu.enqueue_dma source(%dma_start3A_724 : memref<1x32xf32, #tpu.memory_space<hbm>>) target(%dma_start3A_722 : memref<1x32xf32, #tpu.memory_space<vmem>>) target_semaphore(%arg10 : memref<!tpu.dma_semaphore, #tpu.memory_space<semaphore_mem>>)
        %slice3A_725 = vector.extract_strided_slice %get3A_664 {offsets = [4], sizes = [1], strides = [1]} : vector<16xi32> to vector<1xi32>
        %squeeze3A_726 = vector.extract %slice3A_725[0] : i32 from vector<1xi32>
        %dma_start3A_727 = arith.constant 3 : i32
        %dma_start3A_728 = arith.constant 196 : i32
        %dma_start3A_729 = arith.constant 0 : i32
        %dma_start3A_730 = tpu.memref_slice %arg6[%dma_start3A_727, %dma_start3A_728, %dma_start3A_729] : memref<4x200x32xf32, #tpu.memory_space<vmem>> -> memref<1x1x32xf32, #tpu.memory_space<vmem>>
        %dma_start3A_731 = tpu.memref_squeeze %dma_start3A_730 : memref<1x1x32xf32, #tpu.memory_space<vmem>> -> memref<1x32xf32, #tpu.memory_space<vmem>>
        %dma_start3A_732 = arith.constant 0 : i32
        %dma_start3A_733 = tpu.memref_slice %arg2[%squeeze3A_726, %dma_start3A_732] : memref<1000000x32xf32, #tpu.memory_space<hbm>> -> memref<1x32xf32, #tpu.memory_space<hbm>>
        %dma_start3A_734 = arith.constant 196 : i32
        %dma_start3A_735 = arith.constant 0 : i32
        %dma_start3A_736 = tpu.memref_slice %arg6[%dma_start3A_727, %dma_start3A_734, %dma_start3A_735] : memref<4x200x32xf32, #tpu.memory_space<vmem>> -> memref<1x1x32xf32, #tpu.memory_space<vmem>>
        %dma_start3A_737 = tpu.memref_squeeze %dma_start3A_736 : memref<1x1x32xf32, #tpu.memory_space<vmem>> -> memref<1x32xf32, #tpu.memory_space<vmem>>
        %dma_start3A_738 = arith.constant 0 : i32
        %dma_start3A_739 = tpu.memref_slice %arg2[%squeeze3A_726, %dma_start3A_738] : memref<1000000x32xf32, #tpu.memory_space<hbm>> -> memref<1x32xf32, #tpu.memory_space<hbm>>
        tpu.enqueue_dma source(%dma_start3A_739 : memref<1x32xf32, #tpu.memory_space<hbm>>) target(%dma_start3A_737 : memref<1x32xf32, #tpu.memory_space<vmem>>) target_semaphore(%arg10 : memref<!tpu.dma_semaphore, #tpu.memory_space<semaphore_mem>>)
        %slice3A_740 = vector.extract_strided_slice %get3A_664 {offsets = [5], sizes = [1], strides = [1]} : vector<16xi32> to vector<1xi32>
        %squeeze3A_741 = vector.extract %slice3A_740[0] : i32 from vector<1xi32>
        %dma_start3A_742 = arith.constant 3 : i32
        %dma_start3A_743 = arith.constant 197 : i32
        %dma_start3A_744 = arith.constant 0 : i32
        %dma_start3A_745 = tpu.memref_slice %arg6[%dma_start3A_742, %dma_start3A_743, %dma_start3A_744] : memref<4x200x32xf32, #tpu.memory_space<vmem>> -> memref<1x1x32xf32, #tpu.memory_space<vmem>>
        %dma_start3A_746 = tpu.memref_squeeze %dma_start3A_745 : memref<1x1x32xf32, #tpu.memory_space<vmem>> -> memref<1x32xf32, #tpu.memory_space<vmem>>
        %dma_start3A_747 = arith.constant 0 : i32
        %dma_start3A_748 = tpu.memref_slice %arg2[%squeeze3A_741, %dma_start3A_747] : memref<1000000x32xf32, #tpu.memory_space<hbm>> -> memref<1x32xf32, #tpu.memory_space<hbm>>
        %dma_start3A_749 = arith.constant 197 : i32
        %dma_start3A_750 = arith.constant 0 : i32
        %dma_start3A_751 = tpu.memref_slice %arg6[%dma_start3A_742, %dma_start3A_749, %dma_start3A_750] : memref<4x200x32xf32, #tpu.memory_space<vmem>> -> memref<1x1x32xf32, #tpu.memory_space<vmem>>
        %dma_start3A_752 = tpu.memref_squeeze %dma_start3A_751 : memref<1x1x32xf32, #tpu.memory_space<vmem>> -> memref<1x32xf32, #tpu.memory_space<vmem>>
        %dma_start3A_753 = arith.constant 0 : i32
        %dma_start3A_754 = tpu.memref_slice %arg2[%squeeze3A_741, %dma_start3A_753] : memref<1000000x32xf32, #tpu.memory_space<hbm>> -> memref<1x32xf32, #tpu.memory_space<hbm>>
        tpu.enqueue_dma source(%dma_start3A_754 : memref<1x32xf32, #tpu.memory_space<hbm>>) target(%dma_start3A_752 : memref<1x32xf32, #tpu.memory_space<vmem>>) target_semaphore(%arg10 : memref<!tpu.dma_semaphore, #tpu.memory_space<semaphore_mem>>)
        %slice3A_755 = vector.extract_strided_slice %get3A_664 {offsets = [6], sizes = [1], strides = [1]} : vector<16xi32> to vector<1xi32>
        %squeeze3A_756 = vector.extract %slice3A_755[0] : i32 from vector<1xi32>
        %dma_start3A_757 = arith.constant 3 : i32
        %dma_start3A_758 = arith.constant 198 : i32
        %dma_start3A_759 = arith.constant 0 : i32
        %dma_start3A_760 = tpu.memref_slice %arg6[%dma_start3A_757, %dma_start3A_758, %dma_start3A_759] : memref<4x200x32xf32, #tpu.memory_space<vmem>> -> memref<1x1x32xf32, #tpu.memory_space<vmem>>
        %dma_start3A_761 = tpu.memref_squeeze %dma_start3A_760 : memref<1x1x32xf32, #tpu.memory_space<vmem>> -> memref<1x32xf32, #tpu.memory_space<vmem>>
        %dma_start3A_762 = arith.constant 0 : i32
        %dma_start3A_763 = tpu.memref_slice %arg2[%squeeze3A_756, %dma_start3A_762] : memref<1000000x32xf32, #tpu.memory_space<hbm>> -> memref<1x32xf32, #tpu.memory_space<hbm>>
        %dma_start3A_764 = arith.constant 198 : i32
        %dma_start3A_765 = arith.constant 0 : i32
        %dma_start3A_766 = tpu.memref_slice %arg6[%dma_start3A_757, %dma_start3A_764, %dma_start3A_765] : memref<4x200x32xf32, #tpu.memory_space<vmem>> -> memref<1x1x32xf32, #tpu.memory_space<vmem>>
        %dma_start3A_767 = tpu.memref_squeeze %dma_start3A_766 : memref<1x1x32xf32, #tpu.memory_space<vmem>> -> memref<1x32xf32, #tpu.memory_space<vmem>>
        %dma_start3A_768 = arith.constant 0 : i32
        %dma_start3A_769 = tpu.memref_slice %arg2[%squeeze3A_756, %dma_start3A_768] : memref<1000000x32xf32, #tpu.memory_space<hbm>> -> memref<1x32xf32, #tpu.memory_space<hbm>>
        tpu.enqueue_dma source(%dma_start3A_769 : memref<1x32xf32, #tpu.memory_space<hbm>>) target(%dma_start3A_767 : memref<1x32xf32, #tpu.memory_space<vmem>>) target_semaphore(%arg10 : memref<!tpu.dma_semaphore, #tpu.memory_space<semaphore_mem>>)
        %slice3A_770 = vector.extract_strided_slice %get3A_664 {offsets = [7], sizes = [1], strides = [1]} : vector<16xi32> to vector<1xi32>
        %squeeze3A_771 = vector.extract %slice3A_770[0] : i32 from vector<1xi32>
        %dma_start3A_772 = arith.constant 3 : i32
        %dma_start3A_773 = arith.constant 199 : i32
        %dma_start3A_774 = arith.constant 0 : i32
        %dma_start3A_775 = tpu.memref_slice %arg6[%dma_start3A_772, %dma_start3A_773, %dma_start3A_774] : memref<4x200x32xf32, #tpu.memory_space<vmem>> -> memref<1x1x32xf32, #tpu.memory_space<vmem>>
        %dma_start3A_776 = tpu.memref_squeeze %dma_start3A_775 : memref<1x1x32xf32, #tpu.memory_space<vmem>> -> memref<1x32xf32, #tpu.memory_space<vmem>>
        %dma_start3A_777 = arith.constant 0 : i32
        %dma_start3A_778 = tpu.memref_slice %arg2[%squeeze3A_771, %dma_start3A_777] : memref<1000000x32xf32, #tpu.memory_space<hbm>> -> memref<1x32xf32, #tpu.memory_space<hbm>>
        %dma_start3A_779 = arith.constant 199 : i32
        %dma_start3A_780 = arith.constant 0 : i32
        %dma_start3A_781 = tpu.memref_slice %arg6[%dma_start3A_772, %dma_start3A_779, %dma_start3A_780] : memref<4x200x32xf32, #tpu.memory_space<vmem>> -> memref<1x1x32xf32, #tpu.memory_space<vmem>>
        %dma_start3A_782 = tpu.memref_squeeze %dma_start3A_781 : memref<1x1x32xf32, #tpu.memory_space<vmem>> -> memref<1x32xf32, #tpu.memory_space<vmem>>
        %dma_start3A_783 = arith.constant 0 : i32
        %dma_start3A_784 = tpu.memref_slice %arg2[%squeeze3A_771, %dma_start3A_783] : memref<1000000x32xf32, #tpu.memory_space<hbm>> -> memref<1x32xf32, #tpu.memory_space<hbm>>
        tpu.enqueue_dma source(%dma_start3A_784 : memref<1x32xf32, #tpu.memory_space<hbm>>) target(%dma_start3A_782 : memref<1x32xf32, #tpu.memory_space<vmem>>) target_semaphore(%arg10 : memref<!tpu.dma_semaphore, #tpu.memory_space<semaphore_mem>>)
      } else {
      }
      %dma_wait3A_475 = arith.constant 0 : i32
      %dma_wait3A_476 = arith.constant 0 : i32
      %dma_wait3A_477 = arith.constant 0 : i32
      %dma_wait3A_478 = tpu.memref_slice %arg6[%dma_wait3A_475, %dma_wait3A_476, %dma_wait3A_477] : memref<4x200x32xf32, #tpu.memory_space<vmem>> -> memref<1x200x32xf32, #tpu.memory_space<vmem>>
      %dma_wait3A_479 = tpu.memref_squeeze %dma_wait3A_478 : memref<1x200x32xf32, #tpu.memory_space<vmem>> -> memref<200x32xf32, #tpu.memory_space<vmem>>
      %dma_wait3A_480 = arith.constant 0 : i32
      %dma_wait3A_481 = arith.constant 0 : i32
      %dma_wait3A_482 = tpu.memref_slice %arg2[%dma_wait3A_480, %dma_wait3A_481] : memref<1000000x32xf32, #tpu.memory_space<hbm>> -> memref<200x32xf32, #tpu.memory_space<hbm>>
      %dma_wait3A_483 = arith.constant 0 : i32
      %dma_wait3A_484 = arith.constant 0 : i32
      %dma_wait3A_485 = tpu.memref_slice %arg6[%dma_wait3A_475, %dma_wait3A_483, %dma_wait3A_484] : memref<4x200x32xf32, #tpu.memory_space<vmem>> -> memref<1x200x32xf32, #tpu.memory_space<vmem>>
      %dma_wait3A_486 = tpu.memref_squeeze %dma_wait3A_485 : memref<1x200x32xf32, #tpu.memory_space<vmem>> -> memref<200x32xf32, #tpu.memory_space<vmem>>
      %dma_wait3A_487 = arith.constant 0 : i32
      %dma_wait3A_488 = arith.constant 0 : i32
      %dma_wait3A_489 = tpu.memref_slice %arg2[%dma_wait3A_487, %dma_wait3A_488] : memref<1000000x32xf32, #tpu.memory_space<hbm>> -> memref<200x32xf32, #tpu.memory_space<hbm>>
      tpu.wait_dma2 semaphore(%arg7 : memref<!tpu.dma_semaphore, #tpu.memory_space<semaphore_mem>>) src(%dma_wait3A_489 : memref<200x32xf32, #tpu.memory_space<hbm>>) dst(%dma_wait3A_486 : memref<200x32xf32, #tpu.memory_space<vmem>>)
      %mul3A_490 = arith.constant 128 : i32
      %mul3A_491 = arith.muli %add3A, %mul3A_490 : i32
      %add3A_492 = arith.addi %mul3A_491, %add3A_470 : i32
      %dma_start3A_493 = arith.constant 0 : i32
      %dma_start3A_494 = arith.constant 0 : i32
      %dma_start3A_495 = arith.constant 0 : i32
      %dma_start3A_496 = tpu.memref_slice %arg6[%dma_start3A_493, %dma_start3A_494, %dma_start3A_495] : memref<4x200x32xf32, #tpu.memory_space<vmem>> -> memref<1x200x32xf32, #tpu.memory_space<vmem>>
      %dma_start3A_497 = tpu.memref_squeeze %dma_start3A_496 : memref<1x200x32xf32, #tpu.memory_space<vmem>> -> memref<200x32xf32, #tpu.memory_space<vmem>>
      %dma_start3A_498 = arith.constant 0 : i32
      %dma_start3A_499 = arith.constant 0 : i32
      %dma_start3A_500 = tpu.memref_slice %arg4[%add3A_492, %dma_start3A_498, %dma_start3A_499] : memref<4096x200x32xf32, #tpu.memory_space<hbm>> -> memref<1x200x32xf32, #tpu.memory_space<hbm>>
      %dma_start3A_501 = tpu.memref_squeeze %dma_start3A_500 : memref<1x200x32xf32, #tpu.memory_space<hbm>> -> memref<200x32xf32, #tpu.memory_space<hbm>>
      %dma_start3A_502 = arith.constant 0 : i32
      %dma_start3A_503 = arith.constant 0 : i32
      %dma_start3A_504 = tpu.memref_slice %arg4[%add3A_492, %dma_start3A_502, %dma_start3A_503] : memref<4096x200x32xf32, #tpu.memory_space<hbm>> -> memref<1x200x32xf32, #tpu.memory_space<hbm>>
      %dma_start3A_505 = tpu.memref_squeeze %dma_start3A_504 : memref<1x200x32xf32, #tpu.memory_space<hbm>> -> memref<200x32xf32, #tpu.memory_space<hbm>>
      %dma_start3A_506 = arith.constant 0 : i32
      %dma_start3A_507 = arith.constant 0 : i32
      %dma_start3A_508 = tpu.memref_slice %arg6[%dma_start3A_493, %dma_start3A_506, %dma_start3A_507] : memref<4x200x32xf32, #tpu.memory_space<vmem>> -> memref<1x200x32xf32, #tpu.memory_space<vmem>>
      %dma_start3A_509 = tpu.memref_squeeze %dma_start3A_508 : memref<1x200x32xf32, #tpu.memory_space<vmem>> -> memref<200x32xf32, #tpu.memory_space<vmem>>
      tpu.enqueue_dma source(%dma_start3A_509 : memref<200x32xf32, #tpu.memory_space<vmem>>) target(%dma_start3A_505 : memref<200x32xf32, #tpu.memory_space<hbm>>) target_semaphore(%arg11 : memref<!tpu.dma_semaphore, #tpu.memory_space<semaphore_mem>>)
      %mul3A_510 = arith.constant 4 : i32
      %mul3A_511 = arith.muli %scan3A_466, %mul3A_510 : i32
      %add3A_512 = arith.constant 1 : i32
      %add3A_513 = arith.addi %mul3A_511, %add3A_512 : i32
      %add3A_514 = arith.constant 3 : i32
      %add3A_515 = arith.addi %add3A_513, %add3A_514 : i32
      %lt3A_516 = arith.constant 128 : i32
      %lt3A_517 = arith.cmpi slt, %add3A_515, %lt3A_516 : i32
      %convert_element_type3A_518 = arith.extui %lt3A_517 : i1 to i32
      %cond3A_519 = arith.constant 0 : i32
      %cond3A_520 = arith.cmpi ne, %convert_element_type3A_518, %cond3A_519 : i32
      scf.if %cond3A_520 {
        %ge3A = arith.constant 4 : i32
        %ge3A_648 = arith.cmpi sge, %add3A_515, %ge3A : i32
        %convert_element_type3A_649 = arith.extui %ge3A_648 : i1 to i32
        %cond3A_650 = arith.constant 0 : i32
        %cond3A_651 = arith.cmpi ne, %convert_element_type3A_649, %cond3A_650 : i32
        scf.if %cond3A_651 {
          %mul3A_785 = arith.constant 128 : i32
          %mul3A_786 = arith.muli %add3A, %mul3A_785 : i32
          %dma_wait3A_787 = arith.constant 0 : i32
          %dma_wait3A_788 = arith.constant 0 : i32
          %dma_wait3A_789 = arith.constant 0 : i32
          %dma_wait3A_790 = tpu.memref_slice %arg6[%dma_wait3A_787, %dma_wait3A_788, %dma_wait3A_789] : memref<4x200x32xf32, #tpu.memory_space<vmem>> -> memref<1x200x32xf32, #tpu.memory_space<vmem>>
          %dma_wait3A_791 = tpu.memref_squeeze %dma_wait3A_790 : memref<1x200x32xf32, #tpu.memory_space<vmem>> -> memref<200x32xf32, #tpu.memory_space<vmem>>
          %dma_wait3A_792 = arith.constant 0 : i32
          %dma_wait3A_793 = arith.constant 0 : i32
          %dma_wait3A_794 = tpu.memref_slice %arg4[%mul3A_786, %dma_wait3A_792, %dma_wait3A_793] : memref<4096x200x32xf32, #tpu.memory_space<hbm>> -> memref<1x200x32xf32, #tpu.memory_space<hbm>>
          %dma_wait3A_795 = tpu.memref_squeeze %dma_wait3A_794 : memref<1x200x32xf32, #tpu.memory_space<hbm>> -> memref<200x32xf32, #tpu.memory_space<hbm>>
          %dma_wait3A_796 = arith.constant 0 : i32
          %dma_wait3A_797 = arith.constant 0 : i32
          %dma_wait3A_798 = tpu.memref_slice %arg4[%mul3A_786, %dma_wait3A_796, %dma_wait3A_797] : memref<4096x200x32xf32, #tpu.memory_space<hbm>> -> memref<1x200x32xf32, #tpu.memory_space<hbm>>
          %dma_wait3A_799 = tpu.memref_squeeze %dma_wait3A_798 : memref<1x200x32xf32, #tpu.memory_space<hbm>> -> memref<200x32xf32, #tpu.memory_space<hbm>>
          %dma_wait3A_800 = arith.constant 0 : i32
          %dma_wait3A_801 = arith.constant 0 : i32
          %dma_wait3A_802 = tpu.memref_slice %arg6[%dma_wait3A_787, %dma_wait3A_800, %dma_wait3A_801] : memref<4x200x32xf32, #tpu.memory_space<vmem>> -> memref<1x200x32xf32, #tpu.memory_space<vmem>>
          %dma_wait3A_803 = tpu.memref_squeeze %dma_wait3A_802 : memref<1x200x32xf32, #tpu.memory_space<vmem>> -> memref<200x32xf32, #tpu.memory_space<vmem>>
          tpu.wait_dma2 semaphore(%arg11 : memref<!tpu.dma_semaphore, #tpu.memory_space<semaphore_mem>>) src(%dma_wait3A_803 : memref<200x32xf32, #tpu.memory_space<vmem>>) dst(%dma_wait3A_799 : memref<200x32xf32, #tpu.memory_space<hbm>>)
        } else {
        }
        %scan3A_652 = arith.constant 0 : i32
        %scan3A_653 = arith.constant 0 : i32
        %scan3A_654 = arith.constant 12 : i32
        %scan3A_655 = arith.addi %scan3A_653, %scan3A_654 : i32
        %scan3A_656 = arith.constant 1 : i32
        scf.for %scan3A_785 = %scan3A_653 to %scan3A_655 step %scan3A_656  : i32 {
          %mul3A_786 = arith.constant 200 : i32
          %mul3A_787 = arith.muli %mul3A_786, %add3A_515 : i32
          %mul3A_788 = arith.constant 16 : i32
          %mul3A_789 = arith.muli %mul3A_788, %scan3A_785 : i32
          %add3A_790 = arith.addi %mul3A_787, %mul3A_789 : i32
          %get3A_791 = arith.index_cast %add3A_790 : i32 to index
          %get3A_792 = tpu.vector_load %arg5[%get3A_791] {strides = array<i32>} : memref<25616xi32, #tpu.memory_space<vmem>>, vector<16xi32>,
          %get3A_793 = vector.shape_cast %get3A_792 : vector<16xi32> to vector<16xi32>
          %slice3A_794 = vector.extract_strided_slice %get3A_793 {offsets = [0], sizes = [1], strides = [1]} : vector<16xi32> to vector<1xi32>
          %squeeze3A_795 = vector.extract %slice3A_794[0] : i32 from vector<1xi32>
          %mul3A_796 = arith.constant 16 : i32
          %mul3A_797 = arith.muli %mul3A_796, %scan3A_785 : i32
          %add3A_798 = arith.constant 0 : i32
          %add3A_799 = arith.addi %mul3A_797, %add3A_798 : i32
          %dma_start3A_800 = arith.constant 0 : i32
          %dma_start3A_801 = arith.constant 0 : i32
          %dma_start3A_802 = tpu.memref_slice %arg6[%dma_start3A_800, %add3A_799, %dma_start3A_801] : memref<4x200x32xf32, #tpu.memory_space<vmem>> -> memref<1x1x32xf32, #tpu.memory_space<vmem>>
          %dma_start3A_803 = tpu.memref_squeeze %dma_start3A_802 : memref<1x1x32xf32, #tpu.memory_space<vmem>> -> memref<1x32xf32, #tpu.memory_space<vmem>>
          %dma_start3A_804 = arith.constant 0 : i32
          %dma_start3A_805 = tpu.memref_slice %arg2[%squeeze3A_795, %dma_start3A_804] : memref<1000000x32xf32, #tpu.memory_space<hbm>> -> memref<1x32xf32, #tpu.memory_space<hbm>>
          %dma_start3A_806 = arith.constant 0 : i32
          %dma_start3A_807 = tpu.memref_slice %arg6[%dma_start3A_800, %add3A_799, %dma_start3A_806] : memref<4x200x32xf32, #tpu.memory_space<vmem>> -> memref<1x1x32xf32, #tpu.memory_space<vmem>>
          %dma_start3A_808 = tpu.memref_squeeze %dma_start3A_807 : memref<1x1x32xf32, #tpu.memory_space<vmem>> -> memref<1x32xf32, #tpu.memory_space<vmem>>
          %dma_start3A_809 = arith.constant 0 : i32
          %dma_start3A_810 = tpu.memref_slice %arg2[%squeeze3A_795, %dma_start3A_809] : memref<1000000x32xf32, #tpu.memory_space<hbm>> -> memref<1x32xf32, #tpu.memory_space<hbm>>
          tpu.enqueue_dma source(%dma_start3A_810 : memref<1x32xf32, #tpu.memory_space<hbm>>) target(%dma_start3A_808 : memref<1x32xf32, #tpu.memory_space<vmem>>) target_semaphore(%arg7 : memref<!tpu.dma_semaphore, #tpu.memory_space<semaphore_mem>>)
          %slice3A_811 = vector.extract_strided_slice %get3A_793 {offsets = [1], sizes = [1], strides = [1]} : vector<16xi32> to vector<1xi32>
          %squeeze3A_812 = vector.extract %slice3A_811[0] : i32 from vector<1xi32>
          %mul3A_813 = arith.constant 16 : i32
          %mul3A_814 = arith.muli %mul3A_813, %scan3A_785 : i32
          %add3A_815 = arith.constant 1 : i32
          %add3A_816 = arith.addi %mul3A_814, %add3A_815 : i32
          %dma_start3A_817 = arith.constant 0 : i32
          %dma_start3A_818 = arith.constant 0 : i32
          %dma_start3A_819 = tpu.memref_slice %arg6[%dma_start3A_817, %add3A_816, %dma_start3A_818] : memref<4x200x32xf32, #tpu.memory_space<vmem>> -> memref<1x1x32xf32, #tpu.memory_space<vmem>>
          %dma_start3A_820 = tpu.memref_squeeze %dma_start3A_819 : memref<1x1x32xf32, #tpu.memory_space<vmem>> -> memref<1x32xf32, #tpu.memory_space<vmem>>
          %dma_start3A_821 = arith.constant 0 : i32
          %dma_start3A_822 = tpu.memref_slice %arg2[%squeeze3A_812, %dma_start3A_821] : memref<1000000x32xf32, #tpu.memory_space<hbm>> -> memref<1x32xf32, #tpu.memory_space<hbm>>
          %dma_start3A_823 = arith.constant 0 : i32
          %dma_start3A_824 = tpu.memref_slice %arg6[%dma_start3A_817, %add3A_816, %dma_start3A_823] : memref<4x200x32xf32, #tpu.memory_space<vmem>> -> memref<1x1x32xf32, #tpu.memory_space<vmem>>
          %dma_start3A_825 = tpu.memref_squeeze %dma_start3A_824 : memref<1x1x32xf32, #tpu.memory_space<vmem>> -> memref<1x32xf32, #tpu.memory_space<vmem>>
          %dma_start3A_826 = arith.constant 0 : i32
          %dma_start3A_827 = tpu.memref_slice %arg2[%squeeze3A_812, %dma_start3A_826] : memref<1000000x32xf32, #tpu.memory_space<hbm>> -> memref<1x32xf32, #tpu.memory_space<hbm>>
          tpu.enqueue_dma source(%dma_start3A_827 : memref<1x32xf32, #tpu.memory_space<hbm>>) target(%dma_start3A_825 : memref<1x32xf32, #tpu.memory_space<vmem>>) target_semaphore(%arg7 : memref<!tpu.dma_semaphore, #tpu.memory_space<semaphore_mem>>)
          %slice3A_828 = vector.extract_strided_slice %get3A_793 {offsets = [2], sizes = [1], strides = [1]} : vector<16xi32> to vector<1xi32>
          %squeeze3A_829 = vector.extract %slice3A_828[0] : i32 from vector<1xi32>
          %mul3A_830 = arith.constant 16 : i32
          %mul3A_831 = arith.muli %mul3A_830, %scan3A_785 : i32
          %add3A_832 = arith.constant 2 : i32
          %add3A_833 = arith.addi %mul3A_831, %add3A_832 : i32
          %dma_start3A_834 = arith.constant 0 : i32
          %dma_start3A_835 = arith.constant 0 : i32
          %dma_start3A_836 = tpu.memref_slice %arg6[%dma_start3A_834, %add3A_833, %dma_start3A_835] : memref<4x200x32xf32, #tpu.memory_space<vmem>> -> memref<1x1x32xf32, #tpu.memory_space<vmem>>
          %dma_start3A_837 = tpu.memref_squeeze %dma_start3A_836 : memref<1x1x32xf32, #tpu.memory_space<vmem>> -> memref<1x32xf32, #tpu.memory_space<vmem>>
          %dma_start3A_838 = arith.constant 0 : i32
          %dma_start3A_839 = tpu.memref_slice %arg2[%squeeze3A_829, %dma_start3A_838] : memref<1000000x32xf32, #tpu.memory_space<hbm>> -> memref<1x32xf32, #tpu.memory_space<hbm>>
          %dma_start3A_840 = arith.constant 0 : i32
          %dma_start3A_841 = tpu.memref_slice %arg6[%dma_start3A_834, %add3A_833, %dma_start3A_840] : memref<4x200x32xf32, #tpu.memory_space<vmem>> -> memref<1x1x32xf32, #tpu.memory_space<vmem>>
          %dma_start3A_842 = tpu.memref_squeeze %dma_start3A_841 : memref<1x1x32xf32, #tpu.memory_space<vmem>> -> memref<1x32xf32, #tpu.memory_space<vmem>>
          %dma_start3A_843 = arith.constant 0 : i32
          %dma_start3A_844 = tpu.memref_slice %arg2[%squeeze3A_829, %dma_start3A_843] : memref<1000000x32xf32, #tpu.memory_space<hbm>> -> memref<1x32xf32, #tpu.memory_space<hbm>>
          tpu.enqueue_dma source(%dma_start3A_844 : memref<1x32xf32, #tpu.memory_space<hbm>>) target(%dma_start3A_842 : memref<1x32xf32, #tpu.memory_space<vmem>>) target_semaphore(%arg7 : memref<!tpu.dma_semaphore, #tpu.memory_space<semaphore_mem>>)
          %slice3A_845 = vector.extract_strided_slice %get3A_793 {offsets = [3], sizes = [1], strides = [1]} : vector<16xi32> to vector<1xi32>
          %squeeze3A_846 = vector.extract %slice3A_845[0] : i32 from vector<1xi32>
          %mul3A_847 = arith.constant 16 : i32
          %mul3A_848 = arith.muli %mul3A_847, %scan3A_785 : i32
          %add3A_849 = arith.constant 3 : i32
          %add3A_850 = arith.addi %mul3A_848, %add3A_849 : i32
          %dma_start3A_851 = arith.constant 0 : i32
          %dma_start3A_852 = arith.constant 0 : i32
          %dma_start3A_853 = tpu.memref_slice %arg6[%dma_start3A_851, %add3A_850, %dma_start3A_852] : memref<4x200x32xf32, #tpu.memory_space<vmem>> -> memref<1x1x32xf32, #tpu.memory_space<vmem>>
          %dma_start3A_854 = tpu.memref_squeeze %dma_start3A_853 : memref<1x1x32xf32, #tpu.memory_space<vmem>> -> memref<1x32xf32, #tpu.memory_space<vmem>>
          %dma_start3A_855 = arith.constant 0 : i32
          %dma_start3A_856 = tpu.memref_slice %arg2[%squeeze3A_846, %dma_start3A_855] : memref<1000000x32xf32, #tpu.memory_space<hbm>> -> memref<1x32xf32, #tpu.memory_space<hbm>>
          %dma_start3A_857 = arith.constant 0 : i32
          %dma_start3A_858 = tpu.memref_slice %arg6[%dma_start3A_851, %add3A_850, %dma_start3A_857] : memref<4x200x32xf32, #tpu.memory_space<vmem>> -> memref<1x1x32xf32, #tpu.memory_space<vmem>>
          %dma_start3A_859 = tpu.memref_squeeze %dma_start3A_858 : memref<1x1x32xf32, #tpu.memory_space<vmem>> -> memref<1x32xf32, #tpu.memory_space<vmem>>
          %dma_start3A_860 = arith.constant 0 : i32
          %dma_start3A_861 = tpu.memref_slice %arg2[%squeeze3A_846, %dma_start3A_860] : memref<1000000x32xf32, #tpu.memory_space<hbm>> -> memref<1x32xf32, #tpu.memory_space<hbm>>
          tpu.enqueue_dma source(%dma_start3A_861 : memref<1x32xf32, #tpu.memory_space<hbm>>) target(%dma_start3A_859 : memref<1x32xf32, #tpu.memory_space<vmem>>) target_semaphore(%arg7 : memref<!tpu.dma_semaphore, #tpu.memory_space<semaphore_mem>>)
          %slice3A_862 = vector.extract_strided_slice %get3A_793 {offsets = [4], sizes = [1], strides = [1]} : vector<16xi32> to vector<1xi32>
          %squeeze3A_863 = vector.extract %slice3A_862[0] : i32 from vector<1xi32>
          %mul3A_864 = arith.constant 16 : i32
          %mul3A_865 = arith.muli %mul3A_864, %scan3A_785 : i32
          %add3A_866 = arith.constant 4 : i32
          %add3A_867 = arith.addi %mul3A_865, %add3A_866 : i32
          %dma_start3A_868 = arith.constant 0 : i32
          %dma_start3A_869 = arith.constant 0 : i32
          %dma_start3A_870 = tpu.memref_slice %arg6[%dma_start3A_868, %add3A_867, %dma_start3A_869] : memref<4x200x32xf32, #tpu.memory_space<vmem>> -> memref<1x1x32xf32, #tpu.memory_space<vmem>>
          %dma_start3A_871 = tpu.memref_squeeze %dma_start3A_870 : memref<1x1x32xf32, #tpu.memory_space<vmem>> -> memref<1x32xf32, #tpu.memory_space<vmem>>
          %dma_start3A_872 = arith.constant 0 : i32
          %dma_start3A_873 = tpu.memref_slice %arg2[%squeeze3A_863, %dma_start3A_872] : memref<1000000x32xf32, #tpu.memory_space<hbm>> -> memref<1x32xf32, #tpu.memory_space<hbm>>
          %dma_start3A_874 = arith.constant 0 : i32
          %dma_start3A_875 = tpu.memref_slice %arg6[%dma_start3A_868, %add3A_867, %dma_start3A_874] : memref<4x200x32xf32, #tpu.memory_space<vmem>> -> memref<1x1x32xf32, #tpu.memory_space<vmem>>
          %dma_start3A_876 = tpu.memref_squeeze %dma_start3A_875 : memref<1x1x32xf32, #tpu.memory_space<vmem>> -> memref<1x32xf32, #tpu.memory_space<vmem>>
          %dma_start3A_877 = arith.constant 0 : i32
          %dma_start3A_878 = tpu.memref_slice %arg2[%squeeze3A_863, %dma_start3A_877] : memref<1000000x32xf32, #tpu.memory_space<hbm>> -> memref<1x32xf32, #tpu.memory_space<hbm>>
          tpu.enqueue_dma source(%dma_start3A_878 : memref<1x32xf32, #tpu.memory_space<hbm>>) target(%dma_start3A_876 : memref<1x32xf32, #tpu.memory_space<vmem>>) target_semaphore(%arg7 : memref<!tpu.dma_semaphore, #tpu.memory_space<semaphore_mem>>)
          %slice3A_879 = vector.extract_strided_slice %get3A_793 {offsets = [5], sizes = [1], strides = [1]} : vector<16xi32> to vector<1xi32>
          %squeeze3A_880 = vector.extract %slice3A_879[0] : i32 from vector<1xi32>
          %mul3A_881 = arith.constant 16 : i32
          %mul3A_882 = arith.muli %mul3A_881, %scan3A_785 : i32
          %add3A_883 = arith.constant 5 : i32
          %add3A_884 = arith.addi %mul3A_882, %add3A_883 : i32
          %dma_start3A_885 = arith.constant 0 : i32
          %dma_start3A_886 = arith.constant 0 : i32
          %dma_start3A_887 = tpu.memref_slice %arg6[%dma_start3A_885, %add3A_884, %dma_start3A_886] : memref<4x200x32xf32, #tpu.memory_space<vmem>> -> memref<1x1x32xf32, #tpu.memory_space<vmem>>
          %dma_start3A_888 = tpu.memref_squeeze %dma_start3A_887 : memref<1x1x32xf32, #tpu.memory_space<vmem>> -> memref<1x32xf32, #tpu.memory_space<vmem>>
          %dma_start3A_889 = arith.constant 0 : i32
          %dma_start3A_890 = tpu.memref_slice %arg2[%squeeze3A_880, %dma_start3A_889] : memref<1000000x32xf32, #tpu.memory_space<hbm>> -> memref<1x32xf32, #tpu.memory_space<hbm>>
          %dma_start3A_891 = arith.constant 0 : i32
          %dma_start3A_892 = tpu.memref_slice %arg6[%dma_start3A_885, %add3A_884, %dma_start3A_891] : memref<4x200x32xf32, #tpu.memory_space<vmem>> -> memref<1x1x32xf32, #tpu.memory_space<vmem>>
          %dma_start3A_893 = tpu.memref_squeeze %dma_start3A_892 : memref<1x1x32xf32, #tpu.memory_space<vmem>> -> memref<1x32xf32, #tpu.memory_space<vmem>>
          %dma_start3A_894 = arith.constant 0 : i32
          %dma_start3A_895 = tpu.memref_slice %arg2[%squeeze3A_880, %dma_start3A_894] : memref<1000000x32xf32, #tpu.memory_space<hbm>> -> memref<1x32xf32, #tpu.memory_space<hbm>>
          tpu.enqueue_dma source(%dma_start3A_895 : memref<1x32xf32, #tpu.memory_space<hbm>>) target(%dma_start3A_893 : memref<1x32xf32, #tpu.memory_space<vmem>>) target_semaphore(%arg7 : memref<!tpu.dma_semaphore, #tpu.memory_space<semaphore_mem>>)
          %slice3A_896 = vector.extract_strided_slice %get3A_793 {offsets = [6], sizes = [1], strides = [1]} : vector<16xi32> to vector<1xi32>
          %squeeze3A_897 = vector.extract %slice3A_896[0] : i32 from vector<1xi32>
          %mul3A_898 = arith.constant 16 : i32
          %mul3A_899 = arith.muli %mul3A_898, %scan3A_785 : i32
          %add3A_900 = arith.constant 6 : i32
          %add3A_901 = arith.addi %mul3A_899, %add3A_900 : i32
          %dma_start3A_902 = arith.constant 0 : i32
          %dma_start3A_903 = arith.constant 0 : i32
          %dma_start3A_904 = tpu.memref_slice %arg6[%dma_start3A_902, %add3A_901, %dma_start3A_903] : memref<4x200x32xf32, #tpu.memory_space<vmem>> -> memref<1x1x32xf32, #tpu.memory_space<vmem>>
          %dma_start3A_905 = tpu.memref_squeeze %dma_start3A_904 : memref<1x1x32xf32, #tpu.memory_space<vmem>> -> memref<1x32xf32, #tpu.memory_space<vmem>>
          %dma_start3A_906 = arith.constant 0 : i32
          %dma_start3A_907 = tpu.memref_slice %arg2[%squeeze3A_897, %dma_start3A_906] : memref<1000000x32xf32, #tpu.memory_space<hbm>> -> memref<1x32xf32, #tpu.memory_space<hbm>>
          %dma_start3A_908 = arith.constant 0 : i32
          %dma_start3A_909 = tpu.memref_slice %arg6[%dma_start3A_902, %add3A_901, %dma_start3A_908] : memref<4x200x32xf32, #tpu.memory_space<vmem>> -> memref<1x1x32xf32, #tpu.memory_space<vmem>>
          %dma_start3A_910 = tpu.memref_squeeze %dma_start3A_909 : memref<1x1x32xf32, #tpu.memory_space<vmem>> -> memref<1x32xf32, #tpu.memory_space<vmem>>
          %dma_start3A_911 = arith.constant 0 : i32
          %dma_start3A_912 = tpu.memref_slice %arg2[%squeeze3A_897, %dma_start3A_911] : memref<1000000x32xf32, #tpu.memory_space<hbm>> -> memref<1x32xf32, #tpu.memory_space<hbm>>
          tpu.enqueue_dma source(%dma_start3A_912 : memref<1x32xf32, #tpu.memory_space<hbm>>) target(%dma_start3A_910 : memref<1x32xf32, #tpu.memory_space<vmem>>) target_semaphore(%arg7 : memref<!tpu.dma_semaphore, #tpu.memory_space<semaphore_mem>>)
          %slice3A_913 = vector.extract_strided_slice %get3A_793 {offsets = [7], sizes = [1], strides = [1]} : vector<16xi32> to vector<1xi32>
          %squeeze3A_914 = vector.extract %slice3A_913[0] : i32 from vector<1xi32>
          %mul3A_915 = arith.constant 16 : i32
          %mul3A_916 = arith.muli %mul3A_915, %scan3A_785 : i32
          %add3A_917 = arith.constant 7 : i32
          %add3A_918 = arith.addi %mul3A_916, %add3A_917 : i32
          %dma_start3A_919 = arith.constant 0 : i32
          %dma_start3A_920 = arith.constant 0 : i32
          %dma_start3A_921 = tpu.memref_slice %arg6[%dma_start3A_919, %add3A_918, %dma_start3A_920] : memref<4x200x32xf32, #tpu.memory_space<vmem>> -> memref<1x1x32xf32, #tpu.memory_space<vmem>>
          %dma_start3A_922 = tpu.memref_squeeze %dma_start3A_921 : memref<1x1x32xf32, #tpu.memory_space<vmem>> -> memref<1x32xf32, #tpu.memory_space<vmem>>
          %dma_start3A_923 = arith.constant 0 : i32
          %dma_start3A_924 = tpu.memref_slice %arg2[%squeeze3A_914, %dma_start3A_923] : memref<1000000x32xf32, #tpu.memory_space<hbm>> -> memref<1x32xf32, #tpu.memory_space<hbm>>
          %dma_start3A_925 = arith.constant 0 : i32
          %dma_start3A_926 = tpu.memref_slice %arg6[%dma_start3A_919, %add3A_918, %dma_start3A_925] : memref<4x200x32xf32, #tpu.memory_space<vmem>> -> memref<1x1x32xf32, #tpu.memory_space<vmem>>
          %dma_start3A_927 = tpu.memref_squeeze %dma_start3A_926 : memref<1x1x32xf32, #tpu.memory_space<vmem>> -> memref<1x32xf32, #tpu.memory_space<vmem>>
          %dma_start3A_928 = arith.constant 0 : i32
          %dma_start3A_929 = tpu.memref_slice %arg2[%squeeze3A_914, %dma_start3A_928] : memref<1000000x32xf32, #tpu.memory_space<hbm>> -> memref<1x32xf32, #tpu.memory_space<hbm>>
          tpu.enqueue_dma source(%dma_start3A_929 : memref<1x32xf32, #tpu.memory_space<hbm>>) target(%dma_start3A_927 : memref<1x32xf32, #tpu.memory_space<vmem>>) target_semaphore(%arg7 : memref<!tpu.dma_semaphore, #tpu.memory_space<semaphore_mem>>)
          %slice3A_930 = vector.extract_strided_slice %get3A_793 {offsets = [8], sizes = [1], strides = [1]} : vector<16xi32> to vector<1xi32>
          %squeeze3A_931 = vector.extract %slice3A_930[0] : i32 from vector<1xi32>
          %mul3A_932 = arith.constant 16 : i32
          %mul3A_933 = arith.muli %mul3A_932, %scan3A_785 : i32
          %add3A_934 = arith.constant 8 : i32
          %add3A_935 = arith.addi %mul3A_933, %add3A_934 : i32
          %dma_start3A_936 = arith.constant 0 : i32
          %dma_start3A_937 = arith.constant 0 : i32
          %dma_start3A_938 = tpu.memref_slice %arg6[%dma_start3A_936, %add3A_935, %dma_start3A_937] : memref<4x200x32xf32, #tpu.memory_space<vmem>> -> memref<1x1x32xf32, #tpu.memory_space<vmem>>
          %dma_start3A_939 = tpu.memref_squeeze %dma_start3A_938 : memref<1x1x32xf32, #tpu.memory_space<vmem>> -> memref<1x32xf32, #tpu.memory_space<vmem>>
          %dma_start3A_940 = arith.constant 0 : i32
          %dma_start3A_941 = tpu.memref_slice %arg2[%squeeze3A_931, %dma_start3A_940] : memref<1000000x32xf32, #tpu.memory_space<hbm>> -> memref<1x32xf32, #tpu.memory_space<hbm>>
          %dma_start3A_942 = arith.constant 0 : i32
          %dma_start3A_943 = tpu.memref_slice %arg6[%dma_start3A_936, %add3A_935, %dma_start3A_942] : memref<4x200x32xf32, #tpu.memory_space<vmem>> -> memref<1x1x32xf32, #tpu.memory_space<vmem>>
          %dma_start3A_944 = tpu.memref_squeeze %dma_start3A_943 : memref<1x1x32xf32, #tpu.memory_space<vmem>> -> memref<1x32xf32, #tpu.memory_space<vmem>>
          %dma_start3A_945 = arith.constant 0 : i32
          %dma_start3A_946 = tpu.memref_slice %arg2[%squeeze3A_931, %dma_start3A_945] : memref<1000000x32xf32, #tpu.memory_space<hbm>> -> memref<1x32xf32, #tpu.memory_space<hbm>>
          tpu.enqueue_dma source(%dma_start3A_946 : memref<1x32xf32, #tpu.memory_space<hbm>>) target(%dma_start3A_944 : memref<1x32xf32, #tpu.memory_space<vmem>>) target_semaphore(%arg7 : memref<!tpu.dma_semaphore, #tpu.memory_space<semaphore_mem>>)
          %slice3A_947 = vector.extract_strided_slice %get3A_793 {offsets = [9], sizes = [1], strides = [1]} : vector<16xi32> to vector<1xi32>
          %squeeze3A_948 = vector.extract %slice3A_947[0] : i32 from vector<1xi32>
          %mul3A_949 = arith.constant 16 : i32
          %mul3A_950 = arith.muli %mul3A_949, %scan3A_785 : i32
          %add3A_951 = arith.constant 9 : i32
          %add3A_952 = arith.addi %mul3A_950, %add3A_951 : i32
          %dma_start3A_953 = arith.constant 0 : i32
          %dma_start3A_954 = arith.constant 0 : i32
          %dma_start3A_955 = tpu.memref_slice %arg6[%dma_start3A_953, %add3A_952, %dma_start3A_954] : memref<4x200x32xf32, #tpu.memory_space<vmem>> -> memref<1x1x32xf32, #tpu.memory_space<vmem>>
          %dma_start3A_956 = tpu.memref_squeeze %dma_start3A_955 : memref<1x1x32xf32, #tpu.memory_space<vmem>> -> memref<1x32xf32, #tpu.memory_space<vmem>>
          %dma_start3A_957 = arith.constant 0 : i32
          %dma_start3A_958 = tpu.memref_slice %arg2[%squeeze3A_948, %dma_start3A_957] : memref<1000000x32xf32, #tpu.memory_space<hbm>> -> memref<1x32xf32, #tpu.memory_space<hbm>>
          %dma_start3A_959 = arith.constant 0 : i32
          %dma_start3A_960 = tpu.memref_slice %arg6[%dma_start3A_953, %add3A_952, %dma_start3A_959] : memref<4x200x32xf32, #tpu.memory_space<vmem>> -> memref<1x1x32xf32, #tpu.memory_space<vmem>>
          %dma_start3A_961 = tpu.memref_squeeze %dma_start3A_960 : memref<1x1x32xf32, #tpu.memory_space<vmem>> -> memref<1x32xf32, #tpu.memory_space<vmem>>
          %dma_start3A_962 = arith.constant 0 : i32
          %dma_start3A_963 = tpu.memref_slice %arg2[%squeeze3A_948, %dma_start3A_962] : memref<1000000x32xf32, #tpu.memory_space<hbm>> -> memref<1x32xf32, #tpu.memory_space<hbm>>
          tpu.enqueue_dma source(%dma_start3A_963 : memref<1x32xf32, #tpu.memory_space<hbm>>) target(%dma_start3A_961 : memref<1x32xf32, #tpu.memory_space<vmem>>) target_semaphore(%arg7 : memref<!tpu.dma_semaphore, #tpu.memory_space<semaphore_mem>>)
          %slice3A_964 = vector.extract_strided_slice %get3A_793 {offsets = [10], sizes = [1], strides = [1]} : vector<16xi32> to vector<1xi32>
          %squeeze3A_965 = vector.extract %slice3A_964[0] : i32 from vector<1xi32>
          %mul3A_966 = arith.constant 16 : i32
          %mul3A_967 = arith.muli %mul3A_966, %scan3A_785 : i32
          %add3A_968 = arith.constant 10 : i32
          %add3A_969 = arith.addi %mul3A_967, %add3A_968 : i32
          %dma_start3A_970 = arith.constant 0 : i32
          %dma_start3A_971 = arith.constant 0 : i32
          %dma_start3A_972 = tpu.memref_slice %arg6[%dma_start3A_970, %add3A_969, %dma_start3A_971] : memref<4x200x32xf32, #tpu.memory_space<vmem>> -> memref<1x1x32xf32, #tpu.memory_space<vmem>>
          %dma_start3A_973 = tpu.memref_squeeze %dma_start3A_972 : memref<1x1x32xf32, #tpu.memory_space<vmem>> -> memref<1x32xf32, #tpu.memory_space<vmem>>
          %dma_start3A_974 = arith.constant 0 : i32
          %dma_start3A_975 = tpu.memref_slice %arg2[%squeeze3A_965, %dma_start3A_974] : memref<1000000x32xf32, #tpu.memory_space<hbm>> -> memref<1x32xf32, #tpu.memory_space<hbm>>
          %dma_start3A_976 = arith.constant 0 : i32
          %dma_start3A_977 = tpu.memref_slice %arg6[%dma_start3A_970, %add3A_969, %dma_start3A_976] : memref<4x200x32xf32, #tpu.memory_space<vmem>> -> memref<1x1x32xf32, #tpu.memory_space<vmem>>
          %dma_start3A_978 = tpu.memref_squeeze %dma_start3A_977 : memref<1x1x32xf32, #tpu.memory_space<vmem>> -> memref<1x32xf32, #tpu.memory_space<vmem>>
          %dma_start3A_979 = arith.constant 0 : i32
          %dma_start3A_980 = tpu.memref_slice %arg2[%squeeze3A_965, %dma_start3A_979] : memref<1000000x32xf32, #tpu.memory_space<hbm>> -> memref<1x32xf32, #tpu.memory_space<hbm>>
          tpu.enqueue_dma source(%dma_start3A_980 : memref<1x32xf32, #tpu.memory_space<hbm>>) target(%dma_start3A_978 : memref<1x32xf32, #tpu.memory_space<vmem>>) target_semaphore(%arg7 : memref<!tpu.dma_semaphore, #tpu.memory_space<semaphore_mem>>)
          %slice3A_981 = vector.extract_strided_slice %get3A_793 {offsets = [11], sizes = [1], strides = [1]} : vector<16xi32> to vector<1xi32>
          %squeeze3A_982 = vector.extract %slice3A_981[0] : i32 from vector<1xi32>
          %mul3A_983 = arith.constant 16 : i32
          %mul3A_984 = arith.muli %mul3A_983, %scan3A_785 : i32
          %add3A_985 = arith.constant 11 : i32
          %add3A_986 = arith.addi %mul3A_984, %add3A_985 : i32
          %dma_start3A_987 = arith.constant 0 : i32
          %dma_start3A_988 = arith.constant 0 : i32
          %dma_start3A_989 = tpu.memref_slice %arg6[%dma_start3A_987, %add3A_986, %dma_start3A_988] : memref<4x200x32xf32, #tpu.memory_space<vmem>> -> memref<1x1x32xf32, #tpu.memory_space<vmem>>
          %dma_start3A_990 = tpu.memref_squeeze %dma_start3A_989 : memref<1x1x32xf32, #tpu.memory_space<vmem>> -> memref<1x32xf32, #tpu.memory_space<vmem>>
          %dma_start3A_991 = arith.constant 0 : i32
          %dma_start3A_992 = tpu.memref_slice %arg2[%squeeze3A_982, %dma_start3A_991] : memref<1000000x32xf32, #tpu.memory_space<hbm>> -> memref<1x32xf32, #tpu.memory_space<hbm>>
          %dma_start3A_993 = arith.constant 0 : i32
          %dma_start3A_994 = tpu.memref_slice %arg6[%dma_start3A_987, %add3A_986, %dma_start3A_993] : memref<4x200x32xf32, #tpu.memory_space<vmem>> -> memref<1x1x32xf32, #tpu.memory_space<vmem>>
          %dma_start3A_995 = tpu.memref_squeeze %dma_start3A_994 : memref<1x1x32xf32, #tpu.memory_space<vmem>> -> memref<1x32xf32, #tpu.memory_space<vmem>>
          %dma_start3A_996 = arith.constant 0 : i32
          %dma_start3A_997 = tpu.memref_slice %arg2[%squeeze3A_982, %dma_start3A_996] : memref<1000000x32xf32, #tpu.memory_space<hbm>> -> memref<1x32xf32, #tpu.memory_space<hbm>>
          tpu.enqueue_dma source(%dma_start3A_997 : memref<1x32xf32, #tpu.memory_space<hbm>>) target(%dma_start3A_995 : memref<1x32xf32, #tpu.memory_space<vmem>>) target_semaphore(%arg7 : memref<!tpu.dma_semaphore, #tpu.memory_space<semaphore_mem>>)
          %slice3A_998 = vector.extract_strided_slice %get3A_793 {offsets = [12], sizes = [1], strides = [1]} : vector<16xi32> to vector<1xi32>
          %squeeze3A_999 = vector.extract %slice3A_998[0] : i32 from vector<1xi32>
          %mul3A_1000 = arith.constant 16 : i32
          %mul3A_1001 = arith.muli %mul3A_1000, %scan3A_785 : i32
          %add3A_1002 = arith.constant 12 : i32
          %add3A_1003 = arith.addi %mul3A_1001, %add3A_1002 : i32
          %dma_start3A_1004 = arith.constant 0 : i32
          %dma_start3A_1005 = arith.constant 0 : i32
          %dma_start3A_1006 = tpu.memref_slice %arg6[%dma_start3A_1004, %add3A_1003, %dma_start3A_1005] : memref<4x200x32xf32, #tpu.memory_space<vmem>> -> memref<1x1x32xf32, #tpu.memory_space<vmem>>
          %dma_start3A_1007 = tpu.memref_squeeze %dma_start3A_1006 : memref<1x1x32xf32, #tpu.memory_space<vmem>> -> memref<1x32xf32, #tpu.memory_space<vmem>>
          %dma_start3A_1008 = arith.constant 0 : i32
          %dma_start3A_1009 = tpu.memref_slice %arg2[%squeeze3A_999, %dma_start3A_1008] : memref<1000000x32xf32, #tpu.memory_space<hbm>> -> memref<1x32xf32, #tpu.memory_space<hbm>>
          %dma_start3A_1010 = arith.constant 0 : i32
          %dma_start3A_1011 = tpu.memref_slice %arg6[%dma_start3A_1004, %add3A_1003, %dma_start3A_1010] : memref<4x200x32xf32, #tpu.memory_space<vmem>> -> memref<1x1x32xf32, #tpu.memory_space<vmem>>
          %dma_start3A_1012 = tpu.memref_squeeze %dma_start3A_1011 : memref<1x1x32xf32, #tpu.memory_space<vmem>> -> memref<1x32xf32, #tpu.memory_space<vmem>>
          %dma_start3A_1013 = arith.constant 0 : i32
          %dma_start3A_1014 = tpu.memref_slice %arg2[%squeeze3A_999, %dma_start3A_1013] : memref<1000000x32xf32, #tpu.memory_space<hbm>> -> memref<1x32xf32, #tpu.memory_space<hbm>>
          tpu.enqueue_dma source(%dma_start3A_1014 : memref<1x32xf32, #tpu.memory_space<hbm>>) target(%dma_start3A_1012 : memref<1x32xf32, #tpu.memory_space<vmem>>) target_semaphore(%arg7 : memref<!tpu.dma_semaphore, #tpu.memory_space<semaphore_mem>>)
          %slice3A_1015 = vector.extract_strided_slice %get3A_793 {offsets = [13], sizes = [1], strides = [1]} : vector<16xi32> to vector<1xi32>
          %squeeze3A_1016 = vector.extract %slice3A_1015[0] : i32 from vector<1xi32>
          %mul3A_1017 = arith.constant 16 : i32
          %mul3A_1018 = arith.muli %mul3A_1017, %scan3A_785 : i32
          %add3A_1019 = arith.constant 13 : i32
          %add3A_1020 = arith.addi %mul3A_1018, %add3A_1019 : i32
          %dma_start3A_1021 = arith.constant 0 : i32
          %dma_start3A_1022 = arith.constant 0 : i32
          %dma_start3A_1023 = tpu.memref_slice %arg6[%dma_start3A_1021, %add3A_1020, %dma_start3A_1022] : memref<4x200x32xf32, #tpu.memory_space<vmem>> -> memref<1x1x32xf32, #tpu.memory_space<vmem>>
          %dma_start3A_1024 = tpu.memref_squeeze %dma_start3A_1023 : memref<1x1x32xf32, #tpu.memory_space<vmem>> -> memref<1x32xf32, #tpu.memory_space<vmem>>
          %dma_start3A_1025 = arith.constant 0 : i32
          %dma_start3A_1026 = tpu.memref_slice %arg2[%squeeze3A_1016, %dma_start3A_1025] : memref<1000000x32xf32, #tpu.memory_space<hbm>> -> memref<1x32xf32, #tpu.memory_space<hbm>>
          %dma_start3A_1027 = arith.constant 0 : i32
          %dma_start3A_1028 = tpu.memref_slice %arg6[%dma_start3A_1021, %add3A_1020, %dma_start3A_1027] : memref<4x200x32xf32, #tpu.memory_space<vmem>> -> memref<1x1x32xf32, #tpu.memory_space<vmem>>
          %dma_start3A_1029 = tpu.memref_squeeze %dma_start3A_1028 : memref<1x1x32xf32, #tpu.memory_space<vmem>> -> memref<1x32xf32, #tpu.memory_space<vmem>>
          %dma_start3A_1030 = arith.constant 0 : i32
          %dma_start3A_1031 = tpu.memref_slice %arg2[%squeeze3A_1016, %dma_start3A_1030] : memref<1000000x32xf32, #tpu.memory_space<hbm>> -> memref<1x32xf32, #tpu.memory_space<hbm>>
          tpu.enqueue_dma source(%dma_start3A_1031 : memref<1x32xf32, #tpu.memory_space<hbm>>) target(%dma_start3A_1029 : memref<1x32xf32, #tpu.memory_space<vmem>>) target_semaphore(%arg7 : memref<!tpu.dma_semaphore, #tpu.memory_space<semaphore_mem>>)
          %slice3A_1032 = vector.extract_strided_slice %get3A_793 {offsets = [14], sizes = [1], strides = [1]} : vector<16xi32> to vector<1xi32>
          %squeeze3A_1033 = vector.extract %slice3A_1032[0] : i32 from vector<1xi32>
          %mul3A_1034 = arith.constant 16 : i32
          %mul3A_1035 = arith.muli %mul3A_1034, %scan3A_785 : i32
          %add3A_1036 = arith.constant 14 : i32
          %add3A_1037 = arith.addi %mul3A_1035, %add3A_1036 : i32
          %dma_start3A_1038 = arith.constant 0 : i32
          %dma_start3A_1039 = arith.constant 0 : i32
          %dma_start3A_1040 = tpu.memref_slice %arg6[%dma_start3A_1038, %add3A_1037, %dma_start3A_1039] : memref<4x200x32xf32, #tpu.memory_space<vmem>> -> memref<1x1x32xf32, #tpu.memory_space<vmem>>
          %dma_start3A_1041 = tpu.memref_squeeze %dma_start3A_1040 : memref<1x1x32xf32, #tpu.memory_space<vmem>> -> memref<1x32xf32, #tpu.memory_space<vmem>>
          %dma_start3A_1042 = arith.constant 0 : i32
          %dma_start3A_1043 = tpu.memref_slice %arg2[%squeeze3A_1033, %dma_start3A_1042] : memref<1000000x32xf32, #tpu.memory_space<hbm>> -> memref<1x32xf32, #tpu.memory_space<hbm>>
          %dma_start3A_1044 = arith.constant 0 : i32
          %dma_start3A_1045 = tpu.memref_slice %arg6[%dma_start3A_1038, %add3A_1037, %dma_start3A_1044] : memref<4x200x32xf32, #tpu.memory_space<vmem>> -> memref<1x1x32xf32, #tpu.memory_space<vmem>>
          %dma_start3A_1046 = tpu.memref_squeeze %dma_start3A_1045 : memref<1x1x32xf32, #tpu.memory_space<vmem>> -> memref<1x32xf32, #tpu.memory_space<vmem>>
          %dma_start3A_1047 = arith.constant 0 : i32
          %dma_start3A_1048 = tpu.memref_slice %arg2[%squeeze3A_1033, %dma_start3A_1047] : memref<1000000x32xf32, #tpu.memory_space<hbm>> -> memref<1x32xf32, #tpu.memory_space<hbm>>
          tpu.enqueue_dma source(%dma_start3A_1048 : memref<1x32xf32, #tpu.memory_space<hbm>>) target(%dma_start3A_1046 : memref<1x32xf32, #tpu.memory_space<vmem>>) target_semaphore(%arg7 : memref<!tpu.dma_semaphore, #tpu.memory_space<semaphore_mem>>)
          %slice3A_1049 = vector.extract_strided_slice %get3A_793 {offsets = [15], sizes = [1], strides = [1]} : vector<16xi32> to vector<1xi32>
          %squeeze3A_1050 = vector.extract %slice3A_1049[0] : i32 from vector<1xi32>
          %mul3A_1051 = arith.constant 16 : i32
          %mul3A_1052 = arith.muli %mul3A_1051, %scan3A_785 : i32
          %add3A_1053 = arith.constant 15 : i32
          %add3A_1054 = arith.addi %mul3A_1052, %add3A_1053 : i32
          %dma_start3A_1055 = arith.constant 0 : i32
          %dma_start3A_1056 = arith.constant 0 : i32
          %dma_start3A_1057 = tpu.memref_slice %arg6[%dma_start3A_1055, %add3A_1054, %dma_start3A_1056] : memref<4x200x32xf32, #tpu.memory_space<vmem>> -> memref<1x1x32xf32, #tpu.memory_space<vmem>>
          %dma_start3A_1058 = tpu.memref_squeeze %dma_start3A_1057 : memref<1x1x32xf32, #tpu.memory_space<vmem>> -> memref<1x32xf32, #tpu.memory_space<vmem>>
          %dma_start3A_1059 = arith.constant 0 : i32
          %dma_start3A_1060 = tpu.memref_slice %arg2[%squeeze3A_1050, %dma_start3A_1059] : memref<1000000x32xf32, #tpu.memory_space<hbm>> -> memref<1x32xf32, #tpu.memory_space<hbm>>
          %dma_start3A_1061 = arith.constant 0 : i32
          %dma_start3A_1062 = tpu.memref_slice %arg6[%dma_start3A_1055, %add3A_1054, %dma_start3A_1061] : memref<4x200x32xf32, #tpu.memory_space<vmem>> -> memref<1x1x32xf32, #tpu.memory_space<vmem>>
          %dma_start3A_1063 = tpu.memref_squeeze %dma_start3A_1062 : memref<1x1x32xf32, #tpu.memory_space<vmem>> -> memref<1x32xf32, #tpu.memory_space<vmem>>
          %dma_start3A_1064 = arith.constant 0 : i32
          %dma_start3A_1065 = tpu.memref_slice %arg2[%squeeze3A_1050, %dma_start3A_1064] : memref<1000000x32xf32, #tpu.memory_space<hbm>> -> memref<1x32xf32, #tpu.memory_space<hbm>>
          tpu.enqueue_dma source(%dma_start3A_1065 : memref<1x32xf32, #tpu.memory_space<hbm>>) target(%dma_start3A_1063 : memref<1x32xf32, #tpu.memory_space<vmem>>) target_semaphore(%arg7 : memref<!tpu.dma_semaphore, #tpu.memory_space<semaphore_mem>>)
        }
        %scan3A_657 = arith.constant 12 : i32
        %mul3A_658 = arith.constant 200 : i32
        %mul3A_659 = arith.muli %mul3A_658, %add3A_515 : i32
        %add3A_660 = arith.constant 192 : i32
        %add3A_661 = arith.addi %mul3A_659, %add3A_660 : i32
        %get3A_662 = arith.index_cast %add3A_661 : i32 to index
        %get3A_663 = tpu.vector_load %arg5[%get3A_662] {strides = array<i32>} : memref<25616xi32, #tpu.memory_space<vmem>>, vector<16xi32>,
        %get3A_664 = vector.shape_cast %get3A_663 : vector<16xi32> to vector<16xi32>
        %slice3A_665 = vector.extract_strided_slice %get3A_664 {offsets = [0], sizes = [1], strides = [1]} : vector<16xi32> to vector<1xi32>
        %squeeze3A_666 = vector.extract %slice3A_665[0] : i32 from vector<1xi32>
        %dma_start3A_667 = arith.constant 0 : i32
        %dma_start3A_668 = arith.constant 192 : i32
        %dma_start3A_669 = arith.constant 0 : i32
        %dma_start3A_670 = tpu.memref_slice %arg6[%dma_start3A_667, %dma_start3A_668, %dma_start3A_669] : memref<4x200x32xf32, #tpu.memory_space<vmem>> -> memref<1x1x32xf32, #tpu.memory_space<vmem>>
        %dma_start3A_671 = tpu.memref_squeeze %dma_start3A_670 : memref<1x1x32xf32, #tpu.memory_space<vmem>> -> memref<1x32xf32, #tpu.memory_space<vmem>>
        %dma_start3A_672 = arith.constant 0 : i32
        %dma_start3A_673 = tpu.memref_slice %arg2[%squeeze3A_666, %dma_start3A_672] : memref<1000000x32xf32, #tpu.memory_space<hbm>> -> memref<1x32xf32, #tpu.memory_space<hbm>>
        %dma_start3A_674 = arith.constant 192 : i32
        %dma_start3A_675 = arith.constant 0 : i32
        %dma_start3A_676 = tpu.memref_slice %arg6[%dma_start3A_667, %dma_start3A_674, %dma_start3A_675] : memref<4x200x32xf32, #tpu.memory_space<vmem>> -> memref<1x1x32xf32, #tpu.memory_space<vmem>>
        %dma_start3A_677 = tpu.memref_squeeze %dma_start3A_676 : memref<1x1x32xf32, #tpu.memory_space<vmem>> -> memref<1x32xf32, #tpu.memory_space<vmem>>
        %dma_start3A_678 = arith.constant 0 : i32
        %dma_start3A_679 = tpu.memref_slice %arg2[%squeeze3A_666, %dma_start3A_678] : memref<1000000x32xf32, #tpu.memory_space<hbm>> -> memref<1x32xf32, #tpu.memory_space<hbm>>
        tpu.enqueue_dma source(%dma_start3A_679 : memref<1x32xf32, #tpu.memory_space<hbm>>) target(%dma_start3A_677 : memref<1x32xf32, #tpu.memory_space<vmem>>) target_semaphore(%arg7 : memref<!tpu.dma_semaphore, #tpu.memory_space<semaphore_mem>>)
        %slice3A_680 = vector.extract_strided_slice %get3A_664 {offsets = [1], sizes = [1], strides = [1]} : vector<16xi32> to vector<1xi32>
        %squeeze3A_681 = vector.extract %slice3A_680[0] : i32 from vector<1xi32>
        %dma_start3A_682 = arith.constant 0 : i32
        %dma_start3A_683 = arith.constant 193 : i32
        %dma_start3A_684 = arith.constant 0 : i32
        %dma_start3A_685 = tpu.memref_slice %arg6[%dma_start3A_682, %dma_start3A_683, %dma_start3A_684] : memref<4x200x32xf32, #tpu.memory_space<vmem>> -> memref<1x1x32xf32, #tpu.memory_space<vmem>>
        %dma_start3A_686 = tpu.memref_squeeze %dma_start3A_685 : memref<1x1x32xf32, #tpu.memory_space<vmem>> -> memref<1x32xf32, #tpu.memory_space<vmem>>
        %dma_start3A_687 = arith.constant 0 : i32
        %dma_start3A_688 = tpu.memref_slice %arg2[%squeeze3A_681, %dma_start3A_687] : memref<1000000x32xf32, #tpu.memory_space<hbm>> -> memref<1x32xf32, #tpu.memory_space<hbm>>
        %dma_start3A_689 = arith.constant 193 : i32
        %dma_start3A_690 = arith.constant 0 : i32
        %dma_start3A_691 = tpu.memref_slice %arg6[%dma_start3A_682, %dma_start3A_689, %dma_start3A_690] : memref<4x200x32xf32, #tpu.memory_space<vmem>> -> memref<1x1x32xf32, #tpu.memory_space<vmem>>
        %dma_start3A_692 = tpu.memref_squeeze %dma_start3A_691 : memref<1x1x32xf32, #tpu.memory_space<vmem>> -> memref<1x32xf32, #tpu.memory_space<vmem>>
        %dma_start3A_693 = arith.constant 0 : i32
        %dma_start3A_694 = tpu.memref_slice %arg2[%squeeze3A_681, %dma_start3A_693] : memref<1000000x32xf32, #tpu.memory_space<hbm>> -> memref<1x32xf32, #tpu.memory_space<hbm>>
        tpu.enqueue_dma source(%dma_start3A_694 : memref<1x32xf32, #tpu.memory_space<hbm>>) target(%dma_start3A_692 : memref<1x32xf32, #tpu.memory_space<vmem>>) target_semaphore(%arg7 : memref<!tpu.dma_semaphore, #tpu.memory_space<semaphore_mem>>)
        %slice3A_695 = vector.extract_strided_slice %get3A_664 {offsets = [2], sizes = [1], strides = [1]} : vector<16xi32> to vector<1xi32>
        %squeeze3A_696 = vector.extract %slice3A_695[0] : i32 from vector<1xi32>
        %dma_start3A_697 = arith.constant 0 : i32
        %dma_start3A_698 = arith.constant 194 : i32
        %dma_start3A_699 = arith.constant 0 : i32
        %dma_start3A_700 = tpu.memref_slice %arg6[%dma_start3A_697, %dma_start3A_698, %dma_start3A_699] : memref<4x200x32xf32, #tpu.memory_space<vmem>> -> memref<1x1x32xf32, #tpu.memory_space<vmem>>
        %dma_start3A_701 = tpu.memref_squeeze %dma_start3A_700 : memref<1x1x32xf32, #tpu.memory_space<vmem>> -> memref<1x32xf32, #tpu.memory_space<vmem>>
        %dma_start3A_702 = arith.constant 0 : i32
        %dma_start3A_703 = tpu.memref_slice %arg2[%squeeze3A_696, %dma_start3A_702] : memref<1000000x32xf32, #tpu.memory_space<hbm>> -> memref<1x32xf32, #tpu.memory_space<hbm>>
        %dma_start3A_704 = arith.constant 194 : i32
        %dma_start3A_705 = arith.constant 0 : i32
        %dma_start3A_706 = tpu.memref_slice %arg6[%dma_start3A_697, %dma_start3A_704, %dma_start3A_705] : memref<4x200x32xf32, #tpu.memory_space<vmem>> -> memref<1x1x32xf32, #tpu.memory_space<vmem>>
        %dma_start3A_707 = tpu.memref_squeeze %dma_start3A_706 : memref<1x1x32xf32, #tpu.memory_space<vmem>> -> memref<1x32xf32, #tpu.memory_space<vmem>>
        %dma_start3A_708 = arith.constant 0 : i32
        %dma_start3A_709 = tpu.memref_slice %arg2[%squeeze3A_696, %dma_start3A_708] : memref<1000000x32xf32, #tpu.memory_space<hbm>> -> memref<1x32xf32, #tpu.memory_space<hbm>>
        tpu.enqueue_dma source(%dma_start3A_709 : memref<1x32xf32, #tpu.memory_space<hbm>>) target(%dma_start3A_707 : memref<1x32xf32, #tpu.memory_space<vmem>>) target_semaphore(%arg7 : memref<!tpu.dma_semaphore, #tpu.memory_space<semaphore_mem>>)
        %slice3A_710 = vector.extract_strided_slice %get3A_664 {offsets = [3], sizes = [1], strides = [1]} : vector<16xi32> to vector<1xi32>
        %squeeze3A_711 = vector.extract %slice3A_710[0] : i32 from vector<1xi32>
        %dma_start3A_712 = arith.constant 0 : i32
        %dma_start3A_713 = arith.constant 195 : i32
        %dma_start3A_714 = arith.constant 0 : i32
        %dma_start3A_715 = tpu.memref_slice %arg6[%dma_start3A_712, %dma_start3A_713, %dma_start3A_714] : memref<4x200x32xf32, #tpu.memory_space<vmem>> -> memref<1x1x32xf32, #tpu.memory_space<vmem>>
        %dma_start3A_716 = tpu.memref_squeeze %dma_start3A_715 : memref<1x1x32xf32, #tpu.memory_space<vmem>> -> memref<1x32xf32, #tpu.memory_space<vmem>>
        %dma_start3A_717 = arith.constant 0 : i32
        %dma_start3A_718 = tpu.memref_slice %arg2[%squeeze3A_711, %dma_start3A_717] : memref<1000000x32xf32, #tpu.memory_space<hbm>> -> memref<1x32xf32, #tpu.memory_space<hbm>>
        %dma_start3A_719 = arith.constant 195 : i32
        %dma_start3A_720 = arith.constant 0 : i32
        %dma_start3A_721 = tpu.memref_slice %arg6[%dma_start3A_712, %dma_start3A_719, %dma_start3A_720] : memref<4x200x32xf32, #tpu.memory_space<vmem>> -> memref<1x1x32xf32, #tpu.memory_space<vmem>>
        %dma_start3A_722 = tpu.memref_squeeze %dma_start3A_721 : memref<1x1x32xf32, #tpu.memory_space<vmem>> -> memref<1x32xf32, #tpu.memory_space<vmem>>
        %dma_start3A_723 = arith.constant 0 : i32
        %dma_start3A_724 = tpu.memref_slice %arg2[%squeeze3A_711, %dma_start3A_723] : memref<1000000x32xf32, #tpu.memory_space<hbm>> -> memref<1x32xf32, #tpu.memory_space<hbm>>
        tpu.enqueue_dma source(%dma_start3A_724 : memref<1x32xf32, #tpu.memory_space<hbm>>) target(%dma_start3A_722 : memref<1x32xf32, #tpu.memory_space<vmem>>) target_semaphore(%arg7 : memref<!tpu.dma_semaphore, #tpu.memory_space<semaphore_mem>>)
        %slice3A_725 = vector.extract_strided_slice %get3A_664 {offsets = [4], sizes = [1], strides = [1]} : vector<16xi32> to vector<1xi32>
        %squeeze3A_726 = vector.extract %slice3A_725[0] : i32 from vector<1xi32>
        %dma_start3A_727 = arith.constant 0 : i32
        %dma_start3A_728 = arith.constant 196 : i32
        %dma_start3A_729 = arith.constant 0 : i32
        %dma_start3A_730 = tpu.memref_slice %arg6[%dma_start3A_727, %dma_start3A_728, %dma_start3A_729] : memref<4x200x32xf32, #tpu.memory_space<vmem>> -> memref<1x1x32xf32, #tpu.memory_space<vmem>>
        %dma_start3A_731 = tpu.memref_squeeze %dma_start3A_730 : memref<1x1x32xf32, #tpu.memory_space<vmem>> -> memref<1x32xf32, #tpu.memory_space<vmem>>
        %dma_start3A_732 = arith.constant 0 : i32
        %dma_start3A_733 = tpu.memref_slice %arg2[%squeeze3A_726, %dma_start3A_732] : memref<1000000x32xf32, #tpu.memory_space<hbm>> -> memref<1x32xf32, #tpu.memory_space<hbm>>
        %dma_start3A_734 = arith.constant 196 : i32
        %dma_start3A_735 = arith.constant 0 : i32
        %dma_start3A_736 = tpu.memref_slice %arg6[%dma_start3A_727, %dma_start3A_734, %dma_start3A_735] : memref<4x200x32xf32, #tpu.memory_space<vmem>> -> memref<1x1x32xf32, #tpu.memory_space<vmem>>
        %dma_start3A_737 = tpu.memref_squeeze %dma_start3A_736 : memref<1x1x32xf32, #tpu.memory_space<vmem>> -> memref<1x32xf32, #tpu.memory_space<vmem>>
        %dma_start3A_738 = arith.constant 0 : i32
        %dma_start3A_739 = tpu.memref_slice %arg2[%squeeze3A_726, %dma_start3A_738] : memref<1000000x32xf32, #tpu.memory_space<hbm>> -> memref<1x32xf32, #tpu.memory_space<hbm>>
        tpu.enqueue_dma source(%dma_start3A_739 : memref<1x32xf32, #tpu.memory_space<hbm>>) target(%dma_start3A_737 : memref<1x32xf32, #tpu.memory_space<vmem>>) target_semaphore(%arg7 : memref<!tpu.dma_semaphore, #tpu.memory_space<semaphore_mem>>)
        %slice3A_740 = vector.extract_strided_slice %get3A_664 {offsets = [5], sizes = [1], strides = [1]} : vector<16xi32> to vector<1xi32>
        %squeeze3A_741 = vector.extract %slice3A_740[0] : i32 from vector<1xi32>
        %dma_start3A_742 = arith.constant 0 : i32
        %dma_start3A_743 = arith.constant 197 : i32
        %dma_start3A_744 = arith.constant 0 : i32
        %dma_start3A_745 = tpu.memref_slice %arg6[%dma_start3A_742, %dma_start3A_743, %dma_start3A_744] : memref<4x200x32xf32, #tpu.memory_space<vmem>> -> memref<1x1x32xf32, #tpu.memory_space<vmem>>
        %dma_start3A_746 = tpu.memref_squeeze %dma_start3A_745 : memref<1x1x32xf32, #tpu.memory_space<vmem>> -> memref<1x32xf32, #tpu.memory_space<vmem>>
        %dma_start3A_747 = arith.constant 0 : i32
        %dma_start3A_748 = tpu.memref_slice %arg2[%squeeze3A_741, %dma_start3A_747] : memref<1000000x32xf32, #tpu.memory_space<hbm>> -> memref<1x32xf32, #tpu.memory_space<hbm>>
        %dma_start3A_749 = arith.constant 197 : i32
        %dma_start3A_750 = arith.constant 0 : i32
        %dma_start3A_751 = tpu.memref_slice %arg6[%dma_start3A_742, %dma_start3A_749, %dma_start3A_750] : memref<4x200x32xf32, #tpu.memory_space<vmem>> -> memref<1x1x32xf32, #tpu.memory_space<vmem>>
        %dma_start3A_752 = tpu.memref_squeeze %dma_start3A_751 : memref<1x1x32xf32, #tpu.memory_space<vmem>> -> memref<1x32xf32, #tpu.memory_space<vmem>>
        %dma_start3A_753 = arith.constant 0 : i32
        %dma_start3A_754 = tpu.memref_slice %arg2[%squeeze3A_741, %dma_start3A_753] : memref<1000000x32xf32, #tpu.memory_space<hbm>> -> memref<1x32xf32, #tpu.memory_space<hbm>>
        tpu.enqueue_dma source(%dma_start3A_754 : memref<1x32xf32, #tpu.memory_space<hbm>>) target(%dma_start3A_752 : memref<1x32xf32, #tpu.memory_space<vmem>>) target_semaphore(%arg7 : memref<!tpu.dma_semaphore, #tpu.memory_space<semaphore_mem>>)
        %slice3A_755 = vector.extract_strided_slice %get3A_664 {offsets = [6], sizes = [1], strides = [1]} : vector<16xi32> to vector<1xi32>
        %squeeze3A_756 = vector.extract %slice3A_755[0] : i32 from vector<1xi32>
        %dma_start3A_757 = arith.constant 0 : i32
        %dma_start3A_758 = arith.constant 198 : i32
        %dma_start3A_759 = arith.constant 0 : i32
        %dma_start3A_760 = tpu.memref_slice %arg6[%dma_start3A_757, %dma_start3A_758, %dma_start3A_759] : memref<4x200x32xf32, #tpu.memory_space<vmem>> -> memref<1x1x32xf32, #tpu.memory_space<vmem>>
        %dma_start3A_761 = tpu.memref_squeeze %dma_start3A_760 : memref<1x1x32xf32, #tpu.memory_space<vmem>> -> memref<1x32xf32, #tpu.memory_space<vmem>>
        %dma_start3A_762 = arith.constant 0 : i32
        %dma_start3A_763 = tpu.memref_slice %arg2[%squeeze3A_756, %dma_start3A_762] : memref<1000000x32xf32, #tpu.memory_space<hbm>> -> memref<1x32xf32, #tpu.memory_space<hbm>>
        %dma_start3A_764 = arith.constant 198 : i32
        %dma_start3A_765 = arith.constant 0 : i32
        %dma_start3A_766 = tpu.memref_slice %arg6[%dma_start3A_757, %dma_start3A_764, %dma_start3A_765] : memref<4x200x32xf32, #tpu.memory_space<vmem>> -> memref<1x1x32xf32, #tpu.memory_space<vmem>>
        %dma_start3A_767 = tpu.memref_squeeze %dma_start3A_766 : memref<1x1x32xf32, #tpu.memory_space<vmem>> -> memref<1x32xf32, #tpu.memory_space<vmem>>
        %dma_start3A_768 = arith.constant 0 : i32
        %dma_start3A_769 = tpu.memref_slice %arg2[%squeeze3A_756, %dma_start3A_768] : memref<1000000x32xf32, #tpu.memory_space<hbm>> -> memref<1x32xf32, #tpu.memory_space<hbm>>
        tpu.enqueue_dma source(%dma_start3A_769 : memref<1x32xf32, #tpu.memory_space<hbm>>) target(%dma_start3A_767 : memref<1x32xf32, #tpu.memory_space<vmem>>) target_semaphore(%arg7 : memref<!tpu.dma_semaphore, #tpu.memory_space<semaphore_mem>>)
        %slice3A_770 = vector.extract_strided_slice %get3A_664 {offsets = [7], sizes = [1], strides = [1]} : vector<16xi32> to vector<1xi32>
        %squeeze3A_771 = vector.extract %slice3A_770[0] : i32 from vector<1xi32>
        %dma_start3A_772 = arith.constant 0 : i32
        %dma_start3A_773 = arith.constant 199 : i32
        %dma_start3A_774 = arith.constant 0 : i32
        %dma_start3A_775 = tpu.memref_slice %arg6[%dma_start3A_772, %dma_start3A_773, %dma_start3A_774] : memref<4x200x32xf32, #tpu.memory_space<vmem>> -> memref<1x1x32xf32, #tpu.memory_space<vmem>>
        %dma_start3A_776 = tpu.memref_squeeze %dma_start3A_775 : memref<1x1x32xf32, #tpu.memory_space<vmem>> -> memref<1x32xf32, #tpu.memory_space<vmem>>
        %dma_start3A_777 = arith.constant 0 : i32
        %dma_start3A_778 = tpu.memref_slice %arg2[%squeeze3A_771, %dma_start3A_777] : memref<1000000x32xf32, #tpu.memory_space<hbm>> -> memref<1x32xf32, #tpu.memory_space<hbm>>
        %dma_start3A_779 = arith.constant 199 : i32
        %dma_start3A_780 = arith.constant 0 : i32
        %dma_start3A_781 = tpu.memref_slice %arg6[%dma_start3A_772, %dma_start3A_779, %dma_start3A_780] : memref<4x200x32xf32, #tpu.memory_space<vmem>> -> memref<1x1x32xf32, #tpu.memory_space<vmem>>
        %dma_start3A_782 = tpu.memref_squeeze %dma_start3A_781 : memref<1x1x32xf32, #tpu.memory_space<vmem>> -> memref<1x32xf32, #tpu.memory_space<vmem>>
        %dma_start3A_783 = arith.constant 0 : i32
        %dma_start3A_784 = tpu.memref_slice %arg2[%squeeze3A_771, %dma_start3A_783] : memref<1000000x32xf32, #tpu.memory_space<hbm>> -> memref<1x32xf32, #tpu.memory_space<hbm>>
        tpu.enqueue_dma source(%dma_start3A_784 : memref<1x32xf32, #tpu.memory_space<hbm>>) target(%dma_start3A_782 : memref<1x32xf32, #tpu.memory_space<vmem>>) target_semaphore(%arg7 : memref<!tpu.dma_semaphore, #tpu.memory_space<semaphore_mem>>)
      } else {
      }
      %dma_wait3A_521 = arith.constant 1 : i32
      %dma_wait3A_522 = arith.constant 0 : i32
      %dma_wait3A_523 = arith.constant 0 : i32
      %dma_wait3A_524 = tpu.memref_slice %arg6[%dma_wait3A_521, %dma_wait3A_522, %dma_wait3A_523] : memref<4x200x32xf32, #tpu.memory_space<vmem>> -> memref<1x200x32xf32, #tpu.memory_space<vmem>>
      %dma_wait3A_525 = tpu.memref_squeeze %dma_wait3A_524 : memref<1x200x32xf32, #tpu.memory_space<vmem>> -> memref<200x32xf32, #tpu.memory_space<vmem>>
      %dma_wait3A_526 = arith.constant 0 : i32
      %dma_wait3A_527 = arith.constant 0 : i32
      %dma_wait3A_528 = tpu.memref_slice %arg2[%dma_wait3A_526, %dma_wait3A_527] : memref<1000000x32xf32, #tpu.memory_space<hbm>> -> memref<200x32xf32, #tpu.memory_space<hbm>>
      %dma_wait3A_529 = arith.constant 0 : i32
      %dma_wait3A_530 = arith.constant 0 : i32
      %dma_wait3A_531 = tpu.memref_slice %arg6[%dma_wait3A_521, %dma_wait3A_529, %dma_wait3A_530] : memref<4x200x32xf32, #tpu.memory_space<vmem>> -> memref<1x200x32xf32, #tpu.memory_space<vmem>>
      %dma_wait3A_532 = tpu.memref_squeeze %dma_wait3A_531 : memref<1x200x32xf32, #tpu.memory_space<vmem>> -> memref<200x32xf32, #tpu.memory_space<vmem>>
      %dma_wait3A_533 = arith.constant 0 : i32
      %dma_wait3A_534 = arith.constant 0 : i32
      %dma_wait3A_535 = tpu.memref_slice %arg2[%dma_wait3A_533, %dma_wait3A_534] : memref<1000000x32xf32, #tpu.memory_space<hbm>> -> memref<200x32xf32, #tpu.memory_space<hbm>>
      tpu.wait_dma2 semaphore(%arg8 : memref<!tpu.dma_semaphore, #tpu.memory_space<semaphore_mem>>) src(%dma_wait3A_535 : memref<200x32xf32, #tpu.memory_space<hbm>>) dst(%dma_wait3A_532 : memref<200x32xf32, #tpu.memory_space<vmem>>)
      %mul3A_536 = arith.constant 128 : i32
      %mul3A_537 = arith.muli %add3A, %mul3A_536 : i32
      %add3A_538 = arith.addi %mul3A_537, %add3A_513 : i32
      %dma_start3A_539 = arith.constant 1 : i32
      %dma_start3A_540 = arith.constant 0 : i32
      %dma_start3A_541 = arith.constant 0 : i32
      %dma_start3A_542 = tpu.memref_slice %arg6[%dma_start3A_539, %dma_start3A_540, %dma_start3A_541] : memref<4x200x32xf32, #tpu.memory_space<vmem>> -> memref<1x200x32xf32, #tpu.memory_space<vmem>>
      %dma_start3A_543 = tpu.memref_squeeze %dma_start3A_542 : memref<1x200x32xf32, #tpu.memory_space<vmem>> -> memref<200x32xf32, #tpu.memory_space<vmem>>
      %dma_start3A_544 = arith.constant 0 : i32
      %dma_start3A_545 = arith.constant 0 : i32
      %dma_start3A_546 = tpu.memref_slice %arg4[%add3A_538, %dma_start3A_544, %dma_start3A_545] : memref<4096x200x32xf32, #tpu.memory_space<hbm>> -> memref<1x200x32xf32, #tpu.memory_space<hbm>>
      %dma_start3A_547 = tpu.memref_squeeze %dma_start3A_546 : memref<1x200x32xf32, #tpu.memory_space<hbm>> -> memref<200x32xf32, #tpu.memory_space<hbm>>
      %dma_start3A_548 = arith.constant 0 : i32
      %dma_start3A_549 = arith.constant 0 : i32
      %dma_start3A_550 = tpu.memref_slice %arg4[%add3A_538, %dma_start3A_548, %dma_start3A_549] : memref<4096x200x32xf32, #tpu.memory_space<hbm>> -> memref<1x200x32xf32, #tpu.memory_space<hbm>>
      %dma_start3A_551 = tpu.memref_squeeze %dma_start3A_550 : memref<1x200x32xf32, #tpu.memory_space<hbm>> -> memref<200x32xf32, #tpu.memory_space<hbm>>
      %dma_start3A_552 = arith.constant 0 : i32
      %dma_start3A_553 = arith.constant 0 : i32
      %dma_start3A_554 = tpu.memref_slice %arg6[%dma_start3A_539, %dma_start3A_552, %dma_start3A_553] : memref<4x200x32xf32, #tpu.memory_space<vmem>> -> memref<1x200x32xf32, #tpu.memory_space<vmem>>
      %dma_start3A_555 = tpu.memref_squeeze %dma_start3A_554 : memref<1x200x32xf32, #tpu.memory_space<vmem>> -> memref<200x32xf32, #tpu.memory_space<vmem>>
      tpu.enqueue_dma source(%dma_start3A_555 : memref<200x32xf32, #tpu.memory_space<vmem>>) target(%dma_start3A_551 : memref<200x32xf32, #tpu.memory_space<hbm>>) target_semaphore(%arg12 : memref<!tpu.dma_semaphore, #tpu.memory_space<semaphore_mem>>)
      %mul3A_556 = arith.constant 4 : i32
      %mul3A_557 = arith.muli %scan3A_466, %mul3A_556 : i32
      %add3A_558 = arith.constant 2 : i32
      %add3A_559 = arith.addi %mul3A_557, %add3A_558 : i32
      %add3A_560 = arith.constant 3 : i32
      %add3A_561 = arith.addi %add3A_559, %add3A_560 : i32
      %lt3A_562 = arith.constant 128 : i32
      %lt3A_563 = arith.cmpi slt, %add3A_561, %lt3A_562 : i32
      %convert_element_type3A_564 = arith.extui %lt3A_563 : i1 to i32
      %cond3A_565 = arith.constant 0 : i32
      %cond3A_566 = arith.cmpi ne, %convert_element_type3A_564, %cond3A_565 : i32
      scf.if %cond3A_566 {
        %ge3A = arith.constant 4 : i32
        %ge3A_648 = arith.cmpi sge, %add3A_561, %ge3A : i32
        %convert_element_type3A_649 = arith.extui %ge3A_648 : i1 to i32
        %cond3A_650 = arith.constant 0 : i32
        %cond3A_651 = arith.cmpi ne, %convert_element_type3A_649, %cond3A_650 : i32
        scf.if %cond3A_651 {
          %mul3A_785 = arith.constant 128 : i32
          %mul3A_786 = arith.muli %add3A, %mul3A_785 : i32
          %dma_wait3A_787 = arith.constant 1 : i32
          %dma_wait3A_788 = arith.constant 0 : i32
          %dma_wait3A_789 = arith.constant 0 : i32
          %dma_wait3A_790 = tpu.memref_slice %arg6[%dma_wait3A_787, %dma_wait3A_788, %dma_wait3A_789] : memref<4x200x32xf32, #tpu.memory_space<vmem>> -> memref<1x200x32xf32, #tpu.memory_space<vmem>>
          %dma_wait3A_791 = tpu.memref_squeeze %dma_wait3A_790 : memref<1x200x32xf32, #tpu.memory_space<vmem>> -> memref<200x32xf32, #tpu.memory_space<vmem>>
          %dma_wait3A_792 = arith.constant 0 : i32
          %dma_wait3A_793 = arith.constant 0 : i32
          %dma_wait3A_794 = tpu.memref_slice %arg4[%mul3A_786, %dma_wait3A_792, %dma_wait3A_793] : memref<4096x200x32xf32, #tpu.memory_space<hbm>> -> memref<1x200x32xf32, #tpu.memory_space<hbm>>
          %dma_wait3A_795 = tpu.memref_squeeze %dma_wait3A_794 : memref<1x200x32xf32, #tpu.memory_space<hbm>> -> memref<200x32xf32, #tpu.memory_space<hbm>>
          %dma_wait3A_796 = arith.constant 0 : i32
          %dma_wait3A_797 = arith.constant 0 : i32
          %dma_wait3A_798 = tpu.memref_slice %arg4[%mul3A_786, %dma_wait3A_796, %dma_wait3A_797] : memref<4096x200x32xf32, #tpu.memory_space<hbm>> -> memref<1x200x32xf32, #tpu.memory_space<hbm>>
          %dma_wait3A_799 = tpu.memref_squeeze %dma_wait3A_798 : memref<1x200x32xf32, #tpu.memory_space<hbm>> -> memref<200x32xf32, #tpu.memory_space<hbm>>
          %dma_wait3A_800 = arith.constant 0 : i32
          %dma_wait3A_801 = arith.constant 0 : i32
          %dma_wait3A_802 = tpu.memref_slice %arg6[%dma_wait3A_787, %dma_wait3A_800, %dma_wait3A_801] : memref<4x200x32xf32, #tpu.memory_space<vmem>> -> memref<1x200x32xf32, #tpu.memory_space<vmem>>
          %dma_wait3A_803 = tpu.memref_squeeze %dma_wait3A_802 : memref<1x200x32xf32, #tpu.memory_space<vmem>> -> memref<200x32xf32, #tpu.memory_space<vmem>>
          tpu.wait_dma2 semaphore(%arg12 : memref<!tpu.dma_semaphore, #tpu.memory_space<semaphore_mem>>) src(%dma_wait3A_803 : memref<200x32xf32, #tpu.memory_space<vmem>>) dst(%dma_wait3A_799 : memref<200x32xf32, #tpu.memory_space<hbm>>)
        } else {
        }
        %scan3A_652 = arith.constant 0 : i32
        %scan3A_653 = arith.constant 0 : i32
        %scan3A_654 = arith.constant 12 : i32
        %scan3A_655 = arith.addi %scan3A_653, %scan3A_654 : i32
        %scan3A_656 = arith.constant 1 : i32
        scf.for %scan3A_785 = %scan3A_653 to %scan3A_655 step %scan3A_656  : i32 {
          %mul3A_786 = arith.constant 200 : i32
          %mul3A_787 = arith.muli %mul3A_786, %add3A_561 : i32
          %mul3A_788 = arith.constant 16 : i32
          %mul3A_789 = arith.muli %mul3A_788, %scan3A_785 : i32
          %add3A_790 = arith.addi %mul3A_787, %mul3A_789 : i32
          %get3A_791 = arith.index_cast %add3A_790 : i32 to index
          %get3A_792 = tpu.vector_load %arg5[%get3A_791] {strides = array<i32>} : memref<25616xi32, #tpu.memory_space<vmem>>, vector<16xi32>,
          %get3A_793 = vector.shape_cast %get3A_792 : vector<16xi32> to vector<16xi32>
          %slice3A_794 = vector.extract_strided_slice %get3A_793 {offsets = [0], sizes = [1], strides = [1]} : vector<16xi32> to vector<1xi32>
          %squeeze3A_795 = vector.extract %slice3A_794[0] : i32 from vector<1xi32>
          %mul3A_796 = arith.constant 16 : i32
          %mul3A_797 = arith.muli %mul3A_796, %scan3A_785 : i32
          %add3A_798 = arith.constant 0 : i32
          %add3A_799 = arith.addi %mul3A_797, %add3A_798 : i32
          %dma_start3A_800 = arith.constant 1 : i32
          %dma_start3A_801 = arith.constant 0 : i32
          %dma_start3A_802 = tpu.memref_slice %arg6[%dma_start3A_800, %add3A_799, %dma_start3A_801] : memref<4x200x32xf32, #tpu.memory_space<vmem>> -> memref<1x1x32xf32, #tpu.memory_space<vmem>>
          %dma_start3A_803 = tpu.memref_squeeze %dma_start3A_802 : memref<1x1x32xf32, #tpu.memory_space<vmem>> -> memref<1x32xf32, #tpu.memory_space<vmem>>
          %dma_start3A_804 = arith.constant 0 : i32
          %dma_start3A_805 = tpu.memref_slice %arg2[%squeeze3A_795, %dma_start3A_804] : memref<1000000x32xf32, #tpu.memory_space<hbm>> -> memref<1x32xf32, #tpu.memory_space<hbm>>
          %dma_start3A_806 = arith.constant 0 : i32
          %dma_start3A_807 = tpu.memref_slice %arg6[%dma_start3A_800, %add3A_799, %dma_start3A_806] : memref<4x200x32xf32, #tpu.memory_space<vmem>> -> memref<1x1x32xf32, #tpu.memory_space<vmem>>
          %dma_start3A_808 = tpu.memref_squeeze %dma_start3A_807 : memref<1x1x32xf32, #tpu.memory_space<vmem>> -> memref<1x32xf32, #tpu.memory_space<vmem>>
          %dma_start3A_809 = arith.constant 0 : i32
          %dma_start3A_810 = tpu.memref_slice %arg2[%squeeze3A_795, %dma_start3A_809] : memref<1000000x32xf32, #tpu.memory_space<hbm>> -> memref<1x32xf32, #tpu.memory_space<hbm>>
          tpu.enqueue_dma source(%dma_start3A_810 : memref<1x32xf32, #tpu.memory_space<hbm>>) target(%dma_start3A_808 : memref<1x32xf32, #tpu.memory_space<vmem>>) target_semaphore(%arg8 : memref<!tpu.dma_semaphore, #tpu.memory_space<semaphore_mem>>)
          %slice3A_811 = vector.extract_strided_slice %get3A_793 {offsets = [1], sizes = [1], strides = [1]} : vector<16xi32> to vector<1xi32>
          %squeeze3A_812 = vector.extract %slice3A_811[0] : i32 from vector<1xi32>
          %mul3A_813 = arith.constant 16 : i32
          %mul3A_814 = arith.muli %mul3A_813, %scan3A_785 : i32
          %add3A_815 = arith.constant 1 : i32
          %add3A_816 = arith.addi %mul3A_814, %add3A_815 : i32
          %dma_start3A_817 = arith.constant 1 : i32
          %dma_start3A_818 = arith.constant 0 : i32
          %dma_start3A_819 = tpu.memref_slice %arg6[%dma_start3A_817, %add3A_816, %dma_start3A_818] : memref<4x200x32xf32, #tpu.memory_space<vmem>> -> memref<1x1x32xf32, #tpu.memory_space<vmem>>
          %dma_start3A_820 = tpu.memref_squeeze %dma_start3A_819 : memref<1x1x32xf32, #tpu.memory_space<vmem>> -> memref<1x32xf32, #tpu.memory_space<vmem>>
          %dma_start3A_821 = arith.constant 0 : i32
          %dma_start3A_822 = tpu.memref_slice %arg2[%squeeze3A_812, %dma_start3A_821] : memref<1000000x32xf32, #tpu.memory_space<hbm>> -> memref<1x32xf32, #tpu.memory_space<hbm>>
          %dma_start3A_823 = arith.constant 0 : i32
          %dma_start3A_824 = tpu.memref_slice %arg6[%dma_start3A_817, %add3A_816, %dma_start3A_823] : memref<4x200x32xf32, #tpu.memory_space<vmem>> -> memref<1x1x32xf32, #tpu.memory_space<vmem>>
          %dma_start3A_825 = tpu.memref_squeeze %dma_start3A_824 : memref<1x1x32xf32, #tpu.memory_space<vmem>> -> memref<1x32xf32, #tpu.memory_space<vmem>>
          %dma_start3A_826 = arith.constant 0 : i32
          %dma_start3A_827 = tpu.memref_slice %arg2[%squeeze3A_812, %dma_start3A_826] : memref<1000000x32xf32, #tpu.memory_space<hbm>> -> memref<1x32xf32, #tpu.memory_space<hbm>>
          tpu.enqueue_dma source(%dma_start3A_827 : memref<1x32xf32, #tpu.memory_space<hbm>>) target(%dma_start3A_825 : memref<1x32xf32, #tpu.memory_space<vmem>>) target_semaphore(%arg8 : memref<!tpu.dma_semaphore, #tpu.memory_space<semaphore_mem>>)
          %slice3A_828 = vector.extract_strided_slice %get3A_793 {offsets = [2], sizes = [1], strides = [1]} : vector<16xi32> to vector<1xi32>
          %squeeze3A_829 = vector.extract %slice3A_828[0] : i32 from vector<1xi32>
          %mul3A_830 = arith.constant 16 : i32
          %mul3A_831 = arith.muli %mul3A_830, %scan3A_785 : i32
          %add3A_832 = arith.constant 2 : i32
          %add3A_833 = arith.addi %mul3A_831, %add3A_832 : i32
          %dma_start3A_834 = arith.constant 1 : i32
          %dma_start3A_835 = arith.constant 0 : i32
          %dma_start3A_836 = tpu.memref_slice %arg6[%dma_start3A_834, %add3A_833, %dma_start3A_835] : memref<4x200x32xf32, #tpu.memory_space<vmem>> -> memref<1x1x32xf32, #tpu.memory_space<vmem>>
          %dma_start3A_837 = tpu.memref_squeeze %dma_start3A_836 : memref<1x1x32xf32, #tpu.memory_space<vmem>> -> memref<1x32xf32, #tpu.memory_space<vmem>>
          %dma_start3A_838 = arith.constant 0 : i32
          %dma_start3A_839 = tpu.memref_slice %arg2[%squeeze3A_829, %dma_start3A_838] : memref<1000000x32xf32, #tpu.memory_space<hbm>> -> memref<1x32xf32, #tpu.memory_space<hbm>>
          %dma_start3A_840 = arith.constant 0 : i32
          %dma_start3A_841 = tpu.memref_slice %arg6[%dma_start3A_834, %add3A_833, %dma_start3A_840] : memref<4x200x32xf32, #tpu.memory_space<vmem>> -> memref<1x1x32xf32, #tpu.memory_space<vmem>>
          %dma_start3A_842 = tpu.memref_squeeze %dma_start3A_841 : memref<1x1x32xf32, #tpu.memory_space<vmem>> -> memref<1x32xf32, #tpu.memory_space<vmem>>
          %dma_start3A_843 = arith.constant 0 : i32
          %dma_start3A_844 = tpu.memref_slice %arg2[%squeeze3A_829, %dma_start3A_843] : memref<1000000x32xf32, #tpu.memory_space<hbm>> -> memref<1x32xf32, #tpu.memory_space<hbm>>
          tpu.enqueue_dma source(%dma_start3A_844 : memref<1x32xf32, #tpu.memory_space<hbm>>) target(%dma_start3A_842 : memref<1x32xf32, #tpu.memory_space<vmem>>) target_semaphore(%arg8 : memref<!tpu.dma_semaphore, #tpu.memory_space<semaphore_mem>>)
          %slice3A_845 = vector.extract_strided_slice %get3A_793 {offsets = [3], sizes = [1], strides = [1]} : vector<16xi32> to vector<1xi32>
          %squeeze3A_846 = vector.extract %slice3A_845[0] : i32 from vector<1xi32>
          %mul3A_847 = arith.constant 16 : i32
          %mul3A_848 = arith.muli %mul3A_847, %scan3A_785 : i32
          %add3A_849 = arith.constant 3 : i32
          %add3A_850 = arith.addi %mul3A_848, %add3A_849 : i32
          %dma_start3A_851 = arith.constant 1 : i32
          %dma_start3A_852 = arith.constant 0 : i32
          %dma_start3A_853 = tpu.memref_slice %arg6[%dma_start3A_851, %add3A_850, %dma_start3A_852] : memref<4x200x32xf32, #tpu.memory_space<vmem>> -> memref<1x1x32xf32, #tpu.memory_space<vmem>>
          %dma_start3A_854 = tpu.memref_squeeze %dma_start3A_853 : memref<1x1x32xf32, #tpu.memory_space<vmem>> -> memref<1x32xf32, #tpu.memory_space<vmem>>
          %dma_start3A_855 = arith.constant 0 : i32
          %dma_start3A_856 = tpu.memref_slice %arg2[%squeeze3A_846, %dma_start3A_855] : memref<1000000x32xf32, #tpu.memory_space<hbm>> -> memref<1x32xf32, #tpu.memory_space<hbm>>
          %dma_start3A_857 = arith.constant 0 : i32
          %dma_start3A_858 = tpu.memref_slice %arg6[%dma_start3A_851, %add3A_850, %dma_start3A_857] : memref<4x200x32xf32, #tpu.memory_space<vmem>> -> memref<1x1x32xf32, #tpu.memory_space<vmem>>
          %dma_start3A_859 = tpu.memref_squeeze %dma_start3A_858 : memref<1x1x32xf32, #tpu.memory_space<vmem>> -> memref<1x32xf32, #tpu.memory_space<vmem>>
          %dma_start3A_860 = arith.constant 0 : i32
          %dma_start3A_861 = tpu.memref_slice %arg2[%squeeze3A_846, %dma_start3A_860] : memref<1000000x32xf32, #tpu.memory_space<hbm>> -> memref<1x32xf32, #tpu.memory_space<hbm>>
          tpu.enqueue_dma source(%dma_start3A_861 : memref<1x32xf32, #tpu.memory_space<hbm>>) target(%dma_start3A_859 : memref<1x32xf32, #tpu.memory_space<vmem>>) target_semaphore(%arg8 : memref<!tpu.dma_semaphore, #tpu.memory_space<semaphore_mem>>)
          %slice3A_862 = vector.extract_strided_slice %get3A_793 {offsets = [4], sizes = [1], strides = [1]} : vector<16xi32> to vector<1xi32>
          %squeeze3A_863 = vector.extract %slice3A_862[0] : i32 from vector<1xi32>
          %mul3A_864 = arith.constant 16 : i32
          %mul3A_865 = arith.muli %mul3A_864, %scan3A_785 : i32
          %add3A_866 = arith.constant 4 : i32
          %add3A_867 = arith.addi %mul3A_865, %add3A_866 : i32
          %dma_start3A_868 = arith.constant 1 : i32
          %dma_start3A_869 = arith.constant 0 : i32
          %dma_start3A_870 = tpu.memref_slice %arg6[%dma_start3A_868, %add3A_867, %dma_start3A_869] : memref<4x200x32xf32, #tpu.memory_space<vmem>> -> memref<1x1x32xf32, #tpu.memory_space<vmem>>
          %dma_start3A_871 = tpu.memref_squeeze %dma_start3A_870 : memref<1x1x32xf32, #tpu.memory_space<vmem>> -> memref<1x32xf32, #tpu.memory_space<vmem>>
          %dma_start3A_872 = arith.constant 0 : i32
          %dma_start3A_873 = tpu.memref_slice %arg2[%squeeze3A_863, %dma_start3A_872] : memref<1000000x32xf32, #tpu.memory_space<hbm>> -> memref<1x32xf32, #tpu.memory_space<hbm>>
          %dma_start3A_874 = arith.constant 0 : i32
          %dma_start3A_875 = tpu.memref_slice %arg6[%dma_start3A_868, %add3A_867, %dma_start3A_874] : memref<4x200x32xf32, #tpu.memory_space<vmem>> -> memref<1x1x32xf32, #tpu.memory_space<vmem>>
          %dma_start3A_876 = tpu.memref_squeeze %dma_start3A_875 : memref<1x1x32xf32, #tpu.memory_space<vmem>> -> memref<1x32xf32, #tpu.memory_space<vmem>>
          %dma_start3A_877 = arith.constant 0 : i32
          %dma_start3A_878 = tpu.memref_slice %arg2[%squeeze3A_863, %dma_start3A_877] : memref<1000000x32xf32, #tpu.memory_space<hbm>> -> memref<1x32xf32, #tpu.memory_space<hbm>>
          tpu.enqueue_dma source(%dma_start3A_878 : memref<1x32xf32, #tpu.memory_space<hbm>>) target(%dma_start3A_876 : memref<1x32xf32, #tpu.memory_space<vmem>>) target_semaphore(%arg8 : memref<!tpu.dma_semaphore, #tpu.memory_space<semaphore_mem>>)
          %slice3A_879 = vector.extract_strided_slice %get3A_793 {offsets = [5], sizes = [1], strides = [1]} : vector<16xi32> to vector<1xi32>
          %squeeze3A_880 = vector.extract %slice3A_879[0] : i32 from vector<1xi32>
          %mul3A_881 = arith.constant 16 : i32
          %mul3A_882 = arith.muli %mul3A_881, %scan3A_785 : i32
          %add3A_883 = arith.constant 5 : i32
          %add3A_884 = arith.addi %mul3A_882, %add3A_883 : i32
          %dma_start3A_885 = arith.constant 1 : i32
          %dma_start3A_886 = arith.constant 0 : i32
          %dma_start3A_887 = tpu.memref_slice %arg6[%dma_start3A_885, %add3A_884, %dma_start3A_886] : memref<4x200x32xf32, #tpu.memory_space<vmem>> -> memref<1x1x32xf32, #tpu.memory_space<vmem>>
          %dma_start3A_888 = tpu.memref_squeeze %dma_start3A_887 : memref<1x1x32xf32, #tpu.memory_space<vmem>> -> memref<1x32xf32, #tpu.memory_space<vmem>>
          %dma_start3A_889 = arith.constant 0 : i32
          %dma_start3A_890 = tpu.memref_slice %arg2[%squeeze3A_880, %dma_start3A_889] : memref<1000000x32xf32, #tpu.memory_space<hbm>> -> memref<1x32xf32, #tpu.memory_space<hbm>>
          %dma_start3A_891 = arith.constant 0 : i32
          %dma_start3A_892 = tpu.memref_slice %arg6[%dma_start3A_885, %add3A_884, %dma_start3A_891] : memref<4x200x32xf32, #tpu.memory_space<vmem>> -> memref<1x1x32xf32, #tpu.memory_space<vmem>>
          %dma_start3A_893 = tpu.memref_squeeze %dma_start3A_892 : memref<1x1x32xf32, #tpu.memory_space<vmem>> -> memref<1x32xf32, #tpu.memory_space<vmem>>
          %dma_start3A_894 = arith.constant 0 : i32
          %dma_start3A_895 = tpu.memref_slice %arg2[%squeeze3A_880, %dma_start3A_894] : memref<1000000x32xf32, #tpu.memory_space<hbm>> -> memref<1x32xf32, #tpu.memory_space<hbm>>
          tpu.enqueue_dma source(%dma_start3A_895 : memref<1x32xf32, #tpu.memory_space<hbm>>) target(%dma_start3A_893 : memref<1x32xf32, #tpu.memory_space<vmem>>) target_semaphore(%arg8 : memref<!tpu.dma_semaphore, #tpu.memory_space<semaphore_mem>>)
          %slice3A_896 = vector.extract_strided_slice %get3A_793 {offsets = [6], sizes = [1], strides = [1]} : vector<16xi32> to vector<1xi32>
          %squeeze3A_897 = vector.extract %slice3A_896[0] : i32 from vector<1xi32>
          %mul3A_898 = arith.constant 16 : i32
          %mul3A_899 = arith.muli %mul3A_898, %scan3A_785 : i32
          %add3A_900 = arith.constant 6 : i32
          %add3A_901 = arith.addi %mul3A_899, %add3A_900 : i32
          %dma_start3A_902 = arith.constant 1 : i32
          %dma_start3A_903 = arith.constant 0 : i32
          %dma_start3A_904 = tpu.memref_slice %arg6[%dma_start3A_902, %add3A_901, %dma_start3A_903] : memref<4x200x32xf32, #tpu.memory_space<vmem>> -> memref<1x1x32xf32, #tpu.memory_space<vmem>>
          %dma_start3A_905 = tpu.memref_squeeze %dma_start3A_904 : memref<1x1x32xf32, #tpu.memory_space<vmem>> -> memref<1x32xf32, #tpu.memory_space<vmem>>
          %dma_start3A_906 = arith.constant 0 : i32
          %dma_start3A_907 = tpu.memref_slice %arg2[%squeeze3A_897, %dma_start3A_906] : memref<1000000x32xf32, #tpu.memory_space<hbm>> -> memref<1x32xf32, #tpu.memory_space<hbm>>
          %dma_start3A_908 = arith.constant 0 : i32
          %dma_start3A_909 = tpu.memref_slice %arg6[%dma_start3A_902, %add3A_901, %dma_start3A_908] : memref<4x200x32xf32, #tpu.memory_space<vmem>> -> memref<1x1x32xf32, #tpu.memory_space<vmem>>
          %dma_start3A_910 = tpu.memref_squeeze %dma_start3A_909 : memref<1x1x32xf32, #tpu.memory_space<vmem>> -> memref<1x32xf32, #tpu.memory_space<vmem>>
          %dma_start3A_911 = arith.constant 0 : i32
          %dma_start3A_912 = tpu.memref_slice %arg2[%squeeze3A_897, %dma_start3A_911] : memref<1000000x32xf32, #tpu.memory_space<hbm>> -> memref<1x32xf32, #tpu.memory_space<hbm>>
          tpu.enqueue_dma source(%dma_start3A_912 : memref<1x32xf32, #tpu.memory_space<hbm>>) target(%dma_start3A_910 : memref<1x32xf32, #tpu.memory_space<vmem>>) target_semaphore(%arg8 : memref<!tpu.dma_semaphore, #tpu.memory_space<semaphore_mem>>)
          %slice3A_913 = vector.extract_strided_slice %get3A_793 {offsets = [7], sizes = [1], strides = [1]} : vector<16xi32> to vector<1xi32>
          %squeeze3A_914 = vector.extract %slice3A_913[0] : i32 from vector<1xi32>
          %mul3A_915 = arith.constant 16 : i32
          %mul3A_916 = arith.muli %mul3A_915, %scan3A_785 : i32
          %add3A_917 = arith.constant 7 : i32
          %add3A_918 = arith.addi %mul3A_916, %add3A_917 : i32
          %dma_start3A_919 = arith.constant 1 : i32
          %dma_start3A_920 = arith.constant 0 : i32
          %dma_start3A_921 = tpu.memref_slice %arg6[%dma_start3A_919, %add3A_918, %dma_start3A_920] : memref<4x200x32xf32, #tpu.memory_space<vmem>> -> memref<1x1x32xf32, #tpu.memory_space<vmem>>
          %dma_start3A_922 = tpu.memref_squeeze %dma_start3A_921 : memref<1x1x32xf32, #tpu.memory_space<vmem>> -> memref<1x32xf32, #tpu.memory_space<vmem>>
          %dma_start3A_923 = arith.constant 0 : i32
          %dma_start3A_924 = tpu.memref_slice %arg2[%squeeze3A_914, %dma_start3A_923] : memref<1000000x32xf32, #tpu.memory_space<hbm>> -> memref<1x32xf32, #tpu.memory_space<hbm>>
          %dma_start3A_925 = arith.constant 0 : i32
          %dma_start3A_926 = tpu.memref_slice %arg6[%dma_start3A_919, %add3A_918, %dma_start3A_925] : memref<4x200x32xf32, #tpu.memory_space<vmem>> -> memref<1x1x32xf32, #tpu.memory_space<vmem>>
          %dma_start3A_927 = tpu.memref_squeeze %dma_start3A_926 : memref<1x1x32xf32, #tpu.memory_space<vmem>> -> memref<1x32xf32, #tpu.memory_space<vmem>>
          %dma_start3A_928 = arith.constant 0 : i32
          %dma_start3A_929 = tpu.memref_slice %arg2[%squeeze3A_914, %dma_start3A_928] : memref<1000000x32xf32, #tpu.memory_space<hbm>> -> memref<1x32xf32, #tpu.memory_space<hbm>>
          tpu.enqueue_dma source(%dma_start3A_929 : memref<1x32xf32, #tpu.memory_space<hbm>>) target(%dma_start3A_927 : memref<1x32xf32, #tpu.memory_space<vmem>>) target_semaphore(%arg8 : memref<!tpu.dma_semaphore, #tpu.memory_space<semaphore_mem>>)
          %slice3A_930 = vector.extract_strided_slice %get3A_793 {offsets = [8], sizes = [1], strides = [1]} : vector<16xi32> to vector<1xi32>
          %squeeze3A_931 = vector.extract %slice3A_930[0] : i32 from vector<1xi32>
          %mul3A_932 = arith.constant 16 : i32
          %mul3A_933 = arith.muli %mul3A_932, %scan3A_785 : i32
          %add3A_934 = arith.constant 8 : i32
          %add3A_935 = arith.addi %mul3A_933, %add3A_934 : i32
          %dma_start3A_936 = arith.constant 1 : i32
          %dma_start3A_937 = arith.constant 0 : i32
          %dma_start3A_938 = tpu.memref_slice %arg6[%dma_start3A_936, %add3A_935, %dma_start3A_937] : memref<4x200x32xf32, #tpu.memory_space<vmem>> -> memref<1x1x32xf32, #tpu.memory_space<vmem>>
          %dma_start3A_939 = tpu.memref_squeeze %dma_start3A_938 : memref<1x1x32xf32, #tpu.memory_space<vmem>> -> memref<1x32xf32, #tpu.memory_space<vmem>>
          %dma_start3A_940 = arith.constant 0 : i32
          %dma_start3A_941 = tpu.memref_slice %arg2[%squeeze3A_931, %dma_start3A_940] : memref<1000000x32xf32, #tpu.memory_space<hbm>> -> memref<1x32xf32, #tpu.memory_space<hbm>>
          %dma_start3A_942 = arith.constant 0 : i32
          %dma_start3A_943 = tpu.memref_slice %arg6[%dma_start3A_936, %add3A_935, %dma_start3A_942] : memref<4x200x32xf32, #tpu.memory_space<vmem>> -> memref<1x1x32xf32, #tpu.memory_space<vmem>>
          %dma_start3A_944 = tpu.memref_squeeze %dma_start3A_943 : memref<1x1x32xf32, #tpu.memory_space<vmem>> -> memref<1x32xf32, #tpu.memory_space<vmem>>
          %dma_start3A_945 = arith.constant 0 : i32
          %dma_start3A_946 = tpu.memref_slice %arg2[%squeeze3A_931, %dma_start3A_945] : memref<1000000x32xf32, #tpu.memory_space<hbm>> -> memref<1x32xf32, #tpu.memory_space<hbm>>
          tpu.enqueue_dma source(%dma_start3A_946 : memref<1x32xf32, #tpu.memory_space<hbm>>) target(%dma_start3A_944 : memref<1x32xf32, #tpu.memory_space<vmem>>) target_semaphore(%arg8 : memref<!tpu.dma_semaphore, #tpu.memory_space<semaphore_mem>>)
          %slice3A_947 = vector.extract_strided_slice %get3A_793 {offsets = [9], sizes = [1], strides = [1]} : vector<16xi32> to vector<1xi32>
          %squeeze3A_948 = vector.extract %slice3A_947[0] : i32 from vector<1xi32>
          %mul3A_949 = arith.constant 16 : i32
          %mul3A_950 = arith.muli %mul3A_949, %scan3A_785 : i32
          %add3A_951 = arith.constant 9 : i32
          %add3A_952 = arith.addi %mul3A_950, %add3A_951 : i32
          %dma_start3A_953 = arith.constant 1 : i32
          %dma_start3A_954 = arith.constant 0 : i32
          %dma_start3A_955 = tpu.memref_slice %arg6[%dma_start3A_953, %add3A_952, %dma_start3A_954] : memref<4x200x32xf32, #tpu.memory_space<vmem>> -> memref<1x1x32xf32, #tpu.memory_space<vmem>>
          %dma_start3A_956 = tpu.memref_squeeze %dma_start3A_955 : memref<1x1x32xf32, #tpu.memory_space<vmem>> -> memref<1x32xf32, #tpu.memory_space<vmem>>
          %dma_start3A_957 = arith.constant 0 : i32
          %dma_start3A_958 = tpu.memref_slice %arg2[%squeeze3A_948, %dma_start3A_957] : memref<1000000x32xf32, #tpu.memory_space<hbm>> -> memref<1x32xf32, #tpu.memory_space<hbm>>
          %dma_start3A_959 = arith.constant 0 : i32
          %dma_start3A_960 = tpu.memref_slice %arg6[%dma_start3A_953, %add3A_952, %dma_start3A_959] : memref<4x200x32xf32, #tpu.memory_space<vmem>> -> memref<1x1x32xf32, #tpu.memory_space<vmem>>
          %dma_start3A_961 = tpu.memref_squeeze %dma_start3A_960 : memref<1x1x32xf32, #tpu.memory_space<vmem>> -> memref<1x32xf32, #tpu.memory_space<vmem>>
          %dma_start3A_962 = arith.constant 0 : i32
          %dma_start3A_963 = tpu.memref_slice %arg2[%squeeze3A_948, %dma_start3A_962] : memref<1000000x32xf32, #tpu.memory_space<hbm>> -> memref<1x32xf32, #tpu.memory_space<hbm>>
          tpu.enqueue_dma source(%dma_start3A_963 : memref<1x32xf32, #tpu.memory_space<hbm>>) target(%dma_start3A_961 : memref<1x32xf32, #tpu.memory_space<vmem>>) target_semaphore(%arg8 : memref<!tpu.dma_semaphore, #tpu.memory_space<semaphore_mem>>)
          %slice3A_964 = vector.extract_strided_slice %get3A_793 {offsets = [10], sizes = [1], strides = [1]} : vector<16xi32> to vector<1xi32>
          %squeeze3A_965 = vector.extract %slice3A_964[0] : i32 from vector<1xi32>
          %mul3A_966 = arith.constant 16 : i32
          %mul3A_967 = arith.muli %mul3A_966, %scan3A_785 : i32
          %add3A_968 = arith.constant 10 : i32
          %add3A_969 = arith.addi %mul3A_967, %add3A_968 : i32
          %dma_start3A_970 = arith.constant 1 : i32
          %dma_start3A_971 = arith.constant 0 : i32
          %dma_start3A_972 = tpu.memref_slice %arg6[%dma_start3A_970, %add3A_969, %dma_start3A_971] : memref<4x200x32xf32, #tpu.memory_space<vmem>> -> memref<1x1x32xf32, #tpu.memory_space<vmem>>
          %dma_start3A_973 = tpu.memref_squeeze %dma_start3A_972 : memref<1x1x32xf32, #tpu.memory_space<vmem>> -> memref<1x32xf32, #tpu.memory_space<vmem>>
          %dma_start3A_974 = arith.constant 0 : i32
          %dma_start3A_975 = tpu.memref_slice %arg2[%squeeze3A_965, %dma_start3A_974] : memref<1000000x32xf32, #tpu.memory_space<hbm>> -> memref<1x32xf32, #tpu.memory_space<hbm>>
          %dma_start3A_976 = arith.constant 0 : i32
          %dma_start3A_977 = tpu.memref_slice %arg6[%dma_start3A_970, %add3A_969, %dma_start3A_976] : memref<4x200x32xf32, #tpu.memory_space<vmem>> -> memref<1x1x32xf32, #tpu.memory_space<vmem>>
          %dma_start3A_978 = tpu.memref_squeeze %dma_start3A_977 : memref<1x1x32xf32, #tpu.memory_space<vmem>> -> memref<1x32xf32, #tpu.memory_space<vmem>>
          %dma_start3A_979 = arith.constant 0 : i32
          %dma_start3A_980 = tpu.memref_slice %arg2[%squeeze3A_965, %dma_start3A_979] : memref<1000000x32xf32, #tpu.memory_space<hbm>> -> memref<1x32xf32, #tpu.memory_space<hbm>>
          tpu.enqueue_dma source(%dma_start3A_980 : memref<1x32xf32, #tpu.memory_space<hbm>>) target(%dma_start3A_978 : memref<1x32xf32, #tpu.memory_space<vmem>>) target_semaphore(%arg8 : memref<!tpu.dma_semaphore, #tpu.memory_space<semaphore_mem>>)
          %slice3A_981 = vector.extract_strided_slice %get3A_793 {offsets = [11], sizes = [1], strides = [1]} : vector<16xi32> to vector<1xi32>
          %squeeze3A_982 = vector.extract %slice3A_981[0] : i32 from vector<1xi32>
          %mul3A_983 = arith.constant 16 : i32
          %mul3A_984 = arith.muli %mul3A_983, %scan3A_785 : i32
          %add3A_985 = arith.constant 11 : i32
          %add3A_986 = arith.addi %mul3A_984, %add3A_985 : i32
          %dma_start3A_987 = arith.constant 1 : i32
          %dma_start3A_988 = arith.constant 0 : i32
          %dma_start3A_989 = tpu.memref_slice %arg6[%dma_start3A_987, %add3A_986, %dma_start3A_988] : memref<4x200x32xf32, #tpu.memory_space<vmem>> -> memref<1x1x32xf32, #tpu.memory_space<vmem>>
          %dma_start3A_990 = tpu.memref_squeeze %dma_start3A_989 : memref<1x1x32xf32, #tpu.memory_space<vmem>> -> memref<1x32xf32, #tpu.memory_space<vmem>>
          %dma_start3A_991 = arith.constant 0 : i32
          %dma_start3A_992 = tpu.memref_slice %arg2[%squeeze3A_982, %dma_start3A_991] : memref<1000000x32xf32, #tpu.memory_space<hbm>> -> memref<1x32xf32, #tpu.memory_space<hbm>>
          %dma_start3A_993 = arith.constant 0 : i32
          %dma_start3A_994 = tpu.memref_slice %arg6[%dma_start3A_987, %add3A_986, %dma_start3A_993] : memref<4x200x32xf32, #tpu.memory_space<vmem>> -> memref<1x1x32xf32, #tpu.memory_space<vmem>>
          %dma_start3A_995 = tpu.memref_squeeze %dma_start3A_994 : memref<1x1x32xf32, #tpu.memory_space<vmem>> -> memref<1x32xf32, #tpu.memory_space<vmem>>
          %dma_start3A_996 = arith.constant 0 : i32
          %dma_start3A_997 = tpu.memref_slice %arg2[%squeeze3A_982, %dma_start3A_996] : memref<1000000x32xf32, #tpu.memory_space<hbm>> -> memref<1x32xf32, #tpu.memory_space<hbm>>
          tpu.enqueue_dma source(%dma_start3A_997 : memref<1x32xf32, #tpu.memory_space<hbm>>) target(%dma_start3A_995 : memref<1x32xf32, #tpu.memory_space<vmem>>) target_semaphore(%arg8 : memref<!tpu.dma_semaphore, #tpu.memory_space<semaphore_mem>>)
          %slice3A_998 = vector.extract_strided_slice %get3A_793 {offsets = [12], sizes = [1], strides = [1]} : vector<16xi32> to vector<1xi32>
          %squeeze3A_999 = vector.extract %slice3A_998[0] : i32 from vector<1xi32>
          %mul3A_1000 = arith.constant 16 : i32
          %mul3A_1001 = arith.muli %mul3A_1000, %scan3A_785 : i32
          %add3A_1002 = arith.constant 12 : i32
          %add3A_1003 = arith.addi %mul3A_1001, %add3A_1002 : i32
          %dma_start3A_1004 = arith.constant 1 : i32
          %dma_start3A_1005 = arith.constant 0 : i32
          %dma_start3A_1006 = tpu.memref_slice %arg6[%dma_start3A_1004, %add3A_1003, %dma_start3A_1005] : memref<4x200x32xf32, #tpu.memory_space<vmem>> -> memref<1x1x32xf32, #tpu.memory_space<vmem>>
          %dma_start3A_1007 = tpu.memref_squeeze %dma_start3A_1006 : memref<1x1x32xf32, #tpu.memory_space<vmem>> -> memref<1x32xf32, #tpu.memory_space<vmem>>
          %dma_start3A_1008 = arith.constant 0 : i32
          %dma_start3A_1009 = tpu.memref_slice %arg2[%squeeze3A_999, %dma_start3A_1008] : memref<1000000x32xf32, #tpu.memory_space<hbm>> -> memref<1x32xf32, #tpu.memory_space<hbm>>
          %dma_start3A_1010 = arith.constant 0 : i32
          %dma_start3A_1011 = tpu.memref_slice %arg6[%dma_start3A_1004, %add3A_1003, %dma_start3A_1010] : memref<4x200x32xf32, #tpu.memory_space<vmem>> -> memref<1x1x32xf32, #tpu.memory_space<vmem>>
          %dma_start3A_1012 = tpu.memref_squeeze %dma_start3A_1011 : memref<1x1x32xf32, #tpu.memory_space<vmem>> -> memref<1x32xf32, #tpu.memory_space<vmem>>
          %dma_start3A_1013 = arith.constant 0 : i32
          %dma_start3A_1014 = tpu.memref_slice %arg2[%squeeze3A_999, %dma_start3A_1013] : memref<1000000x32xf32, #tpu.memory_space<hbm>> -> memref<1x32xf32, #tpu.memory_space<hbm>>
          tpu.enqueue_dma source(%dma_start3A_1014 : memref<1x32xf32, #tpu.memory_space<hbm>>) target(%dma_start3A_1012 : memref<1x32xf32, #tpu.memory_space<vmem>>) target_semaphore(%arg8 : memref<!tpu.dma_semaphore, #tpu.memory_space<semaphore_mem>>)
          %slice3A_1015 = vector.extract_strided_slice %get3A_793 {offsets = [13], sizes = [1], strides = [1]} : vector<16xi32> to vector<1xi32>
          %squeeze3A_1016 = vector.extract %slice3A_1015[0] : i32 from vector<1xi32>
          %mul3A_1017 = arith.constant 16 : i32
          %mul3A_1018 = arith.muli %mul3A_1017, %scan3A_785 : i32
          %add3A_1019 = arith.constant 13 : i32
          %add3A_1020 = arith.addi %mul3A_1018, %add3A_1019 : i32
          %dma_start3A_1021 = arith.constant 1 : i32
          %dma_start3A_1022 = arith.constant 0 : i32
          %dma_start3A_1023 = tpu.memref_slice %arg6[%dma_start3A_1021, %add3A_1020, %dma_start3A_1022] : memref<4x200x32xf32, #tpu.memory_space<vmem>> -> memref<1x1x32xf32, #tpu.memory_space<vmem>>
          %dma_start3A_1024 = tpu.memref_squeeze %dma_start3A_1023 : memref<1x1x32xf32, #tpu.memory_space<vmem>> -> memref<1x32xf32, #tpu.memory_space<vmem>>
          %dma_start3A_1025 = arith.constant 0 : i32
          %dma_start3A_1026 = tpu.memref_slice %arg2[%squeeze3A_1016, %dma_start3A_1025] : memref<1000000x32xf32, #tpu.memory_space<hbm>> -> memref<1x32xf32, #tpu.memory_space<hbm>>
          %dma_start3A_1027 = arith.constant 0 : i32
          %dma_start3A_1028 = tpu.memref_slice %arg6[%dma_start3A_1021, %add3A_1020, %dma_start3A_1027] : memref<4x200x32xf32, #tpu.memory_space<vmem>> -> memref<1x1x32xf32, #tpu.memory_space<vmem>>
          %dma_start3A_1029 = tpu.memref_squeeze %dma_start3A_1028 : memref<1x1x32xf32, #tpu.memory_space<vmem>> -> memref<1x32xf32, #tpu.memory_space<vmem>>
          %dma_start3A_1030 = arith.constant 0 : i32
          %dma_start3A_1031 = tpu.memref_slice %arg2[%squeeze3A_1016, %dma_start3A_1030] : memref<1000000x32xf32, #tpu.memory_space<hbm>> -> memref<1x32xf32, #tpu.memory_space<hbm>>
          tpu.enqueue_dma source(%dma_start3A_1031 : memref<1x32xf32, #tpu.memory_space<hbm>>) target(%dma_start3A_1029 : memref<1x32xf32, #tpu.memory_space<vmem>>) target_semaphore(%arg8 : memref<!tpu.dma_semaphore, #tpu.memory_space<semaphore_mem>>)
          %slice3A_1032 = vector.extract_strided_slice %get3A_793 {offsets = [14], sizes = [1], strides = [1]} : vector<16xi32> to vector<1xi32>
          %squeeze3A_1033 = vector.extract %slice3A_1032[0] : i32 from vector<1xi32>
          %mul3A_1034 = arith.constant 16 : i32
          %mul3A_1035 = arith.muli %mul3A_1034, %scan3A_785 : i32
          %add3A_1036 = arith.constant 14 : i32
          %add3A_1037 = arith.addi %mul3A_1035, %add3A_1036 : i32
          %dma_start3A_1038 = arith.constant 1 : i32
          %dma_start3A_1039 = arith.constant 0 : i32
          %dma_start3A_1040 = tpu.memref_slice %arg6[%dma_start3A_1038, %add3A_1037, %dma_start3A_1039] : memref<4x200x32xf32, #tpu.memory_space<vmem>> -> memref<1x1x32xf32, #tpu.memory_space<vmem>>
          %dma_start3A_1041 = tpu.memref_squeeze %dma_start3A_1040 : memref<1x1x32xf32, #tpu.memory_space<vmem>> -> memref<1x32xf32, #tpu.memory_space<vmem>>
          %dma_start3A_1042 = arith.constant 0 : i32
          %dma_start3A_1043 = tpu.memref_slice %arg2[%squeeze3A_1033, %dma_start3A_1042] : memref<1000000x32xf32, #tpu.memory_space<hbm>> -> memref<1x32xf32, #tpu.memory_space<hbm>>
          %dma_start3A_1044 = arith.constant 0 : i32
          %dma_start3A_1045 = tpu.memref_slice %arg6[%dma_start3A_1038, %add3A_1037, %dma_start3A_1044] : memref<4x200x32xf32, #tpu.memory_space<vmem>> -> memref<1x1x32xf32, #tpu.memory_space<vmem>>
          %dma_start3A_1046 = tpu.memref_squeeze %dma_start3A_1045 : memref<1x1x32xf32, #tpu.memory_space<vmem>> -> memref<1x32xf32, #tpu.memory_space<vmem>>
          %dma_start3A_1047 = arith.constant 0 : i32
          %dma_start3A_1048 = tpu.memref_slice %arg2[%squeeze3A_1033, %dma_start3A_1047] : memref<1000000x32xf32, #tpu.memory_space<hbm>> -> memref<1x32xf32, #tpu.memory_space<hbm>>
          tpu.enqueue_dma source(%dma_start3A_1048 : memref<1x32xf32, #tpu.memory_space<hbm>>) target(%dma_start3A_1046 : memref<1x32xf32, #tpu.memory_space<vmem>>) target_semaphore(%arg8 : memref<!tpu.dma_semaphore, #tpu.memory_space<semaphore_mem>>)
          %slice3A_1049 = vector.extract_strided_slice %get3A_793 {offsets = [15], sizes = [1], strides = [1]} : vector<16xi32> to vector<1xi32>
          %squeeze3A_1050 = vector.extract %slice3A_1049[0] : i32 from vector<1xi32>
          %mul3A_1051 = arith.constant 16 : i32
          %mul3A_1052 = arith.muli %mul3A_1051, %scan3A_785 : i32
          %add3A_1053 = arith.constant 15 : i32
          %add3A_1054 = arith.addi %mul3A_1052, %add3A_1053 : i32
          %dma_start3A_1055 = arith.constant 1 : i32
          %dma_start3A_1056 = arith.constant 0 : i32
          %dma_start3A_1057 = tpu.memref_slice %arg6[%dma_start3A_1055, %add3A_1054, %dma_start3A_1056] : memref<4x200x32xf32, #tpu.memory_space<vmem>> -> memref<1x1x32xf32, #tpu.memory_space<vmem>>
          %dma_start3A_1058 = tpu.memref_squeeze %dma_start3A_1057 : memref<1x1x32xf32, #tpu.memory_space<vmem>> -> memref<1x32xf32, #tpu.memory_space<vmem>>
          %dma_start3A_1059 = arith.constant 0 : i32
          %dma_start3A_1060 = tpu.memref_slice %arg2[%squeeze3A_1050, %dma_start3A_1059] : memref<1000000x32xf32, #tpu.memory_space<hbm>> -> memref<1x32xf32, #tpu.memory_space<hbm>>
          %dma_start3A_1061 = arith.constant 0 : i32
          %dma_start3A_1062 = tpu.memref_slice %arg6[%dma_start3A_1055, %add3A_1054, %dma_start3A_1061] : memref<4x200x32xf32, #tpu.memory_space<vmem>> -> memref<1x1x32xf32, #tpu.memory_space<vmem>>
          %dma_start3A_1063 = tpu.memref_squeeze %dma_start3A_1062 : memref<1x1x32xf32, #tpu.memory_space<vmem>> -> memref<1x32xf32, #tpu.memory_space<vmem>>
          %dma_start3A_1064 = arith.constant 0 : i32
          %dma_start3A_1065 = tpu.memref_slice %arg2[%squeeze3A_1050, %dma_start3A_1064] : memref<1000000x32xf32, #tpu.memory_space<hbm>> -> memref<1x32xf32, #tpu.memory_space<hbm>>
          tpu.enqueue_dma source(%dma_start3A_1065 : memref<1x32xf32, #tpu.memory_space<hbm>>) target(%dma_start3A_1063 : memref<1x32xf32, #tpu.memory_space<vmem>>) target_semaphore(%arg8 : memref<!tpu.dma_semaphore, #tpu.memory_space<semaphore_mem>>)
        }
        %scan3A_657 = arith.constant 12 : i32
        %mul3A_658 = arith.constant 200 : i32
        %mul3A_659 = arith.muli %mul3A_658, %add3A_561 : i32
        %add3A_660 = arith.constant 192 : i32
        %add3A_661 = arith.addi %mul3A_659, %add3A_660 : i32
        %get3A_662 = arith.index_cast %add3A_661 : i32 to index
        %get3A_663 = tpu.vector_load %arg5[%get3A_662] {strides = array<i32>} : memref<25616xi32, #tpu.memory_space<vmem>>, vector<16xi32>,
        %get3A_664 = vector.shape_cast %get3A_663 : vector<16xi32> to vector<16xi32>
        %slice3A_665 = vector.extract_strided_slice %get3A_664 {offsets = [0], sizes = [1], strides = [1]} : vector<16xi32> to vector<1xi32>
        %squeeze3A_666 = vector.extract %slice3A_665[0] : i32 from vector<1xi32>
        %dma_start3A_667 = arith.constant 1 : i32
        %dma_start3A_668 = arith.constant 192 : i32
        %dma_start3A_669 = arith.constant 0 : i32
        %dma_start3A_670 = tpu.memref_slice %arg6[%dma_start3A_667, %dma_start3A_668, %dma_start3A_669] : memref<4x200x32xf32, #tpu.memory_space<vmem>> -> memref<1x1x32xf32, #tpu.memory_space<vmem>>
        %dma_start3A_671 = tpu.memref_squeeze %dma_start3A_670 : memref<1x1x32xf32, #tpu.memory_space<vmem>> -> memref<1x32xf32, #tpu.memory_space<vmem>>
        %dma_start3A_672 = arith.constant 0 : i32
        %dma_start3A_673 = tpu.memref_slice %arg2[%squeeze3A_666, %dma_start3A_672] : memref<1000000x32xf32, #tpu.memory_space<hbm>> -> memref<1x32xf32, #tpu.memory_space<hbm>>
        %dma_start3A_674 = arith.constant 192 : i32
        %dma_start3A_675 = arith.constant 0 : i32
        %dma_start3A_676 = tpu.memref_slice %arg6[%dma_start3A_667, %dma_start3A_674, %dma_start3A_675] : memref<4x200x32xf32, #tpu.memory_space<vmem>> -> memref<1x1x32xf32, #tpu.memory_space<vmem>>
        %dma_start3A_677 = tpu.memref_squeeze %dma_start3A_676 : memref<1x1x32xf32, #tpu.memory_space<vmem>> -> memref<1x32xf32, #tpu.memory_space<vmem>>
        %dma_start3A_678 = arith.constant 0 : i32
        %dma_start3A_679 = tpu.memref_slice %arg2[%squeeze3A_666, %dma_start3A_678] : memref<1000000x32xf32, #tpu.memory_space<hbm>> -> memref<1x32xf32, #tpu.memory_space<hbm>>
        tpu.enqueue_dma source(%dma_start3A_679 : memref<1x32xf32, #tpu.memory_space<hbm>>) target(%dma_start3A_677 : memref<1x32xf32, #tpu.memory_space<vmem>>) target_semaphore(%arg8 : memref<!tpu.dma_semaphore, #tpu.memory_space<semaphore_mem>>)
        %slice3A_680 = vector.extract_strided_slice %get3A_664 {offsets = [1], sizes = [1], strides = [1]} : vector<16xi32> to vector<1xi32>
        %squeeze3A_681 = vector.extract %slice3A_680[0] : i32 from vector<1xi32>
        %dma_start3A_682 = arith.constant 1 : i32
        %dma_start3A_683 = arith.constant 193 : i32
        %dma_start3A_684 = arith.constant 0 : i32
        %dma_start3A_685 = tpu.memref_slice %arg6[%dma_start3A_682, %dma_start3A_683, %dma_start3A_684] : memref<4x200x32xf32, #tpu.memory_space<vmem>> -> memref<1x1x32xf32, #tpu.memory_space<vmem>>
        %dma_start3A_686 = tpu.memref_squeeze %dma_start3A_685 : memref<1x1x32xf32, #tpu.memory_space<vmem>> -> memref<1x32xf32, #tpu.memory_space<vmem>>
        %dma_start3A_687 = arith.constant 0 : i32
        %dma_start3A_688 = tpu.memref_slice %arg2[%squeeze3A_681, %dma_start3A_687] : memref<1000000x32xf32, #tpu.memory_space<hbm>> -> memref<1x32xf32, #tpu.memory_space<hbm>>
        %dma_start3A_689 = arith.constant 193 : i32
        %dma_start3A_690 = arith.constant 0 : i32
        %dma_start3A_691 = tpu.memref_slice %arg6[%dma_start3A_682, %dma_start3A_689, %dma_start3A_690] : memref<4x200x32xf32, #tpu.memory_space<vmem>> -> memref<1x1x32xf32, #tpu.memory_space<vmem>>
        %dma_start3A_692 = tpu.memref_squeeze %dma_start3A_691 : memref<1x1x32xf32, #tpu.memory_space<vmem>> -> memref<1x32xf32, #tpu.memory_space<vmem>>
        %dma_start3A_693 = arith.constant 0 : i32
        %dma_start3A_694 = tpu.memref_slice %arg2[%squeeze3A_681, %dma_start3A_693] : memref<1000000x32xf32, #tpu.memory_space<hbm>> -> memref<1x32xf32, #tpu.memory_space<hbm>>
        tpu.enqueue_dma source(%dma_start3A_694 : memref<1x32xf32, #tpu.memory_space<hbm>>) target(%dma_start3A_692 : memref<1x32xf32, #tpu.memory_space<vmem>>) target_semaphore(%arg8 : memref<!tpu.dma_semaphore, #tpu.memory_space<semaphore_mem>>)
        %slice3A_695 = vector.extract_strided_slice %get3A_664 {offsets = [2], sizes = [1], strides = [1]} : vector<16xi32> to vector<1xi32>
        %squeeze3A_696 = vector.extract %slice3A_695[0] : i32 from vector<1xi32>
        %dma_start3A_697 = arith.constant 1 : i32
        %dma_start3A_698 = arith.constant 194 : i32
        %dma_start3A_699 = arith.constant 0 : i32
        %dma_start3A_700 = tpu.memref_slice %arg6[%dma_start3A_697, %dma_start3A_698, %dma_start3A_699] : memref<4x200x32xf32, #tpu.memory_space<vmem>> -> memref<1x1x32xf32, #tpu.memory_space<vmem>>
        %dma_start3A_701 = tpu.memref_squeeze %dma_start3A_700 : memref<1x1x32xf32, #tpu.memory_space<vmem>> -> memref<1x32xf32, #tpu.memory_space<vmem>>
        %dma_start3A_702 = arith.constant 0 : i32
        %dma_start3A_703 = tpu.memref_slice %arg2[%squeeze3A_696, %dma_start3A_702] : memref<1000000x32xf32, #tpu.memory_space<hbm>> -> memref<1x32xf32, #tpu.memory_space<hbm>>
        %dma_start3A_704 = arith.constant 194 : i32
        %dma_start3A_705 = arith.constant 0 : i32
        %dma_start3A_706 = tpu.memref_slice %arg6[%dma_start3A_697, %dma_start3A_704, %dma_start3A_705] : memref<4x200x32xf32, #tpu.memory_space<vmem>> -> memref<1x1x32xf32, #tpu.memory_space<vmem>>
        %dma_start3A_707 = tpu.memref_squeeze %dma_start3A_706 : memref<1x1x32xf32, #tpu.memory_space<vmem>> -> memref<1x32xf32, #tpu.memory_space<vmem>>
        %dma_start3A_708 = arith.constant 0 : i32
        %dma_start3A_709 = tpu.memref_slice %arg2[%squeeze3A_696, %dma_start3A_708] : memref<1000000x32xf32, #tpu.memory_space<hbm>> -> memref<1x32xf32, #tpu.memory_space<hbm>>
        tpu.enqueue_dma source(%dma_start3A_709 : memref<1x32xf32, #tpu.memory_space<hbm>>) target(%dma_start3A_707 : memref<1x32xf32, #tpu.memory_space<vmem>>) target_semaphore(%arg8 : memref<!tpu.dma_semaphore, #tpu.memory_space<semaphore_mem>>)
        %slice3A_710 = vector.extract_strided_slice %get3A_664 {offsets = [3], sizes = [1], strides = [1]} : vector<16xi32> to vector<1xi32>
        %squeeze3A_711 = vector.extract %slice3A_710[0] : i32 from vector<1xi32>
        %dma_start3A_712 = arith.constant 1 : i32
        %dma_start3A_713 = arith.constant 195 : i32
        %dma_start3A_714 = arith.constant 0 : i32
        %dma_start3A_715 = tpu.memref_slice %arg6[%dma_start3A_712, %dma_start3A_713, %dma_start3A_714] : memref<4x200x32xf32, #tpu.memory_space<vmem>> -> memref<1x1x32xf32, #tpu.memory_space<vmem>>
        %dma_start3A_716 = tpu.memref_squeeze %dma_start3A_715 : memref<1x1x32xf32, #tpu.memory_space<vmem>> -> memref<1x32xf32, #tpu.memory_space<vmem>>
        %dma_start3A_717 = arith.constant 0 : i32
        %dma_start3A_718 = tpu.memref_slice %arg2[%squeeze3A_711, %dma_start3A_717] : memref<1000000x32xf32, #tpu.memory_space<hbm>> -> memref<1x32xf32, #tpu.memory_space<hbm>>
        %dma_start3A_719 = arith.constant 195 : i32
        %dma_start3A_720 = arith.constant 0 : i32
        %dma_start3A_721 = tpu.memref_slice %arg6[%dma_start3A_712, %dma_start3A_719, %dma_start3A_720] : memref<4x200x32xf32, #tpu.memory_space<vmem>> -> memref<1x1x32xf32, #tpu.memory_space<vmem>>
        %dma_start3A_722 = tpu.memref_squeeze %dma_start3A_721 : memref<1x1x32xf32, #tpu.memory_space<vmem>> -> memref<1x32xf32, #tpu.memory_space<vmem>>
        %dma_start3A_723 = arith.constant 0 : i32
        %dma_start3A_724 = tpu.memref_slice %arg2[%squeeze3A_711, %dma_start3A_723] : memref<1000000x32xf32, #tpu.memory_space<hbm>> -> memref<1x32xf32, #tpu.memory_space<hbm>>
        tpu.enqueue_dma source(%dma_start3A_724 : memref<1x32xf32, #tpu.memory_space<hbm>>) target(%dma_start3A_722 : memref<1x32xf32, #tpu.memory_space<vmem>>) target_semaphore(%arg8 : memref<!tpu.dma_semaphore, #tpu.memory_space<semaphore_mem>>)
        %slice3A_725 = vector.extract_strided_slice %get3A_664 {offsets = [4], sizes = [1], strides = [1]} : vector<16xi32> to vector<1xi32>
        %squeeze3A_726 = vector.extract %slice3A_725[0] : i32 from vector<1xi32>
        %dma_start3A_727 = arith.constant 1 : i32
        %dma_start3A_728 = arith.constant 196 : i32
        %dma_start3A_729 = arith.constant 0 : i32
        %dma_start3A_730 = tpu.memref_slice %arg6[%dma_start3A_727, %dma_start3A_728, %dma_start3A_729] : memref<4x200x32xf32, #tpu.memory_space<vmem>> -> memref<1x1x32xf32, #tpu.memory_space<vmem>>
        %dma_start3A_731 = tpu.memref_squeeze %dma_start3A_730 : memref<1x1x32xf32, #tpu.memory_space<vmem>> -> memref<1x32xf32, #tpu.memory_space<vmem>>
        %dma_start3A_732 = arith.constant 0 : i32
        %dma_start3A_733 = tpu.memref_slice %arg2[%squeeze3A_726, %dma_start3A_732] : memref<1000000x32xf32, #tpu.memory_space<hbm>> -> memref<1x32xf32, #tpu.memory_space<hbm>>
        %dma_start3A_734 = arith.constant 196 : i32
        %dma_start3A_735 = arith.constant 0 : i32
        %dma_start3A_736 = tpu.memref_slice %arg6[%dma_start3A_727, %dma_start3A_734, %dma_start3A_735] : memref<4x200x32xf32, #tpu.memory_space<vmem>> -> memref<1x1x32xf32, #tpu.memory_space<vmem>>
        %dma_start3A_737 = tpu.memref_squeeze %dma_start3A_736 : memref<1x1x32xf32, #tpu.memory_space<vmem>> -> memref<1x32xf32, #tpu.memory_space<vmem>>
        %dma_start3A_738 = arith.constant 0 : i32
        %dma_start3A_739 = tpu.memref_slice %arg2[%squeeze3A_726, %dma_start3A_738] : memref<1000000x32xf32, #tpu.memory_space<hbm>> -> memref<1x32xf32, #tpu.memory_space<hbm>>
        tpu.enqueue_dma source(%dma_start3A_739 : memref<1x32xf32, #tpu.memory_space<hbm>>) target(%dma_start3A_737 : memref<1x32xf32, #tpu.memory_space<vmem>>) target_semaphore(%arg8 : memref<!tpu.dma_semaphore, #tpu.memory_space<semaphore_mem>>)
        %slice3A_740 = vector.extract_strided_slice %get3A_664 {offsets = [5], sizes = [1], strides = [1]} : vector<16xi32> to vector<1xi32>
        %squeeze3A_741 = vector.extract %slice3A_740[0] : i32 from vector<1xi32>
        %dma_start3A_742 = arith.constant 1 : i32
        %dma_start3A_743 = arith.constant 197 : i32
        %dma_start3A_744 = arith.constant 0 : i32
        %dma_start3A_745 = tpu.memref_slice %arg6[%dma_start3A_742, %dma_start3A_743, %dma_start3A_744] : memref<4x200x32xf32, #tpu.memory_space<vmem>> -> memref<1x1x32xf32, #tpu.memory_space<vmem>>
        %dma_start3A_746 = tpu.memref_squeeze %dma_start3A_745 : memref<1x1x32xf32, #tpu.memory_space<vmem>> -> memref<1x32xf32, #tpu.memory_space<vmem>>
        %dma_start3A_747 = arith.constant 0 : i32
        %dma_start3A_748 = tpu.memref_slice %arg2[%squeeze3A_741, %dma_start3A_747] : memref<1000000x32xf32, #tpu.memory_space<hbm>> -> memref<1x32xf32, #tpu.memory_space<hbm>>
        %dma_start3A_749 = arith.constant 197 : i32
        %dma_start3A_750 = arith.constant 0 : i32
        %dma_start3A_751 = tpu.memref_slice %arg6[%dma_start3A_742, %dma_start3A_749, %dma_start3A_750] : memref<4x200x32xf32, #tpu.memory_space<vmem>> -> memref<1x1x32xf32, #tpu.memory_space<vmem>>
        %dma_start3A_752 = tpu.memref_squeeze %dma_start3A_751 : memref<1x1x32xf32, #tpu.memory_space<vmem>> -> memref<1x32xf32, #tpu.memory_space<vmem>>
        %dma_start3A_753 = arith.constant 0 : i32
        %dma_start3A_754 = tpu.memref_slice %arg2[%squeeze3A_741, %dma_start3A_753] : memref<1000000x32xf32, #tpu.memory_space<hbm>> -> memref<1x32xf32, #tpu.memory_space<hbm>>
        tpu.enqueue_dma source(%dma_start3A_754 : memref<1x32xf32, #tpu.memory_space<hbm>>) target(%dma_start3A_752 : memref<1x32xf32, #tpu.memory_space<vmem>>) target_semaphore(%arg8 : memref<!tpu.dma_semaphore, #tpu.memory_space<semaphore_mem>>)
        %slice3A_755 = vector.extract_strided_slice %get3A_664 {offsets = [6], sizes = [1], strides = [1]} : vector<16xi32> to vector<1xi32>
        %squeeze3A_756 = vector.extract %slice3A_755[0] : i32 from vector<1xi32>
        %dma_start3A_757 = arith.constant 1 : i32
        %dma_start3A_758 = arith.constant 198 : i32
        %dma_start3A_759 = arith.constant 0 : i32
        %dma_start3A_760 = tpu.memref_slice %arg6[%dma_start3A_757, %dma_start3A_758, %dma_start3A_759] : memref<4x200x32xf32, #tpu.memory_space<vmem>> -> memref<1x1x32xf32, #tpu.memory_space<vmem>>
        %dma_start3A_761 = tpu.memref_squeeze %dma_start3A_760 : memref<1x1x32xf32, #tpu.memory_space<vmem>> -> memref<1x32xf32, #tpu.memory_space<vmem>>
        %dma_start3A_762 = arith.constant 0 : i32
        %dma_start3A_763 = tpu.memref_slice %arg2[%squeeze3A_756, %dma_start3A_762] : memref<1000000x32xf32, #tpu.memory_space<hbm>> -> memref<1x32xf32, #tpu.memory_space<hbm>>
        %dma_start3A_764 = arith.constant 198 : i32
        %dma_start3A_765 = arith.constant 0 : i32
        %dma_start3A_766 = tpu.memref_slice %arg6[%dma_start3A_757, %dma_start3A_764, %dma_start3A_765] : memref<4x200x32xf32, #tpu.memory_space<vmem>> -> memref<1x1x32xf32, #tpu.memory_space<vmem>>
        %dma_start3A_767 = tpu.memref_squeeze %dma_start3A_766 : memref<1x1x32xf32, #tpu.memory_space<vmem>> -> memref<1x32xf32, #tpu.memory_space<vmem>>
        %dma_start3A_768 = arith.constant 0 : i32
        %dma_start3A_769 = tpu.memref_slice %arg2[%squeeze3A_756, %dma_start3A_768] : memref<1000000x32xf32, #tpu.memory_space<hbm>> -> memref<1x32xf32, #tpu.memory_space<hbm>>
        tpu.enqueue_dma source(%dma_start3A_769 : memref<1x32xf32, #tpu.memory_space<hbm>>) target(%dma_start3A_767 : memref<1x32xf32, #tpu.memory_space<vmem>>) target_semaphore(%arg8 : memref<!tpu.dma_semaphore, #tpu.memory_space<semaphore_mem>>)
        %slice3A_770 = vector.extract_strided_slice %get3A_664 {offsets = [7], sizes = [1], strides = [1]} : vector<16xi32> to vector<1xi32>
        %squeeze3A_771 = vector.extract %slice3A_770[0] : i32 from vector<1xi32>
        %dma_start3A_772 = arith.constant 1 : i32
        %dma_start3A_773 = arith.constant 199 : i32
        %dma_start3A_774 = arith.constant 0 : i32
        %dma_start3A_775 = tpu.memref_slice %arg6[%dma_start3A_772, %dma_start3A_773, %dma_start3A_774] : memref<4x200x32xf32, #tpu.memory_space<vmem>> -> memref<1x1x32xf32, #tpu.memory_space<vmem>>
        %dma_start3A_776 = tpu.memref_squeeze %dma_start3A_775 : memref<1x1x32xf32, #tpu.memory_space<vmem>> -> memref<1x32xf32, #tpu.memory_space<vmem>>
        %dma_start3A_777 = arith.constant 0 : i32
        %dma_start3A_778 = tpu.memref_slice %arg2[%squeeze3A_771, %dma_start3A_777] : memref<1000000x32xf32, #tpu.memory_space<hbm>> -> memref<1x32xf32, #tpu.memory_space<hbm>>
        %dma_start3A_779 = arith.constant 199 : i32
        %dma_start3A_780 = arith.constant 0 : i32
        %dma_start3A_781 = tpu.memref_slice %arg6[%dma_start3A_772, %dma_start3A_779, %dma_start3A_780] : memref<4x200x32xf32, #tpu.memory_space<vmem>> -> memref<1x1x32xf32, #tpu.memory_space<vmem>>
        %dma_start3A_782 = tpu.memref_squeeze %dma_start3A_781 : memref<1x1x32xf32, #tpu.memory_space<vmem>> -> memref<1x32xf32, #tpu.memory_space<vmem>>
        %dma_start3A_783 = arith.constant 0 : i32
        %dma_start3A_784 = tpu.memref_slice %arg2[%squeeze3A_771, %dma_start3A_783] : memref<1000000x32xf32, #tpu.memory_space<hbm>> -> memref<1x32xf32, #tpu.memory_space<hbm>>
        tpu.enqueue_dma source(%dma_start3A_784 : memref<1x32xf32, #tpu.memory_space<hbm>>) target(%dma_start3A_782 : memref<1x32xf32, #tpu.memory_space<vmem>>) target_semaphore(%arg8 : memref<!tpu.dma_semaphore, #tpu.memory_space<semaphore_mem>>)
      } else {
      }
      %dma_wait3A_567 = arith.constant 2 : i32
      %dma_wait3A_568 = arith.constant 0 : i32
      %dma_wait3A_569 = arith.constant 0 : i32
      %dma_wait3A_570 = tpu.memref_slice %arg6[%dma_wait3A_567, %dma_wait3A_568, %dma_wait3A_569] : memref<4x200x32xf32, #tpu.memory_space<vmem>> -> memref<1x200x32xf32, #tpu.memory_space<vmem>>
      %dma_wait3A_571 = tpu.memref_squeeze %dma_wait3A_570 : memref<1x200x32xf32, #tpu.memory_space<vmem>> -> memref<200x32xf32, #tpu.memory_space<vmem>>
      %dma_wait3A_572 = arith.constant 0 : i32
      %dma_wait3A_573 = arith.constant 0 : i32
      %dma_wait3A_574 = tpu.memref_slice %arg2[%dma_wait3A_572, %dma_wait3A_573] : memref<1000000x32xf32, #tpu.memory_space<hbm>> -> memref<200x32xf32, #tpu.memory_space<hbm>>
      %dma_wait3A_575 = arith.constant 0 : i32
      %dma_wait3A_576 = arith.constant 0 : i32
      %dma_wait3A_577 = tpu.memref_slice %arg6[%dma_wait3A_567, %dma_wait3A_575, %dma_wait3A_576] : memref<4x200x32xf32, #tpu.memory_space<vmem>> -> memref<1x200x32xf32, #tpu.memory_space<vmem>>
      %dma_wait3A_578 = tpu.memref_squeeze %dma_wait3A_577 : memref<1x200x32xf32, #tpu.memory_space<vmem>> -> memref<200x32xf32, #tpu.memory_space<vmem>>
      %dma_wait3A_579 = arith.constant 0 : i32
      %dma_wait3A_580 = arith.constant 0 : i32
      %dma_wait3A_581 = tpu.memref_slice %arg2[%dma_wait3A_579, %dma_wait3A_580] : memref<1000000x32xf32, #tpu.memory_space<hbm>> -> memref<200x32xf32, #tpu.memory_space<hbm>>
      tpu.wait_dma2 semaphore(%arg9 : memref<!tpu.dma_semaphore, #tpu.memory_space<semaphore_mem>>) src(%dma_wait3A_581 : memref<200x32xf32, #tpu.memory_space<hbm>>) dst(%dma_wait3A_578 : memref<200x32xf32, #tpu.memory_space<vmem>>)
      %mul3A_582 = arith.constant 128 : i32
      %mul3A_583 = arith.muli %add3A, %mul3A_582 : i32
      %add3A_584 = arith.addi %mul3A_583, %add3A_559 : i32
      %dma_start3A_585 = arith.constant 2 : i32
      %dma_start3A_586 = arith.constant 0 : i32
      %dma_start3A_587 = arith.constant 0 : i32
      %dma_start3A_588 = tpu.memref_slice %arg6[%dma_start3A_585, %dma_start3A_586, %dma_start3A_587] : memref<4x200x32xf32, #tpu.memory_space<vmem>> -> memref<1x200x32xf32, #tpu.memory_space<vmem>>
      %dma_start3A_589 = tpu.memref_squeeze %dma_start3A_588 : memref<1x200x32xf32, #tpu.memory_space<vmem>> -> memref<200x32xf32, #tpu.memory_space<vmem>>
      %dma_start3A_590 = arith.constant 0 : i32
      %dma_start3A_591 = arith.constant 0 : i32
      %dma_start3A_592 = tpu.memref_slice %arg4[%add3A_584, %dma_start3A_590, %dma_start3A_591] : memref<4096x200x32xf32, #tpu.memory_space<hbm>> -> memref<1x200x32xf32, #tpu.memory_space<hbm>>
      %dma_start3A_593 = tpu.memref_squeeze %dma_start3A_592 : memref<1x200x32xf32, #tpu.memory_space<hbm>> -> memref<200x32xf32, #tpu.memory_space<hbm>>
      %dma_start3A_594 = arith.constant 0 : i32
      %dma_start3A_595 = arith.constant 0 : i32
      %dma_start3A_596 = tpu.memref_slice %arg4[%add3A_584, %dma_start3A_594, %dma_start3A_595] : memref<4096x200x32xf32, #tpu.memory_space<hbm>> -> memref<1x200x32xf32, #tpu.memory_space<hbm>>
      %dma_start3A_597 = tpu.memref_squeeze %dma_start3A_596 : memref<1x200x32xf32, #tpu.memory_space<hbm>> -> memref<200x32xf32, #tpu.memory_space<hbm>>
      %dma_start3A_598 = arith.constant 0 : i32
      %dma_start3A_599 = arith.constant 0 : i32
      %dma_start3A_600 = tpu.memref_slice %arg6[%dma_start3A_585, %dma_start3A_598, %dma_start3A_599] : memref<4x200x32xf32, #tpu.memory_space<vmem>> -> memref<1x200x32xf32, #tpu.memory_space<vmem>>
      %dma_start3A_601 = tpu.memref_squeeze %dma_start3A_600 : memref<1x200x32xf32, #tpu.memory_space<vmem>> -> memref<200x32xf32, #tpu.memory_space<vmem>>
      tpu.enqueue_dma source(%dma_start3A_601 : memref<200x32xf32, #tpu.memory_space<vmem>>) target(%dma_start3A_597 : memref<200x32xf32, #tpu.memory_space<hbm>>) target_semaphore(%arg13 : memref<!tpu.dma_semaphore, #tpu.memory_space<semaphore_mem>>)
      %mul3A_602 = arith.constant 4 : i32
      %mul3A_603 = arith.muli %scan3A_466, %mul3A_602 : i32
      %add3A_604 = arith.constant 3 : i32
      %add3A_605 = arith.addi %mul3A_603, %add3A_604 : i32
      %add3A_606 = arith.constant 3 : i32
      %add3A_607 = arith.addi %add3A_605, %add3A_606 : i32
      %lt3A_608 = arith.constant 128 : i32
      %lt3A_609 = arith.cmpi slt, %add3A_607, %lt3A_608 : i32
      %convert_element_type3A_610 = arith.extui %lt3A_609 : i1 to i32
      %cond3A_611 = arith.constant 0 : i32
      %cond3A_612 = arith.cmpi ne, %convert_element_type3A_610, %cond3A_611 : i32
      scf.if %cond3A_612 {
        %ge3A = arith.constant 4 : i32
        %ge3A_648 = arith.cmpi sge, %add3A_607, %ge3A : i32
        %convert_element_type3A_649 = arith.extui %ge3A_648 : i1 to i32
        %cond3A_650 = arith.constant 0 : i32
        %cond3A_651 = arith.cmpi ne, %convert_element_type3A_649, %cond3A_650 : i32
        scf.if %cond3A_651 {
          %mul3A_785 = arith.constant 128 : i32
          %mul3A_786 = arith.muli %add3A, %mul3A_785 : i32
          %dma_wait3A_787 = arith.constant 2 : i32
          %dma_wait3A_788 = arith.constant 0 : i32
          %dma_wait3A_789 = arith.constant 0 : i32
          %dma_wait3A_790 = tpu.memref_slice %arg6[%dma_wait3A_787, %dma_wait3A_788, %dma_wait3A_789] : memref<4x200x32xf32, #tpu.memory_space<vmem>> -> memref<1x200x32xf32, #tpu.memory_space<vmem>>
          %dma_wait3A_791 = tpu.memref_squeeze %dma_wait3A_790 : memref<1x200x32xf32, #tpu.memory_space<vmem>> -> memref<200x32xf32, #tpu.memory_space<vmem>>
          %dma_wait3A_792 = arith.constant 0 : i32
          %dma_wait3A_793 = arith.constant 0 : i32
          %dma_wait3A_794 = tpu.memref_slice %arg4[%mul3A_786, %dma_wait3A_792, %dma_wait3A_793] : memref<4096x200x32xf32, #tpu.memory_space<hbm>> -> memref<1x200x32xf32, #tpu.memory_space<hbm>>
          %dma_wait3A_795 = tpu.memref_squeeze %dma_wait3A_794 : memref<1x200x32xf32, #tpu.memory_space<hbm>> -> memref<200x32xf32, #tpu.memory_space<hbm>>
          %dma_wait3A_796 = arith.constant 0 : i32
          %dma_wait3A_797 = arith.constant 0 : i32
          %dma_wait3A_798 = tpu.memref_slice %arg4[%mul3A_786, %dma_wait3A_796, %dma_wait3A_797] : memref<4096x200x32xf32, #tpu.memory_space<hbm>> -> memref<1x200x32xf32, #tpu.memory_space<hbm>>
          %dma_wait3A_799 = tpu.memref_squeeze %dma_wait3A_798 : memref<1x200x32xf32, #tpu.memory_space<hbm>> -> memref<200x32xf32, #tpu.memory_space<hbm>>
          %dma_wait3A_800 = arith.constant 0 : i32
          %dma_wait3A_801 = arith.constant 0 : i32
          %dma_wait3A_802 = tpu.memref_slice %arg6[%dma_wait3A_787, %dma_wait3A_800, %dma_wait3A_801] : memref<4x200x32xf32, #tpu.memory_space<vmem>> -> memref<1x200x32xf32, #tpu.memory_space<vmem>>
          %dma_wait3A_803 = tpu.memref_squeeze %dma_wait3A_802 : memref<1x200x32xf32, #tpu.memory_space<vmem>> -> memref<200x32xf32, #tpu.memory_space<vmem>>
          tpu.wait_dma2 semaphore(%arg13 : memref<!tpu.dma_semaphore, #tpu.memory_space<semaphore_mem>>) src(%dma_wait3A_803 : memref<200x32xf32, #tpu.memory_space<vmem>>) dst(%dma_wait3A_799 : memref<200x32xf32, #tpu.memory_space<hbm>>)
        } else {
        }
        %scan3A_652 = arith.constant 0 : i32
        %scan3A_653 = arith.constant 0 : i32
        %scan3A_654 = arith.constant 12 : i32
        %scan3A_655 = arith.addi %scan3A_653, %scan3A_654 : i32
        %scan3A_656 = arith.constant 1 : i32
        scf.for %scan3A_785 = %scan3A_653 to %scan3A_655 step %scan3A_656  : i32 {
          %mul3A_786 = arith.constant 200 : i32
          %mul3A_787 = arith.muli %mul3A_786, %add3A_607 : i32
          %mul3A_788 = arith.constant 16 : i32
          %mul3A_789 = arith.muli %mul3A_788, %scan3A_785 : i32
          %add3A_790 = arith.addi %mul3A_787, %mul3A_789 : i32
          %get3A_791 = arith.index_cast %add3A_790 : i32 to index
          %get3A_792 = tpu.vector_load %arg5[%get3A_791] {strides = array<i32>} : memref<25616xi32, #tpu.memory_space<vmem>>, vector<16xi32>,
          %get3A_793 = vector.shape_cast %get3A_792 : vector<16xi32> to vector<16xi32>
          %slice3A_794 = vector.extract_strided_slice %get3A_793 {offsets = [0], sizes = [1], strides = [1]} : vector<16xi32> to vector<1xi32>
          %squeeze3A_795 = vector.extract %slice3A_794[0] : i32 from vector<1xi32>
          %mul3A_796 = arith.constant 16 : i32
          %mul3A_797 = arith.muli %mul3A_796, %scan3A_785 : i32
          %add3A_798 = arith.constant 0 : i32
          %add3A_799 = arith.addi %mul3A_797, %add3A_798 : i32
          %dma_start3A_800 = arith.constant 2 : i32
          %dma_start3A_801 = arith.constant 0 : i32
          %dma_start3A_802 = tpu.memref_slice %arg6[%dma_start3A_800, %add3A_799, %dma_start3A_801] : memref<4x200x32xf32, #tpu.memory_space<vmem>> -> memref<1x1x32xf32, #tpu.memory_space<vmem>>
          %dma_start3A_803 = tpu.memref_squeeze %dma_start3A_802 : memref<1x1x32xf32, #tpu.memory_space<vmem>> -> memref<1x32xf32, #tpu.memory_space<vmem>>
          %dma_start3A_804 = arith.constant 0 : i32
          %dma_start3A_805 = tpu.memref_slice %arg2[%squeeze3A_795, %dma_start3A_804] : memref<1000000x32xf32, #tpu.memory_space<hbm>> -> memref<1x32xf32, #tpu.memory_space<hbm>>
          %dma_start3A_806 = arith.constant 0 : i32
          %dma_start3A_807 = tpu.memref_slice %arg6[%dma_start3A_800, %add3A_799, %dma_start3A_806] : memref<4x200x32xf32, #tpu.memory_space<vmem>> -> memref<1x1x32xf32, #tpu.memory_space<vmem>>
          %dma_start3A_808 = tpu.memref_squeeze %dma_start3A_807 : memref<1x1x32xf32, #tpu.memory_space<vmem>> -> memref<1x32xf32, #tpu.memory_space<vmem>>
          %dma_start3A_809 = arith.constant 0 : i32
          %dma_start3A_810 = tpu.memref_slice %arg2[%squeeze3A_795, %dma_start3A_809] : memref<1000000x32xf32, #tpu.memory_space<hbm>> -> memref<1x32xf32, #tpu.memory_space<hbm>>
          tpu.enqueue_dma source(%dma_start3A_810 : memref<1x32xf32, #tpu.memory_space<hbm>>) target(%dma_start3A_808 : memref<1x32xf32, #tpu.memory_space<vmem>>) target_semaphore(%arg9 : memref<!tpu.dma_semaphore, #tpu.memory_space<semaphore_mem>>)
          %slice3A_811 = vector.extract_strided_slice %get3A_793 {offsets = [1], sizes = [1], strides = [1]} : vector<16xi32> to vector<1xi32>
          %squeeze3A_812 = vector.extract %slice3A_811[0] : i32 from vector<1xi32>
          %mul3A_813 = arith.constant 16 : i32
          %mul3A_814 = arith.muli %mul3A_813, %scan3A_785 : i32
          %add3A_815 = arith.constant 1 : i32
          %add3A_816 = arith.addi %mul3A_814, %add3A_815 : i32
          %dma_start3A_817 = arith.constant 2 : i32
          %dma_start3A_818 = arith.constant 0 : i32
          %dma_start3A_819 = tpu.memref_slice %arg6[%dma_start3A_817, %add3A_816, %dma_start3A_818] : memref<4x200x32xf32, #tpu.memory_space<vmem>> -> memref<1x1x32xf32, #tpu.memory_space<vmem>>
          %dma_start3A_820 = tpu.memref_squeeze %dma_start3A_819 : memref<1x1x32xf32, #tpu.memory_space<vmem>> -> memref<1x32xf32, #tpu.memory_space<vmem>>
          %dma_start3A_821 = arith.constant 0 : i32
          %dma_start3A_822 = tpu.memref_slice %arg2[%squeeze3A_812, %dma_start3A_821] : memref<1000000x32xf32, #tpu.memory_space<hbm>> -> memref<1x32xf32, #tpu.memory_space<hbm>>
          %dma_start3A_823 = arith.constant 0 : i32
          %dma_start3A_824 = tpu.memref_slice %arg6[%dma_start3A_817, %add3A_816, %dma_start3A_823] : memref<4x200x32xf32, #tpu.memory_space<vmem>> -> memref<1x1x32xf32, #tpu.memory_space<vmem>>
          %dma_start3A_825 = tpu.memref_squeeze %dma_start3A_824 : memref<1x1x32xf32, #tpu.memory_space<vmem>> -> memref<1x32xf32, #tpu.memory_space<vmem>>
          %dma_start3A_826 = arith.constant 0 : i32
          %dma_start3A_827 = tpu.memref_slice %arg2[%squeeze3A_812, %dma_start3A_826] : memref<1000000x32xf32, #tpu.memory_space<hbm>> -> memref<1x32xf32, #tpu.memory_space<hbm>>
          tpu.enqueue_dma source(%dma_start3A_827 : memref<1x32xf32, #tpu.memory_space<hbm>>) target(%dma_start3A_825 : memref<1x32xf32, #tpu.memory_space<vmem>>) target_semaphore(%arg9 : memref<!tpu.dma_semaphore, #tpu.memory_space<semaphore_mem>>)
          %slice3A_828 = vector.extract_strided_slice %get3A_793 {offsets = [2], sizes = [1], strides = [1]} : vector<16xi32> to vector<1xi32>
          %squeeze3A_829 = vector.extract %slice3A_828[0] : i32 from vector<1xi32>
          %mul3A_830 = arith.constant 16 : i32
          %mul3A_831 = arith.muli %mul3A_830, %scan3A_785 : i32
          %add3A_832 = arith.constant 2 : i32
          %add3A_833 = arith.addi %mul3A_831, %add3A_832 : i32
          %dma_start3A_834 = arith.constant 2 : i32
          %dma_start3A_835 = arith.constant 0 : i32
          %dma_start3A_836 = tpu.memref_slice %arg6[%dma_start3A_834, %add3A_833, %dma_start3A_835] : memref<4x200x32xf32, #tpu.memory_space<vmem>> -> memref<1x1x32xf32, #tpu.memory_space<vmem>>
          %dma_start3A_837 = tpu.memref_squeeze %dma_start3A_836 : memref<1x1x32xf32, #tpu.memory_space<vmem>> -> memref<1x32xf32, #tpu.memory_space<vmem>>
          %dma_start3A_838 = arith.constant 0 : i32
          %dma_start3A_839 = tpu.memref_slice %arg2[%squeeze3A_829, %dma_start3A_838] : memref<1000000x32xf32, #tpu.memory_space<hbm>> -> memref<1x32xf32, #tpu.memory_space<hbm>>
          %dma_start3A_840 = arith.constant 0 : i32
          %dma_start3A_841 = tpu.memref_slice %arg6[%dma_start3A_834, %add3A_833, %dma_start3A_840] : memref<4x200x32xf32, #tpu.memory_space<vmem>> -> memref<1x1x32xf32, #tpu.memory_space<vmem>>
          %dma_start3A_842 = tpu.memref_squeeze %dma_start3A_841 : memref<1x1x32xf32, #tpu.memory_space<vmem>> -> memref<1x32xf32, #tpu.memory_space<vmem>>
          %dma_start3A_843 = arith.constant 0 : i32
          %dma_start3A_844 = tpu.memref_slice %arg2[%squeeze3A_829, %dma_start3A_843] : memref<1000000x32xf32, #tpu.memory_space<hbm>> -> memref<1x32xf32, #tpu.memory_space<hbm>>
          tpu.enqueue_dma source(%dma_start3A_844 : memref<1x32xf32, #tpu.memory_space<hbm>>) target(%dma_start3A_842 : memref<1x32xf32, #tpu.memory_space<vmem>>) target_semaphore(%arg9 : memref<!tpu.dma_semaphore, #tpu.memory_space<semaphore_mem>>)
          %slice3A_845 = vector.extract_strided_slice %get3A_793 {offsets = [3], sizes = [1], strides = [1]} : vector<16xi32> to vector<1xi32>
          %squeeze3A_846 = vector.extract %slice3A_845[0] : i32 from vector<1xi32>
          %mul3A_847 = arith.constant 16 : i32
          %mul3A_848 = arith.muli %mul3A_847, %scan3A_785 : i32
          %add3A_849 = arith.constant 3 : i32
          %add3A_850 = arith.addi %mul3A_848, %add3A_849 : i32
          %dma_start3A_851 = arith.constant 2 : i32
          %dma_start3A_852 = arith.constant 0 : i32
          %dma_start3A_853 = tpu.memref_slice %arg6[%dma_start3A_851, %add3A_850, %dma_start3A_852] : memref<4x200x32xf32, #tpu.memory_space<vmem>> -> memref<1x1x32xf32, #tpu.memory_space<vmem>>
          %dma_start3A_854 = tpu.memref_squeeze %dma_start3A_853 : memref<1x1x32xf32, #tpu.memory_space<vmem>> -> memref<1x32xf32, #tpu.memory_space<vmem>>
          %dma_start3A_855 = arith.constant 0 : i32
          %dma_start3A_856 = tpu.memref_slice %arg2[%squeeze3A_846, %dma_start3A_855] : memref<1000000x32xf32, #tpu.memory_space<hbm>> -> memref<1x32xf32, #tpu.memory_space<hbm>>
          %dma_start3A_857 = arith.constant 0 : i32
          %dma_start3A_858 = tpu.memref_slice %arg6[%dma_start3A_851, %add3A_850, %dma_start3A_857] : memref<4x200x32xf32, #tpu.memory_space<vmem>> -> memref<1x1x32xf32, #tpu.memory_space<vmem>>
          %dma_start3A_859 = tpu.memref_squeeze %dma_start3A_858 : memref<1x1x32xf32, #tpu.memory_space<vmem>> -> memref<1x32xf32, #tpu.memory_space<vmem>>
          %dma_start3A_860 = arith.constant 0 : i32
          %dma_start3A_861 = tpu.memref_slice %arg2[%squeeze3A_846, %dma_start3A_860] : memref<1000000x32xf32, #tpu.memory_space<hbm>> -> memref<1x32xf32, #tpu.memory_space<hbm>>
          tpu.enqueue_dma source(%dma_start3A_861 : memref<1x32xf32, #tpu.memory_space<hbm>>) target(%dma_start3A_859 : memref<1x32xf32, #tpu.memory_space<vmem>>) target_semaphore(%arg9 : memref<!tpu.dma_semaphore, #tpu.memory_space<semaphore_mem>>)
          %slice3A_862 = vector.extract_strided_slice %get3A_793 {offsets = [4], sizes = [1], strides = [1]} : vector<16xi32> to vector<1xi32>
          %squeeze3A_863 = vector.extract %slice3A_862[0] : i32 from vector<1xi32>
          %mul3A_864 = arith.constant 16 : i32
          %mul3A_865 = arith.muli %mul3A_864, %scan3A_785 : i32
          %add3A_866 = arith.constant 4 : i32
          %add3A_867 = arith.addi %mul3A_865, %add3A_866 : i32
          %dma_start3A_868 = arith.constant 2 : i32
          %dma_start3A_869 = arith.constant 0 : i32
          %dma_start3A_870 = tpu.memref_slice %arg6[%dma_start3A_868, %add3A_867, %dma_start3A_869] : memref<4x200x32xf32, #tpu.memory_space<vmem>> -> memref<1x1x32xf32, #tpu.memory_space<vmem>>
          %dma_start3A_871 = tpu.memref_squeeze %dma_start3A_870 : memref<1x1x32xf32, #tpu.memory_space<vmem>> -> memref<1x32xf32, #tpu.memory_space<vmem>>
          %dma_start3A_872 = arith.constant 0 : i32
          %dma_start3A_873 = tpu.memref_slice %arg2[%squeeze3A_863, %dma_start3A_872] : memref<1000000x32xf32, #tpu.memory_space<hbm>> -> memref<1x32xf32, #tpu.memory_space<hbm>>
          %dma_start3A_874 = arith.constant 0 : i32
          %dma_start3A_875 = tpu.memref_slice %arg6[%dma_start3A_868, %add3A_867, %dma_start3A_874] : memref<4x200x32xf32, #tpu.memory_space<vmem>> -> memref<1x1x32xf32, #tpu.memory_space<vmem>>
          %dma_start3A_876 = tpu.memref_squeeze %dma_start3A_875 : memref<1x1x32xf32, #tpu.memory_space<vmem>> -> memref<1x32xf32, #tpu.memory_space<vmem>>
          %dma_start3A_877 = arith.constant 0 : i32
          %dma_start3A_878 = tpu.memref_slice %arg2[%squeeze3A_863, %dma_start3A_877] : memref<1000000x32xf32, #tpu.memory_space<hbm>> -> memref<1x32xf32, #tpu.memory_space<hbm>>
          tpu.enqueue_dma source(%dma_start3A_878 : memref<1x32xf32, #tpu.memory_space<hbm>>) target(%dma_start3A_876 : memref<1x32xf32, #tpu.memory_space<vmem>>) target_semaphore(%arg9 : memref<!tpu.dma_semaphore, #tpu.memory_space<semaphore_mem>>)
          %slice3A_879 = vector.extract_strided_slice %get3A_793 {offsets = [5], sizes = [1], strides = [1]} : vector<16xi32> to vector<1xi32>
          %squeeze3A_880 = vector.extract %slice3A_879[0] : i32 from vector<1xi32>
          %mul3A_881 = arith.constant 16 : i32
          %mul3A_882 = arith.muli %mul3A_881, %scan3A_785 : i32
          %add3A_883 = arith.constant 5 : i32
          %add3A_884 = arith.addi %mul3A_882, %add3A_883 : i32
          %dma_start3A_885 = arith.constant 2 : i32
          %dma_start3A_886 = arith.constant 0 : i32
          %dma_start3A_887 = tpu.memref_slice %arg6[%dma_start3A_885, %add3A_884, %dma_start3A_886] : memref<4x200x32xf32, #tpu.memory_space<vmem>> -> memref<1x1x32xf32, #tpu.memory_space<vmem>>
          %dma_start3A_888 = tpu.memref_squeeze %dma_start3A_887 : memref<1x1x32xf32, #tpu.memory_space<vmem>> -> memref<1x32xf32, #tpu.memory_space<vmem>>
          %dma_start3A_889 = arith.constant 0 : i32
          %dma_start3A_890 = tpu.memref_slice %arg2[%squeeze3A_880, %dma_start3A_889] : memref<1000000x32xf32, #tpu.memory_space<hbm>> -> memref<1x32xf32, #tpu.memory_space<hbm>>
          %dma_start3A_891 = arith.constant 0 : i32
          %dma_start3A_892 = tpu.memref_slice %arg6[%dma_start3A_885, %add3A_884, %dma_start3A_891] : memref<4x200x32xf32, #tpu.memory_space<vmem>> -> memref<1x1x32xf32, #tpu.memory_space<vmem>>
          %dma_start3A_893 = tpu.memref_squeeze %dma_start3A_892 : memref<1x1x32xf32, #tpu.memory_space<vmem>> -> memref<1x32xf32, #tpu.memory_space<vmem>>
          %dma_start3A_894 = arith.constant 0 : i32
          %dma_start3A_895 = tpu.memref_slice %arg2[%squeeze3A_880, %dma_start3A_894] : memref<1000000x32xf32, #tpu.memory_space<hbm>> -> memref<1x32xf32, #tpu.memory_space<hbm>>
          tpu.enqueue_dma source(%dma_start3A_895 : memref<1x32xf32, #tpu.memory_space<hbm>>) target(%dma_start3A_893 : memref<1x32xf32, #tpu.memory_space<vmem>>) target_semaphore(%arg9 : memref<!tpu.dma_semaphore, #tpu.memory_space<semaphore_mem>>)
          %slice3A_896 = vector.extract_strided_slice %get3A_793 {offsets = [6], sizes = [1], strides = [1]} : vector<16xi32> to vector<1xi32>
          %squeeze3A_897 = vector.extract %slice3A_896[0] : i32 from vector<1xi32>
          %mul3A_898 = arith.constant 16 : i32
          %mul3A_899 = arith.muli %mul3A_898, %scan3A_785 : i32
          %add3A_900 = arith.constant 6 : i32
          %add3A_901 = arith.addi %mul3A_899, %add3A_900 : i32
          %dma_start3A_902 = arith.constant 2 : i32
          %dma_start3A_903 = arith.constant 0 : i32
          %dma_start3A_904 = tpu.memref_slice %arg6[%dma_start3A_902, %add3A_901, %dma_start3A_903] : memref<4x200x32xf32, #tpu.memory_space<vmem>> -> memref<1x1x32xf32, #tpu.memory_space<vmem>>
          %dma_start3A_905 = tpu.memref_squeeze %dma_start3A_904 : memref<1x1x32xf32, #tpu.memory_space<vmem>> -> memref<1x32xf32, #tpu.memory_space<vmem>>
          %dma_start3A_906 = arith.constant 0 : i32
          %dma_start3A_907 = tpu.memref_slice %arg2[%squeeze3A_897, %dma_start3A_906] : memref<1000000x32xf32, #tpu.memory_space<hbm>> -> memref<1x32xf32, #tpu.memory_space<hbm>>
          %dma_start3A_908 = arith.constant 0 : i32
          %dma_start3A_909 = tpu.memref_slice %arg6[%dma_start3A_902, %add3A_901, %dma_start3A_908] : memref<4x200x32xf32, #tpu.memory_space<vmem>> -> memref<1x1x32xf32, #tpu.memory_space<vmem>>
          %dma_start3A_910 = tpu.memref_squeeze %dma_start3A_909 : memref<1x1x32xf32, #tpu.memory_space<vmem>> -> memref<1x32xf32, #tpu.memory_space<vmem>>
          %dma_start3A_911 = arith.constant 0 : i32
          %dma_start3A_912 = tpu.memref_slice %arg2[%squeeze3A_897, %dma_start3A_911] : memref<1000000x32xf32, #tpu.memory_space<hbm>> -> memref<1x32xf32, #tpu.memory_space<hbm>>
          tpu.enqueue_dma source(%dma_start3A_912 : memref<1x32xf32, #tpu.memory_space<hbm>>) target(%dma_start3A_910 : memref<1x32xf32, #tpu.memory_space<vmem>>) target_semaphore(%arg9 : memref<!tpu.dma_semaphore, #tpu.memory_space<semaphore_mem>>)
          %slice3A_913 = vector.extract_strided_slice %get3A_793 {offsets = [7], sizes = [1], strides = [1]} : vector<16xi32> to vector<1xi32>
          %squeeze3A_914 = vector.extract %slice3A_913[0] : i32 from vector<1xi32>
          %mul3A_915 = arith.constant 16 : i32
          %mul3A_916 = arith.muli %mul3A_915, %scan3A_785 : i32
          %add3A_917 = arith.constant 7 : i32
          %add3A_918 = arith.addi %mul3A_916, %add3A_917 : i32
          %dma_start3A_919 = arith.constant 2 : i32
          %dma_start3A_920 = arith.constant 0 : i32
          %dma_start3A_921 = tpu.memref_slice %arg6[%dma_start3A_919, %add3A_918, %dma_start3A_920] : memref<4x200x32xf32, #tpu.memory_space<vmem>> -> memref<1x1x32xf32, #tpu.memory_space<vmem>>
          %dma_start3A_922 = tpu.memref_squeeze %dma_start3A_921 : memref<1x1x32xf32, #tpu.memory_space<vmem>> -> memref<1x32xf32, #tpu.memory_space<vmem>>
          %dma_start3A_923 = arith.constant 0 : i32
          %dma_start3A_924 = tpu.memref_slice %arg2[%squeeze3A_914, %dma_start3A_923] : memref<1000000x32xf32, #tpu.memory_space<hbm>> -> memref<1x32xf32, #tpu.memory_space<hbm>>
          %dma_start3A_925 = arith.constant 0 : i32
          %dma_start3A_926 = tpu.memref_slice %arg6[%dma_start3A_919, %add3A_918, %dma_start3A_925] : memref<4x200x32xf32, #tpu.memory_space<vmem>> -> memref<1x1x32xf32, #tpu.memory_space<vmem>>
          %dma_start3A_927 = tpu.memref_squeeze %dma_start3A_926 : memref<1x1x32xf32, #tpu.memory_space<vmem>> -> memref<1x32xf32, #tpu.memory_space<vmem>>
          %dma_start3A_928 = arith.constant 0 : i32
          %dma_start3A_929 = tpu.memref_slice %arg2[%squeeze3A_914, %dma_start3A_928] : memref<1000000x32xf32, #tpu.memory_space<hbm>> -> memref<1x32xf32, #tpu.memory_space<hbm>>
          tpu.enqueue_dma source(%dma_start3A_929 : memref<1x32xf32, #tpu.memory_space<hbm>>) target(%dma_start3A_927 : memref<1x32xf32, #tpu.memory_space<vmem>>) target_semaphore(%arg9 : memref<!tpu.dma_semaphore, #tpu.memory_space<semaphore_mem>>)
          %slice3A_930 = vector.extract_strided_slice %get3A_793 {offsets = [8], sizes = [1], strides = [1]} : vector<16xi32> to vector<1xi32>
          %squeeze3A_931 = vector.extract %slice3A_930[0] : i32 from vector<1xi32>
          %mul3A_932 = arith.constant 16 : i32
          %mul3A_933 = arith.muli %mul3A_932, %scan3A_785 : i32
          %add3A_934 = arith.constant 8 : i32
          %add3A_935 = arith.addi %mul3A_933, %add3A_934 : i32
          %dma_start3A_936 = arith.constant 2 : i32
          %dma_start3A_937 = arith.constant 0 : i32
          %dma_start3A_938 = tpu.memref_slice %arg6[%dma_start3A_936, %add3A_935, %dma_start3A_937] : memref<4x200x32xf32, #tpu.memory_space<vmem>> -> memref<1x1x32xf32, #tpu.memory_space<vmem>>
          %dma_start3A_939 = tpu.memref_squeeze %dma_start3A_938 : memref<1x1x32xf32, #tpu.memory_space<vmem>> -> memref<1x32xf32, #tpu.memory_space<vmem>>
          %dma_start3A_940 = arith.constant 0 : i32
          %dma_start3A_941 = tpu.memref_slice %arg2[%squeeze3A_931, %dma_start3A_940] : memref<1000000x32xf32, #tpu.memory_space<hbm>> -> memref<1x32xf32, #tpu.memory_space<hbm>>
          %dma_start3A_942 = arith.constant 0 : i32
          %dma_start3A_943 = tpu.memref_slice %arg6[%dma_start3A_936, %add3A_935, %dma_start3A_942] : memref<4x200x32xf32, #tpu.memory_space<vmem>> -> memref<1x1x32xf32, #tpu.memory_space<vmem>>
          %dma_start3A_944 = tpu.memref_squeeze %dma_start3A_943 : memref<1x1x32xf32, #tpu.memory_space<vmem>> -> memref<1x32xf32, #tpu.memory_space<vmem>>
          %dma_start3A_945 = arith.constant 0 : i32
          %dma_start3A_946 = tpu.memref_slice %arg2[%squeeze3A_931, %dma_start3A_945] : memref<1000000x32xf32, #tpu.memory_space<hbm>> -> memref<1x32xf32, #tpu.memory_space<hbm>>
          tpu.enqueue_dma source(%dma_start3A_946 : memref<1x32xf32, #tpu.memory_space<hbm>>) target(%dma_start3A_944 : memref<1x32xf32, #tpu.memory_space<vmem>>) target_semaphore(%arg9 : memref<!tpu.dma_semaphore, #tpu.memory_space<semaphore_mem>>)
          %slice3A_947 = vector.extract_strided_slice %get3A_793 {offsets = [9], sizes = [1], strides = [1]} : vector<16xi32> to vector<1xi32>
          %squeeze3A_948 = vector.extract %slice3A_947[0] : i32 from vector<1xi32>
          %mul3A_949 = arith.constant 16 : i32
          %mul3A_950 = arith.muli %mul3A_949, %scan3A_785 : i32
          %add3A_951 = arith.constant 9 : i32
          %add3A_952 = arith.addi %mul3A_950, %add3A_951 : i32
          %dma_start3A_953 = arith.constant 2 : i32
          %dma_start3A_954 = arith.constant 0 : i32
          %dma_start3A_955 = tpu.memref_slice %arg6[%dma_start3A_953, %add3A_952, %dma_start3A_954] : memref<4x200x32xf32, #tpu.memory_space<vmem>> -> memref<1x1x32xf32, #tpu.memory_space<vmem>>
          %dma_start3A_956 = tpu.memref_squeeze %dma_start3A_955 : memref<1x1x32xf32, #tpu.memory_space<vmem>> -> memref<1x32xf32, #tpu.memory_space<vmem>>
          %dma_start3A_957 = arith.constant 0 : i32
          %dma_start3A_958 = tpu.memref_slice %arg2[%squeeze3A_948, %dma_start3A_957] : memref<1000000x32xf32, #tpu.memory_space<hbm>> -> memref<1x32xf32, #tpu.memory_space<hbm>>
          %dma_start3A_959 = arith.constant 0 : i32
          %dma_start3A_960 = tpu.memref_slice %arg6[%dma_start3A_953, %add3A_952, %dma_start3A_959] : memref<4x200x32xf32, #tpu.memory_space<vmem>> -> memref<1x1x32xf32, #tpu.memory_space<vmem>>
          %dma_start3A_961 = tpu.memref_squeeze %dma_start3A_960 : memref<1x1x32xf32, #tpu.memory_space<vmem>> -> memref<1x32xf32, #tpu.memory_space<vmem>>
          %dma_start3A_962 = arith.constant 0 : i32
          %dma_start3A_963 = tpu.memref_slice %arg2[%squeeze3A_948, %dma_start3A_962] : memref<1000000x32xf32, #tpu.memory_space<hbm>> -> memref<1x32xf32, #tpu.memory_space<hbm>>
          tpu.enqueue_dma source(%dma_start3A_963 : memref<1x32xf32, #tpu.memory_space<hbm>>) target(%dma_start3A_961 : memref<1x32xf32, #tpu.memory_space<vmem>>) target_semaphore(%arg9 : memref<!tpu.dma_semaphore, #tpu.memory_space<semaphore_mem>>)
          %slice3A_964 = vector.extract_strided_slice %get3A_793 {offsets = [10], sizes = [1], strides = [1]} : vector<16xi32> to vector<1xi32>
          %squeeze3A_965 = vector.extract %slice3A_964[0] : i32 from vector<1xi32>
          %mul3A_966 = arith.constant 16 : i32
          %mul3A_967 = arith.muli %mul3A_966, %scan3A_785 : i32
          %add3A_968 = arith.constant 10 : i32
          %add3A_969 = arith.addi %mul3A_967, %add3A_968 : i32
          %dma_start3A_970 = arith.constant 2 : i32
          %dma_start3A_971 = arith.constant 0 : i32
          %dma_start3A_972 = tpu.memref_slice %arg6[%dma_start3A_970, %add3A_969, %dma_start3A_971] : memref<4x200x32xf32, #tpu.memory_space<vmem>> -> memref<1x1x32xf32, #tpu.memory_space<vmem>>
          %dma_start3A_973 = tpu.memref_squeeze %dma_start3A_972 : memref<1x1x32xf32, #tpu.memory_space<vmem>> -> memref<1x32xf32, #tpu.memory_space<vmem>>
          %dma_start3A_974 = arith.constant 0 : i32
          %dma_start3A_975 = tpu.memref_slice %arg2[%squeeze3A_965, %dma_start3A_974] : memref<1000000x32xf32, #tpu.memory_space<hbm>> -> memref<1x32xf32, #tpu.memory_space<hbm>>
          %dma_start3A_976 = arith.constant 0 : i32
          %dma_start3A_977 = tpu.memref_slice %arg6[%dma_start3A_970, %add3A_969, %dma_start3A_976] : memref<4x200x32xf32, #tpu.memory_space<vmem>> -> memref<1x1x32xf32, #tpu.memory_space<vmem>>
          %dma_start3A_978 = tpu.memref_squeeze %dma_start3A_977 : memref<1x1x32xf32, #tpu.memory_space<vmem>> -> memref<1x32xf32, #tpu.memory_space<vmem>>
          %dma_start3A_979 = arith.constant 0 : i32
          %dma_start3A_980 = tpu.memref_slice %arg2[%squeeze3A_965, %dma_start3A_979] : memref<1000000x32xf32, #tpu.memory_space<hbm>> -> memref<1x32xf32, #tpu.memory_space<hbm>>
          tpu.enqueue_dma source(%dma_start3A_980 : memref<1x32xf32, #tpu.memory_space<hbm>>) target(%dma_start3A_978 : memref<1x32xf32, #tpu.memory_space<vmem>>) target_semaphore(%arg9 : memref<!tpu.dma_semaphore, #tpu.memory_space<semaphore_mem>>)
          %slice3A_981 = vector.extract_strided_slice %get3A_793 {offsets = [11], sizes = [1], strides = [1]} : vector<16xi32> to vector<1xi32>
          %squeeze3A_982 = vector.extract %slice3A_981[0] : i32 from vector<1xi32>
          %mul3A_983 = arith.constant 16 : i32
          %mul3A_984 = arith.muli %mul3A_983, %scan3A_785 : i32
          %add3A_985 = arith.constant 11 : i32
          %add3A_986 = arith.addi %mul3A_984, %add3A_985 : i32
          %dma_start3A_987 = arith.constant 2 : i32
          %dma_start3A_988 = arith.constant 0 : i32
          %dma_start3A_989 = tpu.memref_slice %arg6[%dma_start3A_987, %add3A_986, %dma_start3A_988] : memref<4x200x32xf32, #tpu.memory_space<vmem>> -> memref<1x1x32xf32, #tpu.memory_space<vmem>>
          %dma_start3A_990 = tpu.memref_squeeze %dma_start3A_989 : memref<1x1x32xf32, #tpu.memory_space<vmem>> -> memref<1x32xf32, #tpu.memory_space<vmem>>
          %dma_start3A_991 = arith.constant 0 : i32
          %dma_start3A_992 = tpu.memref_slice %arg2[%squeeze3A_982, %dma_start3A_991] : memref<1000000x32xf32, #tpu.memory_space<hbm>> -> memref<1x32xf32, #tpu.memory_space<hbm>>
          %dma_start3A_993 = arith.constant 0 : i32
          %dma_start3A_994 = tpu.memref_slice %arg6[%dma_start3A_987, %add3A_986, %dma_start3A_993] : memref<4x200x32xf32, #tpu.memory_space<vmem>> -> memref<1x1x32xf32, #tpu.memory_space<vmem>>
          %dma_start3A_995 = tpu.memref_squeeze %dma_start3A_994 : memref<1x1x32xf32, #tpu.memory_space<vmem>> -> memref<1x32xf32, #tpu.memory_space<vmem>>
          %dma_start3A_996 = arith.constant 0 : i32
          %dma_start3A_997 = tpu.memref_slice %arg2[%squeeze3A_982, %dma_start3A_996] : memref<1000000x32xf32, #tpu.memory_space<hbm>> -> memref<1x32xf32, #tpu.memory_space<hbm>>
          tpu.enqueue_dma source(%dma_start3A_997 : memref<1x32xf32, #tpu.memory_space<hbm>>) target(%dma_start3A_995 : memref<1x32xf32, #tpu.memory_space<vmem>>) target_semaphore(%arg9 : memref<!tpu.dma_semaphore, #tpu.memory_space<semaphore_mem>>)
          %slice3A_998 = vector.extract_strided_slice %get3A_793 {offsets = [12], sizes = [1], strides = [1]} : vector<16xi32> to vector<1xi32>
          %squeeze3A_999 = vector.extract %slice3A_998[0] : i32 from vector<1xi32>
          %mul3A_1000 = arith.constant 16 : i32
          %mul3A_1001 = arith.muli %mul3A_1000, %scan3A_785 : i32
          %add3A_1002 = arith.constant 12 : i32
          %add3A_1003 = arith.addi %mul3A_1001, %add3A_1002 : i32
          %dma_start3A_1004 = arith.constant 2 : i32
          %dma_start3A_1005 = arith.constant 0 : i32
          %dma_start3A_1006 = tpu.memref_slice %arg6[%dma_start3A_1004, %add3A_1003, %dma_start3A_1005] : memref<4x200x32xf32, #tpu.memory_space<vmem>> -> memref<1x1x32xf32, #tpu.memory_space<vmem>>
          %dma_start3A_1007 = tpu.memref_squeeze %dma_start3A_1006 : memref<1x1x32xf32, #tpu.memory_space<vmem>> -> memref<1x32xf32, #tpu.memory_space<vmem>>
          %dma_start3A_1008 = arith.constant 0 : i32
          %dma_start3A_1009 = tpu.memref_slice %arg2[%squeeze3A_999, %dma_start3A_1008] : memref<1000000x32xf32, #tpu.memory_space<hbm>> -> memref<1x32xf32, #tpu.memory_space<hbm>>
          %dma_start3A_1010 = arith.constant 0 : i32
          %dma_start3A_1011 = tpu.memref_slice %arg6[%dma_start3A_1004, %add3A_1003, %dma_start3A_1010] : memref<4x200x32xf32, #tpu.memory_space<vmem>> -> memref<1x1x32xf32, #tpu.memory_space<vmem>>
          %dma_start3A_1012 = tpu.memref_squeeze %dma_start3A_1011 : memref<1x1x32xf32, #tpu.memory_space<vmem>> -> memref<1x32xf32, #tpu.memory_space<vmem>>
          %dma_start3A_1013 = arith.constant 0 : i32
          %dma_start3A_1014 = tpu.memref_slice %arg2[%squeeze3A_999, %dma_start3A_1013] : memref<1000000x32xf32, #tpu.memory_space<hbm>> -> memref<1x32xf32, #tpu.memory_space<hbm>>
          tpu.enqueue_dma source(%dma_start3A_1014 : memref<1x32xf32, #tpu.memory_space<hbm>>) target(%dma_start3A_1012 : memref<1x32xf32, #tpu.memory_space<vmem>>) target_semaphore(%arg9 : memref<!tpu.dma_semaphore, #tpu.memory_space<semaphore_mem>>)
          %slice3A_1015 = vector.extract_strided_slice %get3A_793 {offsets = [13], sizes = [1], strides = [1]} : vector<16xi32> to vector<1xi32>
          %squeeze3A_1016 = vector.extract %slice3A_1015[0] : i32 from vector<1xi32>
          %mul3A_1017 = arith.constant 16 : i32
          %mul3A_1018 = arith.muli %mul3A_1017, %scan3A_785 : i32
          %add3A_1019 = arith.constant 13 : i32
          %add3A_1020 = arith.addi %mul3A_1018, %add3A_1019 : i32
          %dma_start3A_1021 = arith.constant 2 : i32
          %dma_start3A_1022 = arith.constant 0 : i32
          %dma_start3A_1023 = tpu.memref_slice %arg6[%dma_start3A_1021, %add3A_1020, %dma_start3A_1022] : memref<4x200x32xf32, #tpu.memory_space<vmem>> -> memref<1x1x32xf32, #tpu.memory_space<vmem>>
          %dma_start3A_1024 = tpu.memref_squeeze %dma_start3A_1023 : memref<1x1x32xf32, #tpu.memory_space<vmem>> -> memref<1x32xf32, #tpu.memory_space<vmem>>
          %dma_start3A_1025 = arith.constant 0 : i32
          %dma_start3A_1026 = tpu.memref_slice %arg2[%squeeze3A_1016, %dma_start3A_1025] : memref<1000000x32xf32, #tpu.memory_space<hbm>> -> memref<1x32xf32, #tpu.memory_space<hbm>>
          %dma_start3A_1027 = arith.constant 0 : i32
          %dma_start3A_1028 = tpu.memref_slice %arg6[%dma_start3A_1021, %add3A_1020, %dma_start3A_1027] : memref<4x200x32xf32, #tpu.memory_space<vmem>> -> memref<1x1x32xf32, #tpu.memory_space<vmem>>
          %dma_start3A_1029 = tpu.memref_squeeze %dma_start3A_1028 : memref<1x1x32xf32, #tpu.memory_space<vmem>> -> memref<1x32xf32, #tpu.memory_space<vmem>>
          %dma_start3A_1030 = arith.constant 0 : i32
          %dma_start3A_1031 = tpu.memref_slice %arg2[%squeeze3A_1016, %dma_start3A_1030] : memref<1000000x32xf32, #tpu.memory_space<hbm>> -> memref<1x32xf32, #tpu.memory_space<hbm>>
          tpu.enqueue_dma source(%dma_start3A_1031 : memref<1x32xf32, #tpu.memory_space<hbm>>) target(%dma_start3A_1029 : memref<1x32xf32, #tpu.memory_space<vmem>>) target_semaphore(%arg9 : memref<!tpu.dma_semaphore, #tpu.memory_space<semaphore_mem>>)
          %slice3A_1032 = vector.extract_strided_slice %get3A_793 {offsets = [14], sizes = [1], strides = [1]} : vector<16xi32> to vector<1xi32>
          %squeeze3A_1033 = vector.extract %slice3A_1032[0] : i32 from vector<1xi32>
          %mul3A_1034 = arith.constant 16 : i32
          %mul3A_1035 = arith.muli %mul3A_1034, %scan3A_785 : i32
          %add3A_1036 = arith.constant 14 : i32
          %add3A_1037 = arith.addi %mul3A_1035, %add3A_1036 : i32
          %dma_start3A_1038 = arith.constant 2 : i32
          %dma_start3A_1039 = arith.constant 0 : i32
          %dma_start3A_1040 = tpu.memref_slice %arg6[%dma_start3A_1038, %add3A_1037, %dma_start3A_1039] : memref<4x200x32xf32, #tpu.memory_space<vmem>> -> memref<1x1x32xf32, #tpu.memory_space<vmem>>
          %dma_start3A_1041 = tpu.memref_squeeze %dma_start3A_1040 : memref<1x1x32xf32, #tpu.memory_space<vmem>> -> memref<1x32xf32, #tpu.memory_space<vmem>>
          %dma_start3A_1042 = arith.constant 0 : i32
          %dma_start3A_1043 = tpu.memref_slice %arg2[%squeeze3A_1033, %dma_start3A_1042] : memref<1000000x32xf32, #tpu.memory_space<hbm>> -> memref<1x32xf32, #tpu.memory_space<hbm>>
          %dma_start3A_1044 = arith.constant 0 : i32
          %dma_start3A_1045 = tpu.memref_slice %arg6[%dma_start3A_1038, %add3A_1037, %dma_start3A_1044] : memref<4x200x32xf32, #tpu.memory_space<vmem>> -> memref<1x1x32xf32, #tpu.memory_space<vmem>>
          %dma_start3A_1046 = tpu.memref_squeeze %dma_start3A_1045 : memref<1x1x32xf32, #tpu.memory_space<vmem>> -> memref<1x32xf32, #tpu.memory_space<vmem>>
          %dma_start3A_1047 = arith.constant 0 : i32
          %dma_start3A_1048 = tpu.memref_slice %arg2[%squeeze3A_1033, %dma_start3A_1047] : memref<1000000x32xf32, #tpu.memory_space<hbm>> -> memref<1x32xf32, #tpu.memory_space<hbm>>
          tpu.enqueue_dma source(%dma_start3A_1048 : memref<1x32xf32, #tpu.memory_space<hbm>>) target(%dma_start3A_1046 : memref<1x32xf32, #tpu.memory_space<vmem>>) target_semaphore(%arg9 : memref<!tpu.dma_semaphore, #tpu.memory_space<semaphore_mem>>)
          %slice3A_1049 = vector.extract_strided_slice %get3A_793 {offsets = [15], sizes = [1], strides = [1]} : vector<16xi32> to vector<1xi32>
          %squeeze3A_1050 = vector.extract %slice3A_1049[0] : i32 from vector<1xi32>
          %mul3A_1051 = arith.constant 16 : i32
          %mul3A_1052 = arith.muli %mul3A_1051, %scan3A_785 : i32
          %add3A_1053 = arith.constant 15 : i32
          %add3A_1054 = arith.addi %mul3A_1052, %add3A_1053 : i32
          %dma_start3A_1055 = arith.constant 2 : i32
          %dma_start3A_1056 = arith.constant 0 : i32
          %dma_start3A_1057 = tpu.memref_slice %arg6[%dma_start3A_1055, %add3A_1054, %dma_start3A_1056] : memref<4x200x32xf32, #tpu.memory_space<vmem>> -> memref<1x1x32xf32, #tpu.memory_space<vmem>>
          %dma_start3A_1058 = tpu.memref_squeeze %dma_start3A_1057 : memref<1x1x32xf32, #tpu.memory_space<vmem>> -> memref<1x32xf32, #tpu.memory_space<vmem>>
          %dma_start3A_1059 = arith.constant 0 : i32
          %dma_start3A_1060 = tpu.memref_slice %arg2[%squeeze3A_1050, %dma_start3A_1059] : memref<1000000x32xf32, #tpu.memory_space<hbm>> -> memref<1x32xf32, #tpu.memory_space<hbm>>
          %dma_start3A_1061 = arith.constant 0 : i32
          %dma_start3A_1062 = tpu.memref_slice %arg6[%dma_start3A_1055, %add3A_1054, %dma_start3A_1061] : memref<4x200x32xf32, #tpu.memory_space<vmem>> -> memref<1x1x32xf32, #tpu.memory_space<vmem>>
          %dma_start3A_1063 = tpu.memref_squeeze %dma_start3A_1062 : memref<1x1x32xf32, #tpu.memory_space<vmem>> -> memref<1x32xf32, #tpu.memory_space<vmem>>
          %dma_start3A_1064 = arith.constant 0 : i32
          %dma_start3A_1065 = tpu.memref_slice %arg2[%squeeze3A_1050, %dma_start3A_1064] : memref<1000000x32xf32, #tpu.memory_space<hbm>> -> memref<1x32xf32, #tpu.memory_space<hbm>>
          tpu.enqueue_dma source(%dma_start3A_1065 : memref<1x32xf32, #tpu.memory_space<hbm>>) target(%dma_start3A_1063 : memref<1x32xf32, #tpu.memory_space<vmem>>) target_semaphore(%arg9 : memref<!tpu.dma_semaphore, #tpu.memory_space<semaphore_mem>>)
        }
        %scan3A_657 = arith.constant 12 : i32
        %mul3A_658 = arith.constant 200 : i32
        %mul3A_659 = arith.muli %mul3A_658, %add3A_607 : i32
        %add3A_660 = arith.constant 192 : i32
        %add3A_661 = arith.addi %mul3A_659, %add3A_660 : i32
        %get3A_662 = arith.index_cast %add3A_661 : i32 to index
        %get3A_663 = tpu.vector_load %arg5[%get3A_662] {strides = array<i32>} : memref<25616xi32, #tpu.memory_space<vmem>>, vector<16xi32>,
        %get3A_664 = vector.shape_cast %get3A_663 : vector<16xi32> to vector<16xi32>
        %slice3A_665 = vector.extract_strided_slice %get3A_664 {offsets = [0], sizes = [1], strides = [1]} : vector<16xi32> to vector<1xi32>
        %squeeze3A_666 = vector.extract %slice3A_665[0] : i32 from vector<1xi32>
        %dma_start3A_667 = arith.constant 2 : i32
        %dma_start3A_668 = arith.constant 192 : i32
        %dma_start3A_669 = arith.constant 0 : i32
        %dma_start3A_670 = tpu.memref_slice %arg6[%dma_start3A_667, %dma_start3A_668, %dma_start3A_669] : memref<4x200x32xf32, #tpu.memory_space<vmem>> -> memref<1x1x32xf32, #tpu.memory_space<vmem>>
        %dma_start3A_671 = tpu.memref_squeeze %dma_start3A_670 : memref<1x1x32xf32, #tpu.memory_space<vmem>> -> memref<1x32xf32, #tpu.memory_space<vmem>>
        %dma_start3A_672 = arith.constant 0 : i32
        %dma_start3A_673 = tpu.memref_slice %arg2[%squeeze3A_666, %dma_start3A_672] : memref<1000000x32xf32, #tpu.memory_space<hbm>> -> memref<1x32xf32, #tpu.memory_space<hbm>>
        %dma_start3A_674 = arith.constant 192 : i32
        %dma_start3A_675 = arith.constant 0 : i32
        %dma_start3A_676 = tpu.memref_slice %arg6[%dma_start3A_667, %dma_start3A_674, %dma_start3A_675] : memref<4x200x32xf32, #tpu.memory_space<vmem>> -> memref<1x1x32xf32, #tpu.memory_space<vmem>>
        %dma_start3A_677 = tpu.memref_squeeze %dma_start3A_676 : memref<1x1x32xf32, #tpu.memory_space<vmem>> -> memref<1x32xf32, #tpu.memory_space<vmem>>
        %dma_start3A_678 = arith.constant 0 : i32
        %dma_start3A_679 = tpu.memref_slice %arg2[%squeeze3A_666, %dma_start3A_678] : memref<1000000x32xf32, #tpu.memory_space<hbm>> -> memref<1x32xf32, #tpu.memory_space<hbm>>
        tpu.enqueue_dma source(%dma_start3A_679 : memref<1x32xf32, #tpu.memory_space<hbm>>) target(%dma_start3A_677 : memref<1x32xf32, #tpu.memory_space<vmem>>) target_semaphore(%arg9 : memref<!tpu.dma_semaphore, #tpu.memory_space<semaphore_mem>>)
        %slice3A_680 = vector.extract_strided_slice %get3A_664 {offsets = [1], sizes = [1], strides = [1]} : vector<16xi32> to vector<1xi32>
        %squeeze3A_681 = vector.extract %slice3A_680[0] : i32 from vector<1xi32>
        %dma_start3A_682 = arith.constant 2 : i32
        %dma_start3A_683 = arith.constant 193 : i32
        %dma_start3A_684 = arith.constant 0 : i32
        %dma_start3A_685 = tpu.memref_slice %arg6[%dma_start3A_682, %dma_start3A_683, %dma_start3A_684] : memref<4x200x32xf32, #tpu.memory_space<vmem>> -> memref<1x1x32xf32, #tpu.memory_space<vmem>>
        %dma_start3A_686 = tpu.memref_squeeze %dma_start3A_685 : memref<1x1x32xf32, #tpu.memory_space<vmem>> -> memref<1x32xf32, #tpu.memory_space<vmem>>
        %dma_start3A_687 = arith.constant 0 : i32
        %dma_start3A_688 = tpu.memref_slice %arg2[%squeeze3A_681, %dma_start3A_687] : memref<1000000x32xf32, #tpu.memory_space<hbm>> -> memref<1x32xf32, #tpu.memory_space<hbm>>
        %dma_start3A_689 = arith.constant 193 : i32
        %dma_start3A_690 = arith.constant 0 : i32
        %dma_start3A_691 = tpu.memref_slice %arg6[%dma_start3A_682, %dma_start3A_689, %dma_start3A_690] : memref<4x200x32xf32, #tpu.memory_space<vmem>> -> memref<1x1x32xf32, #tpu.memory_space<vmem>>
        %dma_start3A_692 = tpu.memref_squeeze %dma_start3A_691 : memref<1x1x32xf32, #tpu.memory_space<vmem>> -> memref<1x32xf32, #tpu.memory_space<vmem>>
        %dma_start3A_693 = arith.constant 0 : i32
        %dma_start3A_694 = tpu.memref_slice %arg2[%squeeze3A_681, %dma_start3A_693] : memref<1000000x32xf32, #tpu.memory_space<hbm>> -> memref<1x32xf32, #tpu.memory_space<hbm>>
        tpu.enqueue_dma source(%dma_start3A_694 : memref<1x32xf32, #tpu.memory_space<hbm>>) target(%dma_start3A_692 : memref<1x32xf32, #tpu.memory_space<vmem>>) target_semaphore(%arg9 : memref<!tpu.dma_semaphore, #tpu.memory_space<semaphore_mem>>)
        %slice3A_695 = vector.extract_strided_slice %get3A_664 {offsets = [2], sizes = [1], strides = [1]} : vector<16xi32> to vector<1xi32>
        %squeeze3A_696 = vector.extract %slice3A_695[0] : i32 from vector<1xi32>
        %dma_start3A_697 = arith.constant 2 : i32
        %dma_start3A_698 = arith.constant 194 : i32
        %dma_start3A_699 = arith.constant 0 : i32
        %dma_start3A_700 = tpu.memref_slice %arg6[%dma_start3A_697, %dma_start3A_698, %dma_start3A_699] : memref<4x200x32xf32, #tpu.memory_space<vmem>> -> memref<1x1x32xf32, #tpu.memory_space<vmem>>
        %dma_start3A_701 = tpu.memref_squeeze %dma_start3A_700 : memref<1x1x32xf32, #tpu.memory_space<vmem>> -> memref<1x32xf32, #tpu.memory_space<vmem>>
        %dma_start3A_702 = arith.constant 0 : i32
        %dma_start3A_703 = tpu.memref_slice %arg2[%squeeze3A_696, %dma_start3A_702] : memref<1000000x32xf32, #tpu.memory_space<hbm>> -> memref<1x32xf32, #tpu.memory_space<hbm>>
        %dma_start3A_704 = arith.constant 194 : i32
        %dma_start3A_705 = arith.constant 0 : i32
        %dma_start3A_706 = tpu.memref_slice %arg6[%dma_start3A_697, %dma_start3A_704, %dma_start3A_705] : memref<4x200x32xf32, #tpu.memory_space<vmem>> -> memref<1x1x32xf32, #tpu.memory_space<vmem>>
        %dma_start3A_707 = tpu.memref_squeeze %dma_start3A_706 : memref<1x1x32xf32, #tpu.memory_space<vmem>> -> memref<1x32xf32, #tpu.memory_space<vmem>>
        %dma_start3A_708 = arith.constant 0 : i32
        %dma_start3A_709 = tpu.memref_slice %arg2[%squeeze3A_696, %dma_start3A_708] : memref<1000000x32xf32, #tpu.memory_space<hbm>> -> memref<1x32xf32, #tpu.memory_space<hbm>>
        tpu.enqueue_dma source(%dma_start3A_709 : memref<1x32xf32, #tpu.memory_space<hbm>>) target(%dma_start3A_707 : memref<1x32xf32, #tpu.memory_space<vmem>>) target_semaphore(%arg9 : memref<!tpu.dma_semaphore, #tpu.memory_space<semaphore_mem>>)
        %slice3A_710 = vector.extract_strided_slice %get3A_664 {offsets = [3], sizes = [1], strides = [1]} : vector<16xi32> to vector<1xi32>
        %squeeze3A_711 = vector.extract %slice3A_710[0] : i32 from vector<1xi32>
        %dma_start3A_712 = arith.constant 2 : i32
        %dma_start3A_713 = arith.constant 195 : i32
        %dma_start3A_714 = arith.constant 0 : i32
        %dma_start3A_715 = tpu.memref_slice %arg6[%dma_start3A_712, %dma_start3A_713, %dma_start3A_714] : memref<4x200x32xf32, #tpu.memory_space<vmem>> -> memref<1x1x32xf32, #tpu.memory_space<vmem>>
        %dma_start3A_716 = tpu.memref_squeeze %dma_start3A_715 : memref<1x1x32xf32, #tpu.memory_space<vmem>> -> memref<1x32xf32, #tpu.memory_space<vmem>>
        %dma_start3A_717 = arith.constant 0 : i32
        %dma_start3A_718 = tpu.memref_slice %arg2[%squeeze3A_711, %dma_start3A_717] : memref<1000000x32xf32, #tpu.memory_space<hbm>> -> memref<1x32xf32, #tpu.memory_space<hbm>>
        %dma_start3A_719 = arith.constant 195 : i32
        %dma_start3A_720 = arith.constant 0 : i32
        %dma_start3A_721 = tpu.memref_slice %arg6[%dma_start3A_712, %dma_start3A_719, %dma_start3A_720] : memref<4x200x32xf32, #tpu.memory_space<vmem>> -> memref<1x1x32xf32, #tpu.memory_space<vmem>>
        %dma_start3A_722 = tpu.memref_squeeze %dma_start3A_721 : memref<1x1x32xf32, #tpu.memory_space<vmem>> -> memref<1x32xf32, #tpu.memory_space<vmem>>
        %dma_start3A_723 = arith.constant 0 : i32
        %dma_start3A_724 = tpu.memref_slice %arg2[%squeeze3A_711, %dma_start3A_723] : memref<1000000x32xf32, #tpu.memory_space<hbm>> -> memref<1x32xf32, #tpu.memory_space<hbm>>
        tpu.enqueue_dma source(%dma_start3A_724 : memref<1x32xf32, #tpu.memory_space<hbm>>) target(%dma_start3A_722 : memref<1x32xf32, #tpu.memory_space<vmem>>) target_semaphore(%arg9 : memref<!tpu.dma_semaphore, #tpu.memory_space<semaphore_mem>>)
        %slice3A_725 = vector.extract_strided_slice %get3A_664 {offsets = [4], sizes = [1], strides = [1]} : vector<16xi32> to vector<1xi32>
        %squeeze3A_726 = vector.extract %slice3A_725[0] : i32 from vector<1xi32>
        %dma_start3A_727 = arith.constant 2 : i32
        %dma_start3A_728 = arith.constant 196 : i32
        %dma_start3A_729 = arith.constant 0 : i32
        %dma_start3A_730 = tpu.memref_slice %arg6[%dma_start3A_727, %dma_start3A_728, %dma_start3A_729] : memref<4x200x32xf32, #tpu.memory_space<vmem>> -> memref<1x1x32xf32, #tpu.memory_space<vmem>>
        %dma_start3A_731 = tpu.memref_squeeze %dma_start3A_730 : memref<1x1x32xf32, #tpu.memory_space<vmem>> -> memref<1x32xf32, #tpu.memory_space<vmem>>
        %dma_start3A_732 = arith.constant 0 : i32
        %dma_start3A_733 = tpu.memref_slice %arg2[%squeeze3A_726, %dma_start3A_732] : memref<1000000x32xf32, #tpu.memory_space<hbm>> -> memref<1x32xf32, #tpu.memory_space<hbm>>
        %dma_start3A_734 = arith.constant 196 : i32
        %dma_start3A_735 = arith.constant 0 : i32
        %dma_start3A_736 = tpu.memref_slice %arg6[%dma_start3A_727, %dma_start3A_734, %dma_start3A_735] : memref<4x200x32xf32, #tpu.memory_space<vmem>> -> memref<1x1x32xf32, #tpu.memory_space<vmem>>
        %dma_start3A_737 = tpu.memref_squeeze %dma_start3A_736 : memref<1x1x32xf32, #tpu.memory_space<vmem>> -> memref<1x32xf32, #tpu.memory_space<vmem>>
        %dma_start3A_738 = arith.constant 0 : i32
        %dma_start3A_739 = tpu.memref_slice %arg2[%squeeze3A_726, %dma_start3A_738] : memref<1000000x32xf32, #tpu.memory_space<hbm>> -> memref<1x32xf32, #tpu.memory_space<hbm>>
        tpu.enqueue_dma source(%dma_start3A_739 : memref<1x32xf32, #tpu.memory_space<hbm>>) target(%dma_start3A_737 : memref<1x32xf32, #tpu.memory_space<vmem>>) target_semaphore(%arg9 : memref<!tpu.dma_semaphore, #tpu.memory_space<semaphore_mem>>)
        %slice3A_740 = vector.extract_strided_slice %get3A_664 {offsets = [5], sizes = [1], strides = [1]} : vector<16xi32> to vector<1xi32>
        %squeeze3A_741 = vector.extract %slice3A_740[0] : i32 from vector<1xi32>
        %dma_start3A_742 = arith.constant 2 : i32
        %dma_start3A_743 = arith.constant 197 : i32
        %dma_start3A_744 = arith.constant 0 : i32
        %dma_start3A_745 = tpu.memref_slice %arg6[%dma_start3A_742, %dma_start3A_743, %dma_start3A_744] : memref<4x200x32xf32, #tpu.memory_space<vmem>> -> memref<1x1x32xf32, #tpu.memory_space<vmem>>
        %dma_start3A_746 = tpu.memref_squeeze %dma_start3A_745 : memref<1x1x32xf32, #tpu.memory_space<vmem>> -> memref<1x32xf32, #tpu.memory_space<vmem>>
        %dma_start3A_747 = arith.constant 0 : i32
        %dma_start3A_748 = tpu.memref_slice %arg2[%squeeze3A_741, %dma_start3A_747] : memref<1000000x32xf32, #tpu.memory_space<hbm>> -> memref<1x32xf32, #tpu.memory_space<hbm>>
        %dma_start3A_749 = arith.constant 197 : i32
        %dma_start3A_750 = arith.constant 0 : i32
        %dma_start3A_751 = tpu.memref_slice %arg6[%dma_start3A_742, %dma_start3A_749, %dma_start3A_750] : memref<4x200x32xf32, #tpu.memory_space<vmem>> -> memref<1x1x32xf32, #tpu.memory_space<vmem>>
        %dma_start3A_752 = tpu.memref_squeeze %dma_start3A_751 : memref<1x1x32xf32, #tpu.memory_space<vmem>> -> memref<1x32xf32, #tpu.memory_space<vmem>>
        %dma_start3A_753 = arith.constant 0 : i32
        %dma_start3A_754 = tpu.memref_slice %arg2[%squeeze3A_741, %dma_start3A_753] : memref<1000000x32xf32, #tpu.memory_space<hbm>> -> memref<1x32xf32, #tpu.memory_space<hbm>>
        tpu.enqueue_dma source(%dma_start3A_754 : memref<1x32xf32, #tpu.memory_space<hbm>>) target(%dma_start3A_752 : memref<1x32xf32, #tpu.memory_space<vmem>>) target_semaphore(%arg9 : memref<!tpu.dma_semaphore, #tpu.memory_space<semaphore_mem>>)
        %slice3A_755 = vector.extract_strided_slice %get3A_664 {offsets = [6], sizes = [1], strides = [1]} : vector<16xi32> to vector<1xi32>
        %squeeze3A_756 = vector.extract %slice3A_755[0] : i32 from vector<1xi32>
        %dma_start3A_757 = arith.constant 2 : i32
        %dma_start3A_758 = arith.constant 198 : i32
        %dma_start3A_759 = arith.constant 0 : i32
        %dma_start3A_760 = tpu.memref_slice %arg6[%dma_start3A_757, %dma_start3A_758, %dma_start3A_759] : memref<4x200x32xf32, #tpu.memory_space<vmem>> -> memref<1x1x32xf32, #tpu.memory_space<vmem>>
        %dma_start3A_761 = tpu.memref_squeeze %dma_start3A_760 : memref<1x1x32xf32, #tpu.memory_space<vmem>> -> memref<1x32xf32, #tpu.memory_space<vmem>>
        %dma_start3A_762 = arith.constant 0 : i32
        %dma_start3A_763 = tpu.memref_slice %arg2[%squeeze3A_756, %dma_start3A_762] : memref<1000000x32xf32, #tpu.memory_space<hbm>> -> memref<1x32xf32, #tpu.memory_space<hbm>>
        %dma_start3A_764 = arith.constant 198 : i32
        %dma_start3A_765 = arith.constant 0 : i32
        %dma_start3A_766 = tpu.memref_slice %arg6[%dma_start3A_757, %dma_start3A_764, %dma_start3A_765] : memref<4x200x32xf32, #tpu.memory_space<vmem>> -> memref<1x1x32xf32, #tpu.memory_space<vmem>>
        %dma_start3A_767 = tpu.memref_squeeze %dma_start3A_766 : memref<1x1x32xf32, #tpu.memory_space<vmem>> -> memref<1x32xf32, #tpu.memory_space<vmem>>
        %dma_start3A_768 = arith.constant 0 : i32
        %dma_start3A_769 = tpu.memref_slice %arg2[%squeeze3A_756, %dma_start3A_768] : memref<1000000x32xf32, #tpu.memory_space<hbm>> -> memref<1x32xf32, #tpu.memory_space<hbm>>
        tpu.enqueue_dma source(%dma_start3A_769 : memref<1x32xf32, #tpu.memory_space<hbm>>) target(%dma_start3A_767 : memref<1x32xf32, #tpu.memory_space<vmem>>) target_semaphore(%arg9 : memref<!tpu.dma_semaphore, #tpu.memory_space<semaphore_mem>>)
        %slice3A_770 = vector.extract_strided_slice %get3A_664 {offsets = [7], sizes = [1], strides = [1]} : vector<16xi32> to vector<1xi32>
        %squeeze3A_771 = vector.extract %slice3A_770[0] : i32 from vector<1xi32>
        %dma_start3A_772 = arith.constant 2 : i32
        %dma_start3A_773 = arith.constant 199 : i32
        %dma_start3A_774 = arith.constant 0 : i32
        %dma_start3A_775 = tpu.memref_slice %arg6[%dma_start3A_772, %dma_start3A_773, %dma_start3A_774] : memref<4x200x32xf32, #tpu.memory_space<vmem>> -> memref<1x1x32xf32, #tpu.memory_space<vmem>>
        %dma_start3A_776 = tpu.memref_squeeze %dma_start3A_775 : memref<1x1x32xf32, #tpu.memory_space<vmem>> -> memref<1x32xf32, #tpu.memory_space<vmem>>
        %dma_start3A_777 = arith.constant 0 : i32
        %dma_start3A_778 = tpu.memref_slice %arg2[%squeeze3A_771, %dma_start3A_777] : memref<1000000x32xf32, #tpu.memory_space<hbm>> -> memref<1x32xf32, #tpu.memory_space<hbm>>
        %dma_start3A_779 = arith.constant 199 : i32
        %dma_start3A_780 = arith.constant 0 : i32
        %dma_start3A_781 = tpu.memref_slice %arg6[%dma_start3A_772, %dma_start3A_779, %dma_start3A_780] : memref<4x200x32xf32, #tpu.memory_space<vmem>> -> memref<1x1x32xf32, #tpu.memory_space<vmem>>
        %dma_start3A_782 = tpu.memref_squeeze %dma_start3A_781 : memref<1x1x32xf32, #tpu.memory_space<vmem>> -> memref<1x32xf32, #tpu.memory_space<vmem>>
        %dma_start3A_783 = arith.constant 0 : i32
        %dma_start3A_784 = tpu.memref_slice %arg2[%squeeze3A_771, %dma_start3A_783] : memref<1000000x32xf32, #tpu.memory_space<hbm>> -> memref<1x32xf32, #tpu.memory_space<hbm>>
        tpu.enqueue_dma source(%dma_start3A_784 : memref<1x32xf32, #tpu.memory_space<hbm>>) target(%dma_start3A_782 : memref<1x32xf32, #tpu.memory_space<vmem>>) target_semaphore(%arg9 : memref<!tpu.dma_semaphore, #tpu.memory_space<semaphore_mem>>)
      } else {
      }
      %dma_wait3A_613 = arith.constant 3 : i32
      %dma_wait3A_614 = arith.constant 0 : i32
      %dma_wait3A_615 = arith.constant 0 : i32
      %dma_wait3A_616 = tpu.memref_slice %arg6[%dma_wait3A_613, %dma_wait3A_614, %dma_wait3A_615] : memref<4x200x32xf32, #tpu.memory_space<vmem>> -> memref<1x200x32xf32, #tpu.memory_space<vmem>>
      %dma_wait3A_617 = tpu.memref_squeeze %dma_wait3A_616 : memref<1x200x32xf32, #tpu.memory_space<vmem>> -> memref<200x32xf32, #tpu.memory_space<vmem>>
      %dma_wait3A_618 = arith.constant 0 : i32
      %dma_wait3A_619 = arith.constant 0 : i32
      %dma_wait3A_620 = tpu.memref_slice %arg2[%dma_wait3A_618, %dma_wait3A_619] : memref<1000000x32xf32, #tpu.memory_space<hbm>> -> memref<200x32xf32, #tpu.memory_space<hbm>>
      %dma_wait3A_621 = arith.constant 0 : i32
      %dma_wait3A_622 = arith.constant 0 : i32
      %dma_wait3A_623 = tpu.memref_slice %arg6[%dma_wait3A_613, %dma_wait3A_621, %dma_wait3A_622] : memref<4x200x32xf32, #tpu.memory_space<vmem>> -> memref<1x200x32xf32, #tpu.memory_space<vmem>>
      %dma_wait3A_624 = tpu.memref_squeeze %dma_wait3A_623 : memref<1x200x32xf32, #tpu.memory_space<vmem>> -> memref<200x32xf32, #tpu.memory_space<vmem>>
      %dma_wait3A_625 = arith.constant 0 : i32
      %dma_wait3A_626 = arith.constant 0 : i32
      %dma_wait3A_627 = tpu.memref_slice %arg2[%dma_wait3A_625, %dma_wait3A_626] : memref<1000000x32xf32, #tpu.memory_space<hbm>> -> memref<200x32xf32, #tpu.memory_space<hbm>>
      tpu.wait_dma2 semaphore(%arg10 : memref<!tpu.dma_semaphore, #tpu.memory_space<semaphore_mem>>) src(%dma_wait3A_627 : memref<200x32xf32, #tpu.memory_space<hbm>>) dst(%dma_wait3A_624 : memref<200x32xf32, #tpu.memory_space<vmem>>)
      %mul3A_628 = arith.constant 128 : i32
      %mul3A_629 = arith.muli %add3A, %mul3A_628 : i32
      %add3A_630 = arith.addi %mul3A_629, %add3A_605 : i32
      %dma_start3A_631 = arith.constant 3 : i32
      %dma_start3A_632 = arith.constant 0 : i32
      %dma_start3A_633 = arith.constant 0 : i32
      %dma_start3A_634 = tpu.memref_slice %arg6[%dma_start3A_631, %dma_start3A_632, %dma_start3A_633] : memref<4x200x32xf32, #tpu.memory_space<vmem>> -> memref<1x200x32xf32, #tpu.memory_space<vmem>>
      %dma_start3A_635 = tpu.memref_squeeze %dma_start3A_634 : memref<1x200x32xf32, #tpu.memory_space<vmem>> -> memref<200x32xf32, #tpu.memory_space<vmem>>
      %dma_start3A_636 = arith.constant 0 : i32
      %dma_start3A_637 = arith.constant 0 : i32
      %dma_start3A_638 = tpu.memref_slice %arg4[%add3A_630, %dma_start3A_636, %dma_start3A_637] : memref<4096x200x32xf32, #tpu.memory_space<hbm>> -> memref<1x200x32xf32, #tpu.memory_space<hbm>>
      %dma_start3A_639 = tpu.memref_squeeze %dma_start3A_638 : memref<1x200x32xf32, #tpu.memory_space<hbm>> -> memref<200x32xf32, #tpu.memory_space<hbm>>
      %dma_start3A_640 = arith.constant 0 : i32
      %dma_start3A_641 = arith.constant 0 : i32
      %dma_start3A_642 = tpu.memref_slice %arg4[%add3A_630, %dma_start3A_640, %dma_start3A_641] : memref<4096x200x32xf32, #tpu.memory_space<hbm>> -> memref<1x200x32xf32, #tpu.memory_space<hbm>>
      %dma_start3A_643 = tpu.memref_squeeze %dma_start3A_642 : memref<1x200x32xf32, #tpu.memory_space<hbm>> -> memref<200x32xf32, #tpu.memory_space<hbm>>
      %dma_start3A_644 = arith.constant 0 : i32
      %dma_start3A_645 = arith.constant 0 : i32
      %dma_start3A_646 = tpu.memref_slice %arg6[%dma_start3A_631, %dma_start3A_644, %dma_start3A_645] : memref<4x200x32xf32, #tpu.memory_space<vmem>> -> memref<1x200x32xf32, #tpu.memory_space<vmem>>
      %dma_start3A_647 = tpu.memref_squeeze %dma_start3A_646 : memref<1x200x32xf32, #tpu.memory_space<vmem>> -> memref<200x32xf32, #tpu.memory_space<vmem>>
      tpu.enqueue_dma source(%dma_start3A_647 : memref<200x32xf32, #tpu.memory_space<vmem>>) target(%dma_start3A_643 : memref<200x32xf32, #tpu.memory_space<hbm>>) target_semaphore(%arg14 : memref<!tpu.dma_semaphore, #tpu.memory_space<semaphore_mem>>)
    }
    %scan3A_390 = arith.constant 32 : i32
    %mul3A_391 = arith.constant 128 : i32
    %mul3A_392 = arith.muli %add3A, %mul3A_391 : i32
    %dma_wait3A = arith.constant 0 : i32
    %dma_wait3A_393 = arith.constant 0 : i32
    %dma_wait3A_394 = arith.constant 0 : i32
    %dma_wait3A_395 = tpu.memref_slice %arg6[%dma_wait3A, %dma_wait3A_393, %dma_wait3A_394] : memref<4x200x32xf32, #tpu.memory_space<vmem>> -> memref<1x200x32xf32, #tpu.memory_space<vmem>>
    %dma_wait3A_396 = tpu.memref_squeeze %dma_wait3A_395 : memref<1x200x32xf32, #tpu.memory_space<vmem>> -> memref<200x32xf32, #tpu.memory_space<vmem>>
    %dma_wait3A_397 = arith.constant 0 : i32
    %dma_wait3A_398 = arith.constant 0 : i32
    %dma_wait3A_399 = tpu.memref_slice %arg4[%mul3A_392, %dma_wait3A_397, %dma_wait3A_398] : memref<4096x200x32xf32, #tpu.memory_space<hbm>> -> memref<1x200x32xf32, #tpu.memory_space<hbm>>
    %dma_wait3A_400 = tpu.memref_squeeze %dma_wait3A_399 : memref<1x200x32xf32, #tpu.memory_space<hbm>> -> memref<200x32xf32, #tpu.memory_space<hbm>>
    %dma_wait3A_401 = arith.constant 0 : i32
    %dma_wait3A_402 = arith.constant 0 : i32
    %dma_wait3A_403 = tpu.memref_slice %arg4[%mul3A_392, %dma_wait3A_401, %dma_wait3A_402] : memref<4096x200x32xf32, #tpu.memory_space<hbm>> -> memref<1x200x32xf32, #tpu.memory_space<hbm>>
    %dma_wait3A_404 = tpu.memref_squeeze %dma_wait3A_403 : memref<1x200x32xf32, #tpu.memory_space<hbm>> -> memref<200x32xf32, #tpu.memory_space<hbm>>
    %dma_wait3A_405 = arith.constant 0 : i32
    %dma_wait3A_406 = arith.constant 0 : i32
    %dma_wait3A_407 = tpu.memref_slice %arg6[%dma_wait3A, %dma_wait3A_405, %dma_wait3A_406] : memref<4x200x32xf32, #tpu.memory_space<vmem>> -> memref<1x200x32xf32, #tpu.memory_space<vmem>>
    %dma_wait3A_408 = tpu.memref_squeeze %dma_wait3A_407 : memref<1x200x32xf32, #tpu.memory_space<vmem>> -> memref<200x32xf32, #tpu.memory_space<vmem>>
    tpu.wait_dma2 semaphore(%arg11 : memref<!tpu.dma_semaphore, #tpu.memory_space<semaphore_mem>>) src(%dma_wait3A_408 : memref<200x32xf32, #tpu.memory_space<vmem>>) dst(%dma_wait3A_404 : memref<200x32xf32, #tpu.memory_space<hbm>>)
    %mul3A_409 = arith.constant 128 : i32
    %mul3A_410 = arith.muli %add3A, %mul3A_409 : i32
    %dma_wait3A_411 = arith.constant 1 : i32
    %dma_wait3A_412 = arith.constant 0 : i32
    %dma_wait3A_413 = arith.constant 0 : i32
    %dma_wait3A_414 = tpu.memref_slice %arg6[%dma_wait3A_411, %dma_wait3A_412, %dma_wait3A_413] : memref<4x200x32xf32, #tpu.memory_space<vmem>> -> memref<1x200x32xf32, #tpu.memory_space<vmem>>
    %dma_wait3A_415 = tpu.memref_squeeze %dma_wait3A_414 : memref<1x200x32xf32, #tpu.memory_space<vmem>> -> memref<200x32xf32, #tpu.memory_space<vmem>>
    %dma_wait3A_416 = arith.constant 0 : i32
    %dma_wait3A_417 = arith.constant 0 : i32
    %dma_wait3A_418 = tpu.memref_slice %arg4[%mul3A_410, %dma_wait3A_416, %dma_wait3A_417] : memref<4096x200x32xf32, #tpu.memory_space<hbm>> -> memref<1x200x32xf32, #tpu.memory_space<hbm>>
    %dma_wait3A_419 = tpu.memref_squeeze %dma_wait3A_418 : memref<1x200x32xf32, #tpu.memory_space<hbm>> -> memref<200x32xf32, #tpu.memory_space<hbm>>
    %dma_wait3A_420 = arith.constant 0 : i32
    %dma_wait3A_421 = arith.constant 0 : i32
    %dma_wait3A_422 = tpu.memref_slice %arg4[%mul3A_410, %dma_wait3A_420, %dma_wait3A_421] : memref<4096x200x32xf32, #tpu.memory_space<hbm>> -> memref<1x200x32xf32, #tpu.memory_space<hbm>>
    %dma_wait3A_423 = tpu.memref_squeeze %dma_wait3A_422 : memref<1x200x32xf32, #tpu.memory_space<hbm>> -> memref<200x32xf32, #tpu.memory_space<hbm>>
    %dma_wait3A_424 = arith.constant 0 : i32
    %dma_wait3A_425 = arith.constant 0 : i32
    %dma_wait3A_426 = tpu.memref_slice %arg6[%dma_wait3A_411, %dma_wait3A_424, %dma_wait3A_425] : memref<4x200x32xf32, #tpu.memory_space<vmem>> -> memref<1x200x32xf32, #tpu.memory_space<vmem>>
    %dma_wait3A_427 = tpu.memref_squeeze %dma_wait3A_426 : memref<1x200x32xf32, #tpu.memory_space<vmem>> -> memref<200x32xf32, #tpu.memory_space<vmem>>
    tpu.wait_dma2 semaphore(%arg12 : memref<!tpu.dma_semaphore, #tpu.memory_space<semaphore_mem>>) src(%dma_wait3A_427 : memref<200x32xf32, #tpu.memory_space<vmem>>) dst(%dma_wait3A_423 : memref<200x32xf32, #tpu.memory_space<hbm>>)
    %mul3A_428 = arith.constant 128 : i32
    %mul3A_429 = arith.muli %add3A, %mul3A_428 : i32
    %dma_wait3A_430 = arith.constant 2 : i32
    %dma_wait3A_431 = arith.constant 0 : i32
    %dma_wait3A_432 = arith.constant 0 : i32
    %dma_wait3A_433 = tpu.memref_slice %arg6[%dma_wait3A_430, %dma_wait3A_431, %dma_wait3A_432] : memref<4x200x32xf32, #tpu.memory_space<vmem>> -> memref<1x200x32xf32, #tpu.memory_space<vmem>>
    %dma_wait3A_434 = tpu.memref_squeeze %dma_wait3A_433 : memref<1x200x32xf32, #tpu.memory_space<vmem>> -> memref<200x32xf32, #tpu.memory_space<vmem>>
    %dma_wait3A_435 = arith.constant 0 : i32
    %dma_wait3A_436 = arith.constant 0 : i32
    %dma_wait3A_437 = tpu.memref_slice %arg4[%mul3A_429, %dma_wait3A_435, %dma_wait3A_436] : memref<4096x200x32xf32, #tpu.memory_space<hbm>> -> memref<1x200x32xf32, #tpu.memory_space<hbm>>
    %dma_wait3A_438 = tpu.memref_squeeze %dma_wait3A_437 : memref<1x200x32xf32, #tpu.memory_space<hbm>> -> memref<200x32xf32, #tpu.memory_space<hbm>>
    %dma_wait3A_439 = arith.constant 0 : i32
    %dma_wait3A_440 = arith.constant 0 : i32
    %dma_wait3A_441 = tpu.memref_slice %arg4[%mul3A_429, %dma_wait3A_439, %dma_wait3A_440] : memref<4096x200x32xf32, #tpu.memory_space<hbm>> -> memref<1x200x32xf32, #tpu.memory_space<hbm>>
    %dma_wait3A_442 = tpu.memref_squeeze %dma_wait3A_441 : memref<1x200x32xf32, #tpu.memory_space<hbm>> -> memref<200x32xf32, #tpu.memory_space<hbm>>
    %dma_wait3A_443 = arith.constant 0 : i32
    %dma_wait3A_444 = arith.constant 0 : i32
    %dma_wait3A_445 = tpu.memref_slice %arg6[%dma_wait3A_430, %dma_wait3A_443, %dma_wait3A_444] : memref<4x200x32xf32, #tpu.memory_space<vmem>> -> memref<1x200x32xf32, #tpu.memory_space<vmem>>
    %dma_wait3A_446 = tpu.memref_squeeze %dma_wait3A_445 : memref<1x200x32xf32, #tpu.memory_space<vmem>> -> memref<200x32xf32, #tpu.memory_space<vmem>>
    tpu.wait_dma2 semaphore(%arg13 : memref<!tpu.dma_semaphore, #tpu.memory_space<semaphore_mem>>) src(%dma_wait3A_446 : memref<200x32xf32, #tpu.memory_space<vmem>>) dst(%dma_wait3A_442 : memref<200x32xf32, #tpu.memory_space<hbm>>)
    %mul3A_447 = arith.constant 128 : i32
    %mul3A_448 = arith.muli %add3A, %mul3A_447 : i32
    %dma_wait3A_449 = arith.constant 3 : i32
    %dma_wait3A_450 = arith.constant 0 : i32
    %dma_wait3A_451 = arith.constant 0 : i32
    %dma_wait3A_452 = tpu.memref_slice %arg6[%dma_wait3A_449, %dma_wait3A_450, %dma_wait3A_451] : memref<4x200x32xf32, #tpu.memory_space<vmem>> -> memref<1x200x32xf32, #tpu.memory_space<vmem>>
    %dma_wait3A_453 = tpu.memref_squeeze %dma_wait3A_452 : memref<1x200x32xf32, #tpu.memory_space<vmem>> -> memref<200x32xf32, #tpu.memory_space<vmem>>
    %dma_wait3A_454 = arith.constant 0 : i32
    %dma_wait3A_455 = arith.constant 0 : i32
    %dma_wait3A_456 = tpu.memref_slice %arg4[%mul3A_448, %dma_wait3A_454, %dma_wait3A_455] : memref<4096x200x32xf32, #tpu.memory_space<hbm>> -> memref<1x200x32xf32, #tpu.memory_space<hbm>>
    %dma_wait3A_457 = tpu.memref_squeeze %dma_wait3A_456 : memref<1x200x32xf32, #tpu.memory_space<hbm>> -> memref<200x32xf32, #tpu.memory_space<hbm>>
    %dma_wait3A_458 = arith.constant 0 : i32
    %dma_wait3A_459 = arith.constant 0 : i32
    %dma_wait3A_460 = tpu.memref_slice %arg4[%mul3A_448, %dma_wait3A_458, %dma_wait3A_459] : memref<4096x200x32xf32, #tpu.memory_space<hbm>> -> memref<1x200x32xf32, #tpu.memory_space<hbm>>
    %dma_wait3A_461 = tpu.memref_squeeze %dma_wait3A_460 : memref<1x200x32xf32, #tpu.memory_space<hbm>> -> memref<200x32xf32, #tpu.memory_space<hbm>>
    %dma_wait3A_462 = arith.constant 0 : i32
    %dma_wait3A_463 = arith.constant 0 : i32
    %dma_wait3A_464 = tpu.memref_slice %arg6[%dma_wait3A_449, %dma_wait3A_462, %dma_wait3A_463] : memref<4x200x32xf32, #tpu.memory_space<vmem>> -> memref<1x200x32xf32, #tpu.memory_space<vmem>>
    %dma_wait3A_465 = tpu.memref_squeeze %dma_wait3A_464 : memref<1x200x32xf32, #tpu.memory_space<vmem>> -> memref<200x32xf32, #tpu.memory_space<vmem>>
    tpu.wait_dma2 semaphore(%arg14 : memref<!tpu.dma_semaphore, #tpu.memory_space<semaphore_mem>>) src(%dma_wait3A_465 : memref<200x32xf32, #tpu.memory_space<vmem>>) dst(%dma_wait3A_461 : memref<200x32xf32, #tpu.memory_space<hbm>>)
    return
  }
}

</mosaic_0001>

<sc_bundles>
// kernel: kernel.3.cloned.1.call-start
scs
__scs_entry_jumppad:
0x0: {  	(pc) =	sbr.rel $0x88, $3  }
0x1: {  	(tag) =	ssettag $0x0;
	lr =	simm.s32 $0x1  }
0x2: {  	[smem:$0x3F9F] =	sst lr;
	_ =	strace $0xD0000000  }
0x3: {  	_ = 	snop  }
0x4: {  	_ = 	snop  }
0x5: {  	_ = 	snop  }
0x6: {  	_ = 	snop  }
0x7: {  	_ = 	snop  }
__scs_overlays_trampoline_lowered:
0x8: {  	[smem:$0x3FAE] =	sst s0  }
0x9: {  	[smem:$0x3FAF] =	sst s1  }
0xa: {  	[smem:$0x3FB0] =	sst s2  }
0xb: {  	[smem:$0x3FB1] =	sst s3  }
0xc: {  	[smem:$0x3FB2] =	sst s4  }
0xd: {  	[smem:$0x3FB3] =	sst s5  }
0xe: {  	[smem:$0x3FB4] =	sst s6  }
0xf: {  	[smem:$0x3FB5] =	sst s7  }
0x10: {  	[smem:$0x3FB6] =	sst s8  }
0x11: {  	[smem:$0x3FB7] =	sst s9;
	s0 =	simm.s32 @!p0 $0x0  }
0x12: {  	s1 =	sld [smem:$0x3F9D];
	s0 =	simm.s32 @p0 $0x1  }
0x13: {  	[smem:$0x3FB8] =	sst s0;
	s0 =	simm.s32 @!p1 $0x0  }
0x14: {  	s2 =	sld [smem:$0x3F9C];
	s0 =	simm.s32 @p1 $0x1  }
0x15: {  	[smem:$0x3FB9] =	sst s0;
	s0 =	simm.s32 @!p2 $0x0  }
0x16: {  	s3 =	sld [smem:$0x3FDB];
	s0 =	simm.s32 @p2 $0x1  }
0x17: {  	s4 =	simm.s32 $0x1BF5;
	[smem:$0x3FBB] =	sst s0  }
0x18: {  	s0 =	sld [smem:$0x3F9E];
	_ =	swait.ge [sflag:s4], $0x0  }
0x19: {  	s7 =	sld [smem:$0x3F9F]  }
0x1a: {  	s8 =	sadd.s32 $0xFFFFE003, lr  }
0x1b: {  	s9 =	sadd.s32 $0xFFFFFEF7, lr;
	s5 =	simm.s32 $0xFFFFFFFF;
	p2 =	slt.u32 s8, $0xFFFFF086  }
0x1c: {  	p1 =	slt.u32 s9, $0xF7A;
	s5 =	simm.s32 @!p2 $0x0  }
0x1d: {  	s5 =	simm.s32 @p1 $0x1;
	p0 =	seq.s32 s7, s2  }
0x1e: {  	s7 =	smul.u32 @!p0 $0xF7A, s2;
	p2 =	seq.s32 @!p0 s5, $0x0  }
0x1f: {  	s9 =	smul.u32 $0xF7A, s1;
	s8 =	simm.s32 @!p0 $0x1BF5;
	p2 =	por !p2, p0  }
0x20: {  	[sflag:s8] =	ssyncset.s32 @!p0 $0xFFFFF086;
	s6 =	sadd.s32 @!p0 s3, s7;
	s7 =	simm.s32 @!p0 $0x108  }
0x21: {  	s3 =	sadd.s32 s3, s9;
	s6 =	sadd.s32 @!p0 $0x88, s6;
	s7 =	simm.s32 @p2 $0x1082  }
0x22: {  	[simem:s7], [sflag:s8] =	dma.local @!p0 [hbm:s6], $0xF7A  }
0x23: {  	s9 =	sor.u32 $0xD0000000, s2;
	s6 =	simm.s32 $0x108;
	_ =	swait.ge @!p0 [sflag:s8], $0x0  }
0x24: {  	s3 =	sadd.s32 $0x88, s3;
	s6 =	simm.s32 @!p1 $0x1082;
	[sflag:s4] =	ssyncset.s32 $0xFFFFF086  }
0x25: {  	[simem:s6], [sflag:s4] =	dma.local [hbm:s3], $0xF7A  }
0x26: {  	[smem:$0x3F9F] =	sst s1;
	(tag) =	ssettag s2;
	_ =	strace s9  }
0x27: {  	s1 =	sld [smem:$0x3FAF]  }
0x28: {  	s2 =	sld [smem:$0x3FB0]  }
0x29: {  	s4 =	sld [smem:$0x3FB2]  }
0x2a: {  	p0 =	seq.s32 s5, $0x0;
	s5 =	sld [smem:$0x3FB3]  }
0x2b: {  	s6 =	sld [smem:$0x3FB4]  }
0x2c: {  	s7 =	sld [smem:$0x3FB5]  }
0x2d: {  	s3 =	simm.s32 $0x108;
	s8 =	sld [smem:$0x3FB6]  }
0x2e: {  	s3 =	simm.s32 @!p0 $0x1082;
	s9 =	sld [smem:$0x3FB7]  }
0x2f: {  	lr =	sadd.s32 s0, s3;
	s0 =	sld [smem:$0x3FAE]  }
0x30: {  	s3 =	sld [smem:$0x3FB1]  }
0x31: {  	[smem:$0x3FBA] =	sst s10  }
0x32: {  	s10 =	sld [smem:$0x3FB8];
	_ =	sdelay $0x3  }
0x33: {  	p0 =	seq.s32 s10, $0x1;
	s10 =	sld [smem:$0x3FBA];
	_ =	sdelay $0x3  }
0x34: {  	[smem:$0x3FBA] =	sst s10  }
0x35: {  	s10 =	sld [smem:$0x3FB9];
	_ =	sdelay $0x3  }
0x36: {  	p1 =	seq.s32 s10, $0x1;
	s10 =	sld [smem:$0x3FBA];
	_ =	sdelay $0x3  }
0x37: {  	[smem:$0x3FBA] =	sst s10  }
0x38: {  	s10 =	sld [smem:$0x3FBB]  }
0x39: {  	_ = 	snop;
	(pc) =	sbr.ind lr, $3  }
0x3a: {  	_ = 	snop  }
0x3b: {  	_ = 	snop  }
0x3c: {  	p2 =	seq.s32 s10, $0x1;
	s10 =	sld [smem:$0x3FBA]  }
0x3d: {  	_ =	shalt  }
0x3e: {  	_ =	shalt  }
0x3f: {  	_ =	shalt  }
0x40: {  	_ =	shalt  }
0x41: {  	_ =	shalt  }
0x42: {  	_ =	shalt  }
0x43: {  	_ =	shalt  }
0x44: {  	_ =	shalt  }
0x45: {  	_ =	shalt  }
0x46: {  	_ =	shalt  }
0x47: {  	_ =	shalt  }
0x48: {  	_ =	shalt  }
0x49: {  	_ =	shalt  }
0x4a: {  	_ =	shalt  }
0x4b: {  	_ =	shalt  }
0x4c: {  	_ =	shalt  }
0x4d: {  	_ =	shalt  }
0x4e: {  	_ =	shalt  }
0x4f: {  	_ =	shalt  }
0x50: {  	_ =	shalt  }
0x51: {  	_ =	shalt  }
0x52: {  	_ =	shalt  }
0x53: {  	_ =	shalt  }
0x54: {  	_ =	shalt  }
0x55: {  	_ =	shalt  }
0x56: {  	_ =	shalt  }
0x57: {  	_ =	shalt  }
0x58: {  	_ =	shalt  }
0x59: {  	_ =	shalt  }
0x5a: {  	_ =	shalt  }
0x5b: {  	_ =	shalt  }
0x5c: {  	_ =	shalt  }
0x5d: {  	_ =	shalt  }
0x5e: {  	_ =	shalt  }
0x5f: {  	_ =	shalt  }
0x60: {  	_ =	shalt  }
0x61: {  	_ =	shalt  }
0x62: {  	_ =	shalt  }
0x63: {  	_ =	shalt  }
0x64: {  	_ =	shalt  }
0x65: {  	_ =	shalt  }
0x66: {  	_ =	shalt  }
0x67: {  	_ =	shalt  }
0x68: {  	_ =	shalt  }
0x69: {  	_ =	shalt  }
0x6a: {  	_ =	shalt  }
0x6b: {  	_ =	shalt  }
0x6c: {  	_ =	shalt  }
0x6d: {  	_ =	shalt  }
0x6e: {  	_ =	shalt  }
0x6f: {  	_ =	shalt  }
0x70: {  	_ =	shalt  }
0x71: {  	_ =	shalt  }
0x72: {  	_ =	shalt  }
0x73: {  	_ =	shalt  }
0x74: {  	_ =	shalt  }
0x75: {  	_ =	shalt  }
0x76: {  	_ =	shalt  }
0x77: {  	_ =	shalt  }
0x78: {  	_ =	shalt  }
0x79: {  	_ =	shalt  }
0x7a: {  	_ =	shalt  }
0x7b: {  	_ =	shalt  }
0x7c: {  	_ =	shalt  }
0x7d: {  	_ =	shalt  }
0x7e: {  	_ =	shalt  }
0x7f: {  	_ =	shalt  }
0x80: {  	_ =	shalt  }
0x81: {  	_ =	shalt  }
0x82: {  	_ =	shalt  }
0x83: {  	_ =	shalt  }
0x84: {  	_ =	shalt  }
0x85: {  	_ =	shalt  }
0x86: {  	_ =	shalt  }
0x87: {  	_ =	shalt  }
.Lfunc_end0:
.L_simem_size_0:
called_computation_lowered:
.L_overlay_start_0:
0x88: {  	s2 =	sld [smem:$0x3FD9]  }
0x89: {  	s3 =	sld [smem:$0x3FFE];
	_ =	sdelay $0x1  }
0x8a: {  	s1 =	srdreg.scid  }
0x8b: {  	s0 =	sand.u32 $0x1, s1  }
0x8c: {  	s17 =	sshll.u32 s0, $0xA;
	s2 =	sadd.s32 s3, s2  }
0x8d: {  	s2 =	sadd.s32 s2, s17  }
0x8e: {  	[smem:$0x3FC6] =	sst s2  }
0x8f: {  	_ = 	snop  }
0x90: {  	s2 =	sld [smem:$0x3FD0];
	(tm) =	ssettm $0x1  }
0x91: {  	s18 =	sld [smem:$0x3FFB];
	_ =	sdelay $0x3  }
0x92: {  	_ =	strace s18  }
0x93: {  	s3 =	sld [smem:$0x3FFC];
	_ =	sdelay $0x3  }
0x94: {  	_ =	strace s3  }
0x95: {  	s3 =	sld [smem:$0x3FFD];
	_ =	sdelay $0x3  }
0x96: {  	_ =	strace s3  }
0x97: {  	_ =	strace $0x8FFFFFFF  }
0x98: {  	s19 =	sld [smem:$0x3FDB];
	_ =	sdelay $0x1  }
0x99: {  	s4 =	simm.s32 $_scs_section_size  }
0x9a: {  	s5 =	simm.s32 $_size__tile_overlayer_lowered;
	s6 =	simm.s32 $_tile_overlayer_lowered  }
0x9b: {  	s22 =	simm.s32 $0x1BFF;
	s21 =	sshll.u32 s6, $0x1;
	s3 =	sadd.s32 s4, s19  }
0x9c: {  	s7 =	simm.s32 $0x0;
	s20 =	sshll.u32 s5, $0x1;
	s5 =	sadd.s32 s21, s3  }
0x9d: {  	[timem:s7], [sflag:s22] =	dma.local [hbm:s5], s20  }
0x9e: {  	_ =	swait.ge [sflag:s22], s20  }
0x9f: {  	s4 =	ssub.s32 $0x0, s20;
	[sflag:s22] =	ssyncset.done $0x0  }
0xa0: {  	[sflag:s22] =	ssyncadd.s32 s4;
	_ =	sdelay $0x1  }
0xa1: {  	s23 =	simm.s32 $0x1B8B  }
0xa2: {  	_ =	swait.ge [sflag:s23], $0x1  }
0xa3: {  	[sflag:s23] =	ssyncset.done $0x0  }
0xa4: {  	s25 =	simm.s32 $0x1B8E;
	s24 =	sld [smem:$0x3FFE];
	[sflag:s23] =	ssyncadd.s32 $0xFFFFFFFF  }
0xa5: {  	s26 =	simm.s32 $execute0_lowered;
	[smem:$0x3FD2] =	sst s25  }
0xa6: {  	s5 =	sshll.u32 s26, $0x1;
	_ =	strace $0x80000046;
	[dreg:$0x1] =	wrdreg $0xFFFFFFFF  }
0xa7: {  	s28 =	simm.s32 $_size_execute0_lowered;
	s3 =	sadd.s32 s3, s5;
	[dreg:$0x0] =	wrdreg $0x0  }
0xa8: {  	s5 =	sshll.u32 s28, $0x1;
	[dreg:$0x2] =	wrdreg s3  }
0xa9: {  	[dreg:$0x3] =	wrdreg s5  }
0xaa: {  	[dreg:$0x4] =	wrdreg $0xC0  }
0xab: {  	_ =	task [dreg:s7], $0x5FFFF  }
0xac: {  	[dreg:$0x1] =	wrdreg $0xFFFFFFFF  }
0xad: {  	[dreg:$0x0] =	wrdreg $0x60  }
0xae: {  	[dreg:$0x2] =	wrdreg s24  }
0xaf: {  	[dreg:$0x3] =	wrdreg s2  }
0xb0: {  	[dreg:$0x4] =	wrdreg $0x9  }
0xb1: {  	_ =	task.clear_ibuf [dreg:s7], $0x5FFFF;
	_ =	strace $0x90000046  }
0xb2: {  	s29 =	simm.s32 $0x9;
	_ =	strace $0x80000048  }
0xb3: {  	_ =	swait.ge [sflag:s29], $0x1  }
0xb4: {  	[sflag:s29] =	ssyncadd.s32 $0xFFFFFFFF  }
0xb5: {  	_ =	strace $0x90000048  }
0xb6: {  	_ =	sfence  }
0xb7: {  	s30 =	sld [smem:$0x0];
	_ =	sdelay $0x2  }
0xb8: {  	s31 =	sshll.u32 s1, $0xD;
	s1 =	sshrl.u32 s1, $0x2  }
0xb9: {  	s3 =	sand.u32 $0x4000, s31;
	s1 =	sadd.s32 s1, s30  }
0xba: {  	s0 =	sor.u32 s3, s0;
	s1 =	sshll.u32 s1, $0x11  }
0xbb: {  	s0 =	sor.u32 s1, s0  }
0xbc: {  	s0 =	sadd.s32 $0x8F2B, s0  }
0xbd: {  	[sflag:s0] =	ssyncadd.remote.s32 $0x1  }
0xbe: {  	_ =	sfence.sel $0xFFFF  }
0xbf: {  	[dreg:$0x0] =	wrdreg $0xFFFFFFFF;
	(pc) =	sbr.abs _section_cstart, $3  }
0xc0: {  	[dreg:$0x1] =	wrdreg $0xFFFFFFFF  }
0xc1: {  	_ =	task.clear_ibuf [dreg:s7], $0x2FFFF;
	_ =	strace $0x9FFFFFFF  }
0xc2: {  	(tm) =	ssettm $0x7FFFFFFF  }
0xc3: {  	_ =	shalt  }
tec
execute0_lowered:
.L_overlay_start_1:
0x0: {  	(tag) =	ssettag $0x1  }
0x1: {  	s0 =	rddreg [dreg:$0x0]  }
0x2: {  	s1 =	srdreg.scid;
	s2 =	stileid.u32  }
0x3: {  	s5 =	rddreg [dreg:$0x1];
	s1 =	sand.u32 $0x1, s1;
	s3 =	sshll.u32 s2, $0x1  }
0x4: {  	s2 =	simm.s32 $0x0;
	s4 =	sadd.s32 $0xF42800, s0;
	s6 =	sor.u32 s1, s3  }
0x5: {  	[smem:$0x7FF] =	sst s2;
	s1 =	ssub.s32 $0x2, s1;
	s7 =	smul.u32 $0xC80, s6  }
0x6: {  	s3 =	sadd.s32 $0x400, s0;
	_ =	strace $0x80000047;
	s9 =	smul.u32 $0x64000, s6  }
.Ltmp0:
0x7: {  	s8 =	sshrl.u32 s1, $0x1;
	s29 =	sshll.u32 s6, $0x7;
	(pc) =	sbr.rel .LBB2_1-.Ltmp0, $4  }
0x8: {  	s26 =	ssub.s32 s1, s8;
	[dreg:$0x4] =	wrdreg s29;
	s28 =	sadd.s32 s5, s7  }
0x9: {  	s30 =	sadd.s32 s4, s9;
	s0 =	smax.u32 s26, $0x1;
	[dreg:$0x3] =	wrdreg s28  }
0xa: {  	[dreg:$0x5] =	wrdreg s0;
	s31 =	sadd.s32 $0x62700, s30  }
0xb: {  	s6 =	smov.u32 s4;
	s4 =	simm.s32 $0x0;
	[dreg:$0x6] =	wrdreg s31  }
.LBB2_22:
0xc: {  	s0 =	simm.s32 $0x5  }
0xd: {  	_ =	swait.ge [sflag:s0], $0x6400  }
0xe: {  	[sflag:s0] =	ssyncset.done $0x0  }
0xf: {  	s29 =	simm.s32 $0x6;
	[sflag:s0] =	ssyncadd.s32 $0xFFFF9C00  }
0x10: {  	_ =	swait.ge [sflag:s29], $0x6400  }
0x11: {  	[sflag:s29] =	ssyncset.done $0x0  }
0x12: {  	s30 =	simm.s32 $0x7;
	[sflag:s29] =	ssyncadd.s32 $0xFFFF9C00  }
0x13: {  	_ =	swait.ge [sflag:s30], $0x6400  }
0x14: {  	[sflag:s30] =	ssyncset.done $0x0  }
0x15: {  	s1 =	simm.s32 $0x8;
	[sflag:s30] =	ssyncadd.s32 $0xFFFF9C00  }
0x16: {  	_ =	swait.ge [sflag:s1], $0x6400  }
0x17: {  	s4 =	rddreg [dreg:$0x7]  }
0x18: {  	s31 =	rddreg [dreg:$0x5];
	s4 =	sadd.s32 $0x1, s4  }
0x19: {  	p0 =	sne.s32 s4, s31  }
.Ltmp1:
0x1a: {  	_ = 	snop;
	(pc) =	sbr.rel @!p0 .LBB2_23-.Ltmp1, $3  }
0x1b: {  	_ =	sdelay $0x1  }
0x1c: {  	[sflag:s1] =	ssyncset.done $0x0  }
0x1d: {  	[sflag:s1] =	ssyncadd.s32 $0xFFFF9C00  }
.LBB2_1:
0x1e: {  	[dreg:$0x7] =	wrdreg s4  }
0x1f: {  	s0 =	rddreg [dreg:$0x3];
	s31 =	simm.s32 $0x9  }
0x20: {  	[tilespmem:s2], [sflag:$0x9] =	stream.linear.gather [hbm4b:s0+s2], $0x6400, $0x38;
	[tilespmem:$0x1F480] =	vst v63  }
0x21: {  	_ =	swait.ge [sflag:s31], $0x6400  }
0x22: {  	[sflag:s31] =	ssyncset.done $0x0  }
0x23: {  	[sflag:s31] =	ssyncadd.s32 $0xFFFF9C00  }
0x24: {  	v0 =	vld [tilespmem:s2+$0x0];
	_ =	sdelay $0x4  }
0x25: {  	v0 =	vshll.u32 v0, $0x4  }
0x26: {  	(v2sf) =	vpush v0, $0x0  }
0x27: {  	(v2sf) =	vpush v0, $0x1  }
0x28: {  	(v2sf) =	vpush v0, $0x2;
	_ =	sdelay $0x1  }
0x29: {  	(v2sf) =	vpush v0, $0x4;
	_ =	sdelay $0x1  }
0x2a: {  	(v2sf) =	vpush v0, $0x3  }
0x2b: {  	(v2sf) =	vpush v0, $0x5  }
0x2c: {  	s1 =	simm.s32 $0x2000;
	s5 =	simm.s32 $0x0;
	s0 =	simm.s32 $0x0;
	(v2sf) =	vpush v0, $0x6  }
.LBB2_2:
0x2d: {  	p0 =	sne.s32 s1, $0x16000  }
0x2e: {  	s17 =	sadd.s32 $0x6500, s0;
	s10 =	sadd.s32 $0x6A00, s0;
	s7 =	smov.u32 s1  }
0x2f: {  	s1 =	sadd.s32 $0x2000, s1;
	s13 =	sadd.s32 $0x6800, s0;
	s8 =	sadd.s32 $0x6A80, s0;
	(v2sf) =	vpush v0, $0x7  }
0x30: {  	s15 =	sadd.s32 $0x6700, s0;
	s12 =	sadd.s32 $0x6880, s0;
	s9 =	sadd.s32 $0x6B00, s0  }
0x31: {  	s19 =	sadd.s32 $0x6480, s0;
	s21 =	sadd.s32 $0x6680, s0;
	(v2sf) =	vpush v0, $0x8  }
0x32: {  	s23 =	sadd.s32 $0x6780, s0;
	s5 =	sadd.s32 $0x10, s5  }
0x33: {  	s28 =	sadd.s32 $0x6580, s0;
	s11 =	sadd.s32 $0x6980, s0;
	s14 =	spop (v2sf);
	(v2sf) =	vpush v0, $0x9  }
0x34: {  	s29 =	sand.u32 $0x1FFFFFF0, s14;
	s14 =	sadd.s32 $0x6900, s0;
	s30 =	spop (v2sf)  }
0x35: {  	s29 =	sadd.s32 s3, s29;
	s30 =	sand.u32 $0x1FFFFFF0, s30;
	s31 =	spop (v2sf);
	(v2sf) =	vpush v0, $0xA  }
0x36: {  	[tilespmem:s19], [sflag:$0x1] =	stream.linear.gather [hbm4b:s29+s2], $0x80, $0x38;
	[tilespmem:$0x1F480] =	vst v63  }
0x37: {  	s19 =	sadd.s32 s3, s30;
	s29 =	sadd.s32 $0x6600, s0;
	s30 =	spop (v2sf);
	(v2sf) =	vpush v0, $0xB  }
0x38: {  	[tilespmem:s17], [sflag:$0x1] =	stream.linear.gather [hbm4b:s19+s2], $0x80, $0x38;
	[tilespmem:$0x1F480] =	vst v63  }
0x39: {  	s17 =	sand.u32 $0x1FFFFFF0, s31;
	s19 =	sand.u32 $0x1FFFFFF0, s30;
	s30 =	spop (v2sf);
	(v2sf) =	vpush v0, $0xC  }
0x3a: {  	s17 =	sadd.s32 s3, s17;
	s30 =	sand.u32 $0x1FFFFFF0, s30;
	s31 =	spop (v2sf)  }
0x3b: {  	[tilespmem:s28], [sflag:$0x1] =	stream.linear.gather [hbm4b:s17+s2], $0x80, $0x38;
	(v2sf) =	vpush v0, $0xD;
	[tilespmem:$0x1F480] =	vst v63  }
0x3c: {  	s17 =	sadd.s32 s3, s30;
	s28 =	sand.u32 $0x1FFFFFF0, s31;
	s30 =	spop (v2sf)  }
0x3d: {  	[tilespmem:s29], [sflag:$0x1] =	stream.linear.gather [hbm4b:s17+s2], $0x80, $0x38;
	(v2sf) =	vpush v0, $0xE;
	[tilespmem:$0x1F480] =	vst v63  }
0x3e: {  	s17 =	sadd.s32 s3, s19;
	s19 =	sand.u32 $0x1FFFFFF0, s30;
	s29 =	spop (v2sf)  }
0x3f: {  	[tilespmem:s21], [sflag:$0x1] =	stream.linear.gather [hbm4b:s17+s2], $0x80, $0x38;
	(v2sf) =	vpush v0, $0xF;
	[tilespmem:$0x1F480] =	vst v63  }
0x40: {  	s17 =	sadd.s32 s3, s28;
	s21 =	sand.u32 $0x1FFFFFF0, s29;
	s28 =	spop (v2sf)  }
0x41: {  	[tilespmem:s15], [sflag:$0x1] =	stream.linear.gather [hbm4b:s17+s2], $0x80, $0x38;
	[tilespmem:$0x1F480] =	vst v63  }
0x42: {  	s15 =	sadd.s32 s3, s19;
	s17 =	sand.u32 $0x1FFFFFF0, s28;
	s19 =	spop (v2sf)  }
0x43: {  	[tilespmem:s23], [sflag:$0x1] =	stream.linear.gather [hbm4b:s15+s2], $0x80, $0x38;
	[tilespmem:$0x1F480] =	vst v63  }
0x44: {  	s15 =	sadd.s32 s3, s21;
	s19 =	sand.u32 $0x1FFFFFF0, s19;
	s21 =	spop (v2sf)  }
0x45: {  	[tilespmem:s13], [sflag:$0x1] =	stream.linear.gather [hbm4b:s15+s2], $0x80, $0x38;
	[tilespmem:$0x1F480] =	vst v63  }
0x46: {  	s13 =	sadd.s32 s3, s17;
	s15 =	sand.u32 $0x1FFFFFF0, s21;
	s17 =	spop (v2sf)  }
0x47: {  	[tilespmem:s12], [sflag:$0x1] =	stream.linear.gather [hbm4b:s13+s2], $0x80, $0x38;
	[tilespmem:$0x1F480] =	vst v63  }
0x48: {  	s12 =	sadd.s32 s3, s19;
	s13 =	sand.u32 $0x1FFFFFF0, s17;
	s17 =	spop (v2sf)  }
0x49: {  	[tilespmem:s14], [sflag:$0x1] =	stream.linear.gather [hbm4b:s12+s2], $0x80, $0x38;
	[tilespmem:$0x1F480] =	vst v63  }
0x4a: {  	s12 =	sadd.s32 s3, s15;
	s14 =	sand.u32 $0x1FFFFFF0, s17;
	s15 =	spop (v2sf)  }
0x4b: {  	[tilespmem:s11], [sflag:$0x1] =	stream.linear.gather [hbm4b:s12+s2], $0x80, $0x38;
	[tilespmem:$0x1F480] =	vst v63  }
0x4c: {  	s11 =	sadd.s32 s3, s13;
	s12 =	sand.u32 $0x1FFFFFF0, s15;
	s13 =	spop (v2sf)  }
0x4d: {  	[tilespmem:s10], [sflag:$0x1] =	stream.linear.gather [hbm4b:s11+s2], $0x80, $0x38;
	[tilespmem:$0x1F480] =	vst v63  }
0x4e: {  	s10 =	sadd.s32 s3, s14;
	s11 =	sand.u32 $0x1FFFFFF0, s13;
	s13 =	spop (v2sf)  }
0x4f: {  	[tilespmem:s8], [sflag:$0x1] =	stream.linear.gather [hbm4b:s10+s2], $0x80, $0x38;
	[tilespmem:$0x1F480] =	vst v63  }
0x50: {  	s8 =	sadd.s32 s3, s12;
	s10 =	sand.u32 $0x1FFFFFF0, s13  }
0x51: {  	[tilespmem:s9], [sflag:$0x1] =	stream.linear.gather [hbm4b:s8+s2], $0x80, $0x38;
	[tilespmem:$0x1F480] =	vst v63  }
0x52: {  	s8 =	sadd.s32 $0x6B80, s0;
	s9 =	sadd.s32 s3, s11  }
0x53: {  	[tilespmem:s8], [sflag:$0x1] =	stream.linear.gather [hbm4b:s9+s2], $0x80, $0x38;
	[tilespmem:$0x1F480] =	vst v63  }
0x54: {  	s0 =	sadd.s32 $0x6C00, s0;
	s8 =	sadd.s32 s3, s10  }
0x55: {  	[tilespmem:s0], [sflag:$0x1] =	stream.linear.gather [hbm4b:s8+s2], $0x80, $0x38;
	[tilespmem:$0x1F480] =	vst v63  }
0x56: {  	v0 =	vld [tilespmem:s5+$0x0];
	_ =	sdelay $0x4  }
0x57: {  	v0 =	vshll.u32 v0, $0x4  }
0x58: {  	(v2sf) =	vpush v0, $0x0  }
0x59: {  	(v2sf) =	vpush v0, $0x1  }
0x5a: {  	(v2sf) =	vpush v0, $0x2;
	_ =	sdelay $0x1  }
0x5b: {  	(v2sf) =	vpush v0, $0x4  }
.Ltmp2:
0x5c: {  	(pc) =	sbr.rel @p0 .LBB2_2-.Ltmp2, $3  }
0x5d: {  	(v2sf) =	vpush v0, $0x3  }
0x5e: {  	(v2sf) =	vpush v0, $0x5;
	_ =	sdelay $0x1  }
0x5f: {  	s0 =	sshra.s32 s7, $0x2;
	(v2sf) =	vpush v0, $0x6  }
0x60: {  	_ =	sdelay $0x4  }
0x61: {  	s7 =	sadd.s32 $0x6480, s0;
	s1 =	spop (v2sf)  }
0x62: {  	s9 =	sadd.s32 $0x6500, s0;
	(v2sf) =	vpush v0, $0x7;
	s1 =	sand.u32 $0x1FFFFFF0, s1;
	s5 =	spop (v2sf)  }
0x63: {  	s1 =	sadd.s32 s3, s1;
	s5 =	sand.u32 $0x1FFFFFF0, s5;
	s10 =	spop (v2sf)  }
0x64: {  	[tilespmem:s7], [sflag:$0x1] =	stream.linear.gather [hbm4b:s1+s2], $0x80, $0x38;
	[tilespmem:$0x1F480] =	vst v63  }
0x65: {  	s5 =	sadd.s32 s3, s5;
	s11 =	sand.u32 $0x1FFFFFF0, s10;
	s13 =	spop (v2sf)  }
0x66: {  	[tilespmem:s9], [sflag:$0x1] =	stream.linear.gather [hbm4b:s5+s2], $0x80, $0x38;
	[tilespmem:$0x1F480] =	vst v63  }
0x67: {  	s12 =	sadd.s32 $0x6580, s0;
	s1 =	sadd.s32 s3, s11;
	s14 =	spop (v2sf);
	(v2sf) =	vpush v0, $0x8  }
0x68: {  	[tilespmem:s12], [sflag:$0x1] =	stream.linear.gather [hbm4b:s1+s2], $0x80, $0x38;
	[tilespmem:$0x1F480] =	vst v63  }
0x69: {  	s1 =	sand.u32 $0x1FFFFFF0, s14;
	(v2sf) =	vpush v0, $0x9  }
0x6a: {  	s15 =	sadd.s32 $0x6600, s0;
	s16 =	sand.u32 $0x1FFFFFF0, s13;
	s1 =	sadd.s32 s3, s1  }
0x6b: {  	(v2sf) =	vpush v0, $0xA;
	[tilespmem:s15], [sflag:$0x1] =	stream.linear.gather [hbm4b:s1+s2], $0x80, $0x38;
	[tilespmem:$0x1F480] =	vst v63  }
0x6c: {  	s17 =	sadd.s32 $0x6680, s0;
	s18 =	spop (v2sf);
	s1 =	sadd.s32 s3, s16  }
0x6d: {  	[tilespmem:s17], [sflag:$0x1] =	stream.linear.gather [hbm4b:s1+s2], $0x80, $0x38;
	[tilespmem:$0x1F480] =	vst v63  }
0x6e: {  	s1 =	sand.u32 $0x1FFFFFF0, s18  }
0x6f: {  	s19 =	sadd.s32 $0x6700, s0;
	s20 =	spop (v2sf);
	s1 =	sadd.s32 s3, s1  }
0x70: {  	[tilespmem:s19], [sflag:$0x1] =	stream.linear.gather [hbm4b:s1+s2], $0x80, $0x38;
	[tilespmem:$0x1F480] =	vst v63  }
0x71: {  	s22 =	spop (v2sf);
	(v2sf) =	vpush v0, $0xB  }
0x72: {  	s1 =	sand.u32 $0x1FFFFFF0, s20  }
0x73: {  	s21 =	sadd.s32 $0x6780, s0;
	s1 =	sadd.s32 s3, s1  }
0x74: {  	[tilespmem:s21], [sflag:$0x1] =	stream.linear.gather [hbm4b:s1+s2], $0x80, $0x38;
	[tilespmem:$0x1F480] =	vst v63  }
0x75: {  	s1 =	sand.u32 $0x1FFFFFF0, s22  }
0x76: {  	s23 =	sadd.s32 $0x6800, s0;
	s1 =	sadd.s32 s3, s1;
	s24 =	spop (v2sf);
	(v2sf) =	vpush v0, $0xC  }
0x77: {  	[tilespmem:s23], [sflag:$0x1] =	stream.linear.gather [hbm4b:s1+s2], $0x80, $0x38;
	[tilespmem:$0x1F480] =	vst v63  }
0x78: {  	s26 =	spop (v2sf);
	(v2sf) =	vpush v0, $0xD  }
0x79: {  	s1 =	sand.u32 $0x1FFFFFF0, s24  }
0x7a: {  	s25 =	sadd.s32 $0x6880, s0;
	s1 =	sadd.s32 s3, s1;
	s29 =	spop (v2sf)  }
0x7b: {  	(v2sf) =	vpush v0, $0xE;
	[tilespmem:s25], [sflag:$0x1] =	stream.linear.gather [hbm4b:s1+s2], $0x80, $0x38;
	[tilespmem:$0x1F480] =	vst v63  }
0x7c: {  	s1 =	sand.u32 $0x1FFFFFF0, s26  }
0x7d: {  	s28 =	sadd.s32 $0x6900, s0;
	s1 =	sadd.s32 s3, s1  }
0x7e: {  	[tilespmem:s28], [sflag:$0x1] =	stream.linear.gather [hbm4b:s1+s2], $0x80, $0x38;
	[tilespmem:$0x1F480] =	vst v63  }
0x7f: {  	s1 =	sand.u32 $0x1FFFFFF0, s29  }
0x80: {  	s30 =	sadd.s32 $0x6980, s0;
	s1 =	sadd.s32 s3, s1;
	s31 =	spop (v2sf);
	(v2sf) =	vpush v0, $0xF  }
0x81: {  	[tilespmem:s30], [sflag:$0x1] =	stream.linear.gather [hbm4b:s1+s2], $0x80, $0x38;
	[tilespmem:$0x1F480] =	vst v63  }
0x82: {  	s1 =	sand.u32 $0x1FFFFFF0, s31  }
0x83: {  	s4 =	sadd.s32 $0x6A00, s0;
	s1 =	sadd.s32 s3, s1  }
0x84: {  	[tilespmem:s4], [sflag:$0x1] =	stream.linear.gather [hbm4b:s1+s2], $0x80, $0x38;
	[tilespmem:$0x1F480] =	vst v63  }
0x85: {  	s7 =	spop (v2sf)  }
0x86: {  	s1 =	sand.u32 $0x1FFFFFF0, s7  }
0x87: {  	s8 =	sadd.s32 $0x6A80, s0;
	s9 =	spop (v2sf);
	s1 =	sadd.s32 s3, s1  }
0x88: {  	[tilespmem:s8], [sflag:$0x1] =	stream.linear.gather [hbm4b:s1+s2], $0x80, $0x38;
	[tilespmem:$0x1F480] =	vst v63  }
0x89: {  	s1 =	sand.u32 $0x1FFFFFF0, s9  }
0x8a: {  	s10 =	sadd.s32 $0x6B00, s0;
	s11 =	spop (v2sf);
	s1 =	sadd.s32 s3, s1  }
0x8b: {  	[tilespmem:s10], [sflag:$0x1] =	stream.linear.gather [hbm4b:s1+s2], $0x80, $0x38;
	[tilespmem:$0x1F480] =	vst v63  }
0x8c: {  	s1 =	sand.u32 $0x1FFFFFF0, s11  }
0x8d: {  	s12 =	sadd.s32 $0x6B80, s0;
	s1 =	sadd.s32 s3, s1  }
0x8e: {  	[tilespmem:s12], [sflag:$0x1] =	stream.linear.gather [hbm4b:s1+s2], $0x80, $0x38;
	[tilespmem:$0x1F480] =	vst v63  }
0x8f: {  	s13 =	spop (v2sf)  }
0x90: {  	s1 =	sand.u32 $0x1FFFFFF0, s13  }
0x91: {  	s14 =	sadd.s32 $0x6C00, s0;
	s1 =	sadd.s32 s3, s1  }
0x92: {  	[tilespmem:s14], [sflag:$0x1] =	stream.linear.gather [hbm4b:s1+s2], $0x80, $0x38;
	[tilespmem:$0x1F480] =	vst v63  }
0x93: {  	v0 =	vld [tilespmem:$0xC0];
	_ =	sdelay $0x4  }
0x94: {  	v0 =	vshll.u32 v0, $0x4  }
0x95: {  	(v2sf) =	vpush v0, $0x0  }
0x96: {  	(v2sf) =	vpush v0, $0x1  }
0x97: {  	(v2sf) =	vpush v0, $0x2;
	_ =	sdelay $0x2  }
0x98: {  	(v2sf) =	vpush v0, $0x3;
	_ =	sdelay $0x5  }
0x99: {  	(v2sf) =	vpush v0, $0x4;
	_ =	sdelay $0x3  }
0x9a: {  	s15 =	spop (v2sf)  }
0x9b: {  	s16 =	simm.s32 $0x0;
	s0 =	sand.u32 $0x1FFFFFF0, s15;
	s17 =	spop (v2sf);
	(v2sf) =	vpush v0, $0x5  }
0x9c: {  	s4 =	simm.s32 $0xC480;
	s0 =	sadd.s32 s3, s0;
	s19 =	spop (v2sf)  }
0x9d: {  	(v2sf) =	vpush v0, $0x6;
	[tilespmem:s4], [sflag:$0x1] =	stream.linear.gather [hbm4b:s0+s16], $0x80, $0x38;
	[tilespmem:$0x1F480] =	vst v63  }
0x9e: {  	s0 =	sand.u32 $0x1FFFFFF0, s17  }
0x9f: {  	s18 =	simm.s32 $0xC500;
	s21 =	spop (v2sf);
	s0 =	sadd.s32 s3, s0  }
0xa0: {  	(v2sf) =	vpush v0, $0x7;
	[tilespmem:s18], [sflag:$0x1] =	stream.linear.gather [hbm4b:s0+s16], $0x80, $0x38;
	[tilespmem:$0x1F480] =	vst v63  }
0xa1: {  	s0 =	sand.u32 $0x1FFFFFF0, s19  }
0xa2: {  	s20 =	simm.s32 $0xC580;
	s0 =	sadd.s32 s3, s0  }
0xa3: {  	[tilespmem:s20], [sflag:$0x1] =	stream.linear.gather [hbm4b:s0+s16], $0x80, $0x38;
	[tilespmem:$0x1F480] =	vst v63  }
0xa4: {  	s0 =	sand.u32 $0x1FFFFFF0, s21  }
0xa5: {  	s22 =	simm.s32 $0xC600;
	s23 =	spop (v2sf);
	s0 =	sadd.s32 s3, s0  }
0xa6: {  	[tilespmem:s22], [sflag:$0x1] =	stream.linear.gather [hbm4b:s0+s16], $0x80, $0x38;
	[tilespmem:$0x1F480] =	vst v63  }
0xa7: {  	s0 =	sand.u32 $0x1FFFFFF0, s23  }
0xa8: {  	s24 =	simm.s32 $0xC680;
	s0 =	sadd.s32 s3, s0  }
0xa9: {  	[tilespmem:s24], [sflag:$0x1] =	stream.linear.gather [hbm4b:s0+s16], $0x80, $0x38;
	[tilespmem:$0x1F480] =	vst v63  }
0xaa: {  	s25 =	spop (v2sf)  }
0xab: {  	s0 =	sand.u32 $0x1FFFFFF0, s25  }
0xac: {  	s26 =	simm.s32 $0xC700;
	s28 =	spop (v2sf);
	s0 =	sadd.s32 s3, s0  }
0xad: {  	[tilespmem:s26], [sflag:$0x1] =	stream.linear.gather [hbm4b:s0+s16], $0x80, $0x38;
	[tilespmem:$0x1F480] =	vst v63  }
0xae: {  	s0 =	sand.u32 $0x1FFFFFF0, s28  }
0xaf: {  	s29 =	simm.s32 $0xC780;
	s30 =	spop (v2sf);
	s0 =	sadd.s32 s3, s0  }
0xb0: {  	[tilespmem:s29], [sflag:$0x1] =	stream.linear.gather [hbm4b:s0+s16], $0x80, $0x38;
	[tilespmem:$0x1F480] =	vst v63  }
0xb1: {  	s0 =	sand.u32 $0x1FFFFFF0, s30  }
0xb2: {  	s31 =	simm.s32 $0xC800;
	s1 =	simm.s32 $0xC8;
	s0 =	sadd.s32 s3, s0  }
0xb3: {  	[tilespmem:s31], [sflag:$0x1] =	stream.linear.gather [hbm4b:s0+s16], $0x80, $0x38;
	[tilespmem:$0x1F480] =	vst v63  }
0xb4: {  	v0 =	vld [tilespmem:s1+$0x0];
	_ =	sdelay $0x4  }
0xb5: {  	v0 =	vshll.u32 v0, $0x4  }
0xb6: {  	(v2sf) =	vpush v0, $0x0  }
0xb7: {  	(v2sf) =	vpush v0, $0x1  }
0xb8: {  	(v2sf) =	vpush v0, $0x2;
	_ =	sdelay $0x1  }
0xb9: {  	(v2sf) =	vpush v0, $0x4;
	_ =	sdelay $0x1  }
0xba: {  	(v2sf) =	vpush v0, $0x3  }
0xbb: {  	(v2sf) =	vpush v0, $0x5  }
0xbc: {  	s5 =	simm.s32 $0x2000;
	s0 =	simm.s32 $0x0;
	(v2sf) =	vpush v0, $0x6  }
.LBB2_4:
0xbd: {  	p0 =	sne.s32 s5, $0x16000  }
0xbe: {  	s17 =	sadd.s32 $0xC900, s0;
	s10 =	sadd.s32 $0xCE00, s0;
	s7 =	smov.u32 s5  }
0xbf: {  	s5 =	sadd.s32 $0x2000, s5;
	s13 =	sadd.s32 $0xCC00, s0;
	s8 =	sadd.s32 $0xCE80, s0;
	(v2sf) =	vpush v0, $0x7  }
0xc0: {  	s15 =	sadd.s32 $0xCB00, s0;
	s12 =	sadd.s32 $0xCC80, s0;
	s9 =	sadd.s32 $0xCF00, s0  }
0xc1: {  	s19 =	sadd.s32 $0xC880, s0;
	s21 =	sadd.s32 $0xCA80, s0;
	(v2sf) =	vpush v0, $0x8  }
0xc2: {  	s23 =	sadd.s32 $0xCB80, s0;
	s1 =	sadd.s32 $0x10, s1  }
0xc3: {  	s28 =	sadd.s32 $0xC980, s0;
	s11 =	sadd.s32 $0xCD80, s0;
	s14 =	spop (v2sf);
	(v2sf) =	vpush v0, $0x9  }
0xc4: {  	s29 =	sand.u32 $0x1FFFFFF0, s14;
	s14 =	sadd.s32 $0xCD00, s0;
	s30 =	spop (v2sf)  }
0xc5: {  	s29 =	sadd.s32 s3, s29;
	s30 =	sand.u32 $0x1FFFFFF0, s30;
	s31 =	spop (v2sf);
	(v2sf) =	vpush v0, $0xA  }
0xc6: {  	[tilespmem:s19], [sflag:$0x2] =	stream.linear.gather [hbm4b:s29+s2], $0x80, $0x38;
	[tilespmem:$0x1F480] =	vst v63  }
0xc7: {  	s19 =	sadd.s32 s3, s30;
	s29 =	sadd.s32 $0xCA00, s0;
	s30 =	spop (v2sf);
	(v2sf) =	vpush v0, $0xB  }
0xc8: {  	[tilespmem:s17], [sflag:$0x2] =	stream.linear.gather [hbm4b:s19+s2], $0x80, $0x38;
	[tilespmem:$0x1F480] =	vst v63  }
0xc9: {  	s17 =	sand.u32 $0x1FFFFFF0, s31;
	s19 =	sand.u32 $0x1FFFFFF0, s30;
	s30 =	spop (v2sf);
	(v2sf) =	vpush v0, $0xC  }
0xca: {  	s17 =	sadd.s32 s3, s17;
	s30 =	sand.u32 $0x1FFFFFF0, s30;
	s31 =	spop (v2sf)  }
0xcb: {  	[tilespmem:s28], [sflag:$0x2] =	stream.linear.gather [hbm4b:s17+s2], $0x80, $0x38;
	(v2sf) =	vpush v0, $0xD;
	[tilespmem:$0x1F480] =	vst v63  }
0xcc: {  	s17 =	sadd.s32 s3, s30;
	s28 =	sand.u32 $0x1FFFFFF0, s31;
	s30 =	spop (v2sf)  }
0xcd: {  	[tilespmem:s29], [sflag:$0x2] =	stream.linear.gather [hbm4b:s17+s2], $0x80, $0x38;
	(v2sf) =	vpush v0, $0xE;
	[tilespmem:$0x1F480] =	vst v63  }
0xce: {  	s17 =	sadd.s32 s3, s19;
	s19 =	sand.u32 $0x1FFFFFF0, s30;
	s29 =	spop (v2sf)  }
0xcf: {  	[tilespmem:s21], [sflag:$0x2] =	stream.linear.gather [hbm4b:s17+s2], $0x80, $0x38;
	(v2sf) =	vpush v0, $0xF;
	[tilespmem:$0x1F480] =	vst v63  }
0xd0: {  	s17 =	sadd.s32 s3, s28;
	s21 =	sand.u32 $0x1FFFFFF0, s29;
	s28 =	spop (v2sf)  }
0xd1: {  	[tilespmem:s15], [sflag:$0x2] =	stream.linear.gather [hbm4b:s17+s2], $0x80, $0x38;
	[tilespmem:$0x1F480] =	vst v63  }
0xd2: {  	s15 =	sadd.s32 s3, s19;
	s17 =	sand.u32 $0x1FFFFFF0, s28;
	s19 =	spop (v2sf)  }
0xd3: {  	[tilespmem:s23], [sflag:$0x2] =	stream.linear.gather [hbm4b:s15+s2], $0x80, $0x38;
	[tilespmem:$0x1F480] =	vst v63  }
0xd4: {  	s15 =	sadd.s32 s3, s21;
	s19 =	sand.u32 $0x1FFFFFF0, s19;
	s21 =	spop (v2sf)  }
0xd5: {  	[tilespmem:s13], [sflag:$0x2] =	stream.linear.gather [hbm4b:s15+s2], $0x80, $0x38;
	[tilespmem:$0x1F480] =	vst v63  }
0xd6: {  	s13 =	sadd.s32 s3, s17;
	s15 =	sand.u32 $0x1FFFFFF0, s21;
	s17 =	spop (v2sf)  }
0xd7: {  	[tilespmem:s12], [sflag:$0x2] =	stream.linear.gather [hbm4b:s13+s2], $0x80, $0x38;
	[tilespmem:$0x1F480] =	vst v63  }
0xd8: {  	s12 =	sadd.s32 s3, s19;
	s13 =	sand.u32 $0x1FFFFFF0, s17;
	s17 =	spop (v2sf)  }
0xd9: {  	[tilespmem:s14], [sflag:$0x2] =	stream.linear.gather [hbm4b:s12+s2], $0x80, $0x38;
	[tilespmem:$0x1F480] =	vst v63  }
0xda: {  	s12 =	sadd.s32 s3, s15;
	s14 =	sand.u32 $0x1FFFFFF0, s17;
	s15 =	spop (v2sf)  }
0xdb: {  	[tilespmem:s11], [sflag:$0x2] =	stream.linear.gather [hbm4b:s12+s2], $0x80, $0x38;
	[tilespmem:$0x1F480] =	vst v63  }
0xdc: {  	s11 =	sadd.s32 s3, s13;
	s12 =	sand.u32 $0x1FFFFFF0, s15;
	s13 =	spop (v2sf)  }
0xdd: {  	[tilespmem:s10], [sflag:$0x2] =	stream.linear.gather [hbm4b:s11+s2], $0x80, $0x38;
	[tilespmem:$0x1F480] =	vst v63  }
0xde: {  	s10 =	sadd.s32 s3, s14;
	s11 =	sand.u32 $0x1FFFFFF0, s13;
	s13 =	spop (v2sf)  }
0xdf: {  	[tilespmem:s8], [sflag:$0x2] =	stream.linear.gather [hbm4b:s10+s2], $0x80, $0x38;
	[tilespmem:$0x1F480] =	vst v63  }
0xe0: {  	s8 =	sadd.s32 s3, s12;
	s10 =	sand.u32 $0x1FFFFFF0, s13  }
0xe1: {  	[tilespmem:s9], [sflag:$0x2] =	stream.linear.gather [hbm4b:s8+s2], $0x80, $0x38;
	[tilespmem:$0x1F480] =	vst v63  }
0xe2: {  	s8 =	sadd.s32 $0xCF80, s0;
	s9 =	sadd.s32 s3, s11  }
0xe3: {  	[tilespmem:s8], [sflag:$0x2] =	stream.linear.gather [hbm4b:s9+s2], $0x80, $0x38;
	[tilespmem:$0x1F480] =	vst v63  }
0xe4: {  	s0 =	sadd.s32 $0xD000, s0;
	s8 =	sadd.s32 s3, s10  }
0xe5: {  	[tilespmem:s0], [sflag:$0x2] =	stream.linear.gather [hbm4b:s8+s2], $0x80, $0x38;
	[tilespmem:$0x1F480] =	vst v63  }
0xe6: {  	v0 =	vld [tilespmem:s1+$0x0];
	_ =	sdelay $0x4  }
0xe7: {  	v0 =	vshll.u32 v0, $0x4  }
0xe8: {  	(v2sf) =	vpush v0, $0x0  }
0xe9: {  	(v2sf) =	vpush v0, $0x1  }
0xea: {  	(v2sf) =	vpush v0, $0x2;
	_ =	sdelay $0x1  }
0xeb: {  	(v2sf) =	vpush v0, $0x4  }
.Ltmp3:
0xec: {  	(pc) =	sbr.rel @p0 .LBB2_4-.Ltmp3, $3  }
0xed: {  	(v2sf) =	vpush v0, $0x3  }
0xee: {  	(v2sf) =	vpush v0, $0x5;
	_ =	sdelay $0x1  }
0xef: {  	s0 =	sshra.s32 s7, $0x2;
	(v2sf) =	vpush v0, $0x6  }
0xf0: {  	_ =	sdelay $0x4  }
0xf1: {  	s7 =	sadd.s32 $0xC880, s0;
	s1 =	spop (v2sf)  }
0xf2: {  	s9 =	sadd.s32 $0xC900, s0;
	(v2sf) =	vpush v0, $0x7;
	s1 =	sand.u32 $0x1FFFFFF0, s1;
	s5 =	spop (v2sf)  }
0xf3: {  	s1 =	sadd.s32 s3, s1;
	s5 =	sand.u32 $0x1FFFFFF0, s5;
	s10 =	spop (v2sf)  }
0xf4: {  	[tilespmem:s7], [sflag:$0x2] =	stream.linear.gather [hbm4b:s1+s2], $0x80, $0x38;
	[tilespmem:$0x1F480] =	vst v63  }
0xf5: {  	s5 =	sadd.s32 s3, s5;
	s11 =	sand.u32 $0x1FFFFFF0, s10;
	s13 =	spop (v2sf)  }
0xf6: {  	[tilespmem:s9], [sflag:$0x2] =	stream.linear.gather [hbm4b:s5+s2], $0x80, $0x38;
	[tilespmem:$0x1F480] =	vst v63  }
0xf7: {  	s12 =	sadd.s32 $0xC980, s0;
	s1 =	sadd.s32 s3, s11;
	s14 =	spop (v2sf);
	(v2sf) =	vpush v0, $0x8  }
0xf8: {  	[tilespmem:s12], [sflag:$0x2] =	stream.linear.gather [hbm4b:s1+s2], $0x80, $0x38;
	[tilespmem:$0x1F480] =	vst v63  }
0xf9: {  	s1 =	sand.u32 $0x1FFFFFF0, s14;
	(v2sf) =	vpush v0, $0x9  }
0xfa: {  	s15 =	sadd.s32 $0xCA00, s0;
	s16 =	sand.u32 $0x1FFFFFF0, s13;
	s1 =	sadd.s32 s3, s1  }
0xfb: {  	(v2sf) =	vpush v0, $0xA;
	[tilespmem:s15], [sflag:$0x2] =	stream.linear.gather [hbm4b:s1+s2], $0x80, $0x38;
	[tilespmem:$0x1F480] =	vst v63  }
0xfc: {  	s17 =	sadd.s32 $0xCA80, s0;
	s18 =	spop (v2sf);
	s1 =	sadd.s32 s3, s16  }
0xfd: {  	[tilespmem:s17], [sflag:$0x2] =	stream.linear.gather [hbm4b:s1+s2], $0x80, $0x38;
	[tilespmem:$0x1F480] =	vst v63  }
0xfe: {  	s1 =	sand.u32 $0x1FFFFFF0, s18  }
0xff: {  	s19 =	sadd.s32 $0xCB00, s0;
	s20 =	spop (v2sf);
	s1 =	sadd.s32 s3, s1  }
0x100: {  	[tilespmem:s19], [sflag:$0x2] =	stream.linear.gather [hbm4b:s1+s2], $0x80, $0x38;
	[tilespmem:$0x1F480] =	vst v63  }
0x101: {  	s22 =	spop (v2sf);
	(v2sf) =	vpush v0, $0xB  }
0x102: {  	s1 =	sand.u32 $0x1FFFFFF0, s20  }
0x103: {  	s21 =	sadd.s32 $0xCB80, s0;
	s1 =	sadd.s32 s3, s1  }
0x104: {  	[tilespmem:s21], [sflag:$0x2] =	stream.linear.gather [hbm4b:s1+s2], $0x80, $0x38;
	[tilespmem:$0x1F480] =	vst v63  }
0x105: {  	s1 =	sand.u32 $0x1FFFFFF0, s22  }
0x106: {  	s23 =	sadd.s32 $0xCC00, s0;
	s1 =	sadd.s32 s3, s1;
	s24 =	spop (v2sf);
	(v2sf) =	vpush v0, $0xC  }
0x107: {  	[tilespmem:s23], [sflag:$0x2] =	stream.linear.gather [hbm4b:s1+s2], $0x80, $0x38;
	[tilespmem:$0x1F480] =	vst v63  }
0x108: {  	s26 =	spop (v2sf);
	(v2sf) =	vpush v0, $0xD  }
0x109: {  	s1 =	sand.u32 $0x1FFFFFF0, s24  }
0x10a: {  	s25 =	sadd.s32 $0xCC80, s0;
	s1 =	sadd.s32 s3, s1;
	s29 =	spop (v2sf)  }
0x10b: {  	(v2sf) =	vpush v0, $0xE;
	[tilespmem:s25], [sflag:$0x2] =	stream.linear.gather [hbm4b:s1+s2], $0x80, $0x38;
	[tilespmem:$0x1F480] =	vst v63  }
0x10c: {  	s1 =	sand.u32 $0x1FFFFFF0, s26  }
0x10d: {  	s28 =	sadd.s32 $0xCD00, s0;
	s1 =	sadd.s32 s3, s1  }
0x10e: {  	[tilespmem:s28], [sflag:$0x2] =	stream.linear.gather [hbm4b:s1+s2], $0x80, $0x38;
	[tilespmem:$0x1F480] =	vst v63  }
0x10f: {  	s1 =	sand.u32 $0x1FFFFFF0, s29  }
0x110: {  	s30 =	sadd.s32 $0xCD80, s0;
	s1 =	sadd.s32 s3, s1;
	s31 =	spop (v2sf);
	(v2sf) =	vpush v0, $0xF  }
0x111: {  	[tilespmem:s30], [sflag:$0x2] =	stream.linear.gather [hbm4b:s1+s2], $0x80, $0x38;
	[tilespmem:$0x1F480] =	vst v63  }
0x112: {  	s1 =	sand.u32 $0x1FFFFFF0, s31  }
0x113: {  	s4 =	sadd.s32 $0xCE00, s0;
	s1 =	sadd.s32 s3, s1  }
0x114: {  	[tilespmem:s4], [sflag:$0x2] =	stream.linear.gather [hbm4b:s1+s2], $0x80, $0x38;
	[tilespmem:$0x1F480] =	vst v63  }
0x115: {  	s7 =	spop (v2sf)  }
0x116: {  	s1 =	sand.u32 $0x1FFFFFF0, s7  }
0x117: {  	s8 =	sadd.s32 $0xCE80, s0;
	s9 =	spop (v2sf);
	s1 =	sadd.s32 s3, s1  }
0x118: {  	[tilespmem:s8], [sflag:$0x2] =	stream.linear.gather [hbm4b:s1+s2], $0x80, $0x38;
	[tilespmem:$0x1F480] =	vst v63  }
0x119: {  	s1 =	sand.u32 $0x1FFFFFF0, s9  }
0x11a: {  	s10 =	sadd.s32 $0xCF00, s0;
	s11 =	spop (v2sf);
	s1 =	sadd.s32 s3, s1  }
0x11b: {  	[tilespmem:s10], [sflag:$0x2] =	stream.linear.gather [hbm4b:s1+s2], $0x80, $0x38;
	[tilespmem:$0x1F480] =	vst v63  }
0x11c: {  	s1 =	sand.u32 $0x1FFFFFF0, s11  }
0x11d: {  	s12 =	sadd.s32 $0xCF80, s0;
	s1 =	sadd.s32 s3, s1  }
0x11e: {  	[tilespmem:s12], [sflag:$0x2] =	stream.linear.gather [hbm4b:s1+s2], $0x80, $0x38;
	[tilespmem:$0x1F480] =	vst v63  }
0x11f: {  	s13 =	spop (v2sf)  }
0x120: {  	s1 =	sand.u32 $0x1FFFFFF0, s13  }
0x121: {  	s14 =	sadd.s32 $0xD000, s0;
	s1 =	sadd.s32 s3, s1  }
0x122: {  	[tilespmem:s14], [sflag:$0x2] =	stream.linear.gather [hbm4b:s1+s2], $0x80, $0x38;
	[tilespmem:$0x1F480] =	vst v63  }
0x123: {  	v0 =	vld [tilespmem:$0x188];
	_ =	sdelay $0x4  }
0x124: {  	v0 =	vshll.u32 v0, $0x4  }
0x125: {  	(v2sf) =	vpush v0, $0x0  }
0x126: {  	(v2sf) =	vpush v0, $0x1  }
0x127: {  	(v2sf) =	vpush v0, $0x2;
	_ =	sdelay $0x2  }
0x128: {  	(v2sf) =	vpush v0, $0x3;
	_ =	sdelay $0x5  }
0x129: {  	(v2sf) =	vpush v0, $0x4;
	_ =	sdelay $0x3  }
0x12a: {  	s15 =	spop (v2sf)  }
0x12b: {  	s16 =	simm.s32 $0x0;
	s0 =	sand.u32 $0x1FFFFFF0, s15;
	s17 =	spop (v2sf);
	(v2sf) =	vpush v0, $0x5  }
0x12c: {  	s4 =	simm.s32 $0x12880;
	s0 =	sadd.s32 s3, s0;
	s19 =	spop (v2sf)  }
0x12d: {  	(v2sf) =	vpush v0, $0x6;
	[tilespmem:s4], [sflag:$0x2] =	stream.linear.gather [hbm4b:s0+s16], $0x80, $0x38;
	[tilespmem:$0x1F480] =	vst v63  }
0x12e: {  	s0 =	sand.u32 $0x1FFFFFF0, s17  }
0x12f: {  	s18 =	simm.s32 $0x12900;
	s21 =	spop (v2sf);
	s0 =	sadd.s32 s3, s0  }
0x130: {  	(v2sf) =	vpush v0, $0x7;
	[tilespmem:s18], [sflag:$0x2] =	stream.linear.gather [hbm4b:s0+s16], $0x80, $0x38;
	[tilespmem:$0x1F480] =	vst v63  }
0x131: {  	s0 =	sand.u32 $0x1FFFFFF0, s19  }
0x132: {  	s20 =	simm.s32 $0x12980;
	s0 =	sadd.s32 s3, s0  }
0x133: {  	[tilespmem:s20], [sflag:$0x2] =	stream.linear.gather [hbm4b:s0+s16], $0x80, $0x38;
	[tilespmem:$0x1F480] =	vst v63  }
0x134: {  	s0 =	sand.u32 $0x1FFFFFF0, s21  }
0x135: {  	s22 =	simm.s32 $0x12A00;
	s23 =	spop (v2sf);
	s0 =	sadd.s32 s3, s0  }
0x136: {  	[tilespmem:s22], [sflag:$0x2] =	stream.linear.gather [hbm4b:s0+s16], $0x80, $0x38;
	[tilespmem:$0x1F480] =	vst v63  }
0x137: {  	s0 =	sand.u32 $0x1FFFFFF0, s23  }
0x138: {  	s24 =	simm.s32 $0x12A80;
	s0 =	sadd.s32 s3, s0  }
0x139: {  	[tilespmem:s24], [sflag:$0x2] =	stream.linear.gather [hbm4b:s0+s16], $0x80, $0x38;
	[tilespmem:$0x1F480] =	vst v63  }
0x13a: {  	s25 =	spop (v2sf)  }
0x13b: {  	s0 =	sand.u32 $0x1FFFFFF0, s25  }
0x13c: {  	s26 =	simm.s32 $0x12B00;
	s28 =	spop (v2sf);
	s0 =	sadd.s32 s3, s0  }
0x13d: {  	[tilespmem:s26], [sflag:$0x2] =	stream.linear.gather [hbm4b:s0+s16], $0x80, $0x38;
	[tilespmem:$0x1F480] =	vst v63  }
0x13e: {  	s0 =	sand.u32 $0x1FFFFFF0, s28  }
0x13f: {  	s29 =	simm.s32 $0x12B80;
	s30 =	spop (v2sf);
	s0 =	sadd.s32 s3, s0  }
0x140: {  	[tilespmem:s29], [sflag:$0x2] =	stream.linear.gather [hbm4b:s0+s16], $0x80, $0x38;
	[tilespmem:$0x1F480] =	vst v63  }
0x141: {  	s0 =	sand.u32 $0x1FFFFFF0, s30  }
0x142: {  	s31 =	simm.s32 $0x12C00;
	s1 =	simm.s32 $0x190;
	s0 =	sadd.s32 s3, s0  }
0x143: {  	[tilespmem:s31], [sflag:$0x2] =	stream.linear.gather [hbm4b:s0+s16], $0x80, $0x38;
	[tilespmem:$0x1F480] =	vst v63  }
0x144: {  	v0 =	vld [tilespmem:s1+$0x0];
	_ =	sdelay $0x4  }
0x145: {  	v0 =	vshll.u32 v0, $0x4  }
0x146: {  	(v2sf) =	vpush v0, $0x0  }
0x147: {  	(v2sf) =	vpush v0, $0x1  }
0x148: {  	(v2sf) =	vpush v0, $0x2;
	_ =	sdelay $0x1  }
0x149: {  	(v2sf) =	vpush v0, $0x4;
	_ =	sdelay $0x1  }
0x14a: {  	(v2sf) =	vpush v0, $0x3  }
0x14b: {  	(v2sf) =	vpush v0, $0x5  }
0x14c: {  	s5 =	simm.s32 $0x2000;
	s0 =	simm.s32 $0x0;
	(v2sf) =	vpush v0, $0x6  }
.LBB2_6:
0x14d: {  	p0 =	sne.s32 s5, $0x16000  }
0x14e: {  	s17 =	sadd.s32 $0x12D00, s0;
	s10 =	sadd.s32 $0x13200, s0;
	s7 =	smov.u32 s5  }
0x14f: {  	s5 =	sadd.s32 $0x2000, s5;
	s13 =	sadd.s32 $0x13000, s0;
	s8 =	sadd.s32 $0x13280, s0;
	(v2sf) =	vpush v0, $0x7  }
0x150: {  	s15 =	sadd.s32 $0x12F00, s0;
	s12 =	sadd.s32 $0x13080, s0;
	s9 =	sadd.s32 $0x13300, s0  }
0x151: {  	s19 =	sadd.s32 $0x12C80, s0;
	s21 =	sadd.s32 $0x12E80, s0;
	(v2sf) =	vpush v0, $0x8  }
0x152: {  	s23 =	sadd.s32 $0x12F80, s0;
	s1 =	sadd.s32 $0x10, s1  }
0x153: {  	s28 =	sadd.s32 $0x12D80, s0;
	s11 =	sadd.s32 $0x13180, s0;
	s14 =	spop (v2sf);
	(v2sf) =	vpush v0, $0x9  }
0x154: {  	s29 =	sand.u32 $0x1FFFFFF0, s14;
	s14 =	sadd.s32 $0x13100, s0;
	s30 =	spop (v2sf)  }
0x155: {  	s29 =	sadd.s32 s3, s29;
	s30 =	sand.u32 $0x1FFFFFF0, s30;
	s31 =	spop (v2sf);
	(v2sf) =	vpush v0, $0xA  }
0x156: {  	[tilespmem:s19], [sflag:$0x3] =	stream.linear.gather [hbm4b:s29+s2], $0x80, $0x38;
	[tilespmem:$0x1F480] =	vst v63  }
0x157: {  	s19 =	sadd.s32 s3, s30;
	s29 =	sadd.s32 $0x12E00, s0;
	s30 =	spop (v2sf);
	(v2sf) =	vpush v0, $0xB  }
0x158: {  	[tilespmem:s17], [sflag:$0x3] =	stream.linear.gather [hbm4b:s19+s2], $0x80, $0x38;
	[tilespmem:$0x1F480] =	vst v63  }
0x159: {  	s17 =	sand.u32 $0x1FFFFFF0, s31;
	s19 =	sand.u32 $0x1FFFFFF0, s30;
	s30 =	spop (v2sf);
	(v2sf) =	vpush v0, $0xC  }
0x15a: {  	s17 =	sadd.s32 s3, s17;
	s30 =	sand.u32 $0x1FFFFFF0, s30;
	s31 =	spop (v2sf)  }
0x15b: {  	[tilespmem:s28], [sflag:$0x3] =	stream.linear.gather [hbm4b:s17+s2], $0x80, $0x38;
	(v2sf) =	vpush v0, $0xD;
	[tilespmem:$0x1F480] =	vst v63  }
0x15c: {  	s17 =	sadd.s32 s3, s30;
	s28 =	sand.u32 $0x1FFFFFF0, s31;
	s30 =	spop (v2sf)  }
0x15d: {  	[tilespmem:s29], [sflag:$0x3] =	stream.linear.gather [hbm4b:s17+s2], $0x80, $0x38;
	(v2sf) =	vpush v0, $0xE;
	[tilespmem:$0x1F480] =	vst v63  }
0x15e: {  	s17 =	sadd.s32 s3, s19;
	s19 =	sand.u32 $0x1FFFFFF0, s30;
	s29 =	spop (v2sf)  }
0x15f: {  	[tilespmem:s21], [sflag:$0x3] =	stream.linear.gather [hbm4b:s17+s2], $0x80, $0x38;
	(v2sf) =	vpush v0, $0xF;
	[tilespmem:$0x1F480] =	vst v63  }
0x160: {  	s17 =	sadd.s32 s3, s28;
	s21 =	sand.u32 $0x1FFFFFF0, s29;
	s28 =	spop (v2sf)  }
0x161: {  	[tilespmem:s15], [sflag:$0x3] =	stream.linear.gather [hbm4b:s17+s2], $0x80, $0x38;
	[tilespmem:$0x1F480] =	vst v63  }
0x162: {  	s15 =	sadd.s32 s3, s19;
	s17 =	sand.u32 $0x1FFFFFF0, s28;
	s19 =	spop (v2sf)  }
0x163: {  	[tilespmem:s23], [sflag:$0x3] =	stream.linear.gather [hbm4b:s15+s2], $0x80, $0x38;
	[tilespmem:$0x1F480] =	vst v63  }
0x164: {  	s15 =	sadd.s32 s3, s21;
	s19 =	sand.u32 $0x1FFFFFF0, s19;
	s21 =	spop (v2sf)  }
0x165: {  	[tilespmem:s13], [sflag:$0x3] =	stream.linear.gather [hbm4b:s15+s2], $0x80, $0x38;
	[tilespmem:$0x1F480] =	vst v63  }
0x166: {  	s13 =	sadd.s32 s3, s17;
	s15 =	sand.u32 $0x1FFFFFF0, s21;
	s17 =	spop (v2sf)  }
0x167: {  	[tilespmem:s12], [sflag:$0x3] =	stream.linear.gather [hbm4b:s13+s2], $0x80, $0x38;
	[tilespmem:$0x1F480] =	vst v63  }
0x168: {  	s12 =	sadd.s32 s3, s19;
	s13 =	sand.u32 $0x1FFFFFF0, s17;
	s17 =	spop (v2sf)  }
0x169: {  	[tilespmem:s14], [sflag:$0x3] =	stream.linear.gather [hbm4b:s12+s2], $0x80, $0x38;
	[tilespmem:$0x1F480] =	vst v63  }
0x16a: {  	s12 =	sadd.s32 s3, s15;
	s14 =	sand.u32 $0x1FFFFFF0, s17;
	s15 =	spop (v2sf)  }
0x16b: {  	[tilespmem:s11], [sflag:$0x3] =	stream.linear.gather [hbm4b:s12+s2], $0x80, $0x38;
	[tilespmem:$0x1F480] =	vst v63  }
0x16c: {  	s11 =	sadd.s32 s3, s13;
	s12 =	sand.u32 $0x1FFFFFF0, s15;
	s13 =	spop (v2sf)  }
0x16d: {  	[tilespmem:s10], [sflag:$0x3] =	stream.linear.gather [hbm4b:s11+s2], $0x80, $0x38;
	[tilespmem:$0x1F480] =	vst v63  }
0x16e: {  	s10 =	sadd.s32 s3, s14;
	s11 =	sand.u32 $0x1FFFFFF0, s13;
	s13 =	spop (v2sf)  }
0x16f: {  	[tilespmem:s8], [sflag:$0x3] =	stream.linear.gather [hbm4b:s10+s2], $0x80, $0x38;
	[tilespmem:$0x1F480] =	vst v63  }
0x170: {  	s8 =	sadd.s32 s3, s12;
	s10 =	sand.u32 $0x1FFFFFF0, s13  }
0x171: {  	[tilespmem:s9], [sflag:$0x3] =	stream.linear.gather [hbm4b:s8+s2], $0x80, $0x38;
	[tilespmem:$0x1F480] =	vst v63  }
0x172: {  	s8 =	sadd.s32 $0x13380, s0;
	s9 =	sadd.s32 s3, s11  }
0x173: {  	[tilespmem:s8], [sflag:$0x3] =	stream.linear.gather [hbm4b:s9+s2], $0x80, $0x38;
	[tilespmem:$0x1F480] =	vst v63  }
0x174: {  	s0 =	sadd.s32 $0x13400, s0;
	s8 =	sadd.s32 s3, s10  }
0x175: {  	[tilespmem:s0], [sflag:$0x3] =	stream.linear.gather [hbm4b:s8+s2], $0x80, $0x38;
	[tilespmem:$0x1F480] =	vst v63  }
0x176: {  	v0 =	vld [tilespmem:s1+$0x0];
	_ =	sdelay $0x4  }
0x177: {  	v0 =	vshll.u32 v0, $0x4  }
0x178: {  	(v2sf) =	vpush v0, $0x0  }
0x179: {  	(v2sf) =	vpush v0, $0x1  }
0x17a: {  	(v2sf) =	vpush v0, $0x2;
	_ =	sdelay $0x1  }
0x17b: {  	(v2sf) =	vpush v0, $0x4  }
.Ltmp4:
0x17c: {  	(pc) =	sbr.rel @p0 .LBB2_6-.Ltmp4, $3  }
0x17d: {  	(v2sf) =	vpush v0, $0x3  }
0x17e: {  	(v2sf) =	vpush v0, $0x5;
	_ =	sdelay $0x1  }
0x17f: {  	s0 =	sshra.s32 s7, $0x2;
	(v2sf) =	vpush v0, $0x6  }
0x180: {  	_ =	sdelay $0x3  }
0x181: {  	s5 =	sadd.s32 $0x12C80, s0;
	s16 =	sadd.s32 $0x12D00, s0  }
0x182: {  	s21 =	sadd.s32 $0x12D80, s0;
	s22 =	sadd.s32 $0x12E00, s0;
	s1 =	spop (v2sf);
	(v2sf) =	vpush v0, $0x7  }
0x183: {  	s23 =	sadd.s32 $0x12E80, s0;
	s1 =	sand.u32 $0x1FFFFFF0, s1;
	s7 =	spop (v2sf)  }
0x184: {  	s1 =	sadd.s32 s3, s1;
	s7 =	sand.u32 $0x1FFFFFF0, s7;
	s8 =	spop (v2sf);
	(v2sf) =	vpush v0, $0x8  }
0x185: {  	[tilespmem:s5], [sflag:$0x3] =	stream.linear.gather [hbm4b:s1+s2], $0x80, $0x38;
	(v2sf) =	vpush v0, $0x9;
	[tilespmem:$0x1F480] =	vst v63  }
0x186: {  	s29 =	sadd.s32 $0x12F00, s0;
	s17 =	sadd.s32 s3, s7;
	s18 =	spop (v2sf)  }
0x187: {  	[tilespmem:s16], [sflag:$0x3] =	stream.linear.gather [hbm4b:s17+s2], $0x80, $0x38;
	[tilespmem:$0x1F480] =	vst v63  }
0x188: {  	s9 =	sadd.s32 $0x13000, s0;
	s19 =	sand.u32 $0x1FFFFFF0, s8;
	s20 =	spop (v2sf)  }
0x189: {  	s13 =	sadd.s32 $0x13080, s0;
	s1 =	sadd.s32 s3, s19;
	(v2sf) =	vpush v0, $0xA;
	s5 =	sand.u32 $0x1FFFFFF0, s20  }
0x18a: {  	[tilespmem:s21], [sflag:$0x3] =	stream.linear.gather [hbm4b:s1+s2], $0x80, $0x38;
	[tilespmem:$0x1F480] =	vst v63  }
0x18b: {  	s24 =	sand.u32 $0x1FFFFFF0, s18;
	(v2sf) =	vpush v0, $0xB;
	s25 =	spop (v2sf);
	s5 =	sadd.s32 s3, s5  }
0x18c: {  	(v2sf) =	vpush v0, $0xC;
	[tilespmem:s22], [sflag:$0x3] =	stream.linear.gather [hbm4b:s5+s2], $0x80, $0x38;
	[tilespmem:$0x1F480] =	vst v63  }
0x18d: {  	s7 =	sand.u32 $0x1FFFFFF0, s25;
	s26 =	spop (v2sf);
	s5 =	sadd.s32 s3, s24  }
0x18e: {  	(v2sf) =	vpush v0, $0xD;
	[tilespmem:s23], [sflag:$0x3] =	stream.linear.gather [hbm4b:s5+s2], $0x80, $0x38;
	[tilespmem:$0x1F480] =	vst v63  }
0x18f: {  	s15 =	sadd.s32 $0x13100, s0;
	s7 =	sadd.s32 s3, s7;
	s4 =	sand.u32 $0x1FFFFFF0, s26  }
0x190: {  	(v2sf) =	vpush v0, $0xE;
	[tilespmem:s29], [sflag:$0x3] =	stream.linear.gather [hbm4b:s7+s2], $0x80, $0x38;
	[tilespmem:$0x1F480] =	vst v63  }
0x191: {  	s5 =	sadd.s32 s3, s4;
	s7 =	sadd.s32 $0x12F80, s0;
	s8 =	spop (v2sf)  }
0x192: {  	[tilespmem:s7], [sflag:$0x3] =	stream.linear.gather [hbm4b:s5+s2], $0x80, $0x38;
	(v2sf) =	vpush v0, $0xF;
	[tilespmem:$0x1F480] =	vst v63  }
0x193: {  	s17 =	sadd.s32 $0x13180, s0;
	s10 =	sand.u32 $0x1FFFFFF0, s8;
	s11 =	spop (v2sf)  }
0x194: {  	s5 =	sadd.s32 s3, s10;
	s7 =	sand.u32 $0x1FFFFFF0, s11;
	s12 =	spop (v2sf)  }
0x195: {  	[tilespmem:s9], [sflag:$0x3] =	stream.linear.gather [hbm4b:s5+s2], $0x80, $0x38;
	[tilespmem:$0x1F480] =	vst v63  }
0x196: {  	s21 =	sadd.s32 $0x13200, s0;
	s14 =	sand.u32 $0x1FFFFFF0, s12;
	s7 =	sadd.s32 s3, s7  }
0x197: {  	[tilespmem:s13], [sflag:$0x3] =	stream.linear.gather [hbm4b:s7+s2], $0x80, $0x38;
	[tilespmem:$0x1F480] =	vst v63  }
0x198: {  	s25 =	sadd.s32 $0x13300, s0;
	s5 =	sadd.s32 s3, s14;
	s16 =	spop (v2sf)  }
0x199: {  	[tilespmem:s15], [sflag:$0x3] =	stream.linear.gather [hbm4b:s5+s2], $0x80, $0x38;
	[tilespmem:$0x1F480] =	vst v63  }
0x19a: {  	s23 =	sadd.s32 $0x13280, s0;
	s18 =	sand.u32 $0x1FFFFFF0, s16;
	s19 =	spop (v2sf)  }
0x19b: {  	s7 =	sand.u32 $0x1FFFFFF0, s19;
	s20 =	spop (v2sf);
	s5 =	sadd.s32 s3, s18  }
0x19c: {  	[tilespmem:s17], [sflag:$0x3] =	stream.linear.gather [hbm4b:s5+s2], $0x80, $0x38;
	[tilespmem:$0x1F480] =	vst v63  }
0x19d: {  	s22 =	sand.u32 $0x1FFFFFF0, s20;
	s7 =	sadd.s32 s3, s7;
	s24 =	spop (v2sf)  }
0x19e: {  	[tilespmem:s21], [sflag:$0x3] =	stream.linear.gather [hbm4b:s7+s2], $0x80, $0x38;
	[tilespmem:$0x1F480] =	vst v63  }
0x19f: {  	s5 =	sadd.s32 s3, s22;
	s26 =	sand.u32 $0x1FFFFFF0, s24;
	s29 =	spop (v2sf)  }
0x1a0: {  	[tilespmem:s23], [sflag:$0x3] =	stream.linear.gather [hbm4b:s5+s2], $0x80, $0x38;
	[tilespmem:$0x1F480] =	vst v63  }
0x1a1: {  	s7 =	sand.u32 $0x1FFFFFF0, s29;
	s5 =	sadd.s32 s3, s26;
	s4 =	spop (v2sf)  }
0x1a2: {  	[tilespmem:s25], [sflag:$0x3] =	stream.linear.gather [hbm4b:s5+s2], $0x80, $0x38;
	[tilespmem:$0x1F480] =	vst v63  }
0x1a3: {  	s10 =	sadd.s32 $0x13380, s0;
	s7 =	sadd.s32 s3, s7;
	s9 =	sand.u32 $0x1FFFFFF0, s4  }
0x1a4: {  	[tilespmem:s10], [sflag:$0x3] =	stream.linear.gather [hbm4b:s7+s2], $0x80, $0x38;
	[tilespmem:$0x1F480] =	vst v63  }
0x1a5: {  	s11 =	sadd.s32 $0x13400, s0;
	s1 =	sadd.s32 s3, s9  }
0x1a6: {  	[tilespmem:s11], [sflag:$0x3] =	stream.linear.gather [hbm4b:s1+s2], $0x80, $0x38;
	[tilespmem:$0x1F480] =	vst v63  }
0x1a7: {  	v63 =	vld [tilespmem:$0x250];
	_ =	sdelay $0x4  }
0x1a8: {  	v0 =	vshll.u32 v63, $0x4  }
0x1a9: {  	(v2sf) =	vpush v0, $0x0;
	_ =	sdelay $0x1  }
0x1aa: {  	(v2sf) =	vpush v0, $0x1;
	_ =	sdelay $0x1  }
0x1ab: {  	(v2sf) =	vpush v0, $0x2;
	_ =	sdelay $0x2  }
0x1ac: {  	(v2sf) =	vpush v0, $0x3;
	_ =	sdelay $0x7  }
0x1ad: {  	s12 =	spop (v2sf);
	(v2sf) =	vpush v0, $0x4;
	_ =	sdelay $0x1  }
0x1ae: {  	s14 =	spop (v2sf);
	(v2sf) =	vpush v0, $0x5  }
0x1af: {  	s28 =	simm.s32 $0x0;
	s0 =	sand.u32 $0x1FFFFFF0, s12  }
0x1b0: {  	s13 =	simm.s32 $0x18C80;
	s0 =	sadd.s32 s3, s0;
	s16 =	spop (v2sf)  }
0x1b1: {  	(v2sf) =	vpush v0, $0x6;
	[tilespmem:s13], [sflag:$0x3] =	stream.linear.gather [hbm4b:s0+s28], $0x80, $0x38;
	[tilespmem:$0x1F480] =	vst v63  }
0x1b2: {  	s0 =	sand.u32 $0x1FFFFFF0, s14  }
0x1b3: {  	s15 =	simm.s32 $0x18D00;
	s18 =	spop (v2sf);
	s0 =	sadd.s32 s3, s0  }
0x1b4: {  	(v2sf) =	vpush v0, $0x7;
	[tilespmem:s15], [sflag:$0x3] =	stream.linear.gather [hbm4b:s0+s28], $0x80, $0x38;
	[tilespmem:$0x1F480] =	vst v63  }
0x1b5: {  	s0 =	sand.u32 $0x1FFFFFF0, s16  }
0x1b6: {  	s17 =	simm.s32 $0x18D80;
	s0 =	sadd.s32 s3, s0  }
0x1b7: {  	[tilespmem:s17], [sflag:$0x3] =	stream.linear.gather [hbm4b:s0+s28], $0x80, $0x38;
	[tilespmem:$0x1F480] =	vst v63  }
0x1b8: {  	s0 =	sand.u32 $0x1FFFFFF0, s18  }
0x1b9: {  	s19 =	simm.s32 $0x18E00;
	s0 =	sadd.s32 s3, s0  }
0x1ba: {  	[tilespmem:s19], [sflag:$0x3] =	stream.linear.gather [hbm4b:s0+s28], $0x80, $0x38;
	[tilespmem:$0x1F480] =	vst v63  }
0x1bb: {  	s20 =	spop (v2sf)  }
0x1bc: {  	s0 =	sand.u32 $0x1FFFFFF0, s20  }
0x1bd: {  	s21 =	simm.s32 $0x18E80;
	s22 =	spop (v2sf);
	s0 =	sadd.s32 s3, s0  }
0x1be: {  	[tilespmem:s21], [sflag:$0x3] =	stream.linear.gather [hbm4b:s0+s28], $0x80, $0x38;
	[tilespmem:$0x1F480] =	vst v63  }
0x1bf: {  	s0 =	sand.u32 $0x1FFFFFF0, s22  }
0x1c0: {  	s23 =	simm.s32 $0x18F00;
	s24 =	spop (v2sf);
	s0 =	sadd.s32 s3, s0  }
0x1c1: {  	[tilespmem:s23], [sflag:$0x3] =	stream.linear.gather [hbm4b:s0+s28], $0x80, $0x38;
	[tilespmem:$0x1F480] =	vst v63  }
0x1c2: {  	s30 =	simm.s32 $0x320;
	s25 =	simm.s32 $0x18F80;
	s0 =	sand.u32 $0x1FFFFFF0, s24  }
.Ltmp5:
0x1c3: {  	s26 =	spop (v2sf);
	s0 =	sadd.s32 s3, s0;
	(pc) =	sbr.rel .LBB2_8-.Ltmp5, $4  }
0x1c4: {  	[tilespmem:s25], [sflag:$0x3] =	stream.linear.gather [hbm4b:s0+s28], $0x80, $0x38;
	[tilespmem:$0x1F480] =	vst v63  }
0x1c5: {  	s31 =	simm.s32 $0x3E8;
	s29 =	simm.s32 $0x19000;
	s0 =	sand.u32 $0x1FFFFFF0, s26  }
0x1c6: {  	s10 =	simm.s32 $0x258;
	s1 =	simm.s32 $0x4B0;
	s0 =	sadd.s32 s3, s0  }
0x1c7: {  	[tilespmem:s29], [sflag:$0x3] =	stream.linear.gather [hbm4b:s0+s28], $0x80, $0x38;
	[tilespmem:$0x1F480] =	vst v63  }
.LBB2_20:
0x1c8: {  	s4 =	simm.s32 $0x3  }
0x1c9: {  	_ =	swait.ge [sflag:s4], $0x6400  }
0x1ca: {  	[sflag:s4] =	ssyncset.done $0x0  }
0x1cb: {  	s5 =	simm.s32 $0x12C80;
	s29 =	rddreg [dreg:$0x6];
	[sflag:s4] =	ssyncadd.s32 $0xFFFF9C00  }
0x1cc: {  	[hbm4b:s29+s2] =	stream.linear.scatter [tilespmem:s5], [sflag:$0x7], $0x6400, $0x38;
	[tilespmem:$0x1F480] =	vst v63  }
.LBB2_21:
0x1cd: {  	s28 =	sadd.s32 $0x1, s28  }
0x1ce: {  	s4 =	rddreg [dreg:$0x4];
	s26 =	simm.s32 $0x4;
	p0 =	sne.s32 s28, $0x20  }
.Ltmp6:
0x1cf: {  	s29 =	simm.s32 $0x19080;
	s0 =	sadd.s32 s4, s0;
	(pc) =	sbr.rel @!p0 .LBB2_22-.Ltmp6, $4  }
0x1d0: {  	s10 =	sadd.s32 $0x320, s10;
	_ =	swait.ge [sflag:s26], $0x6400;
	s0 =	smul.u32 $0xC80, s0  }
0x1d1: {  	s30 =	sadd.s32 $0x320, s30;
	s31 =	sadd.s32 $0x320, s31;
	[sflag:s26] =	ssyncset.done $0x0  }
0x1d2: {  	s1 =	sadd.s32 $0x320, s1;
	[sflag:s26] =	ssyncadd.s32 $0xFFFF9C00;
	s0 =	sadd.s32 s6, s0  }
0x1d3: {  	[hbm4b:s0+s2] =	stream.linear.scatter [tilespmem:s29], [sflag:$0x8], $0x6400, $0x38;
	[tilespmem:$0x1F480] =	vst v63  }
.LBB2_8:
0x1d4: {  	p0 =	seq.s32 s28, $0x0  }
0x1d5: {  	s0 =	simm.s32 @!p0 $0x8  }
0x1d6: {  	_ =	swait.ge @!p0 [sflag:s0], $0x6400  }
0x1d7: {  	[sflag:s0] =	ssyncset.done @!p0 $0x0  }
0x1d8: {  	[sflag:s0] =	ssyncadd.s32 @!p0 $0xFFFF9C00  }
0x1d9: {  	v0 =	vld [tilespmem:s10+$0x0];
	_ =	sdelay $0x4  }
0x1da: {  	v0 =	vshll.u32 v0, $0x4  }
0x1db: {  	(v2sf) =	vpush v0, $0x0  }
0x1dc: {  	(v2sf) =	vpush v0, $0x1  }
0x1dd: {  	(v2sf) =	vpush v0, $0x2;
	_ =	sdelay $0x1  }
0x1de: {  	(v2sf) =	vpush v0, $0x4  }
0x1df: {  	s0 =	sshllo.u32 s28, $0x2  }
0x1e0: {  	s7 =	smul.u32 $0x320, s0;
	(v2sf) =	vpush v0, $0x3  }
0x1e1: {  	s5 =	sshll.u32 s28, $0x2;
	s9 =	simm.s32 $0x2000;
	(v2sf) =	vpush v0, $0x5  }
0x1e2: {  	s29 =	smov.u32 s10;
	s8 =	sshra.s32 s7, $0x2;
	s7 =	simm.s32 $0x0;
	(v2sf) =	vpush v0, $0x6  }
.LBB2_9:
0x1e3: {  	p0 =	sne.s32 s9, $0x16000  }
0x1e4: {  	s24 =	sadd.s32 $0x19100, s7;
	s14 =	sadd.s32 $0x19600, s7;
	s11 =	smov.u32 s9  }
0x1e5: {  	s9 =	sadd.s32 $0x2000, s9;
	s19 =	sadd.s32 $0x19400, s7;
	s12 =	sadd.s32 $0x19680, s7;
	(v2sf) =	vpush v0, $0x7  }
0x1e6: {  	s23 =	sadd.s32 $0x19300, s7;
	s17 =	sadd.s32 $0x19480, s7;
	s13 =	sadd.s32 $0x19700, s7  }
0x1e7: {  	s25 =	sadd.s32 $0x19080, s7;
	s26 =	sadd.s32 $0x19280, s7;
	(v2sf) =	vpush v0, $0x8  }
0x1e8: {  	s16 =	sadd.s32 $0x19380, s7;
	s29 =	sadd.s32 $0x10, s29  }
0x1e9: {  	s18 =	sadd.s32 $0x19180, s7;
	s15 =	sadd.s32 $0x19580, s7;
	s21 =	spop (v2sf);
	(v2sf) =	vpush v0, $0x9  }
0x1ea: {  	s20 =	sand.u32 $0x1FFFFFF0, s21;
	s21 =	sadd.s32 $0x19500, s7;
	s22 =	spop (v2sf)  }
0x1eb: {  	s20 =	sadd.s32 s3, s20;
	s22 =	sand.u32 $0x1FFFFFF0, s22;
	s4 =	spop (v2sf);
	(v2sf) =	vpush v0, $0xA  }
0x1ec: {  	[tilespmem:s25], [sflag:$0x4] =	stream.linear.gather [hbm4b:s20+s2], $0x80, $0x38;
	[tilespmem:$0x1F480] =	vst v63  }
0x1ed: {  	s20 =	sadd.s32 s3, s22;
	s22 =	sadd.s32 $0x19200, s7;
	s25 =	spop (v2sf);
	(v2sf) =	vpush v0, $0xB  }
0x1ee: {  	[tilespmem:s24], [sflag:$0x4] =	stream.linear.gather [hbm4b:s20+s2], $0x80, $0x38;
	[tilespmem:$0x1F480] =	vst v63  }
0x1ef: {  	s4 =	sand.u32 $0x1FFFFFF0, s4;
	s20 =	sand.u32 $0x1FFFFFF0, s25;
	s24 =	spop (v2sf);
	(v2sf) =	vpush v0, $0xC  }
0x1f0: {  	s4 =	sadd.s32 s3, s4;
	s24 =	sand.u32 $0x1FFFFFF0, s24;
	s25 =	spop (v2sf)  }
0x1f1: {  	[tilespmem:s18], [sflag:$0x4] =	stream.linear.gather [hbm4b:s4+s2], $0x80, $0x38;
	(v2sf) =	vpush v0, $0xD;
	[tilespmem:$0x1F480] =	vst v63  }
0x1f2: {  	s4 =	sadd.s32 s3, s24;
	s18 =	sand.u32 $0x1FFFFFF0, s25;
	s24 =	spop (v2sf)  }
0x1f3: {  	[tilespmem:s22], [sflag:$0x4] =	stream.linear.gather [hbm4b:s4+s2], $0x80, $0x38;
	(v2sf) =	vpush v0, $0xE;
	[tilespmem:$0x1F480] =	vst v63  }
0x1f4: {  	s4 =	sadd.s32 s3, s20;
	s20 =	sand.u32 $0x1FFFFFF0, s24;
	s22 =	spop (v2sf)  }
0x1f5: {  	[tilespmem:s26], [sflag:$0x4] =	stream.linear.gather [hbm4b:s4+s2], $0x80, $0x38;
	(v2sf) =	vpush v0, $0xF;
	[tilespmem:$0x1F480] =	vst v63  }
0x1f6: {  	s4 =	sadd.s32 s3, s18;
	s18 =	sand.u32 $0x1FFFFFF0, s22;
	s22 =	spop (v2sf)  }
0x1f7: {  	[tilespmem:s23], [sflag:$0x4] =	stream.linear.gather [hbm4b:s4+s2], $0x80, $0x38;
	[tilespmem:$0x1F480] =	vst v63  }
0x1f8: {  	s4 =	sadd.s32 s3, s20;
	s20 =	sand.u32 $0x1FFFFFF0, s22;
	s22 =	spop (v2sf)  }
0x1f9: {  	[tilespmem:s16], [sflag:$0x4] =	stream.linear.gather [hbm4b:s4+s2], $0x80, $0x38;
	[tilespmem:$0x1F480] =	vst v63  }
0x1fa: {  	s4 =	sadd.s32 s3, s18;
	s16 =	sand.u32 $0x1FFFFFF0, s22;
	s18 =	spop (v2sf)  }
0x1fb: {  	[tilespmem:s19], [sflag:$0x4] =	stream.linear.gather [hbm4b:s4+s2], $0x80, $0x38;
	[tilespmem:$0x1F480] =	vst v63  }
0x1fc: {  	s4 =	sadd.s32 s3, s20;
	s18 =	sand.u32 $0x1FFFFFF0, s18;
	s19 =	spop (v2sf)  }
0x1fd: {  	[tilespmem:s17], [sflag:$0x4] =	stream.linear.gather [hbm4b:s4+s2], $0x80, $0x38;
	[tilespmem:$0x1F480] =	vst v63  }
0x1fe: {  	s4 =	sadd.s32 s3, s16;
	s16 =	sand.u32 $0x1FFFFFF0, s19;
	s17 =	spop (v2sf)  }
0x1ff: {  	[tilespmem:s21], [sflag:$0x4] =	stream.linear.gather [hbm4b:s4+s2], $0x80, $0x38;
	[tilespmem:$0x1F480] =	vst v63  }
0x200: {  	s4 =	sadd.s32 s3, s18;
	s17 =	sand.u32 $0x1FFFFFF0, s17;
	s18 =	spop (v2sf)  }
0x201: {  	[tilespmem:s15], [sflag:$0x4] =	stream.linear.gather [hbm4b:s4+s2], $0x80, $0x38;
	[tilespmem:$0x1F480] =	vst v63  }
0x202: {  	s4 =	sadd.s32 s3, s16;
	s15 =	sand.u32 $0x1FFFFFF0, s18;
	s16 =	spop (v2sf)  }
0x203: {  	[tilespmem:s14], [sflag:$0x4] =	stream.linear.gather [hbm4b:s4+s2], $0x80, $0x38;
	[tilespmem:$0x1F480] =	vst v63  }
0x204: {  	s4 =	sadd.s32 s3, s17;
	s14 =	sand.u32 $0x1FFFFFF0, s16;
	s16 =	spop (v2sf)  }
0x205: {  	[tilespmem:s12], [sflag:$0x4] =	stream.linear.gather [hbm4b:s4+s2], $0x80, $0x38;
	[tilespmem:$0x1F480] =	vst v63  }
0x206: {  	s4 =	sadd.s32 s3, s15;
	s12 =	sand.u32 $0x1FFFFFF0, s16  }
0x207: {  	[tilespmem:s13], [sflag:$0x4] =	stream.linear.gather [hbm4b:s4+s2], $0x80, $0x38;
	[tilespmem:$0x1F480] =	vst v63  }
0x208: {  	s4 =	sadd.s32 $0x19780, s7;
	s13 =	sadd.s32 s3, s14  }
0x209: {  	[tilespmem:s4], [sflag:$0x4] =	stream.linear.gather [hbm4b:s13+s2], $0x80, $0x38;
	[tilespmem:$0x1F480] =	vst v63  }
0x20a: {  	s4 =	sadd.s32 $0x19800, s7;
	s7 =	sadd.s32 s3, s12  }
0x20b: {  	[tilespmem:s4], [sflag:$0x4] =	stream.linear.gather [hbm4b:s7+s2], $0x80, $0x38;
	[tilespmem:$0x1F480] =	vst v63  }
0x20c: {  	v0 =	vld [tilespmem:s29+$0x0];
	_ =	sdelay $0x4  }
0x20d: {  	v0 =	vshll.u32 v0, $0x4  }
0x20e: {  	(v2sf) =	vpush v0, $0x0  }
0x20f: {  	(v2sf) =	vpush v0, $0x1  }
0x210: {  	(v2sf) =	vpush v0, $0x2;
	_ =	sdelay $0x1  }
0x211: {  	(v2sf) =	vpush v0, $0x4  }
.Ltmp7:
0x212: {  	(pc) =	sbr.rel @p0 .LBB2_9-.Ltmp7, $3  }
0x213: {  	(v2sf) =	vpush v0, $0x3  }
0x214: {  	(v2sf) =	vpush v0, $0x5;
	_ =	sdelay $0x1  }
0x215: {  	s7 =	sshra.s32 s11, $0x2;
	(v2sf) =	vpush v0, $0x6  }
0x216: {  	_ =	sdelay $0x5  }
0x217: {  	s4 =	spop (v2sf)  }
0x218: {  	s9 =	spop (v2sf)  }
0x219: {  	s16 =	spop (v2sf)  }
0x21a: {  	s19 =	spop (v2sf);
	(v2sf) =	vpush v0, $0x7  }
0x21b: {  	s4 =	sand.u32 $0x1FFFFFF0, s4  }
0x21c: {  	s11 =	sadd.s32 $0x19080, s7;
	s4 =	sadd.s32 s3, s4  }
0x21d: {  	[tilespmem:s11], [sflag:$0x4] =	stream.linear.gather [hbm4b:s4+s2], $0x80, $0x38;
	[tilespmem:$0x1F480] =	vst v63  }
0x21e: {  	s9 =	sand.u32 $0x1FFFFFF0, s9;
	s20 =	spop (v2sf);
	(v2sf) =	vpush v0, $0x8  }
0x21f: {  	s15 =	sadd.s32 $0x19100, s7;
	s9 =	sadd.s32 s3, s9  }
0x220: {  	[tilespmem:s15], [sflag:$0x4] =	stream.linear.gather [hbm4b:s9+s2], $0x80, $0x38;
	[tilespmem:$0x1F480] =	vst v63  }
0x221: {  	s17 =	sand.u32 $0x1FFFFFF0, s16;
	s24 =	spop (v2sf);
	(v2sf) =	vpush v0, $0x9  }
0x222: {  	s18 =	sadd.s32 $0x19180, s7;
	s4 =	sadd.s32 s3, s17  }
0x223: {  	[tilespmem:s18], [sflag:$0x4] =	stream.linear.gather [hbm4b:s4+s2], $0x80, $0x38;
	[tilespmem:$0x1F480] =	vst v63  }
0x224: {  	s4 =	sand.u32 $0x1FFFFFF0, s20;
	s26 =	spop (v2sf);
	(v2sf) =	vpush v0, $0xA  }
0x225: {  	s21 =	sadd.s32 $0x19200, s7;
	s22 =	sand.u32 $0x1FFFFFF0, s19;
	s4 =	sadd.s32 s3, s4  }
0x226: {  	[tilespmem:s21], [sflag:$0x4] =	stream.linear.gather [hbm4b:s4+s2], $0x80, $0x38;
	[tilespmem:$0x1F480] =	vst v63  }
0x227: {  	s23 =	sadd.s32 $0x19280, s7;
	s4 =	sadd.s32 s3, s22  }
0x228: {  	[tilespmem:s23], [sflag:$0x4] =	stream.linear.gather [hbm4b:s4+s2], $0x80, $0x38;
	[tilespmem:$0x1F480] =	vst v63  }
0x229: {  	s4 =	sand.u32 $0x1FFFFFF0, s24;
	s9 =	spop (v2sf);
	(v2sf) =	vpush v0, $0xB  }
0x22a: {  	s25 =	sadd.s32 $0x19300, s7;
	s4 =	sadd.s32 s3, s4  }
0x22b: {  	[tilespmem:s25], [sflag:$0x4] =	stream.linear.gather [hbm4b:s4+s2], $0x80, $0x38;
	[tilespmem:$0x1F480] =	vst v63  }
0x22c: {  	s4 =	sand.u32 $0x1FFFFFF0, s26  }
0x22d: {  	s29 =	sadd.s32 $0x19380, s7;
	s4 =	sadd.s32 s3, s4;
	s12 =	spop (v2sf);
	(v2sf) =	vpush v0, $0xC  }
0x22e: {  	[tilespmem:s29], [sflag:$0x4] =	stream.linear.gather [hbm4b:s4+s2], $0x80, $0x38;
	[tilespmem:$0x1F480] =	vst v63  }
0x22f: {  	s4 =	sand.u32 $0x1FFFFFF0, s9  }
0x230: {  	s11 =	sadd.s32 $0x19400, s7;
	s4 =	sadd.s32 s3, s4;
	s14 =	spop (v2sf);
	(v2sf) =	vpush v0, $0xD  }
0x231: {  	[tilespmem:s11], [sflag:$0x4] =	stream.linear.gather [hbm4b:s4+s2], $0x80, $0x38;
	[tilespmem:$0x1F480] =	vst v63  }
0x232: {  	s4 =	sand.u32 $0x1FFFFFF0, s12  }
0x233: {  	s13 =	sadd.s32 $0x19480, s7;
	s4 =	sadd.s32 s3, s4;
	s16 =	spop (v2sf);
	(v2sf) =	vpush v0, $0xE  }
0x234: {  	[tilespmem:s13], [sflag:$0x4] =	stream.linear.gather [hbm4b:s4+s2], $0x80, $0x38;
	[tilespmem:$0x1F480] =	vst v63  }
0x235: {  	s4 =	sand.u32 $0x1FFFFFF0, s14  }
0x236: {  	s15 =	sadd.s32 $0x19500, s7;
	s4 =	sadd.s32 s3, s4  }
0x237: {  	[tilespmem:s15], [sflag:$0x4] =	stream.linear.gather [hbm4b:s4+s2], $0x80, $0x38;
	[tilespmem:$0x1F480] =	vst v63  }
0x238: {  	s4 =	sand.u32 $0x1FFFFFF0, s16;
	s18 =	spop (v2sf);
	(v2sf) =	vpush v0, $0xF  }
0x239: {  	s17 =	sadd.s32 $0x19580, s7;
	s4 =	sadd.s32 s3, s4  }
0x23a: {  	[tilespmem:s17], [sflag:$0x4] =	stream.linear.gather [hbm4b:s4+s2], $0x80, $0x38;
	[tilespmem:$0x1F480] =	vst v63  }
0x23b: {  	s4 =	sand.u32 $0x1FFFFFF0, s18  }
0x23c: {  	s19 =	sadd.s32 $0x19600, s7;
	s4 =	sadd.s32 s3, s4;
	s20 =	spop (v2sf)  }
0x23d: {  	[tilespmem:s19], [sflag:$0x4] =	stream.linear.gather [hbm4b:s4+s2], $0x80, $0x38;
	[tilespmem:$0x1F480] =	vst v63  }
0x23e: {  	s4 =	sand.u32 $0x1FFFFFF0, s20  }
0x23f: {  	s21 =	sadd.s32 $0x19680, s7;
	s22 =	spop (v2sf);
	s4 =	sadd.s32 s3, s4  }
0x240: {  	[tilespmem:s21], [sflag:$0x4] =	stream.linear.gather [hbm4b:s4+s2], $0x80, $0x38;
	[tilespmem:$0x1F480] =	vst v63  }
0x241: {  	s4 =	sand.u32 $0x1FFFFFF0, s22  }
0x242: {  	s23 =	sadd.s32 $0x19700, s7;
	s24 =	spop (v2sf);
	s4 =	sadd.s32 s3, s4  }
0x243: {  	[tilespmem:s23], [sflag:$0x4] =	stream.linear.gather [hbm4b:s4+s2], $0x80, $0x38;
	[tilespmem:$0x1F480] =	vst v63  }
0x244: {  	s4 =	sand.u32 $0x1FFFFFF0, s24  }
0x245: {  	s25 =	sadd.s32 $0x19780, s7;
	s4 =	sadd.s32 s3, s4  }
0x246: {  	[tilespmem:s25], [sflag:$0x4] =	stream.linear.gather [hbm4b:s4+s2], $0x80, $0x38;
	[tilespmem:$0x1F480] =	vst v63  }
0x247: {  	s26 =	spop (v2sf)  }
0x248: {  	s4 =	sand.u32 $0x1FFFFFF0, s26  }
0x249: {  	s29 =	sadd.s32 $0x19800, s7;
	s4 =	sadd.s32 s3, s4  }
0x24a: {  	[tilespmem:s29], [sflag:$0x4] =	stream.linear.gather [hbm4b:s4+s2], $0x80, $0x38;
	[tilespmem:$0x1F480] =	vst v63  }
0x24b: {  	v63 =	vld [tilespmem:s8+$0xC0];
	_ =	sdelay $0x4  }
0x24c: {  	v0 =	vshll.u32 v63, $0x4  }
0x24d: {  	(v2sf) =	vpush v0, $0x0;
	_ =	sdelay $0x1  }
0x24e: {  	(v2sf) =	vpush v0, $0x1;
	_ =	sdelay $0x1  }
0x24f: {  	(v2sf) =	vpush v0, $0x2;
	_ =	sdelay $0x2  }
0x250: {  	(v2sf) =	vpush v0, $0x3;
	_ =	sdelay $0x7  }
0x251: {  	s8 =	spop (v2sf);
	(v2sf) =	vpush v0, $0x4;
	_ =	sdelay $0x1  }
0x252: {  	s11 =	spop (v2sf);
	(v2sf) =	vpush v0, $0x5  }
0x253: {  	s4 =	sand.u32 $0x1FFFFFF0, s8  }
0x254: {  	s9 =	simm.s32 $0x1F080;
	s4 =	sadd.s32 s3, s4;
	s13 =	spop (v2sf)  }
0x255: {  	(v2sf) =	vpush v0, $0x6;
	[tilespmem:s9], [sflag:$0x4] =	stream.linear.gather [hbm4b:s4+s2], $0x80, $0x38;
	[tilespmem:$0x1F480] =	vst v63  }
0x256: {  	s4 =	sand.u32 $0x1FFFFFF0, s11  }
0x257: {  	s12 =	simm.s32 $0x1F100;
	s15 =	spop (v2sf);
	s4 =	sadd.s32 s3, s4  }
0x258: {  	(v2sf) =	vpush v0, $0x7;
	[tilespmem:s12], [sflag:$0x4] =	stream.linear.gather [hbm4b:s4+s2], $0x80, $0x38;
	[tilespmem:$0x1F480] =	vst v63  }
0x259: {  	s4 =	sand.u32 $0x1FFFFFF0, s13  }
0x25a: {  	s14 =	simm.s32 $0x1F180;
	s4 =	sadd.s32 s3, s4  }
0x25b: {  	[tilespmem:s14], [sflag:$0x4] =	stream.linear.gather [hbm4b:s4+s2], $0x80, $0x38;
	[tilespmem:$0x1F480] =	vst v63  }
0x25c: {  	s4 =	sand.u32 $0x1FFFFFF0, s15  }
0x25d: {  	s16 =	simm.s32 $0x1F200;
	s4 =	sadd.s32 s3, s4  }
0x25e: {  	[tilespmem:s16], [sflag:$0x4] =	stream.linear.gather [hbm4b:s4+s2], $0x80, $0x38;
	[tilespmem:$0x1F480] =	vst v63  }
0x25f: {  	s17 =	spop (v2sf)  }
0x260: {  	s4 =	sand.u32 $0x1FFFFFF0, s17  }
0x261: {  	s18 =	simm.s32 $0x1F280;
	s19 =	spop (v2sf);
	s4 =	sadd.s32 s3, s4  }
0x262: {  	[tilespmem:s18], [sflag:$0x4] =	stream.linear.gather [hbm4b:s4+s2], $0x80, $0x38;
	[tilespmem:$0x1F480] =	vst v63  }
0x263: {  	s4 =	sand.u32 $0x1FFFFFF0, s19  }
0x264: {  	s20 =	simm.s32 $0x1F300;
	s21 =	spop (v2sf);
	s4 =	sadd.s32 s3, s4  }
0x265: {  	[tilespmem:s20], [sflag:$0x4] =	stream.linear.gather [hbm4b:s4+s2], $0x80, $0x38;
	[tilespmem:$0x1F480] =	vst v63  }
0x266: {  	s4 =	sand.u32 $0x1FFFFFF0, s21  }
0x267: {  	s22 =	simm.s32 $0x1F380;
	s23 =	spop (v2sf);
	s4 =	sadd.s32 s3, s4  }
0x268: {  	[tilespmem:s22], [sflag:$0x4] =	stream.linear.gather [hbm4b:s4+s2], $0x80, $0x38;
	[tilespmem:$0x1F480] =	vst v63  }
0x269: {  	p0 =	seq.s32 s28, $0x1F;
	s4 =	sand.u32 $0x1FFFFFF0, s23  }
0x26a: {  	s24 =	simm.s32 $0x1F400;
	s25 =	rddreg [dreg:$0x4];
	s4 =	sadd.s32 s3, s4  }
0x26b: {  	[tilespmem:s24], [sflag:$0x4] =	stream.linear.gather [hbm4b:s4+s2], $0x80, $0x38;
	[tilespmem:$0x1F480] =	vst v63  }
.Ltmp8:
0x26c: {  	s26 =	simm.s32 $0x1;
	s4 =	sadd.s32 s25, s5;
	(pc) =	sbr.rel @p0 .LBB2_14-.Ltmp8, $4  }
0x26d: {  	_ =	swait.ge [sflag:s26], $0x6400;
	s4 =	smul.u32 $0xC80, s4  }
0x26e: {  	[sflag:s26] =	ssyncset.done $0x0  }
0x26f: {  	s29 =	simm.s32 $0x6480;
	[sflag:s26] =	ssyncadd.s32 $0xFFFF9C00;
	s4 =	sadd.s32 s6, s4  }
0x270: {  	[hbm4b:s4+s2] =	stream.linear.scatter [tilespmem:s29], [sflag:$0x5], $0x6400, $0x38;
	[tilespmem:$0x1F480] =	vst v63  }
0x271: {  	s4 =	simm.s32 $0x5  }
0x272: {  	_ =	swait.ge [sflag:s4], $0x6400  }
0x273: {  	[sflag:s4] =	ssyncset.done $0x0  }
0x274: {  	[sflag:s4] =	ssyncadd.s32 $0xFFFF9C00  }
0x275: {  	v0 =	vld [tilespmem:s30+$0x0];
	_ =	sdelay $0x4  }
0x276: {  	v0 =	vshll.u32 v0, $0x4  }
0x277: {  	(v2sf) =	vpush v0, $0x0  }
0x278: {  	(v2sf) =	vpush v0, $0x1  }
0x279: {  	(v2sf) =	vpush v0, $0x2;
	_ =	sdelay $0x1  }
0x27a: {  	(v2sf) =	vpush v0, $0x4;
	_ =	sdelay $0x1  }
0x27b: {  	s26 =	smul.u32 $0xC80, s28;
	(v2sf) =	vpush v0, $0x3  }
0x27c: {  	s9 =	simm.s32 $0x2000;
	(v2sf) =	vpush v0, $0x5  }
0x27d: {  	s7 =	simm.s32 $0x0;
	s29 =	smov.u32 s30;
	s8 =	sshra.s32 s26, $0x2;
	(v2sf) =	vpush v0, $0x6  }
.LBB2_12:
0x27e: {  	p1 =	sne.s32 s9, $0x16000  }
0x27f: {  	s4 =	sadd.s32 $0x6500, s7;
	s14 =	sadd.s32 $0x6A00, s7;
	s11 =	smov.u32 s9  }
0x280: {  	s9 =	sadd.s32 $0x2000, s9;
	s19 =	sadd.s32 $0x6800, s7;
	s12 =	sadd.s32 $0x6A80, s7;
	(v2sf) =	vpush v0, $0x7  }
0x281: {  	s23 =	sadd.s32 $0x6700, s7;
	s17 =	sadd.s32 $0x6880, s7;
	s13 =	sadd.s32 $0x6B00, s7  }
0x282: {  	s16 =	sadd.s32 $0x6480, s7;
	s18 =	sadd.s32 $0x6680, s7;
	(v2sf) =	vpush v0, $0x8  }
0x283: {  	s20 =	sadd.s32 $0x6780, s7;
	s29 =	sadd.s32 $0x10, s29  }
0x284: {  	s22 =	sadd.s32 $0x6580, s7;
	s15 =	sadd.s32 $0x6980, s7;
	s21 =	spop (v2sf);
	(v2sf) =	vpush v0, $0x9  }
0x285: {  	s24 =	sand.u32 $0x1FFFFFF0, s21;
	s21 =	sadd.s32 $0x6900, s7;
	s25 =	spop (v2sf)  }
0x286: {  	s24 =	sadd.s32 s3, s24;
	s25 =	sand.u32 $0x1FFFFFF0, s25;
	s26 =	spop (v2sf);
	(v2sf) =	vpush v0, $0xA  }
0x287: {  	[tilespmem:s16], [sflag:$0x1] =	stream.linear.gather [hbm4b:s24+s2], $0x80, $0x38;
	[tilespmem:$0x1F480] =	vst v63  }
0x288: {  	s16 =	sadd.s32 s3, s25;
	s24 =	sadd.s32 $0x6600, s7;
	s25 =	spop (v2sf);
	(v2sf) =	vpush v0, $0xB  }
0x289: {  	[tilespmem:s4], [sflag:$0x1] =	stream.linear.gather [hbm4b:s16+s2], $0x80, $0x38;
	[tilespmem:$0x1F480] =	vst v63  }
0x28a: {  	s4 =	sand.u32 $0x1FFFFFF0, s26;
	s16 =	sand.u32 $0x1FFFFFF0, s25;
	s25 =	spop (v2sf);
	(v2sf) =	vpush v0, $0xC  }
0x28b: {  	s4 =	sadd.s32 s3, s4;
	s25 =	sand.u32 $0x1FFFFFF0, s25;
	s26 =	spop (v2sf)  }
0x28c: {  	[tilespmem:s22], [sflag:$0x1] =	stream.linear.gather [hbm4b:s4+s2], $0x80, $0x38;
	(v2sf) =	vpush v0, $0xD;
	[tilespmem:$0x1F480] =	vst v63  }
0x28d: {  	s4 =	sadd.s32 s3, s25;
	s22 =	sand.u32 $0x1FFFFFF0, s26;
	s25 =	spop (v2sf)  }
0x28e: {  	[tilespmem:s24], [sflag:$0x1] =	stream.linear.gather [hbm4b:s4+s2], $0x80, $0x38;
	(v2sf) =	vpush v0, $0xE;
	[tilespmem:$0x1F480] =	vst v63  }
0x28f: {  	s4 =	sadd.s32 s3, s16;
	s16 =	sand.u32 $0x1FFFFFF0, s25;
	s24 =	spop (v2sf)  }
0x290: {  	[tilespmem:s18], [sflag:$0x1] =	stream.linear.gather [hbm4b:s4+s2], $0x80, $0x38;
	(v2sf) =	vpush v0, $0xF;
	[tilespmem:$0x1F480] =	vst v63  }
0x291: {  	s4 =	sadd.s32 s3, s22;
	s18 =	sand.u32 $0x1FFFFFF0, s24;
	s22 =	spop (v2sf)  }
0x292: {  	[tilespmem:s23], [sflag:$0x1] =	stream.linear.gather [hbm4b:s4+s2], $0x80, $0x38;
	[tilespmem:$0x1F480] =	vst v63  }
0x293: {  	s4 =	sadd.s32 s3, s16;
	s16 =	sand.u32 $0x1FFFFFF0, s22;
	s22 =	spop (v2sf)  }
0x294: {  	[tilespmem:s20], [sflag:$0x1] =	stream.linear.gather [hbm4b:s4+s2], $0x80, $0x38;
	[tilespmem:$0x1F480] =	vst v63  }
0x295: {  	s4 =	sadd.s32 s3, s18;
	s18 =	sand.u32 $0x1FFFFFF0, s22;
	s20 =	spop (v2sf)  }
0x296: {  	[tilespmem:s19], [sflag:$0x1] =	stream.linear.gather [hbm4b:s4+s2], $0x80, $0x38;
	[tilespmem:$0x1F480] =	vst v63  }
0x297: {  	s4 =	sadd.s32 s3, s16;
	s16 =	sand.u32 $0x1FFFFFF0, s20;
	s19 =	spop (v2sf)  }
0x298: {  	[tilespmem:s17], [sflag:$0x1] =	stream.linear.gather [hbm4b:s4+s2], $0x80, $0x38;
	[tilespmem:$0x1F480] =	vst v63  }
0x299: {  	s4 =	sadd.s32 s3, s18;
	s17 =	sand.u32 $0x1FFFFFF0, s19;
	s18 =	spop (v2sf)  }
0x29a: {  	[tilespmem:s21], [sflag:$0x1] =	stream.linear.gather [hbm4b:s4+s2], $0x80, $0x38;
	[tilespmem:$0x1F480] =	vst v63  }
0x29b: {  	s4 =	sadd.s32 s3, s16;
	s16 =	sand.u32 $0x1FFFFFF0, s18;
	s18 =	spop (v2sf)  }
0x29c: {  	[tilespmem:s15], [sflag:$0x1] =	stream.linear.gather [hbm4b:s4+s2], $0x80, $0x38;
	[tilespmem:$0x1F480] =	vst v63  }
0x29d: {  	s4 =	sadd.s32 s3, s17;
	s15 =	sand.u32 $0x1FFFFFF0, s18;
	s17 =	spop (v2sf)  }
0x29e: {  	[tilespmem:s14], [sflag:$0x1] =	stream.linear.gather [hbm4b:s4+s2], $0x80, $0x38;
	[tilespmem:$0x1F480] =	vst v63  }
0x29f: {  	s4 =	sadd.s32 s3, s16;
	s14 =	sand.u32 $0x1FFFFFF0, s17;
	s16 =	spop (v2sf)  }
0x2a0: {  	[tilespmem:s12], [sflag:$0x1] =	stream.linear.gather [hbm4b:s4+s2], $0x80, $0x38;
	[tilespmem:$0x1F480] =	vst v63  }
0x2a1: {  	s4 =	sadd.s32 s3, s15;
	s12 =	sand.u32 $0x1FFFFFF0, s16  }
0x2a2: {  	[tilespmem:s13], [sflag:$0x1] =	stream.linear.gather [hbm4b:s4+s2], $0x80, $0x38;
	[tilespmem:$0x1F480] =	vst v63  }
0x2a3: {  	s4 =	sadd.s32 $0x6B80, s7;
	s13 =	sadd.s32 s3, s14  }
0x2a4: {  	[tilespmem:s4], [sflag:$0x1] =	stream.linear.gather [hbm4b:s13+s2], $0x80, $0x38;
	[tilespmem:$0x1F480] =	vst v63  }
0x2a5: {  	s4 =	sadd.s32 $0x6C00, s7;
	s7 =	sadd.s32 s3, s12  }
0x2a6: {  	[tilespmem:s4], [sflag:$0x1] =	stream.linear.gather [hbm4b:s7+s2], $0x80, $0x38;
	[tilespmem:$0x1F480] =	vst v63  }
0x2a7: {  	v0 =	vld [tilespmem:s29+$0x0];
	_ =	sdelay $0x4  }
0x2a8: {  	v0 =	vshll.u32 v0, $0x4  }
0x2a9: {  	(v2sf) =	vpush v0, $0x0  }
0x2aa: {  	(v2sf) =	vpush v0, $0x1  }
0x2ab: {  	(v2sf) =	vpush v0, $0x2;
	_ =	sdelay $0x1  }
0x2ac: {  	(v2sf) =	vpush v0, $0x4  }
.Ltmp9:
0x2ad: {  	(pc) =	sbr.rel @p1 .LBB2_12-.Ltmp9, $3  }
0x2ae: {  	(v2sf) =	vpush v0, $0x3  }
0x2af: {  	(v2sf) =	vpush v0, $0x5;
	_ =	sdelay $0x1  }
0x2b0: {  	s7 =	sshra.s32 s11, $0x2;
	(v2sf) =	vpush v0, $0x6  }
0x2b1: {  	_ =	sdelay $0x5  }
0x2b2: {  	s4 =	spop (v2sf)  }
0x2b3: {  	s9 =	spop (v2sf)  }
0x2b4: {  	s18 =	spop (v2sf)  }
0x2b5: {  	s21 =	spop (v2sf);
	(v2sf) =	vpush v0, $0x7  }
0x2b6: {  	s4 =	sand.u32 $0x1FFFFFF0, s4  }
0x2b7: {  	s11 =	sadd.s32 $0x6480, s7;
	s4 =	sadd.s32 s3, s4  }
0x2b8: {  	[tilespmem:s11], [sflag:$0x1] =	stream.linear.gather [hbm4b:s4+s2], $0x80, $0x38;
	[tilespmem:$0x1F480] =	vst v63  }
0x2b9: {  	s9 =	sand.u32 $0x1FFFFFF0, s9;
	s22 =	spop (v2sf);
	(v2sf) =	vpush v0, $0x8  }
0x2ba: {  	s17 =	sadd.s32 $0x6500, s7;
	s9 =	sadd.s32 s3, s9  }
0x2bb: {  	[tilespmem:s17], [sflag:$0x1] =	stream.linear.gather [hbm4b:s9+s2], $0x80, $0x38;
	[tilespmem:$0x1F480] =	vst v63  }
0x2bc: {  	s19 =	sand.u32 $0x1FFFFFF0, s18;
	s26 =	spop (v2sf);
	(v2sf) =	vpush v0, $0x9  }
0x2bd: {  	s20 =	sadd.s32 $0x6580, s7;
	s4 =	sadd.s32 s3, s19  }
0x2be: {  	[tilespmem:s20], [sflag:$0x1] =	stream.linear.gather [hbm4b:s4+s2], $0x80, $0x38;
	[tilespmem:$0x1F480] =	vst v63  }
0x2bf: {  	s4 =	sand.u32 $0x1FFFFFF0, s22;
	s9 =	spop (v2sf);
	(v2sf) =	vpush v0, $0xA  }
0x2c0: {  	s23 =	sadd.s32 $0x6600, s7;
	s24 =	sand.u32 $0x1FFFFFF0, s21;
	s4 =	sadd.s32 s3, s4  }
0x2c1: {  	[tilespmem:s23], [sflag:$0x1] =	stream.linear.gather [hbm4b:s4+s2], $0x80, $0x38;
	[tilespmem:$0x1F480] =	vst v63  }
0x2c2: {  	s25 =	sadd.s32 $0x6680, s7;
	s4 =	sadd.s32 s3, s24  }
0x2c3: {  	[tilespmem:s25], [sflag:$0x1] =	stream.linear.gather [hbm4b:s4+s2], $0x80, $0x38;
	[tilespmem:$0x1F480] =	vst v63  }
0x2c4: {  	s4 =	sand.u32 $0x1FFFFFF0, s26;
	s12 =	spop (v2sf);
	(v2sf) =	vpush v0, $0xB  }
0x2c5: {  	s29 =	sadd.s32 $0x6700, s7;
	s4 =	sadd.s32 s3, s4  }
0x2c6: {  	[tilespmem:s29], [sflag:$0x1] =	stream.linear.gather [hbm4b:s4+s2], $0x80, $0x38;
	[tilespmem:$0x1F480] =	vst v63  }
0x2c7: {  	s4 =	sand.u32 $0x1FFFFFF0, s9  }
0x2c8: {  	s11 =	sadd.s32 $0x6780, s7;
	s4 =	sadd.s32 s3, s4;
	s14 =	spop (v2sf);
	(v2sf) =	vpush v0, $0xC  }
0x2c9: {  	[tilespmem:s11], [sflag:$0x1] =	stream.linear.gather [hbm4b:s4+s2], $0x80, $0x38;
	[tilespmem:$0x1F480] =	vst v63  }
0x2ca: {  	s4 =	sand.u32 $0x1FFFFFF0, s12  }
0x2cb: {  	s13 =	sadd.s32 $0x6800, s7;
	s4 =	sadd.s32 s3, s4;
	s16 =	spop (v2sf);
	(v2sf) =	vpush v0, $0xD  }
0x2cc: {  	[tilespmem:s13], [sflag:$0x1] =	stream.linear.gather [hbm4b:s4+s2], $0x80, $0x38;
	[tilespmem:$0x1F480] =	vst v63  }
0x2cd: {  	s4 =	sand.u32 $0x1FFFFFF0, s14  }
0x2ce: {  	s15 =	sadd.s32 $0x6880, s7;
	s4 =	sadd.s32 s3, s4;
	s18 =	spop (v2sf);
	(v2sf) =	vpush v0, $0xE  }
0x2cf: {  	[tilespmem:s15], [sflag:$0x1] =	stream.linear.gather [hbm4b:s4+s2], $0x80, $0x38;
	[tilespmem:$0x1F480] =	vst v63  }
0x2d0: {  	s4 =	sand.u32 $0x1FFFFFF0, s16  }
0x2d1: {  	s17 =	sadd.s32 $0x6900, s7;
	s4 =	sadd.s32 s3, s4  }
0x2d2: {  	[tilespmem:s17], [sflag:$0x1] =	stream.linear.gather [hbm4b:s4+s2], $0x80, $0x38;
	[tilespmem:$0x1F480] =	vst v63  }
0x2d3: {  	s4 =	sand.u32 $0x1FFFFFF0, s18;
	s20 =	spop (v2sf);
	(v2sf) =	vpush v0, $0xF  }
0x2d4: {  	s19 =	sadd.s32 $0x6980, s7;
	s4 =	sadd.s32 s3, s4  }
0x2d5: {  	[tilespmem:s19], [sflag:$0x1] =	stream.linear.gather [hbm4b:s4+s2], $0x80, $0x38;
	[tilespmem:$0x1F480] =	vst v63  }
0x2d6: {  	s4 =	sand.u32 $0x1FFFFFF0, s20  }
0x2d7: {  	s21 =	sadd.s32 $0x6A00, s7;
	s4 =	sadd.s32 s3, s4;
	s22 =	spop (v2sf)  }
0x2d8: {  	[tilespmem:s21], [sflag:$0x1] =	stream.linear.gather [hbm4b:s4+s2], $0x80, $0x38;
	[tilespmem:$0x1F480] =	vst v63  }
0x2d9: {  	s4 =	sand.u32 $0x1FFFFFF0, s22  }
0x2da: {  	s23 =	sadd.s32 $0x6A80, s7;
	s24 =	spop (v2sf);
	s4 =	sadd.s32 s3, s4  }
0x2db: {  	[tilespmem:s23], [sflag:$0x1] =	stream.linear.gather [hbm4b:s4+s2], $0x80, $0x38;
	[tilespmem:$0x1F480] =	vst v63  }
0x2dc: {  	s4 =	sand.u32 $0x1FFFFFF0, s24  }
0x2dd: {  	s25 =	sadd.s32 $0x6B00, s7;
	s26 =	spop (v2sf);
	s4 =	sadd.s32 s3, s4  }
0x2de: {  	[tilespmem:s25], [sflag:$0x1] =	stream.linear.gather [hbm4b:s4+s2], $0x80, $0x38;
	[tilespmem:$0x1F480] =	vst v63  }
0x2df: {  	s4 =	sand.u32 $0x1FFFFFF0, s26  }
0x2e0: {  	s29 =	sadd.s32 $0x6B80, s7;
	s4 =	sadd.s32 s3, s4  }
0x2e1: {  	[tilespmem:s29], [sflag:$0x1] =	stream.linear.gather [hbm4b:s4+s2], $0x80, $0x38;
	[tilespmem:$0x1F480] =	vst v63  }
0x2e2: {  	s9 =	spop (v2sf)  }
0x2e3: {  	s4 =	sand.u32 $0x1FFFFFF0, s9  }
0x2e4: {  	s11 =	sadd.s32 $0x6C00, s7;
	s4 =	sadd.s32 s3, s4  }
0x2e5: {  	[tilespmem:s11], [sflag:$0x1] =	stream.linear.gather [hbm4b:s4+s2], $0x80, $0x38;
	[tilespmem:$0x1F480] =	vst v63  }
0x2e6: {  	v63 =	vld [tilespmem:s8+$0x3E0];
	_ =	sdelay $0x4  }
0x2e7: {  	v0 =	vshll.u32 v63, $0x4  }
0x2e8: {  	(v2sf) =	vpush v0, $0x0;
	_ =	sdelay $0x1  }
0x2e9: {  	(v2sf) =	vpush v0, $0x1;
	_ =	sdelay $0x1  }
0x2ea: {  	(v2sf) =	vpush v0, $0x2;
	_ =	sdelay $0x2  }
0x2eb: {  	(v2sf) =	vpush v0, $0x3;
	_ =	sdelay $0x7  }
0x2ec: {  	s12 =	spop (v2sf);
	(v2sf) =	vpush v0, $0x4;
	_ =	sdelay $0x1  }
0x2ed: {  	s14 =	spop (v2sf);
	(v2sf) =	vpush v0, $0x5  }
0x2ee: {  	s4 =	sand.u32 $0x1FFFFFF0, s12  }
0x2ef: {  	s13 =	simm.s32 $0xC480;
	s4 =	sadd.s32 s3, s4;
	s16 =	spop (v2sf)  }
0x2f0: {  	(v2sf) =	vpush v0, $0x6;
	[tilespmem:s13], [sflag:$0x1] =	stream.linear.gather [hbm4b:s4+s2], $0x80, $0x38;
	[tilespmem:$0x1F480] =	vst v63  }
0x2f1: {  	s4 =	sand.u32 $0x1FFFFFF0, s14  }
0x2f2: {  	s15 =	simm.s32 $0xC500;
	s18 =	spop (v2sf);
	s4 =	sadd.s32 s3, s4  }
0x2f3: {  	(v2sf) =	vpush v0, $0x7;
	[tilespmem:s15], [sflag:$0x1] =	stream.linear.gather [hbm4b:s4+s2], $0x80, $0x38;
	[tilespmem:$0x1F480] =	vst v63  }
0x2f4: {  	s4 =	sand.u32 $0x1FFFFFF0, s16  }
0x2f5: {  	s17 =	simm.s32 $0xC580;
	s4 =	sadd.s32 s3, s4  }
0x2f6: {  	[tilespmem:s17], [sflag:$0x1] =	stream.linear.gather [hbm4b:s4+s2], $0x80, $0x38;
	[tilespmem:$0x1F480] =	vst v63  }
0x2f7: {  	s4 =	sand.u32 $0x1FFFFFF0, s18  }
0x2f8: {  	s19 =	simm.s32 $0xC600;
	s4 =	sadd.s32 s3, s4  }
0x2f9: {  	[tilespmem:s19], [sflag:$0x1] =	stream.linear.gather [hbm4b:s4+s2], $0x80, $0x38;
	[tilespmem:$0x1F480] =	vst v63  }
0x2fa: {  	s20 =	spop (v2sf)  }
0x2fb: {  	s4 =	sand.u32 $0x1FFFFFF0, s20  }
0x2fc: {  	s21 =	simm.s32 $0xC680;
	s22 =	spop (v2sf);
	s4 =	sadd.s32 s3, s4  }
0x2fd: {  	[tilespmem:s21], [sflag:$0x1] =	stream.linear.gather [hbm4b:s4+s2], $0x80, $0x38;
	[tilespmem:$0x1F480] =	vst v63  }
0x2fe: {  	s4 =	sand.u32 $0x1FFFFFF0, s22  }
0x2ff: {  	s23 =	simm.s32 $0xC700;
	s24 =	spop (v2sf);
	s4 =	sadd.s32 s3, s4  }
0x300: {  	[tilespmem:s23], [sflag:$0x1] =	stream.linear.gather [hbm4b:s4+s2], $0x80, $0x38;
	[tilespmem:$0x1F480] =	vst v63  }
0x301: {  	s4 =	sand.u32 $0x1FFFFFF0, s24  }
0x302: {  	s25 =	simm.s32 $0xC780;
	s26 =	spop (v2sf);
	s4 =	sadd.s32 s3, s4  }
0x303: {  	[tilespmem:s25], [sflag:$0x1] =	stream.linear.gather [hbm4b:s4+s2], $0x80, $0x38;
	[tilespmem:$0x1F480] =	vst v63  }
0x304: {  	s4 =	sand.u32 $0x1FFFFFF0, s26  }
0x305: {  	s29 =	simm.s32 $0xC800;
	s4 =	sadd.s32 s3, s4  }
0x306: {  	[tilespmem:s29], [sflag:$0x1] =	stream.linear.gather [hbm4b:s4+s2], $0x80, $0x38;
	[tilespmem:$0x1F480] =	vst v63  }
.LBB2_14:
0x307: {  	s4 =	sor.u32 $0x1, s5;
	s7 =	rddreg [dreg:$0x4]  }
.Ltmp10:
0x308: {  	s26 =	simm.s32 $0x2;
	s4 =	sadd.s32 s7, s4;
	(pc) =	sbr.rel @p0 .LBB2_20-.Ltmp10, $4  }
0x309: {  	_ =	swait.ge [sflag:s26], $0x6400;
	s4 =	smul.u32 $0xC80, s4  }
0x30a: {  	[sflag:s26] =	ssyncset.done $0x0  }
0x30b: {  	s29 =	simm.s32 $0xC880;
	[sflag:s26] =	ssyncadd.s32 $0xFFFF9C00;
	s4 =	sadd.s32 s6, s4  }
0x30c: {  	[hbm4b:s4+s2] =	stream.linear.scatter [tilespmem:s29], [sflag:$0x6], $0x6400, $0x38;
	[tilespmem:$0x1F480] =	vst v63  }
0x30d: {  	s4 =	simm.s32 $0x6  }
0x30e: {  	_ =	swait.ge [sflag:s4], $0x6400  }
0x30f: {  	[sflag:s4] =	ssyncset.done $0x0  }
0x310: {  	[sflag:s4] =	ssyncadd.s32 $0xFFFF9C00  }
0x311: {  	v0 =	vld [tilespmem:s31+$0x0];
	_ =	sdelay $0x4  }
0x312: {  	v0 =	vshll.u32 v0, $0x4  }
0x313: {  	(v2sf) =	vpush v0, $0x0  }
0x314: {  	(v2sf) =	vpush v0, $0x1  }
0x315: {  	(v2sf) =	vpush v0, $0x2;
	_ =	sdelay $0x1  }
0x316: {  	(v2sf) =	vpush v0, $0x4;
	_ =	sdelay $0x1  }
0x317: {  	s26 =	smul.u32 $0xC80, s28;
	(v2sf) =	vpush v0, $0x3  }
0x318: {  	s8 =	sor.u32 $0x2, s5;
	s9 =	simm.s32 $0x2000;
	(v2sf) =	vpush v0, $0x5  }
0x319: {  	s7 =	simm.s32 $0x0;
	s29 =	smov.u32 s31;
	s5 =	sshra.s32 s26, $0x2;
	(v2sf) =	vpush v0, $0x6  }
.LBB2_16:
0x31a: {  	p0 =	sne.s32 s9, $0x16000  }
0x31b: {  	s4 =	sadd.s32 $0xC900, s7;
	s14 =	sadd.s32 $0xCE00, s7;
	s11 =	smov.u32 s9  }
0x31c: {  	s9 =	sadd.s32 $0x2000, s9;
	s19 =	sadd.s32 $0xCC00, s7;
	s12 =	sadd.s32 $0xCE80, s7;
	(v2sf) =	vpush v0, $0x7  }
0x31d: {  	s23 =	sadd.s32 $0xCB00, s7;
	s17 =	sadd.s32 $0xCC80, s7;
	s13 =	sadd.s32 $0xCF00, s7  }
0x31e: {  	s16 =	sadd.s32 $0xC880, s7;
	s18 =	sadd.s32 $0xCA80, s7;
	(v2sf) =	vpush v0, $0x8  }
0x31f: {  	s20 =	sadd.s32 $0xCB80, s7;
	s29 =	sadd.s32 $0x10, s29  }
0x320: {  	s22 =	sadd.s32 $0xC980, s7;
	s15 =	sadd.s32 $0xCD80, s7;
	s21 =	spop (v2sf);
	(v2sf) =	vpush v0, $0x9  }
0x321: {  	s24 =	sand.u32 $0x1FFFFFF0, s21;
	s21 =	sadd.s32 $0xCD00, s7;
	s25 =	spop (v2sf)  }
0x322: {  	s24 =	sadd.s32 s3, s24;
	s25 =	sand.u32 $0x1FFFFFF0, s25;
	s26 =	spop (v2sf);
	(v2sf) =	vpush v0, $0xA  }
0x323: {  	[tilespmem:s16], [sflag:$0x2] =	stream.linear.gather [hbm4b:s24+s2], $0x80, $0x38;
	[tilespmem:$0x1F480] =	vst v63  }
0x324: {  	s16 =	sadd.s32 s3, s25;
	s24 =	sadd.s32 $0xCA00, s7;
	s25 =	spop (v2sf);
	(v2sf) =	vpush v0, $0xB  }
0x325: {  	[tilespmem:s4], [sflag:$0x2] =	stream.linear.gather [hbm4b:s16+s2], $0x80, $0x38;
	[tilespmem:$0x1F480] =	vst v63  }
0x326: {  	s4 =	sand.u32 $0x1FFFFFF0, s26;
	s16 =	sand.u32 $0x1FFFFFF0, s25;
	s25 =	spop (v2sf);
	(v2sf) =	vpush v0, $0xC  }
0x327: {  	s4 =	sadd.s32 s3, s4;
	s25 =	sand.u32 $0x1FFFFFF0, s25;
	s26 =	spop (v2sf)  }
0x328: {  	[tilespmem:s22], [sflag:$0x2] =	stream.linear.gather [hbm4b:s4+s2], $0x80, $0x38;
	(v2sf) =	vpush v0, $0xD;
	[tilespmem:$0x1F480] =	vst v63  }
0x329: {  	s4 =	sadd.s32 s3, s25;
	s22 =	sand.u32 $0x1FFFFFF0, s26;
	s25 =	spop (v2sf)  }
0x32a: {  	[tilespmem:s24], [sflag:$0x2] =	stream.linear.gather [hbm4b:s4+s2], $0x80, $0x38;
	(v2sf) =	vpush v0, $0xE;
	[tilespmem:$0x1F480] =	vst v63  }
0x32b: {  	s4 =	sadd.s32 s3, s16;
	s16 =	sand.u32 $0x1FFFFFF0, s25;
	s24 =	spop (v2sf)  }
0x32c: {  	[tilespmem:s18], [sflag:$0x2] =	stream.linear.gather [hbm4b:s4+s2], $0x80, $0x38;
	(v2sf) =	vpush v0, $0xF;
	[tilespmem:$0x1F480] =	vst v63  }
0x32d: {  	s4 =	sadd.s32 s3, s22;
	s18 =	sand.u32 $0x1FFFFFF0, s24;
	s22 =	spop (v2sf)  }
0x32e: {  	[tilespmem:s23], [sflag:$0x2] =	stream.linear.gather [hbm4b:s4+s2], $0x80, $0x38;
	[tilespmem:$0x1F480] =	vst v63  }
0x32f: {  	s4 =	sadd.s32 s3, s16;
	s16 =	sand.u32 $0x1FFFFFF0, s22;
	s22 =	spop (v2sf)  }
0x330: {  	[tilespmem:s20], [sflag:$0x2] =	stream.linear.gather [hbm4b:s4+s2], $0x80, $0x38;
	[tilespmem:$0x1F480] =	vst v63  }
0x331: {  	s4 =	sadd.s32 s3, s18;
	s18 =	sand.u32 $0x1FFFFFF0, s22;
	s20 =	spop (v2sf)  }
0x332: {  	[tilespmem:s19], [sflag:$0x2] =	stream.linear.gather [hbm4b:s4+s2], $0x80, $0x38;
	[tilespmem:$0x1F480] =	vst v63  }
0x333: {  	s4 =	sadd.s32 s3, s16;
	s16 =	sand.u32 $0x1FFFFFF0, s20;
	s19 =	spop (v2sf)  }
0x334: {  	[tilespmem:s17], [sflag:$0x2] =	stream.linear.gather [hbm4b:s4+s2], $0x80, $0x38;
	[tilespmem:$0x1F480] =	vst v63  }
0x335: {  	s4 =	sadd.s32 s3, s18;
	s17 =	sand.u32 $0x1FFFFFF0, s19;
	s18 =	spop (v2sf)  }
0x336: {  	[tilespmem:s21], [sflag:$0x2] =	stream.linear.gather [hbm4b:s4+s2], $0x80, $0x38;
	[tilespmem:$0x1F480] =	vst v63  }
0x337: {  	s4 =	sadd.s32 s3, s16;
	s16 =	sand.u32 $0x1FFFFFF0, s18;
	s18 =	spop (v2sf)  }
0x338: {  	[tilespmem:s15], [sflag:$0x2] =	stream.linear.gather [hbm4b:s4+s2], $0x80, $0x38;
	[tilespmem:$0x1F480] =	vst v63  }
0x339: {  	s4 =	sadd.s32 s3, s17;
	s15 =	sand.u32 $0x1FFFFFF0, s18;
	s17 =	spop (v2sf)  }
0x33a: {  	[tilespmem:s14], [sflag:$0x2] =	stream.linear.gather [hbm4b:s4+s2], $0x80, $0x38;
	[tilespmem:$0x1F480] =	vst v63  }
0x33b: {  	s4 =	sadd.s32 s3, s16;
	s14 =	sand.u32 $0x1FFFFFF0, s17;
	s16 =	spop (v2sf)  }
0x33c: {  	[tilespmem:s12], [sflag:$0x2] =	stream.linear.gather [hbm4b:s4+s2], $0x80, $0x38;
	[tilespmem:$0x1F480] =	vst v63  }
0x33d: {  	s4 =	sadd.s32 s3, s15;
	s12 =	sand.u32 $0x1FFFFFF0, s16  }
0x33e: {  	[tilespmem:s13], [sflag:$0x2] =	stream.linear.gather [hbm4b:s4+s2], $0x80, $0x38;
	[tilespmem:$0x1F480] =	vst v63  }
0x33f: {  	s4 =	sadd.s32 $0xCF80, s7;
	s13 =	sadd.s32 s3, s14  }
0x340: {  	[tilespmem:s4], [sflag:$0x2] =	stream.linear.gather [hbm4b:s13+s2], $0x80, $0x38;
	[tilespmem:$0x1F480] =	vst v63  }
0x341: {  	s4 =	sadd.s32 $0xD000, s7;
	s7 =	sadd.s32 s3, s12  }
0x342: {  	[tilespmem:s4], [sflag:$0x2] =	stream.linear.gather [hbm4b:s7+s2], $0x80, $0x38;
	[tilespmem:$0x1F480] =	vst v63  }
0x343: {  	v0 =	vld [tilespmem:s29+$0x0];
	_ =	sdelay $0x4  }
0x344: {  	v0 =	vshll.u32 v0, $0x4  }
0x345: {  	(v2sf) =	vpush v0, $0x0  }
0x346: {  	(v2sf) =	vpush v0, $0x1  }
0x347: {  	(v2sf) =	vpush v0, $0x2;
	_ =	sdelay $0x1  }
0x348: {  	(v2sf) =	vpush v0, $0x4  }
.Ltmp11:
0x349: {  	(pc) =	sbr.rel @p0 .LBB2_16-.Ltmp11, $3  }
0x34a: {  	(v2sf) =	vpush v0, $0x3  }
0x34b: {  	(v2sf) =	vpush v0, $0x5;
	_ =	sdelay $0x1  }
0x34c: {  	s7 =	sshra.s32 s11, $0x2;
	(v2sf) =	vpush v0, $0x6  }
0x34d: {  	_ =	sdelay $0x4  }
0x34e: {  	s11 =	sadd.s32 $0xC880, s7;
	s4 =	spop (v2sf)  }
0x34f: {  	s13 =	sadd.s32 $0xC900, s7;
	(v2sf) =	vpush v0, $0x7;
	s4 =	sand.u32 $0x1FFFFFF0, s4;
	s9 =	spop (v2sf)  }
0x350: {  	s4 =	sadd.s32 s3, s4;
	s9 =	sand.u32 $0x1FFFFFF0, s9;
	s14 =	spop (v2sf)  }
0x351: {  	[tilespmem:s11], [sflag:$0x2] =	stream.linear.gather [hbm4b:s4+s2], $0x80, $0x38;
	[tilespmem:$0x1F480] =	vst v63  }
0x352: {  	s9 =	sadd.s32 s3, s9;
	s15 =	sand.u32 $0x1FFFFFF0, s14;
	s17 =	spop (v2sf)  }
0x353: {  	[tilespmem:s13], [sflag:$0x2] =	stream.linear.gather [hbm4b:s9+s2], $0x80, $0x38;
	[tilespmem:$0x1F480] =	vst v63  }
0x354: {  	s16 =	sadd.s32 $0xC980, s7;
	s4 =	sadd.s32 s3, s15;
	s18 =	spop (v2sf);
	(v2sf) =	vpush v0, $0x8  }
0x355: {  	[tilespmem:s16], [sflag:$0x2] =	stream.linear.gather [hbm4b:s4+s2], $0x80, $0x38;
	[tilespmem:$0x1F480] =	vst v63  }
0x356: {  	s4 =	sand.u32 $0x1FFFFFF0, s18;
	(v2sf) =	vpush v0, $0x9  }
0x357: {  	s19 =	sadd.s32 $0xCA00, s7;
	s20 =	sand.u32 $0x1FFFFFF0, s17;
	s4 =	sadd.s32 s3, s4  }
0x358: {  	(v2sf) =	vpush v0, $0xA;
	[tilespmem:s19], [sflag:$0x2] =	stream.linear.gather [hbm4b:s4+s2], $0x80, $0x38;
	[tilespmem:$0x1F480] =	vst v63  }
0x359: {  	s21 =	sadd.s32 $0xCA80, s7;
	s22 =	spop (v2sf);
	s4 =	sadd.s32 s3, s20  }
0x35a: {  	[tilespmem:s21], [sflag:$0x2] =	stream.linear.gather [hbm4b:s4+s2], $0x80, $0x38;
	[tilespmem:$0x1F480] =	vst v63  }
0x35b: {  	s4 =	sand.u32 $0x1FFFFFF0, s22  }
0x35c: {  	s23 =	sadd.s32 $0xCB00, s7;
	s24 =	spop (v2sf);
	s4 =	sadd.s32 s3, s4  }
0x35d: {  	[tilespmem:s23], [sflag:$0x2] =	stream.linear.gather [hbm4b:s4+s2], $0x80, $0x38;
	[tilespmem:$0x1F480] =	vst v63  }
0x35e: {  	s26 =	spop (v2sf);
	(v2sf) =	vpush v0, $0xB  }
0x35f: {  	s4 =	sand.u32 $0x1FFFFFF0, s24  }
0x360: {  	s25 =	sadd.s32 $0xCB80, s7;
	s4 =	sadd.s32 s3, s4  }
0x361: {  	[tilespmem:s25], [sflag:$0x2] =	stream.linear.gather [hbm4b:s4+s2], $0x80, $0x38;
	[tilespmem:$0x1F480] =	vst v63  }
0x362: {  	s4 =	sand.u32 $0x1FFFFFF0, s26  }
0x363: {  	s29 =	sadd.s32 $0xCC00, s7;
	s4 =	sadd.s32 s3, s4;
	s9 =	spop (v2sf);
	(v2sf) =	vpush v0, $0xC  }
0x364: {  	[tilespmem:s29], [sflag:$0x2] =	stream.linear.gather [hbm4b:s4+s2], $0x80, $0x38;
	[tilespmem:$0x1F480] =	vst v63  }
0x365: {  	s12 =	spop (v2sf);
	(v2sf) =	vpush v0, $0xD  }
0x366: {  	s4 =	sand.u32 $0x1FFFFFF0, s9  }
0x367: {  	s11 =	sadd.s32 $0xCC80, s7;
	s4 =	sadd.s32 s3, s4;
	s14 =	spop (v2sf)  }
0x368: {  	(v2sf) =	vpush v0, $0xE;
	[tilespmem:s11], [sflag:$0x2] =	stream.linear.gather [hbm4b:s4+s2], $0x80, $0x38;
	[tilespmem:$0x1F480] =	vst v63  }
0x369: {  	s4 =	sand.u32 $0x1FFFFFF0, s12  }
0x36a: {  	s13 =	sadd.s32 $0xCD00, s7;
	s4 =	sadd.s32 s3, s4  }
0x36b: {  	[tilespmem:s13], [sflag:$0x2] =	stream.linear.gather [hbm4b:s4+s2], $0x80, $0x38;
	[tilespmem:$0x1F480] =	vst v63  }
0x36c: {  	s4 =	sand.u32 $0x1FFFFFF0, s14  }
0x36d: {  	s15 =	sadd.s32 $0xCD80, s7;
	s4 =	sadd.s32 s3, s4;
	s16 =	spop (v2sf);
	(v2sf) =	vpush v0, $0xF  }
0x36e: {  	[tilespmem:s15], [sflag:$0x2] =	stream.linear.gather [hbm4b:s4+s2], $0x80, $0x38;
	[tilespmem:$0x1F480] =	vst v63  }
0x36f: {  	s4 =	sand.u32 $0x1FFFFFF0, s16  }
0x370: {  	s17 =	sadd.s32 $0xCE00, s7;
	s4 =	sadd.s32 s3, s4  }
0x371: {  	[tilespmem:s17], [sflag:$0x2] =	stream.linear.gather [hbm4b:s4+s2], $0x80, $0x38;
	[tilespmem:$0x1F480] =	vst v63  }
0x372: {  	s18 =	spop (v2sf)  }
0x373: {  	s4 =	sand.u32 $0x1FFFFFF0, s18  }
0x374: {  	s19 =	sadd.s32 $0xCE80, s7;
	s20 =	spop (v2sf);
	s4 =	sadd.s32 s3, s4  }
0x375: {  	[tilespmem:s19], [sflag:$0x2] =	stream.linear.gather [hbm4b:s4+s2], $0x80, $0x38;
	[tilespmem:$0x1F480] =	vst v63  }
0x376: {  	s4 =	sand.u32 $0x1FFFFFF0, s20  }
0x377: {  	s21 =	sadd.s32 $0xCF00, s7;
	s22 =	spop (v2sf);
	s4 =	sadd.s32 s3, s4  }
0x378: {  	[tilespmem:s21], [sflag:$0x2] =	stream.linear.gather [hbm4b:s4+s2], $0x80, $0x38;
	[tilespmem:$0x1F480] =	vst v63  }
0x379: {  	s4 =	sand.u32 $0x1FFFFFF0, s22  }
0x37a: {  	s23 =	sadd.s32 $0xCF80, s7;
	s4 =	sadd.s32 s3, s4  }
0x37b: {  	[tilespmem:s23], [sflag:$0x2] =	stream.linear.gather [hbm4b:s4+s2], $0x80, $0x38;
	[tilespmem:$0x1F480] =	vst v63  }
0x37c: {  	s24 =	spop (v2sf)  }
0x37d: {  	s4 =	sand.u32 $0x1FFFFFF0, s24  }
0x37e: {  	s25 =	sadd.s32 $0xD000, s7;
	s4 =	sadd.s32 s3, s4  }
0x37f: {  	[tilespmem:s25], [sflag:$0x2] =	stream.linear.gather [hbm4b:s4+s2], $0x80, $0x38;
	[tilespmem:$0x1F480] =	vst v63  }
0x380: {  	v0 =	vld [tilespmem:s5+$0x4A8];
	_ =	sdelay $0x4  }
0x381: {  	v0 =	vshll.u32 v0, $0x4  }
0x382: {  	(v2sf) =	vpush v0, $0x0  }
0x383: {  	(v2sf) =	vpush v0, $0x1  }
0x384: {  	(v2sf) =	vpush v0, $0x2;
	_ =	sdelay $0x2  }
0x385: {  	(v2sf) =	vpush v0, $0x3;
	_ =	sdelay $0x5  }
0x386: {  	(v2sf) =	vpush v0, $0x4;
	_ =	sdelay $0x3  }
0x387: {  	s26 =	spop (v2sf)  }
0x388: {  	s7 =	simm.s32 $0x0;
	s4 =	sand.u32 $0x1FFFFFF0, s26;
	s9 =	spop (v2sf);
	(v2sf) =	vpush v0, $0x5  }
0x389: {  	s29 =	simm.s32 $0x12880;
	s4 =	sadd.s32 s3, s4;
	s12 =	spop (v2sf)  }
0x38a: {  	(v2sf) =	vpush v0, $0x6;
	[tilespmem:s29], [sflag:$0x2] =	stream.linear.gather [hbm4b:s4+s7], $0x80, $0x38;
	[tilespmem:$0x1F480] =	vst v63  }
0x38b: {  	s4 =	sand.u32 $0x1FFFFFF0, s9  }
0x38c: {  	s11 =	simm.s32 $0x12900;
	s14 =	spop (v2sf);
	s4 =	sadd.s32 s3, s4  }
0x38d: {  	(v2sf) =	vpush v0, $0x7;
	[tilespmem:s11], [sflag:$0x2] =	stream.linear.gather [hbm4b:s4+s7], $0x80, $0x38;
	[tilespmem:$0x1F480] =	vst v63  }
0x38e: {  	s4 =	sand.u32 $0x1FFFFFF0, s12  }
0x38f: {  	s13 =	simm.s32 $0x12980;
	s4 =	sadd.s32 s3, s4  }
0x390: {  	[tilespmem:s13], [sflag:$0x2] =	stream.linear.gather [hbm4b:s4+s7], $0x80, $0x38;
	[tilespmem:$0x1F480] =	vst v63  }
0x391: {  	s4 =	sand.u32 $0x1FFFFFF0, s14  }
0x392: {  	s15 =	simm.s32 $0x12A00;
	s16 =	spop (v2sf);
	s4 =	sadd.s32 s3, s4  }
0x393: {  	[tilespmem:s15], [sflag:$0x2] =	stream.linear.gather [hbm4b:s4+s7], $0x80, $0x38;
	[tilespmem:$0x1F480] =	vst v63  }
0x394: {  	s4 =	sand.u32 $0x1FFFFFF0, s16  }
0x395: {  	s17 =	simm.s32 $0x12A80;
	s4 =	sadd.s32 s3, s4  }
0x396: {  	[tilespmem:s17], [sflag:$0x2] =	stream.linear.gather [hbm4b:s4+s7], $0x80, $0x38;
	[tilespmem:$0x1F480] =	vst v63  }
0x397: {  	s18 =	spop (v2sf)  }
0x398: {  	s4 =	sand.u32 $0x1FFFFFF0, s18  }
0x399: {  	s19 =	simm.s32 $0x12B00;
	s20 =	spop (v2sf);
	s4 =	sadd.s32 s3, s4  }
0x39a: {  	[tilespmem:s19], [sflag:$0x2] =	stream.linear.gather [hbm4b:s4+s7], $0x80, $0x38;
	[tilespmem:$0x1F480] =	vst v63  }
0x39b: {  	s4 =	sand.u32 $0x1FFFFFF0, s20  }
0x39c: {  	s21 =	simm.s32 $0x12B80;
	s22 =	spop (v2sf);
	s4 =	sadd.s32 s3, s4  }
0x39d: {  	[tilespmem:s21], [sflag:$0x2] =	stream.linear.gather [hbm4b:s4+s7], $0x80, $0x38;
	[tilespmem:$0x1F480] =	vst v63  }
0x39e: {  	s4 =	sand.u32 $0x1FFFFFF0, s22  }
0x39f: {  	s23 =	simm.s32 $0x12C00;
	s24 =	rddreg [dreg:$0x4];
	s4 =	sadd.s32 s3, s4  }
0x3a0: {  	[tilespmem:s23], [sflag:$0x2] =	stream.linear.gather [hbm4b:s4+s7], $0x80, $0x38;
	[tilespmem:$0x1F480] =	vst v63  }
0x3a1: {  	s25 =	simm.s32 $0x3;
	s4 =	sadd.s32 s24, s8  }
0x3a2: {  	_ =	swait.ge [sflag:s25], $0x6400;
	s4 =	smul.u32 $0xC80, s4  }
0x3a3: {  	s26 =	simm.s32 $0x12C80;
	[sflag:s25] =	ssyncset.done $0x0  }
0x3a4: {  	s29 =	simm.s32 $0x7;
	[sflag:s25] =	ssyncadd.s32 $0xFFFF9C00;
	s4 =	sadd.s32 s6, s4  }
0x3a5: {  	[hbm4b:s4+s7] =	stream.linear.scatter [tilespmem:s26], [sflag:$0x7], $0x6400, $0x38;
	[tilespmem:$0x1F480] =	vst v63  }
0x3a6: {  	_ =	swait.ge [sflag:s29], $0x6400  }
0x3a7: {  	[sflag:s29] =	ssyncset.done $0x0  }
0x3a8: {  	[sflag:s29] =	ssyncadd.s32 $0xFFFF9C00  }
0x3a9: {  	v0 =	vld [tilespmem:s1+$0x0];
	_ =	sdelay $0x4  }
0x3aa: {  	v0 =	vshll.u32 v0, $0x4  }
0x3ab: {  	(v2sf) =	vpush v0, $0x0  }
0x3ac: {  	(v2sf) =	vpush v0, $0x1  }
0x3ad: {  	(v2sf) =	vpush v0, $0x2;
	_ =	sdelay $0x1  }
0x3ae: {  	(v2sf) =	vpush v0, $0x4;
	_ =	sdelay $0x1  }
0x3af: {  	(v2sf) =	vpush v0, $0x3  }
0x3b0: {  	(v2sf) =	vpush v0, $0x5  }
0x3b1: {  	s9 =	smov.u32 s1;
	s8 =	simm.s32 $0x2000;
	s7 =	simm.s32 $0x0;
	(v2sf) =	vpush v0, $0x6  }
.LBB2_18:
0x3b2: {  	p0 =	sne.s32 s8, $0x16000  }
0x3b3: {  	s4 =	sadd.s32 $0x12D00, s7;
	s14 =	sadd.s32 $0x13200, s7;
	s11 =	smov.u32 s8  }
0x3b4: {  	s8 =	sadd.s32 $0x2000, s8;
	s19 =	sadd.s32 $0x13000, s7;
	s12 =	sadd.s32 $0x13280, s7;
	(v2sf) =	vpush v0, $0x7  }
0x3b5: {  	s23 =	sadd.s32 $0x12F00, s7;
	s17 =	sadd.s32 $0x13080, s7;
	s13 =	sadd.s32 $0x13300, s7  }
0x3b6: {  	s16 =	sadd.s32 $0x12C80, s7;
	s18 =	sadd.s32 $0x12E80, s7;
	(v2sf) =	vpush v0, $0x8  }
0x3b7: {  	s20 =	sadd.s32 $0x12F80, s7;
	s9 =	sadd.s32 $0x10, s9  }
0x3b8: {  	s22 =	sadd.s32 $0x12D80, s7;
	s15 =	sadd.s32 $0x13180, s7;
	s21 =	spop (v2sf);
	(v2sf) =	vpush v0, $0x9  }
0x3b9: {  	s24 =	sand.u32 $0x1FFFFFF0, s21;
	s21 =	sadd.s32 $0x13100, s7;
	s25 =	spop (v2sf)  }
0x3ba: {  	s24 =	sadd.s32 s3, s24;
	s25 =	sand.u32 $0x1FFFFFF0, s25;
	s26 =	spop (v2sf);
	(v2sf) =	vpush v0, $0xA  }
0x3bb: {  	[tilespmem:s16], [sflag:$0x3] =	stream.linear.gather [hbm4b:s24+s2], $0x80, $0x38;
	[tilespmem:$0x1F480] =	vst v63  }
0x3bc: {  	s16 =	sadd.s32 s3, s25;
	s24 =	sadd.s32 $0x12E00, s7;
	s25 =	spop (v2sf);
	(v2sf) =	vpush v0, $0xB  }
0x3bd: {  	[tilespmem:s4], [sflag:$0x3] =	stream.linear.gather [hbm4b:s16+s2], $0x80, $0x38;
	[tilespmem:$0x1F480] =	vst v63  }
0x3be: {  	s4 =	sand.u32 $0x1FFFFFF0, s26;
	s16 =	sand.u32 $0x1FFFFFF0, s25;
	s25 =	spop (v2sf);
	(v2sf) =	vpush v0, $0xC  }
0x3bf: {  	s4 =	sadd.s32 s3, s4;
	s25 =	sand.u32 $0x1FFFFFF0, s25;
	s26 =	spop (v2sf)  }
0x3c0: {  	[tilespmem:s22], [sflag:$0x3] =	stream.linear.gather [hbm4b:s4+s2], $0x80, $0x38;
	(v2sf) =	vpush v0, $0xD;
	[tilespmem:$0x1F480] =	vst v63  }
0x3c1: {  	s4 =	sadd.s32 s3, s25;
	s22 =	sand.u32 $0x1FFFFFF0, s26;
	s25 =	spop (v2sf)  }
0x3c2: {  	[tilespmem:s24], [sflag:$0x3] =	stream.linear.gather [hbm4b:s4+s2], $0x80, $0x38;
	(v2sf) =	vpush v0, $0xE;
	[tilespmem:$0x1F480] =	vst v63  }
0x3c3: {  	s4 =	sadd.s32 s3, s16;
	s16 =	sand.u32 $0x1FFFFFF0, s25;
	s24 =	spop (v2sf)  }
0x3c4: {  	[tilespmem:s18], [sflag:$0x3] =	stream.linear.gather [hbm4b:s4+s2], $0x80, $0x38;
	(v2sf) =	vpush v0, $0xF;
	[tilespmem:$0x1F480] =	vst v63  }
0x3c5: {  	s4 =	sadd.s32 s3, s22;
	s18 =	sand.u32 $0x1FFFFFF0, s24;
	s22 =	spop (v2sf)  }
0x3c6: {  	[tilespmem:s23], [sflag:$0x3] =	stream.linear.gather [hbm4b:s4+s2], $0x80, $0x38;
	[tilespmem:$0x1F480] =	vst v63  }
0x3c7: {  	s4 =	sadd.s32 s3, s16;
	s16 =	sand.u32 $0x1FFFFFF0, s22;
	s22 =	spop (v2sf)  }
0x3c8: {  	[tilespmem:s20], [sflag:$0x3] =	stream.linear.gather [hbm4b:s4+s2], $0x80, $0x38;
	[tilespmem:$0x1F480] =	vst v63  }
0x3c9: {  	s4 =	sadd.s32 s3, s18;
	s18 =	sand.u32 $0x1FFFFFF0, s22;
	s20 =	spop (v2sf)  }
0x3ca: {  	[tilespmem:s19], [sflag:$0x3] =	stream.linear.gather [hbm4b:s4+s2], $0x80, $0x38;
	[tilespmem:$0x1F480] =	vst v63  }
0x3cb: {  	s4 =	sadd.s32 s3, s16;
	s16 =	sand.u32 $0x1FFFFFF0, s20;
	s19 =	spop (v2sf)  }
0x3cc: {  	[tilespmem:s17], [sflag:$0x3] =	stream.linear.gather [hbm4b:s4+s2], $0x80, $0x38;
	[tilespmem:$0x1F480] =	vst v63  }
0x3cd: {  	s4 =	sadd.s32 s3, s18;
	s17 =	sand.u32 $0x1FFFFFF0, s19;
	s18 =	spop (v2sf)  }
0x3ce: {  	[tilespmem:s21], [sflag:$0x3] =	stream.linear.gather [hbm4b:s4+s2], $0x80, $0x38;
	[tilespmem:$0x1F480] =	vst v63  }
0x3cf: {  	s4 =	sadd.s32 s3, s16;
	s16 =	sand.u32 $0x1FFFFFF0, s18;
	s18 =	spop (v2sf)  }
0x3d0: {  	[tilespmem:s15], [sflag:$0x3] =	stream.linear.gather [hbm4b:s4+s2], $0x80, $0x38;
	[tilespmem:$0x1F480] =	vst v63  }
0x3d1: {  	s4 =	sadd.s32 s3, s17;
	s15 =	sand.u32 $0x1FFFFFF0, s18;
	s17 =	spop (v2sf)  }
0x3d2: {  	[tilespmem:s14], [sflag:$0x3] =	stream.linear.gather [hbm4b:s4+s2], $0x80, $0x38;
	[tilespmem:$0x1F480] =	vst v63  }
0x3d3: {  	s4 =	sadd.s32 s3, s16;
	s14 =	sand.u32 $0x1FFFFFF0, s17;
	s16 =	spop (v2sf)  }
0x3d4: {  	[tilespmem:s12], [sflag:$0x3] =	stream.linear.gather [hbm4b:s4+s2], $0x80, $0x38;
	[tilespmem:$0x1F480] =	vst v63  }
0x3d5: {  	s4 =	sadd.s32 s3, s15;
	s12 =	sand.u32 $0x1FFFFFF0, s16  }
0x3d6: {  	[tilespmem:s13], [sflag:$0x3] =	stream.linear.gather [hbm4b:s4+s2], $0x80, $0x38;
	[tilespmem:$0x1F480] =	vst v63  }
0x3d7: {  	s4 =	sadd.s32 $0x13380, s7;
	s13 =	sadd.s32 s3, s14  }
0x3d8: {  	[tilespmem:s4], [sflag:$0x3] =	stream.linear.gather [hbm4b:s13+s2], $0x80, $0x38;
	[tilespmem:$0x1F480] =	vst v63  }
0x3d9: {  	s4 =	sadd.s32 $0x13400, s7;
	s7 =	sadd.s32 s3, s12  }
0x3da: {  	[tilespmem:s4], [sflag:$0x3] =	stream.linear.gather [hbm4b:s7+s2], $0x80, $0x38;
	[tilespmem:$0x1F480] =	vst v63  }
0x3db: {  	v0 =	vld [tilespmem:s9+$0x0];
	_ =	sdelay $0x4  }
0x3dc: {  	v0 =	vshll.u32 v0, $0x4  }
0x3dd: {  	(v2sf) =	vpush v0, $0x0  }
0x3de: {  	(v2sf) =	vpush v0, $0x1  }
0x3df: {  	(v2sf) =	vpush v0, $0x2;
	_ =	sdelay $0x1  }
0x3e0: {  	(v2sf) =	vpush v0, $0x4  }
.Ltmp12:
0x3e1: {  	(pc) =	sbr.rel @p0 .LBB2_18-.Ltmp12, $3  }
0x3e2: {  	(v2sf) =	vpush v0, $0x3  }
0x3e3: {  	(v2sf) =	vpush v0, $0x5;
	_ =	sdelay $0x1  }
0x3e4: {  	s7 =	sshra.s32 s11, $0x2;
	(v2sf) =	vpush v0, $0x6  }
0x3e5: {  	_ =	sdelay $0x5  }
0x3e6: {  	s4 =	spop (v2sf)  }
0x3e7: {  	s8 =	spop (v2sf)  }
0x3e8: {  	s18 =	spop (v2sf)  }
0x3e9: {  	s21 =	spop (v2sf);
	(v2sf) =	vpush v0, $0x7  }
0x3ea: {  	s4 =	sand.u32 $0x1FFFFFF0, s4  }
0x3eb: {  	s9 =	sadd.s32 $0x12C80, s7;
	s4 =	sadd.s32 s3, s4  }
0x3ec: {  	[tilespmem:s9], [sflag:$0x3] =	stream.linear.gather [hbm4b:s4+s2], $0x80, $0x38;
	[tilespmem:$0x1F480] =	vst v63  }
0x3ed: {  	s8 =	sand.u32 $0x1FFFFFF0, s8;
	s22 =	spop (v2sf);
	(v2sf) =	vpush v0, $0x8  }
0x3ee: {  	s17 =	sadd.s32 $0x12D00, s7;
	s8 =	sadd.s32 s3, s8  }
0x3ef: {  	[tilespmem:s17], [sflag:$0x3] =	stream.linear.gather [hbm4b:s8+s2], $0x80, $0x38;
	[tilespmem:$0x1F480] =	vst v63  }
0x3f0: {  	s19 =	sand.u32 $0x1FFFFFF0, s18;
	s26 =	spop (v2sf);
	(v2sf) =	vpush v0, $0x9  }
0x3f1: {  	s20 =	sadd.s32 $0x12D80, s7;
	s4 =	sadd.s32 s3, s19  }
0x3f2: {  	[tilespmem:s20], [sflag:$0x3] =	stream.linear.gather [hbm4b:s4+s2], $0x80, $0x38;
	[tilespmem:$0x1F480] =	vst v63  }
0x3f3: {  	s4 =	sand.u32 $0x1FFFFFF0, s22;
	s9 =	spop (v2sf);
	(v2sf) =	vpush v0, $0xA  }
0x3f4: {  	s23 =	sadd.s32 $0x12E00, s7;
	s24 =	sand.u32 $0x1FFFFFF0, s21;
	s4 =	sadd.s32 s3, s4  }
0x3f5: {  	[tilespmem:s23], [sflag:$0x3] =	stream.linear.gather [hbm4b:s4+s2], $0x80, $0x38;
	[tilespmem:$0x1F480] =	vst v63  }
0x3f6: {  	s25 =	sadd.s32 $0x12E80, s7;
	s4 =	sadd.s32 s3, s24  }
0x3f7: {  	[tilespmem:s25], [sflag:$0x3] =	stream.linear.gather [hbm4b:s4+s2], $0x80, $0x38;
	[tilespmem:$0x1F480] =	vst v63  }
0x3f8: {  	s4 =	sand.u32 $0x1FFFFFF0, s26;
	s12 =	spop (v2sf);
	(v2sf) =	vpush v0, $0xB  }
0x3f9: {  	s29 =	sadd.s32 $0x12F00, s7;
	s4 =	sadd.s32 s3, s4  }
0x3fa: {  	[tilespmem:s29], [sflag:$0x3] =	stream.linear.gather [hbm4b:s4+s2], $0x80, $0x38;
	[tilespmem:$0x1F480] =	vst v63  }
0x3fb: {  	s4 =	sand.u32 $0x1FFFFFF0, s9  }
0x3fc: {  	s11 =	sadd.s32 $0x12F80, s7;
	s4 =	sadd.s32 s3, s4;
	s14 =	spop (v2sf);
	(v2sf) =	vpush v0, $0xC  }
0x3fd: {  	[tilespmem:s11], [sflag:$0x3] =	stream.linear.gather [hbm4b:s4+s2], $0x80, $0x38;
	[tilespmem:$0x1F480] =	vst v63  }
0x3fe: {  	s4 =	sand.u32 $0x1FFFFFF0, s12  }
0x3ff: {  	s13 =	sadd.s32 $0x13000, s7;
	s4 =	sadd.s32 s3, s4;
	s16 =	spop (v2sf);
	(v2sf) =	vpush v0, $0xD  }
0x400: {  	[tilespmem:s13], [sflag:$0x3] =	stream.linear.gather [hbm4b:s4+s2], $0x80, $0x38;
	[tilespmem:$0x1F480] =	vst v63  }
0x401: {  	s4 =	sand.u32 $0x1FFFFFF0, s14  }
0x402: {  	s15 =	sadd.s32 $0x13080, s7;
	s4 =	sadd.s32 s3, s4;
	s18 =	spop (v2sf);
	(v2sf) =	vpush v0, $0xE  }
0x403: {  	[tilespmem:s15], [sflag:$0x3] =	stream.linear.gather [hbm4b:s4+s2], $0x80, $0x38;
	[tilespmem:$0x1F480] =	vst v63  }
0x404: {  	s4 =	sand.u32 $0x1FFFFFF0, s16  }
0x405: {  	s17 =	sadd.s32 $0x13100, s7;
	s4 =	sadd.s32 s3, s4  }
0x406: {  	[tilespmem:s17], [sflag:$0x3] =	stream.linear.gather [hbm4b:s4+s2], $0x80, $0x38;
	[tilespmem:$0x1F480] =	vst v63  }
0x407: {  	s4 =	sand.u32 $0x1FFFFFF0, s18;
	s20 =	spop (v2sf);
	(v2sf) =	vpush v0, $0xF  }
0x408: {  	s19 =	sadd.s32 $0x13180, s7;
	s4 =	sadd.s32 s3, s4  }
0x409: {  	[tilespmem:s19], [sflag:$0x3] =	stream.linear.gather [hbm4b:s4+s2], $0x80, $0x38;
	[tilespmem:$0x1F480] =	vst v63  }
0x40a: {  	s4 =	sand.u32 $0x1FFFFFF0, s20  }
0x40b: {  	s21 =	sadd.s32 $0x13200, s7;
	s4 =	sadd.s32 s3, s4;
	s22 =	spop (v2sf)  }
0x40c: {  	[tilespmem:s21], [sflag:$0x3] =	stream.linear.gather [hbm4b:s4+s2], $0x80, $0x38;
	[tilespmem:$0x1F480] =	vst v63  }
0x40d: {  	s4 =	sand.u32 $0x1FFFFFF0, s22  }
0x40e: {  	s23 =	sadd.s32 $0x13280, s7;
	s24 =	spop (v2sf);
	s4 =	sadd.s32 s3, s4  }
0x40f: {  	[tilespmem:s23], [sflag:$0x3] =	stream.linear.gather [hbm4b:s4+s2], $0x80, $0x38;
	[tilespmem:$0x1F480] =	vst v63  }
0x410: {  	s4 =	sand.u32 $0x1FFFFFF0, s24  }
0x411: {  	s25 =	sadd.s32 $0x13300, s7;
	s26 =	spop (v2sf);
	s4 =	sadd.s32 s3, s4  }
0x412: {  	[tilespmem:s25], [sflag:$0x3] =	stream.linear.gather [hbm4b:s4+s2], $0x80, $0x38;
	[tilespmem:$0x1F480] =	vst v63  }
0x413: {  	s4 =	sand.u32 $0x1FFFFFF0, s26  }
0x414: {  	s29 =	sadd.s32 $0x13380, s7;
	s4 =	sadd.s32 s3, s4  }
0x415: {  	[tilespmem:s29], [sflag:$0x3] =	stream.linear.gather [hbm4b:s4+s2], $0x80, $0x38;
	[tilespmem:$0x1F480] =	vst v63  }
0x416: {  	s9 =	spop (v2sf)  }
0x417: {  	s4 =	sand.u32 $0x1FFFFFF0, s9  }
0x418: {  	s11 =	sadd.s32 $0x13400, s7;
	s4 =	sadd.s32 s3, s4  }
0x419: {  	[tilespmem:s11], [sflag:$0x3] =	stream.linear.gather [hbm4b:s4+s2], $0x80, $0x38;
	[tilespmem:$0x1F480] =	vst v63  }
0x41a: {  	v63 =	vld [tilespmem:s5+$0x570];
	_ =	sdelay $0x4  }
0x41b: {  	v0 =	vshll.u32 v63, $0x4  }
0x41c: {  	(v2sf) =	vpush v0, $0x0;
	_ =	sdelay $0x1  }
0x41d: {  	(v2sf) =	vpush v0, $0x1;
	_ =	sdelay $0x1  }
0x41e: {  	(v2sf) =	vpush v0, $0x2;
	_ =	sdelay $0x2  }
0x41f: {  	(v2sf) =	vpush v0, $0x3;
	_ =	sdelay $0x7  }
0x420: {  	s12 =	spop (v2sf);
	(v2sf) =	vpush v0, $0x4;
	_ =	sdelay $0x1  }
0x421: {  	s14 =	spop (v2sf);
	(v2sf) =	vpush v0, $0x5  }
0x422: {  	s4 =	sand.u32 $0x1FFFFFF0, s12  }
0x423: {  	s13 =	simm.s32 $0x18C80;
	s4 =	sadd.s32 s3, s4;
	s16 =	spop (v2sf)  }
0x424: {  	(v2sf) =	vpush v0, $0x6;
	[tilespmem:s13], [sflag:$0x3] =	stream.linear.gather [hbm4b:s4+s2], $0x80, $0x38;
	[tilespmem:$0x1F480] =	vst v63  }
0x425: {  	s4 =	sand.u32 $0x1FFFFFF0, s14  }
0x426: {  	s15 =	simm.s32 $0x18D00;
	s18 =	spop (v2sf);
	s4 =	sadd.s32 s3, s4  }
0x427: {  	(v2sf) =	vpush v0, $0x7;
	[tilespmem:s15], [sflag:$0x3] =	stream.linear.gather [hbm4b:s4+s2], $0x80, $0x38;
	[tilespmem:$0x1F480] =	vst v63  }
0x428: {  	s4 =	sand.u32 $0x1FFFFFF0, s16  }
0x429: {  	s17 =	simm.s32 $0x18D80;
	s4 =	sadd.s32 s3, s4  }
0x42a: {  	[tilespmem:s17], [sflag:$0x3] =	stream.linear.gather [hbm4b:s4+s2], $0x80, $0x38;
	[tilespmem:$0x1F480] =	vst v63  }
0x42b: {  	s4 =	sand.u32 $0x1FFFFFF0, s18  }
0x42c: {  	s19 =	simm.s32 $0x18E00;
	s4 =	sadd.s32 s3, s4  }
0x42d: {  	[tilespmem:s19], [sflag:$0x3] =	stream.linear.gather [hbm4b:s4+s2], $0x80, $0x38;
	[tilespmem:$0x1F480] =	vst v63  }
0x42e: {  	s20 =	spop (v2sf)  }
0x42f: {  	s4 =	sand.u32 $0x1FFFFFF0, s20  }
0x430: {  	s21 =	simm.s32 $0x18E80;
	s22 =	spop (v2sf);
	s4 =	sadd.s32 s3, s4  }
0x431: {  	[tilespmem:s21], [sflag:$0x3] =	stream.linear.gather [hbm4b:s4+s2], $0x80, $0x38;
	[tilespmem:$0x1F480] =	vst v63  }
0x432: {  	s4 =	sand.u32 $0x1FFFFFF0, s22  }
0x433: {  	s23 =	simm.s32 $0x18F00;
	s24 =	spop (v2sf);
	s4 =	sadd.s32 s3, s4  }
0x434: {  	[tilespmem:s23], [sflag:$0x3] =	stream.linear.gather [hbm4b:s4+s2], $0x80, $0x38;
	[tilespmem:$0x1F480] =	vst v63  }
0x435: {  	s25 =	simm.s32 $0x18F80;
	s4 =	sand.u32 $0x1FFFFFF0, s24  }
.Ltmp13:
0x436: {  	s26 =	spop (v2sf);
	s4 =	sadd.s32 s3, s4;
	(pc) =	sbr.rel .LBB2_21-.Ltmp13, $4  }
0x437: {  	[tilespmem:s25], [sflag:$0x3] =	stream.linear.gather [hbm4b:s4+s2], $0x80, $0x38;
	[tilespmem:$0x1F480] =	vst v63  }
0x438: {  	s4 =	sand.u32 $0x1FFFFFF0, s26  }
0x439: {  	s29 =	simm.s32 $0x19000;
	s4 =	sadd.s32 s3, s4  }
0x43a: {  	[tilespmem:s29], [sflag:$0x3] =	stream.linear.gather [hbm4b:s4+s2], $0x80, $0x38;
	[tilespmem:$0x1F480] =	vst v63  }
.LBB2_23:
0x43b: {  	_ =	sfence.sel $0x180000  }
0x43c: {  	[bflag:$0x0] =	sbarrier.arrive $0xFFFF  }
0x43d: {  	_ =	strace $0x90000047  }
0x43e: {  	s0 =	stileid.u32;
	[bflag:$0x2] =	sbarrier.arrive $0xFFFF  }
0x43f: {  	p0 =	sne.s32 s0, $0x0;
	s0 =	rddreg [dreg:$0x2]  }
0x440: {  	s0 =	sadd.s32 @!p0 $0x100000, s0  }
0x441: {  	[sflag:s0] =	ssyncadd.tile.s32 @!p0 $0x1;
	_ =	shalt  }
.Lfunc_end2:
_tile_overlayer_lowered:
.L_overlay_start_2:
0x442: {  	(tag) =	ssettag $0x2  }
0x443: {  	s0 =	rddreg [dreg:$0x0];
	s2 =	stileid.u32  }
0x444: {  	s1 =	rddreg [dreg:$0x1];
	p0 =	sne.s32 s2, $0x0  }
0x445: {  	s3 =	rddreg [dreg:$0x2];
	[bflag:$0x3] =	sbarrier.arrive $0xFFFF;
	s2 =	simm.s32 @!p0 $0x1C09  }
0x446: {  	[timem:s3], [sflag:s2] =	dma.local @!p0 [hbm:s0], s1  }
0x447: {  	s0 =	simm.s32 @!p0 $0x9  }
0x448: {  	_ =	swait.ge @!p0 [sflag:s0], s1  }
0x449: {  	s1 =	ssub.s32 @!p0 $0x0, s1;
	[sflag:s0] =	ssyncset.done @!p0 $0x0  }
0x44a: {  	[sflag:s0] =	ssyncadd.s32 @!p0 s1  }
0x44b: {  	[bflag:$0x3] =	sbarrier.arrive $0xFFFF  }
0x44c: {  	_ =	shalt  }

</sc_bundles>
